<compile_context>
chip_gen: v7x
topology: tpu7x:2x2x1
jax: 0.10.2.dev20260603
libtpu: 0.0.44.dev20260713+nightly
codegen_flags: <defaults>
</compile_context>

<pallas_src>
import functools

import jax
import jax.numpy as jnp
from jax import lax
from jax.experimental import pallas as pl
from jax.experimental.pallas import tpu as pltpu
from jax.experimental.pallas import tpu_sc as plsc

D = 1024
H = 4096
NNZ = 8192
B = 2048
W = 4
L = 16
NWORKERS = 32
SPT = B // (W * NWORKERS)
SHIFT = 13
CMASK = (1 << SHIFT) - 1


def _body(x_hbm, up_hbm, uv_hbm, ub_hbm,
          gp_hbm, gv_hbm, gb_hbm,
          dp_hbm, dv_hbm, db_hbm,
          out_hbm,
          x_vs, up_acc, gate_acc, out_vs,
          up_v, uv_v, gp_v, gv_v, dp_v, dv_v,
          ub_v, gb_v, db_v,
          sem_ins, sem_outs, sem_stage):
  wid = lax.axis_index("s") * 2 + lax.axis_index("c")
  base = wid * SPT

  def x_copy(s, b):
    return pltpu.make_async_copy(
        x_hbm.at[pl.ds(s * W, W), :], x_vs[b], sem_ins[b])

  def out_copy(s, b):
    return pltpu.make_async_copy(
        out_vs[b], out_hbm.at[pl.ds(s * W, W), :], sem_outs[b])

  x_copy(base, 0).start()
  stage = [pltpu.async_copy(s, d, sem_stage) for s, d in (
      (ub_hbm, ub_v), (gb_hbm, gb_v), (db_hbm, db_v),
      (up_hbm, up_v), (uv_hbm, uv_v),
      (gp_hbm, gp_v), (gv_hbm, gv_v),
      (dp_hbm, dp_v), (dv_hbm, dv_v))]
  for c in stage:
    c.wait()

  @plsc.parallel_loop(0, H // L, unroll=4)
  def _(k):
    o = k * L
    gb = gb_v[pl.ds(o, L)]
    for j in range(W):
      gate_acc[pl.ds(j * H + o, L)] = gb

  def spmv(pk_v, val_v, src_idx, acc_idx):
    @plsc.parallel_loop(0, NNZ // L, unroll=8)
    def _(g):
      o = g * L
      pk = pk_v[pl.ds(o, L)]
      vals = val_v[pl.ds(o, L)]
      lane = lax.iota(jnp.int32, L)
      rows = lax.shift_right_logical(pk, SHIFT)
      cols = lax.bitwise_or(lax.bitwise_and(pk, 4080), lane)
      for j in range(W):
        ref, idx = src_idx(j, cols)
        xg = plsc.load_gather(ref, idx)
        ref, idx = acc_idx(j, rows)
        plsc.addupdate_scatter(ref, idx, xg * vals)

  def pair_body(kk, carry):
    for b in range(2):
      sloc = kk * 2 + b
      s = base + sloc
      x_v = x_vs[b]
      out_v = out_vs[b]

      x_copy(s, b).wait()
      if b == 0:
        x_copy(s + 1, 1).start()
      else:
        @pl.when(kk < SPT // 2 - 1)
        def _():
          x_copy(s + 1, 0).start()

      @plsc.parallel_loop(0, H // L, unroll=4)
      def _(k):
        o = k * L
        ub = ub_v[pl.ds(o, L)]
        for j in range(W):
          up_acc[pl.ds(j * H + o, L)] = ub

      @pl.when(kk > 0)
      def _():
        out_copy(s - 2, b).wait()

      @plsc.parallel_loop(0, D // L, unroll=4)
      def _(k):
        o = k * L
        db = db_v[pl.ds(o, L)]
        for j in range(W):
          out_v[j, pl.ds(o, L)] = db + x_v[j, pl.ds(o, L)]

      def row_of(j):
        return jnp.full((L,), j, jnp.int32)

      def x_idx(j, cols):
        return x_v, [row_of(j), cols]

      def out_idx(j, rows):
        return out_v, [row_of(j), rows]

      def up_idx(j, rows):
        return up_acc.at[pl.ds(j * H, H)], [rows]

      def gate_idx(j, rows):
        return gate_acc.at[pl.ds(j * H, H)], [rows]

      spmv(up_v, uv_v, x_idx, up_idx)
      spmv(gp_v, gv_v, x_idx, gate_idx)

      @plsc.parallel_loop(0, H // L, unroll=4)
      def _(k):
        o = k * L
        gb = gb_v[pl.ds(o, L)]
        for j in range(W):
          u = up_acc[pl.ds(j * H + o, L)]
          g = gate_acc[pl.ds(j * H + o, L)]
          up_acc[pl.ds(j * H + o, L)] = (u / (1.0 + jnp.exp(-u))) * g
          gate_acc[pl.ds(j * H + o, L)] = gb

      spmv(dp_v, dv_v, lambda j, cols: (up_acc.at[pl.ds(j * H, H)], [cols]),
           out_idx)

      out_copy(s, b).start()
    return carry

  lax.fori_loop(0, SPT // 2, pair_body, 0)

  out_copy(base + SPT - 2, 0).wait()
  out_copy(base + SPT - 1, 1).wait()


_sswiglu = functools.partial(
    pl.kernel,
    mesh=plsc.VectorSubcoreMesh(core_axis_name="c", subcore_axis_name="s"),
    out_type=jax.ShapeDtypeStruct((B, D), jnp.float32),
    compiler_params=pltpu.CompilerParams(needs_layout_passes=False),
    scratch_types=[
        [pltpu.VMEM((W, D), jnp.float32)] * 2,
        pltpu.VMEM((W * H,), jnp.float32),
        pltpu.VMEM((W * H,), jnp.float32),
        [pltpu.VMEM((W, D), jnp.float32)] * 2,
        pltpu.VMEM((NNZ,), jnp.int32),
        pltpu.VMEM((NNZ,), jnp.float32),
        pltpu.VMEM((NNZ,), jnp.int32),
        pltpu.VMEM((NNZ,), jnp.float32),
        pltpu.VMEM((NNZ,), jnp.int32),
        pltpu.VMEM((NNZ,), jnp.float32),
        pltpu.VMEM((H,), jnp.float32),
        pltpu.VMEM((H,), jnp.float32),
        pltpu.VMEM((D,), jnp.float32),
        [pltpu.SemaphoreType.DMA] * 2,
        [pltpu.SemaphoreType.DMA] * 2,
        pltpu.SemaphoreType.DMA,
    ],
)(_body)


def _pack(row, col):
  return jnp.bitwise_or(jnp.left_shift(row.astype(jnp.int32), SHIFT),
                        col.astype(jnp.int32))


def kernel(x, up_row, up_col, up_vals, up_bias,
           gate_row, gate_col, gate_vals, gate_bias,
           down_row, down_col, down_vals, down_bias):
  shape = x.shape
  out = _sswiglu(x.reshape(B, D),
                 _pack(up_row, up_col), up_vals, up_bias,
                 _pack(gate_row, gate_col), gate_vals, gate_bias,
                 _pack(down_row, down_col), down_vals, down_bias)
  return out.reshape(shape)

# --- scband reference (transcript-rebuilt; emitter-appended) ---
"""Pipeline reference for scband-sparse-swi-glu-62380105007473 (READ-ONLY COPY).

The authoritative reference and input builder live on the scoring server;
editing this copy changes nothing except your own understanding.
"""

import jax, jax.numpy as jnp
import numpy as np

DIM = 1024
HIDDEN = 4096
NNZ = 8192


def setup_inputs(seed: int = 0) -> dict:
    key = jax.random.key(seed)
    ks = jax.random.split(key, 16)
    x = jax.random.normal(ks[0], (1, 2048, DIM), dtype=jnp.float32)
    up_row = jax.random.randint(ks[1], (NNZ,), 0, HIDDEN, dtype=jnp.int32)
    up_col = jax.random.randint(ks[2], (NNZ,), 0, DIM, dtype=jnp.int32)
    up_vals = jax.random.normal(ks[3], (NNZ,), dtype=jnp.float32) * 0.02
    up_bias = jax.random.normal(ks[4], (HIDDEN,), dtype=jnp.float32) * 0.01
    gate_row = jax.random.randint(ks[5], (NNZ,), 0, HIDDEN, dtype=jnp.int32)
    gate_col = jax.random.randint(ks[6], (NNZ,), 0, DIM, dtype=jnp.int32)
    gate_vals = jax.random.normal(ks[7], (NNZ,), dtype=jnp.float32) * 0.02
    gate_bias = jax.random.normal(ks[8], (HIDDEN,), dtype=jnp.float32) * 0.01
    down_row = jax.random.randint(ks[9], (NNZ,), 0, DIM, dtype=jnp.int32)
    down_col = jax.random.randint(ks[10], (NNZ,), 0, HIDDEN, dtype=jnp.int32)
    down_vals = jax.random.normal(ks[11], (NNZ,), dtype=jnp.float32) * 0.02
    down_bias = jax.random.normal(ks[12], (DIM,), dtype=jnp.float32) * 0.01
    return {
        'x': x,
        'up_row': up_row, 'up_col': up_col, 'up_vals': up_vals, 'up_bias': up_bias,
        'gate_row': gate_row, 'gate_col': gate_col, 'gate_vals': gate_vals, 'gate_bias': gate_bias,
        'down_row': down_row, 'down_col': down_col, 'down_vals': down_vals, 'down_bias': down_bias,
    }


def _sparse_linear(x_flat, row_idx, col_idx, values, bias, out_features):
    # gather input columns per nnz
    x_gathered = jnp.take(x_flat, col_idx, axis=1)        # [B, nnz]
    weighted = x_gathered * values                         # [B, nnz]
    out = jnp.zeros((x_flat.shape[0], out_features), dtype=x_flat.dtype)
    out = out.at[:, row_idx].add(weighted)                 # scatter-add over output rows
    return out + bias


def reference(x, up_row, up_col, up_vals, up_bias,
              gate_row, gate_col, gate_vals, gate_bias,
              down_row, down_col, down_vals, down_bias):
    input_shape = x.shape
    x_flat = x.reshape(-1, DIM)
    up = _sparse_linear(x_flat, up_row, up_col, up_vals, up_bias, HIDDEN)
    gate = _sparse_linear(x_flat, gate_row, gate_col, gate_vals, gate_bias, HIDDEN)
    hidden = jax.nn.silu(up) * gate
    down = _sparse_linear(hidden, down_row, down_col, down_vals, down_bias, DIM)
    out = x_flat + down
    return out.reshape(input_shape)

if __name__ == "__main__":
    import jax
    _d = setup_inputs()
    print(jax.jit(kernel)(*tuple(_d.values())))

</pallas_src>

<mosaic_0001>
#map = affine_map<(d0, d1) -> (0, 0)>
#map1 = affine_map<(d0, d1) -> (0)>
module attributes {stable_mosaic.version = 14 : i64} {
  func.func @_body(%arg0: i32, %arg1: i32, %arg2: memref<2048x1024xf32, #tpu.memory_space<hbm>>, %arg3: memref<8192xi32, #tpu.memory_space<hbm>>, %arg4: memref<8192xf32, #tpu.memory_space<hbm>>, %arg5: memref<4096xf32, #tpu.memory_space<hbm>>, %arg6: memref<8192xi32, #tpu.memory_space<hbm>>, %arg7: memref<8192xf32, #tpu.memory_space<hbm>>, %arg8: memref<4096xf32, #tpu.memory_space<hbm>>, %arg9: memref<8192xi32, #tpu.memory_space<hbm>>, %arg10: memref<8192xf32, #tpu.memory_space<hbm>>, %arg11: memref<1024xf32, #tpu.memory_space<hbm>>, %arg12: memref<2048x1024xf32, #tpu.memory_space<hbm>>, %arg13: memref<4x1024xf32, #tpu.memory_space<vmem>>, %arg14: memref<4x1024xf32, #tpu.memory_space<vmem>>, %arg15: memref<16384xf32, #tpu.memory_space<vmem>>, %arg16: memref<16384xf32, #tpu.memory_space<vmem>>, %arg17: memref<4x1024xf32, #tpu.memory_space<vmem>>, %arg18: memref<4x1024xf32, #tpu.memory_space<vmem>>, %arg19: memref<8192xi32, #tpu.memory_space<vmem>>, %arg20: memref<8192xf32, #tpu.memory_space<vmem>>, %arg21: memref<8192xi32, #tpu.memory_space<vmem>>, %arg22: memref<8192xf32, #tpu.memory_space<vmem>>, %arg23: memref<8192xi32, #tpu.memory_space<vmem>>, %arg24: memref<8192xf32, #tpu.memory_space<vmem>>, %arg25: memref<4096xf32, #tpu.memory_space<vmem>>, %arg26: memref<4096xf32, #tpu.memory_space<vmem>>, %arg27: memref<1024xf32, #tpu.memory_space<vmem>>, %arg28: memref<!tpu.dma_semaphore, #tpu.memory_space<semaphore_mem>>, %arg29: memref<!tpu.dma_semaphore, #tpu.memory_space<semaphore_mem>>, %arg30: memref<!tpu.dma_semaphore, #tpu.memory_space<semaphore_mem>>, %arg31: memref<!tpu.dma_semaphore, #tpu.memory_space<semaphore_mem>>, %arg32: memref<!tpu.dma_semaphore, #tpu.memory_space<semaphore_mem>>) attributes {dimension_semantics = [#tpu.dimension_semantics<core_parallel>, #tpu.dimension_semantics<subcore_parallel>], iteration_bounds = array<i64: 2, 16>, scalar_prefetch = 0 : i64, scratch_operands = 20 : i64, tpu.core_type = #tpu.core_type<sc_vector_subcore>, window_params = [{transform_indices = #map}, {transform_indices = #map1}, {transform_indices = #map1}, {transform_indices = #map1}, {transform_indices = #map1}, {transform_indices = #map1}, {transform_indices = #map1}, {transform_indices = #map1}, {transform_indices = #map1}, {transform_indices = #map1}, {transform_indices = #map}]} {
    %mul3A = arith.constant 2 : i32
    %mul3A_0 = arith.muli %arg1, %mul3A : i32
    %add3A = arith.addi %mul3A_0, %arg0 : i32
    %mul3A_1 = arith.constant 16 : i32
    %mul3A_2 = arith.muli %add3A, %mul3A_1 : i32
    %mul3A_3 = arith.constant 4 : i32
    %mul3A_4 = arith.muli %mul3A_2, %mul3A_3 : i32
    %dma_start3A = arith.constant 0 : i32
    %dma_start3A_5 = tpu.memref_slice %arg2[%mul3A_4, %dma_start3A] : memref<2048x1024xf32, #tpu.memory_space<hbm>> -> memref<4x1024xf32, #tpu.memory_space<hbm>>
    %dma_start3A_6 = arith.constant 0 : i32
    %dma_start3A_7 = tpu.memref_slice %arg2[%mul3A_4, %dma_start3A_6] : memref<2048x1024xf32, #tpu.memory_space<hbm>> -> memref<4x1024xf32, #tpu.memory_space<hbm>>
    tpu.enqueue_dma source(%dma_start3A_7 : memref<4x1024xf32, #tpu.memory_space<hbm>>) target(%arg13 : memref<4x1024xf32, #tpu.memory_space<vmem>>) target_semaphore(%arg28 : memref<!tpu.dma_semaphore, #tpu.memory_space<semaphore_mem>>)
    tpu.enqueue_dma source(%arg5 : memref<4096xf32, #tpu.memory_space<hbm>>) target(%arg25 : memref<4096xf32, #tpu.memory_space<vmem>>) target_semaphore(%arg32 : memref<!tpu.dma_semaphore, #tpu.memory_space<semaphore_mem>>)
    tpu.enqueue_dma source(%arg8 : memref<4096xf32, #tpu.memory_space<hbm>>) target(%arg26 : memref<4096xf32, #tpu.memory_space<vmem>>) target_semaphore(%arg32 : memref<!tpu.dma_semaphore, #tpu.memory_space<semaphore_mem>>)
    tpu.enqueue_dma source(%arg11 : memref<1024xf32, #tpu.memory_space<hbm>>) target(%arg27 : memref<1024xf32, #tpu.memory_space<vmem>>) target_semaphore(%arg32 : memref<!tpu.dma_semaphore, #tpu.memory_space<semaphore_mem>>)
    tpu.enqueue_dma source(%arg3 : memref<8192xi32, #tpu.memory_space<hbm>>) target(%arg19 : memref<8192xi32, #tpu.memory_space<vmem>>) target_semaphore(%arg32 : memref<!tpu.dma_semaphore, #tpu.memory_space<semaphore_mem>>)
    tpu.enqueue_dma source(%arg4 : memref<8192xf32, #tpu.memory_space<hbm>>) target(%arg20 : memref<8192xf32, #tpu.memory_space<vmem>>) target_semaphore(%arg32 : memref<!tpu.dma_semaphore, #tpu.memory_space<semaphore_mem>>)
    tpu.enqueue_dma source(%arg6 : memref<8192xi32, #tpu.memory_space<hbm>>) target(%arg21 : memref<8192xi32, #tpu.memory_space<vmem>>) target_semaphore(%arg32 : memref<!tpu.dma_semaphore, #tpu.memory_space<semaphore_mem>>)
    tpu.enqueue_dma source(%arg7 : memref<8192xf32, #tpu.memory_space<hbm>>) target(%arg22 : memref<8192xf32, #tpu.memory_space<vmem>>) target_semaphore(%arg32 : memref<!tpu.dma_semaphore, #tpu.memory_space<semaphore_mem>>)
    tpu.enqueue_dma source(%arg9 : memref<8192xi32, #tpu.memory_space<hbm>>) target(%arg23 : memref<8192xi32, #tpu.memory_space<vmem>>) target_semaphore(%arg32 : memref<!tpu.dma_semaphore, #tpu.memory_space<semaphore_mem>>)
    tpu.enqueue_dma source(%arg10 : memref<8192xf32, #tpu.memory_space<hbm>>) target(%arg24 : memref<8192xf32, #tpu.memory_space<vmem>>) target_semaphore(%arg32 : memref<!tpu.dma_semaphore, #tpu.memory_space<semaphore_mem>>)
    tpu.wait_dma2 semaphore(%arg32 : memref<!tpu.dma_semaphore, #tpu.memory_space<semaphore_mem>>) src(%arg5 : memref<4096xf32, #tpu.memory_space<hbm>>) dst(%arg25 : memref<4096xf32, #tpu.memory_space<vmem>>)
    tpu.wait_dma2 semaphore(%arg32 : memref<!tpu.dma_semaphore, #tpu.memory_space<semaphore_mem>>) src(%arg8 : memref<4096xf32, #tpu.memory_space<hbm>>) dst(%arg26 : memref<4096xf32, #tpu.memory_space<vmem>>)
    tpu.wait_dma2 semaphore(%arg32 : memref<!tpu.dma_semaphore, #tpu.memory_space<semaphore_mem>>) src(%arg11 : memref<1024xf32, #tpu.memory_space<hbm>>) dst(%arg27 : memref<1024xf32, #tpu.memory_space<vmem>>)
    tpu.wait_dma2 semaphore(%arg32 : memref<!tpu.dma_semaphore, #tpu.memory_space<semaphore_mem>>) src(%arg3 : memref<8192xi32, #tpu.memory_space<hbm>>) dst(%arg19 : memref<8192xi32, #tpu.memory_space<vmem>>)
    tpu.wait_dma2 semaphore(%arg32 : memref<!tpu.dma_semaphore, #tpu.memory_space<semaphore_mem>>) src(%arg4 : memref<8192xf32, #tpu.memory_space<hbm>>) dst(%arg20 : memref<8192xf32, #tpu.memory_space<vmem>>)
    tpu.wait_dma2 semaphore(%arg32 : memref<!tpu.dma_semaphore, #tpu.memory_space<semaphore_mem>>) src(%arg6 : memref<8192xi32, #tpu.memory_space<hbm>>) dst(%arg21 : memref<8192xi32, #tpu.memory_space<vmem>>)
    tpu.wait_dma2 semaphore(%arg32 : memref<!tpu.dma_semaphore, #tpu.memory_space<semaphore_mem>>) src(%arg7 : memref<8192xf32, #tpu.memory_space<hbm>>) dst(%arg22 : memref<8192xf32, #tpu.memory_space<vmem>>)
    tpu.wait_dma2 semaphore(%arg32 : memref<!tpu.dma_semaphore, #tpu.memory_space<semaphore_mem>>) src(%arg9 : memref<8192xi32, #tpu.memory_space<hbm>>) dst(%arg23 : memref<8192xi32, #tpu.memory_space<vmem>>)
    tpu.wait_dma2 semaphore(%arg32 : memref<!tpu.dma_semaphore, #tpu.memory_space<semaphore_mem>>) src(%arg10 : memref<8192xf32, #tpu.memory_space<hbm>>) dst(%arg24 : memref<8192xf32, #tpu.memory_space<vmem>>)
    %parallel_loop3A = arith.constant 0 : i32
    %parallel_loop3A_8 = arith.constant 256 : i32
    %parallel_loop3A_9 = arith.constant 1 : i32
    scf.for %parallel_loop3A_33 = %parallel_loop3A to %parallel_loop3A_8 step %parallel_loop3A_9  : i32 {
      %parallel_loop3A_34 = arith.constant 16 : i32
      %parallel_loop3A_35 = arith.muli %parallel_loop3A_33, %parallel_loop3A_34 : i32
      %parallel_loop3A_36 = arith.index_cast %parallel_loop3A_35 : i32 to index
      %parallel_loop3A_37 = tpu.vector_load %arg26[%parallel_loop3A_36] {strides = array<i32>} : memref<4096xf32, #tpu.memory_space<vmem>>, vector<16xf32>,
      %parallel_loop3A_38 = arith.constant 0 : i32
      %parallel_loop3A_39 = arith.addi %parallel_loop3A_38, %parallel_loop3A_35 : i32
      %parallel_loop3A_40 = arith.index_cast %parallel_loop3A_39 : i32 to index
      %parallel_loop3A_41 = tpu.vector_load %arg16[%parallel_loop3A_40] {strides = array<i32>} : memref<16384xf32, #tpu.memory_space<vmem>>, vector<16xf32>,
      tpu.vector_store %arg16[%parallel_loop3A_40], %parallel_loop3A_37 {strides = array<i32>} : memref<16384xf32, #tpu.memory_space<vmem>>, vector<16xf32>,
      %parallel_loop3A_42 = arith.constant 4096 : i32
      %parallel_loop3A_43 = arith.addi %parallel_loop3A_42, %parallel_loop3A_35 : i32
      %parallel_loop3A_44 = arith.index_cast %parallel_loop3A_43 : i32 to index
      %parallel_loop3A_45 = tpu.vector_load %arg16[%parallel_loop3A_44] {strides = array<i32>} : memref<16384xf32, #tpu.memory_space<vmem>>, vector<16xf32>,
      tpu.vector_store %arg16[%parallel_loop3A_44], %parallel_loop3A_37 {strides = array<i32>} : memref<16384xf32, #tpu.memory_space<vmem>>, vector<16xf32>,
      %parallel_loop3A_46 = arith.constant 8192 : i32
      %parallel_loop3A_47 = arith.addi %parallel_loop3A_46, %parallel_loop3A_35 : i32
      %parallel_loop3A_48 = arith.index_cast %parallel_loop3A_47 : i32 to index
      %parallel_loop3A_49 = tpu.vector_load %arg16[%parallel_loop3A_48] {strides = array<i32>} : memref<16384xf32, #tpu.memory_space<vmem>>, vector<16xf32>,
      tpu.vector_store %arg16[%parallel_loop3A_48], %parallel_loop3A_37 {strides = array<i32>} : memref<16384xf32, #tpu.memory_space<vmem>>, vector<16xf32>,
      %parallel_loop3A_50 = arith.constant 12288 : i32
      %parallel_loop3A_51 = arith.addi %parallel_loop3A_50, %parallel_loop3A_35 : i32
      %parallel_loop3A_52 = arith.index_cast %parallel_loop3A_51 : i32 to index
      %parallel_loop3A_53 = tpu.vector_load %arg16[%parallel_loop3A_52] {strides = array<i32>} : memref<16384xf32, #tpu.memory_space<vmem>>, vector<16xf32>,
      tpu.vector_store %arg16[%parallel_loop3A_52], %parallel_loop3A_37 {strides = array<i32>} : memref<16384xf32, #tpu.memory_space<vmem>>, vector<16xf32>,
    } {sc.loop_unroll_factor = 4 : i64, sc.parallel_access}
    %scan3A = arith.constant 0 : i32
    %scan3A_10 = arith.constant 0 : i32
    %scan3A_11 = arith.constant 8 : i32
    %scan3A_12 = arith.addi %scan3A_10, %scan3A_11 : i32
    %scan3A_13 = arith.constant 1 : i32
    scf.for %scan3A_33 = %scan3A_10 to %scan3A_12 step %scan3A_13  : i32 {
      %mul3A_34 = arith.constant 2 : i32
      %mul3A_35 = arith.muli %scan3A_33, %mul3A_34 : i32
      %add3A_36 = arith.constant 0 : i32
      %add3A_37 = arith.addi %mul3A_35, %add3A_36 : i32
      %add3A_38 = arith.addi %mul3A_2, %add3A_37 : i32
      %mul3A_39 = arith.constant 4 : i32
      %mul3A_40 = arith.muli %add3A_38, %mul3A_39 : i32
      %dma_wait3A_41 = arith.constant 0 : i32
      %dma_wait3A_42 = tpu.memref_slice %arg2[%mul3A_40, %dma_wait3A_41] : memref<2048x1024xf32, #tpu.memory_space<hbm>> -> memref<4x1024xf32, #tpu.memory_space<hbm>>
      %dma_wait3A_43 = arith.constant 0 : i32
      %dma_wait3A_44 = tpu.memref_slice %arg2[%mul3A_40, %dma_wait3A_43] : memref<2048x1024xf32, #tpu.memory_space<hbm>> -> memref<4x1024xf32, #tpu.memory_space<hbm>>
      tpu.wait_dma2 semaphore(%arg28 : memref<!tpu.dma_semaphore, #tpu.memory_space<semaphore_mem>>) src(%dma_wait3A_44 : memref<4x1024xf32, #tpu.memory_space<hbm>>) dst(%arg13 : memref<4x1024xf32, #tpu.memory_space<vmem>>)
      %add3A_45 = arith.constant 1 : i32
      %add3A_46 = arith.addi %add3A_38, %add3A_45 : i32
      %mul3A_47 = arith.constant 4 : i32
      %mul3A_48 = arith.muli %add3A_46, %mul3A_47 : i32
      %dma_start3A_49 = arith.constant 0 : i32
      %dma_start3A_50 = tpu.memref_slice %arg2[%mul3A_48, %dma_start3A_49] : memref<2048x1024xf32, #tpu.memory_space<hbm>> -> memref<4x1024xf32, #tpu.memory_space<hbm>>
      %dma_start3A_51 = arith.constant 0 : i32
      %dma_start3A_52 = tpu.memref_slice %arg2[%mul3A_48, %dma_start3A_51] : memref<2048x1024xf32, #tpu.memory_space<hbm>> -> memref<4x1024xf32, #tpu.memory_space<hbm>>
      tpu.enqueue_dma source(%dma_start3A_52 : memref<4x1024xf32, #tpu.memory_space<hbm>>) target(%arg14 : memref<4x1024xf32, #tpu.memory_space<vmem>>) target_semaphore(%arg29 : memref<!tpu.dma_semaphore, #tpu.memory_space<semaphore_mem>>)
      %parallel_loop3A_53 = arith.constant 0 : i32
      %parallel_loop3A_54 = arith.constant 256 : i32
      %parallel_loop3A_55 = arith.constant 1 : i32
      scf.for %parallel_loop3A_123 = %parallel_loop3A_53 to %parallel_loop3A_54 step %parallel_loop3A_55  : i32 {
        %parallel_loop3A_124 = arith.constant 16 : i32
        %parallel_loop3A_125 = arith.muli %parallel_loop3A_123, %parallel_loop3A_124 : i32
        %parallel_loop3A_126 = arith.index_cast %parallel_loop3A_125 : i32 to index
        %parallel_loop3A_127 = tpu.vector_load %arg25[%parallel_loop3A_126] {strides = array<i32>} : memref<4096xf32, #tpu.memory_space<vmem>>, vector<16xf32>,
        %parallel_loop3A_128 = arith.constant 0 : i32
        %parallel_loop3A_129 = arith.addi %parallel_loop3A_128, %parallel_loop3A_125 : i32
        %parallel_loop3A_130 = arith.index_cast %parallel_loop3A_129 : i32 to index
        %parallel_loop3A_131 = tpu.vector_load %arg15[%parallel_loop3A_130] {strides = array<i32>} : memref<16384xf32, #tpu.memory_space<vmem>>, vector<16xf32>,
        tpu.vector_store %arg15[%parallel_loop3A_130], %parallel_loop3A_127 {strides = array<i32>} : memref<16384xf32, #tpu.memory_space<vmem>>, vector<16xf32>,
        %parallel_loop3A_132 = arith.constant 4096 : i32
        %parallel_loop3A_133 = arith.addi %parallel_loop3A_132, %parallel_loop3A_125 : i32
        %parallel_loop3A_134 = arith.index_cast %parallel_loop3A_133 : i32 to index
        %parallel_loop3A_135 = tpu.vector_load %arg15[%parallel_loop3A_134] {strides = array<i32>} : memref<16384xf32, #tpu.memory_space<vmem>>, vector<16xf32>,
        tpu.vector_store %arg15[%parallel_loop3A_134], %parallel_loop3A_127 {strides = array<i32>} : memref<16384xf32, #tpu.memory_space<vmem>>, vector<16xf32>,
        %parallel_loop3A_136 = arith.constant 8192 : i32
        %parallel_loop3A_137 = arith.addi %parallel_loop3A_136, %parallel_loop3A_125 : i32
        %parallel_loop3A_138 = arith.index_cast %parallel_loop3A_137 : i32 to index
        %parallel_loop3A_139 = tpu.vector_load %arg15[%parallel_loop3A_138] {strides = array<i32>} : memref<16384xf32, #tpu.memory_space<vmem>>, vector<16xf32>,
        tpu.vector_store %arg15[%parallel_loop3A_138], %parallel_loop3A_127 {strides = array<i32>} : memref<16384xf32, #tpu.memory_space<vmem>>, vector<16xf32>,
        %parallel_loop3A_140 = arith.constant 12288 : i32
        %parallel_loop3A_141 = arith.addi %parallel_loop3A_140, %parallel_loop3A_125 : i32
        %parallel_loop3A_142 = arith.index_cast %parallel_loop3A_141 : i32 to index
        %parallel_loop3A_143 = tpu.vector_load %arg15[%parallel_loop3A_142] {strides = array<i32>} : memref<16384xf32, #tpu.memory_space<vmem>>, vector<16xf32>,
        tpu.vector_store %arg15[%parallel_loop3A_142], %parallel_loop3A_127 {strides = array<i32>} : memref<16384xf32, #tpu.memory_space<vmem>>, vector<16xf32>,
      } {sc.loop_unroll_factor = 4 : i64, sc.parallel_access}
      %gt3A = arith.constant 0 : i32
      %gt3A_56 = arith.cmpi sgt, %scan3A_33, %gt3A : i32
      %convert_element_type3A = arith.extui %gt3A_56 : i1 to i32
      %cond3A = arith.constant 0 : i32
      %cond3A_57 = arith.cmpi ne, %convert_element_type3A, %cond3A : i32
      scf.if %cond3A_57 {
        %sub3A_123 = arith.constant 2 : i32
        %sub3A_124 = arith.subi %add3A_38, %sub3A_123 : i32
        %mul3A_125 = arith.constant 4 : i32
        %mul3A_126 = arith.muli %sub3A_124, %mul3A_125 : i32
        %dma_wait3A_127 = arith.constant 0 : i32
        %dma_wait3A_128 = tpu.memref_slice %arg12[%mul3A_126, %dma_wait3A_127] : memref<2048x1024xf32, #tpu.memory_space<hbm>> -> memref<4x1024xf32, #tpu.memory_space<hbm>>
        %dma_wait3A_129 = arith.constant 0 : i32
        %dma_wait3A_130 = tpu.memref_slice %arg12[%mul3A_126, %dma_wait3A_129] : memref<2048x1024xf32, #tpu.memory_space<hbm>> -> memref<4x1024xf32, #tpu.memory_space<hbm>>
        tpu.wait_dma2 semaphore(%arg30 : memref<!tpu.dma_semaphore, #tpu.memory_space<semaphore_mem>>) src(%arg17 : memref<4x1024xf32, #tpu.memory_space<vmem>>) dst(%dma_wait3A_130 : memref<4x1024xf32, #tpu.memory_space<hbm>>)
      } else {
      }
      %parallel_loop3A_58 = arith.constant 0 : i32
      %parallel_loop3A_59 = arith.constant 64 : i32
      %parallel_loop3A_60 = arith.constant 1 : i32
      scf.for %parallel_loop3A_123 = %parallel_loop3A_58 to %parallel_loop3A_59 step %parallel_loop3A_60  : i32 {
        %parallel_loop3A_124 = arith.constant 16 : i32
        %parallel_loop3A_125 = arith.muli %parallel_loop3A_123, %parallel_loop3A_124 : i32
        %parallel_loop3A_126 = arith.index_cast %parallel_loop3A_125 : i32 to index
        %parallel_loop3A_127 = tpu.vector_load %arg27[%parallel_loop3A_126] {strides = array<i32>} : memref<1024xf32, #tpu.memory_space<vmem>>, vector<16xf32>,
        %parallel_loop3A_128 = arith.constant 0 : i32
        %parallel_loop3A_129 = arith.index_cast %parallel_loop3A_128 : i32 to index
        %parallel_loop3A_130 = arith.index_cast %parallel_loop3A_125 : i32 to index
        %parallel_loop3A_131 = tpu.vector_load %arg13[%parallel_loop3A_129, %parallel_loop3A_130] {strides = array<i32>} : memref<4x1024xf32, #tpu.memory_space<vmem>>, vector<16xf32>,
        %parallel_loop3A_132 = arith.addf %parallel_loop3A_127, %parallel_loop3A_131 : vector<16xf32>
        %parallel_loop3A_133 = arith.constant 0 : i32
        %parallel_loop3A_134 = arith.index_cast %parallel_loop3A_133 : i32 to index
        %parallel_loop3A_135 = arith.index_cast %parallel_loop3A_125 : i32 to index
        %parallel_loop3A_136 = tpu.vector_load %arg17[%parallel_loop3A_134, %parallel_loop3A_135] {strides = array<i32>} : memref<4x1024xf32, #tpu.memory_space<vmem>>, vector<16xf32>,
        tpu.vector_store %arg17[%parallel_loop3A_134, %parallel_loop3A_135], %parallel_loop3A_132 {strides = array<i32>} : memref<4x1024xf32, #tpu.memory_space<vmem>>, vector<16xf32>,
        %parallel_loop3A_137 = arith.constant 1 : i32
        %parallel_loop3A_138 = arith.index_cast %parallel_loop3A_137 : i32 to index
        %parallel_loop3A_139 = arith.index_cast %parallel_loop3A_125 : i32 to index
        %parallel_loop3A_140 = tpu.vector_load %arg13[%parallel_loop3A_138, %parallel_loop3A_139] {strides = array<i32>} : memref<4x1024xf32, #tpu.memory_space<vmem>>, vector<16xf32>,
        %parallel_loop3A_141 = arith.addf %parallel_loop3A_127, %parallel_loop3A_140 : vector<16xf32>
        %parallel_loop3A_142 = arith.constant 1 : i32
        %parallel_loop3A_143 = arith.index_cast %parallel_loop3A_142 : i32 to index
        %parallel_loop3A_144 = arith.index_cast %parallel_loop3A_125 : i32 to index
        %parallel_loop3A_145 = tpu.vector_load %arg17[%parallel_loop3A_143, %parallel_loop3A_144] {strides = array<i32>} : memref<4x1024xf32, #tpu.memory_space<vmem>>, vector<16xf32>,
        tpu.vector_store %arg17[%parallel_loop3A_143, %parallel_loop3A_144], %parallel_loop3A_141 {strides = array<i32>} : memref<4x1024xf32, #tpu.memory_space<vmem>>, vector<16xf32>,
        %parallel_loop3A_146 = arith.constant 2 : i32
        %parallel_loop3A_147 = arith.index_cast %parallel_loop3A_146 : i32 to index
        %parallel_loop3A_148 = arith.index_cast %parallel_loop3A_125 : i32 to index
        %parallel_loop3A_149 = tpu.vector_load %arg13[%parallel_loop3A_147, %parallel_loop3A_148] {strides = array<i32>} : memref<4x1024xf32, #tpu.memory_space<vmem>>, vector<16xf32>,
        %parallel_loop3A_150 = arith.addf %parallel_loop3A_127, %parallel_loop3A_149 : vector<16xf32>
        %parallel_loop3A_151 = arith.constant 2 : i32
        %parallel_loop3A_152 = arith.index_cast %parallel_loop3A_151 : i32 to index
        %parallel_loop3A_153 = arith.index_cast %parallel_loop3A_125 : i32 to index
        %parallel_loop3A_154 = tpu.vector_load %arg17[%parallel_loop3A_152, %parallel_loop3A_153] {strides = array<i32>} : memref<4x1024xf32, #tpu.memory_space<vmem>>, vector<16xf32>,
        tpu.vector_store %arg17[%parallel_loop3A_152, %parallel_loop3A_153], %parallel_loop3A_150 {strides = array<i32>} : memref<4x1024xf32, #tpu.memory_space<vmem>>, vector<16xf32>,
        %parallel_loop3A_155 = arith.constant 3 : i32
        %parallel_loop3A_156 = arith.index_cast %parallel_loop3A_155 : i32 to index
        %parallel_loop3A_157 = arith.index_cast %parallel_loop3A_125 : i32 to index
        %parallel_loop3A_158 = tpu.vector_load %arg13[%parallel_loop3A_156, %parallel_loop3A_157] {strides = array<i32>} : memref<4x1024xf32, #tpu.memory_space<vmem>>, vector<16xf32>,
        %parallel_loop3A_159 = arith.addf %parallel_loop3A_127, %parallel_loop3A_158 : vector<16xf32>
        %parallel_loop3A_160 = arith.constant 3 : i32
        %parallel_loop3A_161 = arith.index_cast %parallel_loop3A_160 : i32 to index
        %parallel_loop3A_162 = arith.index_cast %parallel_loop3A_125 : i32 to index
        %parallel_loop3A_163 = tpu.vector_load %arg17[%parallel_loop3A_161, %parallel_loop3A_162] {strides = array<i32>} : memref<4x1024xf32, #tpu.memory_space<vmem>>, vector<16xf32>,
        tpu.vector_store %arg17[%parallel_loop3A_161, %parallel_loop3A_162], %parallel_loop3A_159 {strides = array<i32>} : memref<4x1024xf32, #tpu.memory_space<vmem>>, vector<16xf32>,
      } {sc.loop_unroll_factor = 4 : i64, sc.parallel_access}
      %parallel_loop3A_61 = arith.constant 0 : i32
      %parallel_loop3A_62 = arith.constant 512 : i32
      %parallel_loop3A_63 = arith.constant 1 : i32
      scf.for %parallel_loop3A_123 = %parallel_loop3A_61 to %parallel_loop3A_62 step %parallel_loop3A_63  : i32 {
        %parallel_loop3A_124 = arith.constant 16 : i32
        %parallel_loop3A_125 = arith.muli %parallel_loop3A_123, %parallel_loop3A_124 : i32
        %parallel_loop3A_126 = arith.index_cast %parallel_loop3A_125 : i32 to index
        %parallel_loop3A_127 = tpu.vector_load %arg19[%parallel_loop3A_126] {strides = array<i32>} : memref<8192xi32, #tpu.memory_space<vmem>>, vector<16xi32>,
        %parallel_loop3A_128 = arith.index_cast %parallel_loop3A_125 : i32 to index
        %parallel_loop3A_129 = tpu.vector_load %arg20[%parallel_loop3A_128] {strides = array<i32>} : memref<8192xf32, #tpu.memory_space<vmem>>, vector<16xf32>,
        %parallel_loop3A_130 = tpu.iota {dimensions = array<i32: 0>} : vector<16xi32>
        %parallel_loop3A_131 = arith.constant 13 : i32
        %parallel_loop3A_132 = vector.broadcast %parallel_loop3A_131 : i32 to vector<16xi32>
        %parallel_loop3A_133 = arith.shrui %parallel_loop3A_127, %parallel_loop3A_132 : vector<16xi32>
        %parallel_loop3A_134 = arith.constant 4080 : i32
        %parallel_loop3A_135 = vector.broadcast %parallel_loop3A_134 : i32 to vector<16xi32>
        %parallel_loop3A_136 = arith.andi %parallel_loop3A_127, %parallel_loop3A_135 : vector<16xi32>
        %parallel_loop3A_137 = arith.ori %parallel_loop3A_136, %parallel_loop3A_130 : vector<16xi32>
        %parallel_loop3A_138 = arith.constant 0 : i32
        %parallel_loop3A_139 = vector.broadcast %parallel_loop3A_138 : i32 to vector<16xi32>
        %parallel_loop3A_140 = tpu.vector_load_idx %arg13[%parallel_loop3A_139, %parallel_loop3A_137] : memref<4x1024xf32, #tpu.memory_space<vmem>>[vector<16xi32>, vector<16xi32>], vector<16xf32>,
        %parallel_loop3A_141 = arith.mulf %parallel_loop3A_140, %parallel_loop3A_129 : vector<16xf32>
        %parallel_loop3A_142 = arith.constant 0 : i32
        %parallel_loop3A_143 = tpu.memref_slice %arg15[%parallel_loop3A_142] : memref<16384xf32, #tpu.memory_space<vmem>> -> memref<4096xf32, #tpu.memory_space<vmem>>
        tpu.vector_store_idx %parallel_loop3A_143[%parallel_loop3A_133], %parallel_loop3A_141 {add = true} : memref<4096xf32, #tpu.memory_space<vmem>>[vector<16xi32>], vector<16xf32>,
        %parallel_loop3A_144 = arith.constant 1 : i32
        %parallel_loop3A_145 = vector.broadcast %parallel_loop3A_144 : i32 to vector<16xi32>
        %parallel_loop3A_146 = tpu.vector_load_idx %arg13[%parallel_loop3A_145, %parallel_loop3A_137] : memref<4x1024xf32, #tpu.memory_space<vmem>>[vector<16xi32>, vector<16xi32>], vector<16xf32>,
        %parallel_loop3A_147 = arith.mulf %parallel_loop3A_146, %parallel_loop3A_129 : vector<16xf32>
        %parallel_loop3A_148 = arith.constant 4096 : i32
        %parallel_loop3A_149 = tpu.memref_slice %arg15[%parallel_loop3A_148] : memref<16384xf32, #tpu.memory_space<vmem>> -> memref<4096xf32, #tpu.memory_space<vmem>>
        tpu.vector_store_idx %parallel_loop3A_149[%parallel_loop3A_133], %parallel_loop3A_147 {add = true} : memref<4096xf32, #tpu.memory_space<vmem>>[vector<16xi32>], vector<16xf32>,
        %parallel_loop3A_150 = arith.constant 2 : i32
        %parallel_loop3A_151 = vector.broadcast %parallel_loop3A_150 : i32 to vector<16xi32>
        %parallel_loop3A_152 = tpu.vector_load_idx %arg13[%parallel_loop3A_151, %parallel_loop3A_137] : memref<4x1024xf32, #tpu.memory_space<vmem>>[vector<16xi32>, vector<16xi32>], vector<16xf32>,
        %parallel_loop3A_153 = arith.mulf %parallel_loop3A_152, %parallel_loop3A_129 : vector<16xf32>
        %parallel_loop3A_154 = arith.constant 8192 : i32
        %parallel_loop3A_155 = tpu.memref_slice %arg15[%parallel_loop3A_154] : memref<16384xf32, #tpu.memory_space<vmem>> -> memref<4096xf32, #tpu.memory_space<vmem>>
        tpu.vector_store_idx %parallel_loop3A_155[%parallel_loop3A_133], %parallel_loop3A_153 {add = true} : memref<4096xf32, #tpu.memory_space<vmem>>[vector<16xi32>], vector<16xf32>,
        %parallel_loop3A_156 = arith.constant 3 : i32
        %parallel_loop3A_157 = vector.broadcast %parallel_loop3A_156 : i32 to vector<16xi32>
        %parallel_loop3A_158 = tpu.vector_load_idx %arg13[%parallel_loop3A_157, %parallel_loop3A_137] : memref<4x1024xf32, #tpu.memory_space<vmem>>[vector<16xi32>, vector<16xi32>], vector<16xf32>,
        %parallel_loop3A_159 = arith.mulf %parallel_loop3A_158, %parallel_loop3A_129 : vector<16xf32>
        %parallel_loop3A_160 = arith.constant 12288 : i32
        %parallel_loop3A_161 = tpu.memref_slice %arg15[%parallel_loop3A_160] : memref<16384xf32, #tpu.memory_space<vmem>> -> memref<4096xf32, #tpu.memory_space<vmem>>
        tpu.vector_store_idx %parallel_loop3A_161[%parallel_loop3A_133], %parallel_loop3A_159 {add = true} : memref<4096xf32, #tpu.memory_space<vmem>>[vector<16xi32>], vector<16xf32>,
      } {sc.loop_unroll_factor = 8 : i64, sc.parallel_access}
      %parallel_loop3A_64 = arith.constant 0 : i32
      %parallel_loop3A_65 = arith.constant 512 : i32
      %parallel_loop3A_66 = arith.constant 1 : i32
      scf.for %parallel_loop3A_123 = %parallel_loop3A_64 to %parallel_loop3A_65 step %parallel_loop3A_66  : i32 {
        %parallel_loop3A_124 = arith.constant 16 : i32
        %parallel_loop3A_125 = arith.muli %parallel_loop3A_123, %parallel_loop3A_124 : i32
        %parallel_loop3A_126 = arith.index_cast %parallel_loop3A_125 : i32 to index
        %parallel_loop3A_127 = tpu.vector_load %arg21[%parallel_loop3A_126] {strides = array<i32>} : memref<8192xi32, #tpu.memory_space<vmem>>, vector<16xi32>,
        %parallel_loop3A_128 = arith.index_cast %parallel_loop3A_125 : i32 to index
        %parallel_loop3A_129 = tpu.vector_load %arg22[%parallel_loop3A_128] {strides = array<i32>} : memref<8192xf32, #tpu.memory_space<vmem>>, vector<16xf32>,
        %parallel_loop3A_130 = tpu.iota {dimensions = array<i32: 0>} : vector<16xi32>
        %parallel_loop3A_131 = arith.constant 13 : i32
        %parallel_loop3A_132 = vector.broadcast %parallel_loop3A_131 : i32 to vector<16xi32>
        %parallel_loop3A_133 = arith.shrui %parallel_loop3A_127, %parallel_loop3A_132 : vector<16xi32>
        %parallel_loop3A_134 = arith.constant 4080 : i32
        %parallel_loop3A_135 = vector.broadcast %parallel_loop3A_134 : i32 to vector<16xi32>
        %parallel_loop3A_136 = arith.andi %parallel_loop3A_127, %parallel_loop3A_135 : vector<16xi32>
        %parallel_loop3A_137 = arith.ori %parallel_loop3A_136, %parallel_loop3A_130 : vector<16xi32>
        %parallel_loop3A_138 = arith.constant 0 : i32
        %parallel_loop3A_139 = vector.broadcast %parallel_loop3A_138 : i32 to vector<16xi32>
        %parallel_loop3A_140 = tpu.vector_load_idx %arg13[%parallel_loop3A_139, %parallel_loop3A_137] : memref<4x1024xf32, #tpu.memory_space<vmem>>[vector<16xi32>, vector<16xi32>], vector<16xf32>,
        %parallel_loop3A_141 = arith.mulf %parallel_loop3A_140, %parallel_loop3A_129 : vector<16xf32>
        %parallel_loop3A_142 = arith.constant 0 : i32
        %parallel_loop3A_143 = tpu.memref_slice %arg16[%parallel_loop3A_142] : memref<16384xf32, #tpu.memory_space<vmem>> -> memref<4096xf32, #tpu.memory_space<vmem>>
        tpu.vector_store_idx %parallel_loop3A_143[%parallel_loop3A_133], %parallel_loop3A_141 {add = true} : memref<4096xf32, #tpu.memory_space<vmem>>[vector<16xi32>], vector<16xf32>,
        %parallel_loop3A_144 = arith.constant 1 : i32
        %parallel_loop3A_145 = vector.broadcast %parallel_loop3A_144 : i32 to vector<16xi32>
        %parallel_loop3A_146 = tpu.vector_load_idx %arg13[%parallel_loop3A_145, %parallel_loop3A_137] : memref<4x1024xf32, #tpu.memory_space<vmem>>[vector<16xi32>, vector<16xi32>], vector<16xf32>,
        %parallel_loop3A_147 = arith.mulf %parallel_loop3A_146, %parallel_loop3A_129 : vector<16xf32>
        %parallel_loop3A_148 = arith.constant 4096 : i32
        %parallel_loop3A_149 = tpu.memref_slice %arg16[%parallel_loop3A_148] : memref<16384xf32, #tpu.memory_space<vmem>> -> memref<4096xf32, #tpu.memory_space<vmem>>
        tpu.vector_store_idx %parallel_loop3A_149[%parallel_loop3A_133], %parallel_loop3A_147 {add = true} : memref<4096xf32, #tpu.memory_space<vmem>>[vector<16xi32>], vector<16xf32>,
        %parallel_loop3A_150 = arith.constant 2 : i32
        %parallel_loop3A_151 = vector.broadcast %parallel_loop3A_150 : i32 to vector<16xi32>
        %parallel_loop3A_152 = tpu.vector_load_idx %arg13[%parallel_loop3A_151, %parallel_loop3A_137] : memref<4x1024xf32, #tpu.memory_space<vmem>>[vector<16xi32>, vector<16xi32>], vector<16xf32>,
        %parallel_loop3A_153 = arith.mulf %parallel_loop3A_152, %parallel_loop3A_129 : vector<16xf32>
        %parallel_loop3A_154 = arith.constant 8192 : i32
        %parallel_loop3A_155 = tpu.memref_slice %arg16[%parallel_loop3A_154] : memref<16384xf32, #tpu.memory_space<vmem>> -> memref<4096xf32, #tpu.memory_space<vmem>>
        tpu.vector_store_idx %parallel_loop3A_155[%parallel_loop3A_133], %parallel_loop3A_153 {add = true} : memref<4096xf32, #tpu.memory_space<vmem>>[vector<16xi32>], vector<16xf32>,
        %parallel_loop3A_156 = arith.constant 3 : i32
        %parallel_loop3A_157 = vector.broadcast %parallel_loop3A_156 : i32 to vector<16xi32>
        %parallel_loop3A_158 = tpu.vector_load_idx %arg13[%parallel_loop3A_157, %parallel_loop3A_137] : memref<4x1024xf32, #tpu.memory_space<vmem>>[vector<16xi32>, vector<16xi32>], vector<16xf32>,
        %parallel_loop3A_159 = arith.mulf %parallel_loop3A_158, %parallel_loop3A_129 : vector<16xf32>
        %parallel_loop3A_160 = arith.constant 12288 : i32
        %parallel_loop3A_161 = tpu.memref_slice %arg16[%parallel_loop3A_160] : memref<16384xf32, #tpu.memory_space<vmem>> -> memref<4096xf32, #tpu.memory_space<vmem>>
        tpu.vector_store_idx %parallel_loop3A_161[%parallel_loop3A_133], %parallel_loop3A_159 {add = true} : memref<4096xf32, #tpu.memory_space<vmem>>[vector<16xi32>], vector<16xf32>,
      } {sc.loop_unroll_factor = 8 : i64, sc.parallel_access}
      %parallel_loop3A_67 = arith.constant 0 : i32
      %parallel_loop3A_68 = arith.constant 256 : i32
      %parallel_loop3A_69 = arith.constant 1 : i32
      scf.for %parallel_loop3A_123 = %parallel_loop3A_67 to %parallel_loop3A_68 step %parallel_loop3A_69  : i32 {
        %parallel_loop3A_124 = arith.constant 16 : i32
        %parallel_loop3A_125 = arith.muli %parallel_loop3A_123, %parallel_loop3A_124 : i32
        %parallel_loop3A_126 = arith.index_cast %parallel_loop3A_125 : i32 to index
        %parallel_loop3A_127 = tpu.vector_load %arg26[%parallel_loop3A_126] {strides = array<i32>} : memref<4096xf32, #tpu.memory_space<vmem>>, vector<16xf32>,
        %parallel_loop3A_128 = arith.constant 0 : i32
        %parallel_loop3A_129 = arith.addi %parallel_loop3A_128, %parallel_loop3A_125 : i32
        %parallel_loop3A_130 = arith.index_cast %parallel_loop3A_129 : i32 to index
        %parallel_loop3A_131 = tpu.vector_load %arg15[%parallel_loop3A_130] {strides = array<i32>} : memref<16384xf32, #tpu.memory_space<vmem>>, vector<16xf32>,
        %parallel_loop3A_132 = arith.constant 0 : i32
        %parallel_loop3A_133 = arith.addi %parallel_loop3A_132, %parallel_loop3A_125 : i32
        %parallel_loop3A_134 = arith.index_cast %parallel_loop3A_133 : i32 to index
        %parallel_loop3A_135 = tpu.vector_load %arg16[%parallel_loop3A_134] {strides = array<i32>} : memref<16384xf32, #tpu.memory_space<vmem>>, vector<16xf32>,
        %parallel_loop3A_136 = arith.constant 0.000000e+00 : f32
        %parallel_loop3A_137 = vector.broadcast %parallel_loop3A_136 : f32 to vector<16xf32>
        %parallel_loop3A_138 = arith.subf %parallel_loop3A_137, %parallel_loop3A_131 : vector<16xf32>
        %parallel_loop3A_139 = math.exp %parallel_loop3A_138 : vector<16xf32>
        %parallel_loop3A_140 = arith.constant 1.000000e+00 : f32
        %parallel_loop3A_141 = vector.broadcast %parallel_loop3A_140 : f32 to vector<16xf32>
        %parallel_loop3A_142 = arith.addf %parallel_loop3A_141, %parallel_loop3A_139 : vector<16xf32>
        %parallel_loop3A_143 = arith.divf %parallel_loop3A_131, %parallel_loop3A_142 : vector<16xf32>
        %parallel_loop3A_144 = arith.mulf %parallel_loop3A_143, %parallel_loop3A_135 : vector<16xf32>
        %parallel_loop3A_145 = arith.constant 0 : i32
        %parallel_loop3A_146 = arith.addi %parallel_loop3A_145, %parallel_loop3A_125 : i32
        %parallel_loop3A_147 = arith.index_cast %parallel_loop3A_146 : i32 to index
        %parallel_loop3A_148 = tpu.vector_load %arg15[%parallel_loop3A_147] {strides = array<i32>} : memref<16384xf32, #tpu.memory_space<vmem>>, vector<16xf32>,
        tpu.vector_store %arg15[%parallel_loop3A_147], %parallel_loop3A_144 {strides = array<i32>} : memref<16384xf32, #tpu.memory_space<vmem>>, vector<16xf32>,
        %parallel_loop3A_149 = arith.constant 0 : i32
        %parallel_loop3A_150 = arith.addi %parallel_loop3A_149, %parallel_loop3A_125 : i32
        %parallel_loop3A_151 = arith.index_cast %parallel_loop3A_150 : i32 to index
        %parallel_loop3A_152 = tpu.vector_load %arg16[%parallel_loop3A_151] {strides = array<i32>} : memref<16384xf32, #tpu.memory_space<vmem>>, vector<16xf32>,
        tpu.vector_store %arg16[%parallel_loop3A_151], %parallel_loop3A_127 {strides = array<i32>} : memref<16384xf32, #tpu.memory_space<vmem>>, vector<16xf32>,
        %parallel_loop3A_153 = arith.constant 4096 : i32
        %parallel_loop3A_154 = arith.addi %parallel_loop3A_153, %parallel_loop3A_125 : i32
        %parallel_loop3A_155 = arith.index_cast %parallel_loop3A_154 : i32 to index
        %parallel_loop3A_156 = tpu.vector_load %arg15[%parallel_loop3A_155] {strides = array<i32>} : memref<16384xf32, #tpu.memory_space<vmem>>, vector<16xf32>,
        %parallel_loop3A_157 = arith.constant 4096 : i32
        %parallel_loop3A_158 = arith.addi %parallel_loop3A_157, %parallel_loop3A_125 : i32
        %parallel_loop3A_159 = arith.index_cast %parallel_loop3A_158 : i32 to index
        %parallel_loop3A_160 = tpu.vector_load %arg16[%parallel_loop3A_159] {strides = array<i32>} : memref<16384xf32, #tpu.memory_space<vmem>>, vector<16xf32>,
        %parallel_loop3A_161 = arith.constant 0.000000e+00 : f32
        %parallel_loop3A_162 = vector.broadcast %parallel_loop3A_161 : f32 to vector<16xf32>
        %parallel_loop3A_163 = arith.subf %parallel_loop3A_162, %parallel_loop3A_156 : vector<16xf32>
        %parallel_loop3A_164 = math.exp %parallel_loop3A_163 : vector<16xf32>
        %parallel_loop3A_165 = arith.constant 1.000000e+00 : f32
        %parallel_loop3A_166 = vector.broadcast %parallel_loop3A_165 : f32 to vector<16xf32>
        %parallel_loop3A_167 = arith.addf %parallel_loop3A_166, %parallel_loop3A_164 : vector<16xf32>
        %parallel_loop3A_168 = arith.divf %parallel_loop3A_156, %parallel_loop3A_167 : vector<16xf32>
        %parallel_loop3A_169 = arith.mulf %parallel_loop3A_168, %parallel_loop3A_160 : vector<16xf32>
        %parallel_loop3A_170 = arith.constant 4096 : i32
        %parallel_loop3A_171 = arith.addi %parallel_loop3A_170, %parallel_loop3A_125 : i32
        %parallel_loop3A_172 = arith.index_cast %parallel_loop3A_171 : i32 to index
        %parallel_loop3A_173 = tpu.vector_load %arg15[%parallel_loop3A_172] {strides = array<i32>} : memref<16384xf32, #tpu.memory_space<vmem>>, vector<16xf32>,
        tpu.vector_store %arg15[%parallel_loop3A_172], %parallel_loop3A_169 {strides = array<i32>} : memref<16384xf32, #tpu.memory_space<vmem>>, vector<16xf32>,
        %parallel_loop3A_174 = arith.constant 4096 : i32
        %parallel_loop3A_175 = arith.addi %parallel_loop3A_174, %parallel_loop3A_125 : i32
        %parallel_loop3A_176 = arith.index_cast %parallel_loop3A_175 : i32 to index
        %parallel_loop3A_177 = tpu.vector_load %arg16[%parallel_loop3A_176] {strides = array<i32>} : memref<16384xf32, #tpu.memory_space<vmem>>, vector<16xf32>,
        tpu.vector_store %arg16[%parallel_loop3A_176], %parallel_loop3A_127 {strides = array<i32>} : memref<16384xf32, #tpu.memory_space<vmem>>, vector<16xf32>,
        %parallel_loop3A_178 = arith.constant 8192 : i32
        %parallel_loop3A_179 = arith.addi %parallel_loop3A_178, %parallel_loop3A_125 : i32
        %parallel_loop3A_180 = arith.index_cast %parallel_loop3A_179 : i32 to index
        %parallel_loop3A_181 = tpu.vector_load %arg15[%parallel_loop3A_180] {strides = array<i32>} : memref<16384xf32, #tpu.memory_space<vmem>>, vector<16xf32>,
        %parallel_loop3A_182 = arith.constant 8192 : i32
        %parallel_loop3A_183 = arith.addi %parallel_loop3A_182, %parallel_loop3A_125 : i32
        %parallel_loop3A_184 = arith.index_cast %parallel_loop3A_183 : i32 to index
        %parallel_loop3A_185 = tpu.vector_load %arg16[%parallel_loop3A_184] {strides = array<i32>} : memref<16384xf32, #tpu.memory_space<vmem>>, vector<16xf32>,
        %parallel_loop3A_186 = arith.constant 0.000000e+00 : f32
        %parallel_loop3A_187 = vector.broadcast %parallel_loop3A_186 : f32 to vector<16xf32>
        %parallel_loop3A_188 = arith.subf %parallel_loop3A_187, %parallel_loop3A_181 : vector<16xf32>
        %parallel_loop3A_189 = math.exp %parallel_loop3A_188 : vector<16xf32>
        %parallel_loop3A_190 = arith.constant 1.000000e+00 : f32
        %parallel_loop3A_191 = vector.broadcast %parallel_loop3A_190 : f32 to vector<16xf32>
        %parallel_loop3A_192 = arith.addf %parallel_loop3A_191, %parallel_loop3A_189 : vector<16xf32>
        %parallel_loop3A_193 = arith.divf %parallel_loop3A_181, %parallel_loop3A_192 : vector<16xf32>
        %parallel_loop3A_194 = arith.mulf %parallel_loop3A_193, %parallel_loop3A_185 : vector<16xf32>
        %parallel_loop3A_195 = arith.constant 8192 : i32
        %parallel_loop3A_196 = arith.addi %parallel_loop3A_195, %parallel_loop3A_125 : i32
        %parallel_loop3A_197 = arith.index_cast %parallel_loop3A_196 : i32 to index
        %parallel_loop3A_198 = tpu.vector_load %arg15[%parallel_loop3A_197] {strides = array<i32>} : memref<16384xf32, #tpu.memory_space<vmem>>, vector<16xf32>,
        tpu.vector_store %arg15[%parallel_loop3A_197], %parallel_loop3A_194 {strides = array<i32>} : memref<16384xf32, #tpu.memory_space<vmem>>, vector<16xf32>,
        %parallel_loop3A_199 = arith.constant 8192 : i32
        %parallel_loop3A_200 = arith.addi %parallel_loop3A_199, %parallel_loop3A_125 : i32
        %parallel_loop3A_201 = arith.index_cast %parallel_loop3A_200 : i32 to index
        %parallel_loop3A_202 = tpu.vector_load %arg16[%parallel_loop3A_201] {strides = array<i32>} : memref<16384xf32, #tpu.memory_space<vmem>>, vector<16xf32>,
        tpu.vector_store %arg16[%parallel_loop3A_201], %parallel_loop3A_127 {strides = array<i32>} : memref<16384xf32, #tpu.memory_space<vmem>>, vector<16xf32>,
        %parallel_loop3A_203 = arith.constant 12288 : i32
        %parallel_loop3A_204 = arith.addi %parallel_loop3A_203, %parallel_loop3A_125 : i32
        %parallel_loop3A_205 = arith.index_cast %parallel_loop3A_204 : i32 to index
        %parallel_loop3A_206 = tpu.vector_load %arg15[%parallel_loop3A_205] {strides = array<i32>} : memref<16384xf32, #tpu.memory_space<vmem>>, vector<16xf32>,
        %parallel_loop3A_207 = arith.constant 12288 : i32
        %parallel_loop3A_208 = arith.addi %parallel_loop3A_207, %parallel_loop3A_125 : i32
        %parallel_loop3A_209 = arith.index_cast %parallel_loop3A_208 : i32 to index
        %parallel_loop3A_210 = tpu.vector_load %arg16[%parallel_loop3A_209] {strides = array<i32>} : memref<16384xf32, #tpu.memory_space<vmem>>, vector<16xf32>,
        %parallel_loop3A_211 = arith.constant 0.000000e+00 : f32
        %parallel_loop3A_212 = vector.broadcast %parallel_loop3A_211 : f32 to vector<16xf32>
        %parallel_loop3A_213 = arith.subf %parallel_loop3A_212, %parallel_loop3A_206 : vector<16xf32>
        %parallel_loop3A_214 = math.exp %parallel_loop3A_213 : vector<16xf32>
        %parallel_loop3A_215 = arith.constant 1.000000e+00 : f32
        %parallel_loop3A_216 = vector.broadcast %parallel_loop3A_215 : f32 to vector<16xf32>
        %parallel_loop3A_217 = arith.addf %parallel_loop3A_216, %parallel_loop3A_214 : vector<16xf32>
        %parallel_loop3A_218 = arith.divf %parallel_loop3A_206, %parallel_loop3A_217 : vector<16xf32>
        %parallel_loop3A_219 = arith.mulf %parallel_loop3A_218, %parallel_loop3A_210 : vector<16xf32>
        %parallel_loop3A_220 = arith.constant 12288 : i32
        %parallel_loop3A_221 = arith.addi %parallel_loop3A_220, %parallel_loop3A_125 : i32
        %parallel_loop3A_222 = arith.index_cast %parallel_loop3A_221 : i32 to index
        %parallel_loop3A_223 = tpu.vector_load %arg15[%parallel_loop3A_222] {strides = array<i32>} : memref<16384xf32, #tpu.memory_space<vmem>>, vector<16xf32>,
        tpu.vector_store %arg15[%parallel_loop3A_222], %parallel_loop3A_219 {strides = array<i32>} : memref<16384xf32, #tpu.memory_space<vmem>>, vector<16xf32>,
        %parallel_loop3A_224 = arith.constant 12288 : i32
        %parallel_loop3A_225 = arith.addi %parallel_loop3A_224, %parallel_loop3A_125 : i32
        %parallel_loop3A_226 = arith.index_cast %parallel_loop3A_225 : i32 to index
        %parallel_loop3A_227 = tpu.vector_load %arg16[%parallel_loop3A_226] {strides = array<i32>} : memref<16384xf32, #tpu.memory_space<vmem>>, vector<16xf32>,
        tpu.vector_store %arg16[%parallel_loop3A_226], %parallel_loop3A_127 {strides = array<i32>} : memref<16384xf32, #tpu.memory_space<vmem>>, vector<16xf32>,
      } {sc.loop_unroll_factor = 4 : i64, sc.parallel_access}
      %parallel_loop3A_70 = arith.constant 0 : i32
      %parallel_loop3A_71 = arith.constant 512 : i32
      %parallel_loop3A_72 = arith.constant 1 : i32
      scf.for %parallel_loop3A_123 = %parallel_loop3A_70 to %parallel_loop3A_71 step %parallel_loop3A_72  : i32 {
        %parallel_loop3A_124 = arith.constant 16 : i32
        %parallel_loop3A_125 = arith.muli %parallel_loop3A_123, %parallel_loop3A_124 : i32
        %parallel_loop3A_126 = arith.index_cast %parallel_loop3A_125 : i32 to index
        %parallel_loop3A_127 = tpu.vector_load %arg23[%parallel_loop3A_126] {strides = array<i32>} : memref<8192xi32, #tpu.memory_space<vmem>>, vector<16xi32>,
        %parallel_loop3A_128 = arith.index_cast %parallel_loop3A_125 : i32 to index
        %parallel_loop3A_129 = tpu.vector_load %arg24[%parallel_loop3A_128] {strides = array<i32>} : memref<8192xf32, #tpu.memory_space<vmem>>, vector<16xf32>,
        %parallel_loop3A_130 = tpu.iota {dimensions = array<i32: 0>} : vector<16xi32>
        %parallel_loop3A_131 = arith.constant 13 : i32
        %parallel_loop3A_132 = vector.broadcast %parallel_loop3A_131 : i32 to vector<16xi32>
        %parallel_loop3A_133 = arith.shrui %parallel_loop3A_127, %parallel_loop3A_132 : vector<16xi32>
        %parallel_loop3A_134 = arith.constant 4080 : i32
        %parallel_loop3A_135 = vector.broadcast %parallel_loop3A_134 : i32 to vector<16xi32>
        %parallel_loop3A_136 = arith.andi %parallel_loop3A_127, %parallel_loop3A_135 : vector<16xi32>
        %parallel_loop3A_137 = arith.ori %parallel_loop3A_136, %parallel_loop3A_130 : vector<16xi32>
        %parallel_loop3A_138 = arith.constant 0 : i32
        %parallel_loop3A_139 = tpu.memref_slice %arg15[%parallel_loop3A_138] : memref<16384xf32, #tpu.memory_space<vmem>> -> memref<4096xf32, #tpu.memory_space<vmem>>
        %parallel_loop3A_140 = tpu.vector_load_idx %parallel_loop3A_139[%parallel_loop3A_137] : memref<4096xf32, #tpu.memory_space<vmem>>[vector<16xi32>], vector<16xf32>,
        %parallel_loop3A_141 = arith.constant 0 : i32
        %parallel_loop3A_142 = vector.broadcast %parallel_loop3A_141 : i32 to vector<16xi32>
        %parallel_loop3A_143 = arith.mulf %parallel_loop3A_140, %parallel_loop3A_129 : vector<16xf32>
        tpu.vector_store_idx %arg17[%parallel_loop3A_142, %parallel_loop3A_133], %parallel_loop3A_143 {add = true} : memref<4x1024xf32, #tpu.memory_space<vmem>>[vector<16xi32>, vector<16xi32>], vector<16xf32>,
        %parallel_loop3A_144 = arith.constant 4096 : i32
        %parallel_loop3A_145 = tpu.memref_slice %arg15[%parallel_loop3A_144] : memref<16384xf32, #tpu.memory_space<vmem>> -> memref<4096xf32, #tpu.memory_space<vmem>>
        %parallel_loop3A_146 = tpu.vector_load_idx %parallel_loop3A_145[%parallel_loop3A_137] : memref<4096xf32, #tpu.memory_space<vmem>>[vector<16xi32>], vector<16xf32>,
        %parallel_loop3A_147 = arith.constant 1 : i32
        %parallel_loop3A_148 = vector.broadcast %parallel_loop3A_147 : i32 to vector<16xi32>
        %parallel_loop3A_149 = arith.mulf %parallel_loop3A_146, %parallel_loop3A_129 : vector<16xf32>
        tpu.vector_store_idx %arg17[%parallel_loop3A_148, %parallel_loop3A_133], %parallel_loop3A_149 {add = true} : memref<4x1024xf32, #tpu.memory_space<vmem>>[vector<16xi32>, vector<16xi32>], vector<16xf32>,
        %parallel_loop3A_150 = arith.constant 8192 : i32
        %parallel_loop3A_151 = tpu.memref_slice %arg15[%parallel_loop3A_150] : memref<16384xf32, #tpu.memory_space<vmem>> -> memref<4096xf32, #tpu.memory_space<vmem>>
        %parallel_loop3A_152 = tpu.vector_load_idx %parallel_loop3A_151[%parallel_loop3A_137] : memref<4096xf32, #tpu.memory_space<vmem>>[vector<16xi32>], vector<16xf32>,
        %parallel_loop3A_153 = arith.constant 2 : i32
        %parallel_loop3A_154 = vector.broadcast %parallel_loop3A_153 : i32 to vector<16xi32>
        %parallel_loop3A_155 = arith.mulf %parallel_loop3A_152, %parallel_loop3A_129 : vector<16xf32>
        tpu.vector_store_idx %arg17[%parallel_loop3A_154, %parallel_loop3A_133], %parallel_loop3A_155 {add = true} : memref<4x1024xf32, #tpu.memory_space<vmem>>[vector<16xi32>, vector<16xi32>], vector<16xf32>,
        %parallel_loop3A_156 = arith.constant 12288 : i32
        %parallel_loop3A_157 = tpu.memref_slice %arg15[%parallel_loop3A_156] : memref<16384xf32, #tpu.memory_space<vmem>> -> memref<4096xf32, #tpu.memory_space<vmem>>
        %parallel_loop3A_158 = tpu.vector_load_idx %parallel_loop3A_157[%parallel_loop3A_137] : memref<4096xf32, #tpu.memory_space<vmem>>[vector<16xi32>], vector<16xf32>,
        %parallel_loop3A_159 = arith.constant 3 : i32
        %parallel_loop3A_160 = vector.broadcast %parallel_loop3A_159 : i32 to vector<16xi32>
        %parallel_loop3A_161 = arith.mulf %parallel_loop3A_158, %parallel_loop3A_129 : vector<16xf32>
        tpu.vector_store_idx %arg17[%parallel_loop3A_160, %parallel_loop3A_133], %parallel_loop3A_161 {add = true} : memref<4x1024xf32, #tpu.memory_space<vmem>>[vector<16xi32>, vector<16xi32>], vector<16xf32>,
      } {sc.loop_unroll_factor = 8 : i64, sc.parallel_access}
      %mul3A_73 = arith.constant 4 : i32
      %mul3A_74 = arith.muli %add3A_38, %mul3A_73 : i32
      %dma_start3A_75 = arith.constant 0 : i32
      %dma_start3A_76 = tpu.memref_slice %arg12[%mul3A_74, %dma_start3A_75] : memref<2048x1024xf32, #tpu.memory_space<hbm>> -> memref<4x1024xf32, #tpu.memory_space<hbm>>
      %dma_start3A_77 = arith.constant 0 : i32
      %dma_start3A_78 = tpu.memref_slice %arg12[%mul3A_74, %dma_start3A_77] : memref<2048x1024xf32, #tpu.memory_space<hbm>> -> memref<4x1024xf32, #tpu.memory_space<hbm>>
      tpu.enqueue_dma source(%arg17 : memref<4x1024xf32, #tpu.memory_space<vmem>>) target(%dma_start3A_78 : memref<4x1024xf32, #tpu.memory_space<hbm>>) target_semaphore(%arg30 : memref<!tpu.dma_semaphore, #tpu.memory_space<semaphore_mem>>)
      %mul3A_79 = arith.constant 2 : i32
      %mul3A_80 = arith.muli %scan3A_33, %mul3A_79 : i32
      %add3A_81 = arith.constant 1 : i32
      %add3A_82 = arith.addi %mul3A_80, %add3A_81 : i32
      %add3A_83 = arith.addi %mul3A_2, %add3A_82 : i32
      %mul3A_84 = arith.constant 4 : i32
      %mul3A_85 = arith.muli %add3A_83, %mul3A_84 : i32
      %dma_wait3A_86 = arith.constant 0 : i32
      %dma_wait3A_87 = tpu.memref_slice %arg2[%mul3A_85, %dma_wait3A_86] : memref<2048x1024xf32, #tpu.memory_space<hbm>> -> memref<4x1024xf32, #tpu.memory_space<hbm>>
      %dma_wait3A_88 = arith.constant 0 : i32
      %dma_wait3A_89 = tpu.memref_slice %arg2[%mul3A_85, %dma_wait3A_88] : memref<2048x1024xf32, #tpu.memory_space<hbm>> -> memref<4x1024xf32, #tpu.memory_space<hbm>>
      tpu.wait_dma2 semaphore(%arg29 : memref<!tpu.dma_semaphore, #tpu.memory_space<semaphore_mem>>) src(%dma_wait3A_89 : memref<4x1024xf32, #tpu.memory_space<hbm>>) dst(%arg14 : memref<4x1024xf32, #tpu.memory_space<vmem>>)
      %lt3A = arith.constant 7 : i32
      %lt3A_90 = arith.cmpi slt, %scan3A_33, %lt3A : i32
      %convert_element_type3A_91 = arith.extui %lt3A_90 : i1 to i32
      %cond3A_92 = arith.constant 0 : i32
      %cond3A_93 = arith.cmpi ne, %convert_element_type3A_91, %cond3A_92 : i32
      scf.if %cond3A_93 {
        %add3A_123 = arith.constant 1 : i32
        %add3A_124 = arith.addi %add3A_83, %add3A_123 : i32
        %mul3A_125 = arith.constant 4 : i32
        %mul3A_126 = arith.muli %add3A_124, %mul3A_125 : i32
        %dma_start3A_127 = arith.constant 0 : i32
        %dma_start3A_128 = tpu.memref_slice %arg2[%mul3A_126, %dma_start3A_127] : memref<2048x1024xf32, #tpu.memory_space<hbm>> -> memref<4x1024xf32, #tpu.memory_space<hbm>>
        %dma_start3A_129 = arith.constant 0 : i32
        %dma_start3A_130 = tpu.memref_slice %arg2[%mul3A_126, %dma_start3A_129] : memref<2048x1024xf32, #tpu.memory_space<hbm>> -> memref<4x1024xf32, #tpu.memory_space<hbm>>
        tpu.enqueue_dma source(%dma_start3A_130 : memref<4x1024xf32, #tpu.memory_space<hbm>>) target(%arg13 : memref<4x1024xf32, #tpu.memory_space<vmem>>) target_semaphore(%arg28 : memref<!tpu.dma_semaphore, #tpu.memory_space<semaphore_mem>>)
      } else {
      }
      %parallel_loop3A_94 = arith.constant 0 : i32
      %parallel_loop3A_95 = arith.constant 256 : i32
      %parallel_loop3A_96 = arith.constant 1 : i32
      scf.for %parallel_loop3A_123 = %parallel_loop3A_94 to %parallel_loop3A_95 step %parallel_loop3A_96  : i32 {
        %parallel_loop3A_124 = arith.constant 16 : i32
        %parallel_loop3A_125 = arith.muli %parallel_loop3A_123, %parallel_loop3A_124 : i32
        %parallel_loop3A_126 = arith.index_cast %parallel_loop3A_125 : i32 to index
        %parallel_loop3A_127 = tpu.vector_load %arg25[%parallel_loop3A_126] {strides = array<i32>} : memref<4096xf32, #tpu.memory_space<vmem>>, vector<16xf32>,
        %parallel_loop3A_128 = arith.constant 0 : i32
        %parallel_loop3A_129 = arith.addi %parallel_loop3A_128, %parallel_loop3A_125 : i32
        %parallel_loop3A_130 = arith.index_cast %parallel_loop3A_129 : i32 to index
        %parallel_loop3A_131 = tpu.vector_load %arg15[%parallel_loop3A_130] {strides = array<i32>} : memref<16384xf32, #tpu.memory_space<vmem>>, vector<16xf32>,
        tpu.vector_store %arg15[%parallel_loop3A_130], %parallel_loop3A_127 {strides = array<i32>} : memref<16384xf32, #tpu.memory_space<vmem>>, vector<16xf32>,
        %parallel_loop3A_132 = arith.constant 4096 : i32
        %parallel_loop3A_133 = arith.addi %parallel_loop3A_132, %parallel_loop3A_125 : i32
        %parallel_loop3A_134 = arith.index_cast %parallel_loop3A_133 : i32 to index
        %parallel_loop3A_135 = tpu.vector_load %arg15[%parallel_loop3A_134] {strides = array<i32>} : memref<16384xf32, #tpu.memory_space<vmem>>, vector<16xf32>,
        tpu.vector_store %arg15[%parallel_loop3A_134], %parallel_loop3A_127 {strides = array<i32>} : memref<16384xf32, #tpu.memory_space<vmem>>, vector<16xf32>,
        %parallel_loop3A_136 = arith.constant 8192 : i32
        %parallel_loop3A_137 = arith.addi %parallel_loop3A_136, %parallel_loop3A_125 : i32
        %parallel_loop3A_138 = arith.index_cast %parallel_loop3A_137 : i32 to index
        %parallel_loop3A_139 = tpu.vector_load %arg15[%parallel_loop3A_138] {strides = array<i32>} : memref<16384xf32, #tpu.memory_space<vmem>>, vector<16xf32>,
        tpu.vector_store %arg15[%parallel_loop3A_138], %parallel_loop3A_127 {strides = array<i32>} : memref<16384xf32, #tpu.memory_space<vmem>>, vector<16xf32>,
        %parallel_loop3A_140 = arith.constant 12288 : i32
        %parallel_loop3A_141 = arith.addi %parallel_loop3A_140, %parallel_loop3A_125 : i32
        %parallel_loop3A_142 = arith.index_cast %parallel_loop3A_141 : i32 to index
        %parallel_loop3A_143 = tpu.vector_load %arg15[%parallel_loop3A_142] {strides = array<i32>} : memref<16384xf32, #tpu.memory_space<vmem>>, vector<16xf32>,
        tpu.vector_store %arg15[%parallel_loop3A_142], %parallel_loop3A_127 {strides = array<i32>} : memref<16384xf32, #tpu.memory_space<vmem>>, vector<16xf32>,
      } {sc.loop_unroll_factor = 4 : i64, sc.parallel_access}
      %gt3A_97 = arith.constant 0 : i32
      %gt3A_98 = arith.cmpi sgt, %scan3A_33, %gt3A_97 : i32
      %convert_element_type3A_99 = arith.extui %gt3A_98 : i1 to i32
      %cond3A_100 = arith.constant 0 : i32
      %cond3A_101 = arith.cmpi ne, %convert_element_type3A_99, %cond3A_100 : i32
      scf.if %cond3A_101 {
        %sub3A_123 = arith.constant 2 : i32
        %sub3A_124 = arith.subi %add3A_83, %sub3A_123 : i32
        %mul3A_125 = arith.constant 4 : i32
        %mul3A_126 = arith.muli %sub3A_124, %mul3A_125 : i32
        %dma_wait3A_127 = arith.constant 0 : i32
        %dma_wait3A_128 = tpu.memref_slice %arg12[%mul3A_126, %dma_wait3A_127] : memref<2048x1024xf32, #tpu.memory_space<hbm>> -> memref<4x1024xf32, #tpu.memory_space<hbm>>
        %dma_wait3A_129 = arith.constant 0 : i32
        %dma_wait3A_130 = tpu.memref_slice %arg12[%mul3A_126, %dma_wait3A_129] : memref<2048x1024xf32, #tpu.memory_space<hbm>> -> memref<4x1024xf32, #tpu.memory_space<hbm>>
        tpu.wait_dma2 semaphore(%arg31 : memref<!tpu.dma_semaphore, #tpu.memory_space<semaphore_mem>>) src(%arg18 : memref<4x1024xf32, #tpu.memory_space<vmem>>) dst(%dma_wait3A_130 : memref<4x1024xf32, #tpu.memory_space<hbm>>)
      } else {
      }
      %parallel_loop3A_102 = arith.constant 0 : i32
      %parallel_loop3A_103 = arith.constant 64 : i32
      %parallel_loop3A_104 = arith.constant 1 : i32
      scf.for %parallel_loop3A_123 = %parallel_loop3A_102 to %parallel_loop3A_103 step %parallel_loop3A_104  : i32 {
        %parallel_loop3A_124 = arith.constant 16 : i32
        %parallel_loop3A_125 = arith.muli %parallel_loop3A_123, %parallel_loop3A_124 : i32
        %parallel_loop3A_126 = arith.index_cast %parallel_loop3A_125 : i32 to index
        %parallel_loop3A_127 = tpu.vector_load %arg27[%parallel_loop3A_126] {strides = array<i32>} : memref<1024xf32, #tpu.memory_space<vmem>>, vector<16xf32>,
        %parallel_loop3A_128 = arith.constant 0 : i32
        %parallel_loop3A_129 = arith.index_cast %parallel_loop3A_128 : i32 to index
        %parallel_loop3A_130 = arith.index_cast %parallel_loop3A_125 : i32 to index
        %parallel_loop3A_131 = tpu.vector_load %arg14[%parallel_loop3A_129, %parallel_loop3A_130] {strides = array<i32>} : memref<4x1024xf32, #tpu.memory_space<vmem>>, vector<16xf32>,
        %parallel_loop3A_132 = arith.addf %parallel_loop3A_127, %parallel_loop3A_131 : vector<16xf32>
        %parallel_loop3A_133 = arith.constant 0 : i32
        %parallel_loop3A_134 = arith.index_cast %parallel_loop3A_133 : i32 to index
        %parallel_loop3A_135 = arith.index_cast %parallel_loop3A_125 : i32 to index
        %parallel_loop3A_136 = tpu.vector_load %arg18[%parallel_loop3A_134, %parallel_loop3A_135] {strides = array<i32>} : memref<4x1024xf32, #tpu.memory_space<vmem>>, vector<16xf32>,
        tpu.vector_store %arg18[%parallel_loop3A_134, %parallel_loop3A_135], %parallel_loop3A_132 {strides = array<i32>} : memref<4x1024xf32, #tpu.memory_space<vmem>>, vector<16xf32>,
        %parallel_loop3A_137 = arith.constant 1 : i32
        %parallel_loop3A_138 = arith.index_cast %parallel_loop3A_137 : i32 to index
        %parallel_loop3A_139 = arith.index_cast %parallel_loop3A_125 : i32 to index
        %parallel_loop3A_140 = tpu.vector_load %arg14[%parallel_loop3A_138, %parallel_loop3A_139] {strides = array<i32>} : memref<4x1024xf32, #tpu.memory_space<vmem>>, vector<16xf32>,
        %parallel_loop3A_141 = arith.addf %parallel_loop3A_127, %parallel_loop3A_140 : vector<16xf32>
        %parallel_loop3A_142 = arith.constant 1 : i32
        %parallel_loop3A_143 = arith.index_cast %parallel_loop3A_142 : i32 to index
        %parallel_loop3A_144 = arith.index_cast %parallel_loop3A_125 : i32 to index
        %parallel_loop3A_145 = tpu.vector_load %arg18[%parallel_loop3A_143, %parallel_loop3A_144] {strides = array<i32>} : memref<4x1024xf32, #tpu.memory_space<vmem>>, vector<16xf32>,
        tpu.vector_store %arg18[%parallel_loop3A_143, %parallel_loop3A_144], %parallel_loop3A_141 {strides = array<i32>} : memref<4x1024xf32, #tpu.memory_space<vmem>>, vector<16xf32>,
        %parallel_loop3A_146 = arith.constant 2 : i32
        %parallel_loop3A_147 = arith.index_cast %parallel_loop3A_146 : i32 to index
        %parallel_loop3A_148 = arith.index_cast %parallel_loop3A_125 : i32 to index
        %parallel_loop3A_149 = tpu.vector_load %arg14[%parallel_loop3A_147, %parallel_loop3A_148] {strides = array<i32>} : memref<4x1024xf32, #tpu.memory_space<vmem>>, vector<16xf32>,
        %parallel_loop3A_150 = arith.addf %parallel_loop3A_127, %parallel_loop3A_149 : vector<16xf32>
        %parallel_loop3A_151 = arith.constant 2 : i32
        %parallel_loop3A_152 = arith.index_cast %parallel_loop3A_151 : i32 to index
        %parallel_loop3A_153 = arith.index_cast %parallel_loop3A_125 : i32 to index
        %parallel_loop3A_154 = tpu.vector_load %arg18[%parallel_loop3A_152, %parallel_loop3A_153] {strides = array<i32>} : memref<4x1024xf32, #tpu.memory_space<vmem>>, vector<16xf32>,
        tpu.vector_store %arg18[%parallel_loop3A_152, %parallel_loop3A_153], %parallel_loop3A_150 {strides = array<i32>} : memref<4x1024xf32, #tpu.memory_space<vmem>>, vector<16xf32>,
        %parallel_loop3A_155 = arith.constant 3 : i32
        %parallel_loop3A_156 = arith.index_cast %parallel_loop3A_155 : i32 to index
        %parallel_loop3A_157 = arith.index_cast %parallel_loop3A_125 : i32 to index
        %parallel_loop3A_158 = tpu.vector_load %arg14[%parallel_loop3A_156, %parallel_loop3A_157] {strides = array<i32>} : memref<4x1024xf32, #tpu.memory_space<vmem>>, vector<16xf32>,
        %parallel_loop3A_159 = arith.addf %parallel_loop3A_127, %parallel_loop3A_158 : vector<16xf32>
        %parallel_loop3A_160 = arith.constant 3 : i32
        %parallel_loop3A_161 = arith.index_cast %parallel_loop3A_160 : i32 to index
        %parallel_loop3A_162 = arith.index_cast %parallel_loop3A_125 : i32 to index
        %parallel_loop3A_163 = tpu.vector_load %arg18[%parallel_loop3A_161, %parallel_loop3A_162] {strides = array<i32>} : memref<4x1024xf32, #tpu.memory_space<vmem>>, vector<16xf32>,
        tpu.vector_store %arg18[%parallel_loop3A_161, %parallel_loop3A_162], %parallel_loop3A_159 {strides = array<i32>} : memref<4x1024xf32, #tpu.memory_space<vmem>>, vector<16xf32>,
      } {sc.loop_unroll_factor = 4 : i64, sc.parallel_access}
      %parallel_loop3A_105 = arith.constant 0 : i32
      %parallel_loop3A_106 = arith.constant 512 : i32
      %parallel_loop3A_107 = arith.constant 1 : i32
      scf.for %parallel_loop3A_123 = %parallel_loop3A_105 to %parallel_loop3A_106 step %parallel_loop3A_107  : i32 {
        %parallel_loop3A_124 = arith.constant 16 : i32
        %parallel_loop3A_125 = arith.muli %parallel_loop3A_123, %parallel_loop3A_124 : i32
        %parallel_loop3A_126 = arith.index_cast %parallel_loop3A_125 : i32 to index
        %parallel_loop3A_127 = tpu.vector_load %arg19[%parallel_loop3A_126] {strides = array<i32>} : memref<8192xi32, #tpu.memory_space<vmem>>, vector<16xi32>,
        %parallel_loop3A_128 = arith.index_cast %parallel_loop3A_125 : i32 to index
        %parallel_loop3A_129 = tpu.vector_load %arg20[%parallel_loop3A_128] {strides = array<i32>} : memref<8192xf32, #tpu.memory_space<vmem>>, vector<16xf32>,
        %parallel_loop3A_130 = tpu.iota {dimensions = array<i32: 0>} : vector<16xi32>
        %parallel_loop3A_131 = arith.constant 13 : i32
        %parallel_loop3A_132 = vector.broadcast %parallel_loop3A_131 : i32 to vector<16xi32>
        %parallel_loop3A_133 = arith.shrui %parallel_loop3A_127, %parallel_loop3A_132 : vector<16xi32>
        %parallel_loop3A_134 = arith.constant 4080 : i32
        %parallel_loop3A_135 = vector.broadcast %parallel_loop3A_134 : i32 to vector<16xi32>
        %parallel_loop3A_136 = arith.andi %parallel_loop3A_127, %parallel_loop3A_135 : vector<16xi32>
        %parallel_loop3A_137 = arith.ori %parallel_loop3A_136, %parallel_loop3A_130 : vector<16xi32>
        %parallel_loop3A_138 = arith.constant 0 : i32
        %parallel_loop3A_139 = vector.broadcast %parallel_loop3A_138 : i32 to vector<16xi32>
        %parallel_loop3A_140 = tpu.vector_load_idx %arg14[%parallel_loop3A_139, %parallel_loop3A_137] : memref<4x1024xf32, #tpu.memory_space<vmem>>[vector<16xi32>, vector<16xi32>], vector<16xf32>,
        %parallel_loop3A_141 = arith.mulf %parallel_loop3A_140, %parallel_loop3A_129 : vector<16xf32>
        %parallel_loop3A_142 = arith.constant 0 : i32
        %parallel_loop3A_143 = tpu.memref_slice %arg15[%parallel_loop3A_142] : memref<16384xf32, #tpu.memory_space<vmem>> -> memref<4096xf32, #tpu.memory_space<vmem>>
        tpu.vector_store_idx %parallel_loop3A_143[%parallel_loop3A_133], %parallel_loop3A_141 {add = true} : memref<4096xf32, #tpu.memory_space<vmem>>[vector<16xi32>], vector<16xf32>,
        %parallel_loop3A_144 = arith.constant 1 : i32
        %parallel_loop3A_145 = vector.broadcast %parallel_loop3A_144 : i32 to vector<16xi32>
        %parallel_loop3A_146 = tpu.vector_load_idx %arg14[%parallel_loop3A_145, %parallel_loop3A_137] : memref<4x1024xf32, #tpu.memory_space<vmem>>[vector<16xi32>, vector<16xi32>], vector<16xf32>,
        %parallel_loop3A_147 = arith.mulf %parallel_loop3A_146, %parallel_loop3A_129 : vector<16xf32>
        %parallel_loop3A_148 = arith.constant 4096 : i32
        %parallel_loop3A_149 = tpu.memref_slice %arg15[%parallel_loop3A_148] : memref<16384xf32, #tpu.memory_space<vmem>> -> memref<4096xf32, #tpu.memory_space<vmem>>
        tpu.vector_store_idx %parallel_loop3A_149[%parallel_loop3A_133], %parallel_loop3A_147 {add = true} : memref<4096xf32, #tpu.memory_space<vmem>>[vector<16xi32>], vector<16xf32>,
        %parallel_loop3A_150 = arith.constant 2 : i32
        %parallel_loop3A_151 = vector.broadcast %parallel_loop3A_150 : i32 to vector<16xi32>
        %parallel_loop3A_152 = tpu.vector_load_idx %arg14[%parallel_loop3A_151, %parallel_loop3A_137] : memref<4x1024xf32, #tpu.memory_space<vmem>>[vector<16xi32>, vector<16xi32>], vector<16xf32>,
        %parallel_loop3A_153 = arith.mulf %parallel_loop3A_152, %parallel_loop3A_129 : vector<16xf32>
        %parallel_loop3A_154 = arith.constant 8192 : i32
        %parallel_loop3A_155 = tpu.memref_slice %arg15[%parallel_loop3A_154] : memref<16384xf32, #tpu.memory_space<vmem>> -> memref<4096xf32, #tpu.memory_space<vmem>>
        tpu.vector_store_idx %parallel_loop3A_155[%parallel_loop3A_133], %parallel_loop3A_153 {add = true} : memref<4096xf32, #tpu.memory_space<vmem>>[vector<16xi32>], vector<16xf32>,
        %parallel_loop3A_156 = arith.constant 3 : i32
        %parallel_loop3A_157 = vector.broadcast %parallel_loop3A_156 : i32 to vector<16xi32>
        %parallel_loop3A_158 = tpu.vector_load_idx %arg14[%parallel_loop3A_157, %parallel_loop3A_137] : memref<4x1024xf32, #tpu.memory_space<vmem>>[vector<16xi32>, vector<16xi32>], vector<16xf32>,
        %parallel_loop3A_159 = arith.mulf %parallel_loop3A_158, %parallel_loop3A_129 : vector<16xf32>
        %parallel_loop3A_160 = arith.constant 12288 : i32
        %parallel_loop3A_161 = tpu.memref_slice %arg15[%parallel_loop3A_160] : memref<16384xf32, #tpu.memory_space<vmem>> -> memref<4096xf32, #tpu.memory_space<vmem>>
        tpu.vector_store_idx %parallel_loop3A_161[%parallel_loop3A_133], %parallel_loop3A_159 {add = true} : memref<4096xf32, #tpu.memory_space<vmem>>[vector<16xi32>], vector<16xf32>,
      } {sc.loop_unroll_factor = 8 : i64, sc.parallel_access}
      %parallel_loop3A_108 = arith.constant 0 : i32
      %parallel_loop3A_109 = arith.constant 512 : i32
      %parallel_loop3A_110 = arith.constant 1 : i32
      scf.for %parallel_loop3A_123 = %parallel_loop3A_108 to %parallel_loop3A_109 step %parallel_loop3A_110  : i32 {
        %parallel_loop3A_124 = arith.constant 16 : i32
        %parallel_loop3A_125 = arith.muli %parallel_loop3A_123, %parallel_loop3A_124 : i32
        %parallel_loop3A_126 = arith.index_cast %parallel_loop3A_125 : i32 to index
        %parallel_loop3A_127 = tpu.vector_load %arg21[%parallel_loop3A_126] {strides = array<i32>} : memref<8192xi32, #tpu.memory_space<vmem>>, vector<16xi32>,
        %parallel_loop3A_128 = arith.index_cast %parallel_loop3A_125 : i32 to index
        %parallel_loop3A_129 = tpu.vector_load %arg22[%parallel_loop3A_128] {strides = array<i32>} : memref<8192xf32, #tpu.memory_space<vmem>>, vector<16xf32>,
        %parallel_loop3A_130 = tpu.iota {dimensions = array<i32: 0>} : vector<16xi32>
        %parallel_loop3A_131 = arith.constant 13 : i32
        %parallel_loop3A_132 = vector.broadcast %parallel_loop3A_131 : i32 to vector<16xi32>
        %parallel_loop3A_133 = arith.shrui %parallel_loop3A_127, %parallel_loop3A_132 : vector<16xi32>
        %parallel_loop3A_134 = arith.constant 4080 : i32
        %parallel_loop3A_135 = vector.broadcast %parallel_loop3A_134 : i32 to vector<16xi32>
        %parallel_loop3A_136 = arith.andi %parallel_loop3A_127, %parallel_loop3A_135 : vector<16xi32>
        %parallel_loop3A_137 = arith.ori %parallel_loop3A_136, %parallel_loop3A_130 : vector<16xi32>
        %parallel_loop3A_138 = arith.constant 0 : i32
        %parallel_loop3A_139 = vector.broadcast %parallel_loop3A_138 : i32 to vector<16xi32>
        %parallel_loop3A_140 = tpu.vector_load_idx %arg14[%parallel_loop3A_139, %parallel_loop3A_137] : memref<4x1024xf32, #tpu.memory_space<vmem>>[vector<16xi32>, vector<16xi32>], vector<16xf32>,
        %parallel_loop3A_141 = arith.mulf %parallel_loop3A_140, %parallel_loop3A_129 : vector<16xf32>
        %parallel_loop3A_142 = arith.constant 0 : i32
        %parallel_loop3A_143 = tpu.memref_slice %arg16[%parallel_loop3A_142] : memref<16384xf32, #tpu.memory_space<vmem>> -> memref<4096xf32, #tpu.memory_space<vmem>>
        tpu.vector_store_idx %parallel_loop3A_143[%parallel_loop3A_133], %parallel_loop3A_141 {add = true} : memref<4096xf32, #tpu.memory_space<vmem>>[vector<16xi32>], vector<16xf32>,
        %parallel_loop3A_144 = arith.constant 1 : i32
        %parallel_loop3A_145 = vector.broadcast %parallel_loop3A_144 : i32 to vector<16xi32>
        %parallel_loop3A_146 = tpu.vector_load_idx %arg14[%parallel_loop3A_145, %parallel_loop3A_137] : memref<4x1024xf32, #tpu.memory_space<vmem>>[vector<16xi32>, vector<16xi32>], vector<16xf32>,
        %parallel_loop3A_147 = arith.mulf %parallel_loop3A_146, %parallel_loop3A_129 : vector<16xf32>
        %parallel_loop3A_148 = arith.constant 4096 : i32
        %parallel_loop3A_149 = tpu.memref_slice %arg16[%parallel_loop3A_148] : memref<16384xf32, #tpu.memory_space<vmem>> -> memref<4096xf32, #tpu.memory_space<vmem>>
        tpu.vector_store_idx %parallel_loop3A_149[%parallel_loop3A_133], %parallel_loop3A_147 {add = true} : memref<4096xf32, #tpu.memory_space<vmem>>[vector<16xi32>], vector<16xf32>,
        %parallel_loop3A_150 = arith.constant 2 : i32
        %parallel_loop3A_151 = vector.broadcast %parallel_loop3A_150 : i32 to vector<16xi32>
        %parallel_loop3A_152 = tpu.vector_load_idx %arg14[%parallel_loop3A_151, %parallel_loop3A_137] : memref<4x1024xf32, #tpu.memory_space<vmem>>[vector<16xi32>, vector<16xi32>], vector<16xf32>,
        %parallel_loop3A_153 = arith.mulf %parallel_loop3A_152, %parallel_loop3A_129 : vector<16xf32>
        %parallel_loop3A_154 = arith.constant 8192 : i32
        %parallel_loop3A_155 = tpu.memref_slice %arg16[%parallel_loop3A_154] : memref<16384xf32, #tpu.memory_space<vmem>> -> memref<4096xf32, #tpu.memory_space<vmem>>
        tpu.vector_store_idx %parallel_loop3A_155[%parallel_loop3A_133], %parallel_loop3A_153 {add = true} : memref<4096xf32, #tpu.memory_space<vmem>>[vector<16xi32>], vector<16xf32>,
        %parallel_loop3A_156 = arith.constant 3 : i32
        %parallel_loop3A_157 = vector.broadcast %parallel_loop3A_156 : i32 to vector<16xi32>
        %parallel_loop3A_158 = tpu.vector_load_idx %arg14[%parallel_loop3A_157, %parallel_loop3A_137] : memref<4x1024xf32, #tpu.memory_space<vmem>>[vector<16xi32>, vector<16xi32>], vector<16xf32>,
        %parallel_loop3A_159 = arith.mulf %parallel_loop3A_158, %parallel_loop3A_129 : vector<16xf32>
        %parallel_loop3A_160 = arith.constant 12288 : i32
        %parallel_loop3A_161 = tpu.memref_slice %arg16[%parallel_loop3A_160] : memref<16384xf32, #tpu.memory_space<vmem>> -> memref<4096xf32, #tpu.memory_space<vmem>>
        tpu.vector_store_idx %parallel_loop3A_161[%parallel_loop3A_133], %parallel_loop3A_159 {add = true} : memref<4096xf32, #tpu.memory_space<vmem>>[vector<16xi32>], vector<16xf32>,
      } {sc.loop_unroll_factor = 8 : i64, sc.parallel_access}
      %parallel_loop3A_111 = arith.constant 0 : i32
      %parallel_loop3A_112 = arith.constant 256 : i32
      %parallel_loop3A_113 = arith.constant 1 : i32
      scf.for %parallel_loop3A_123 = %parallel_loop3A_111 to %parallel_loop3A_112 step %parallel_loop3A_113  : i32 {
        %parallel_loop3A_124 = arith.constant 16 : i32
        %parallel_loop3A_125 = arith.muli %parallel_loop3A_123, %parallel_loop3A_124 : i32
        %parallel_loop3A_126 = arith.index_cast %parallel_loop3A_125 : i32 to index
        %parallel_loop3A_127 = tpu.vector_load %arg26[%parallel_loop3A_126] {strides = array<i32>} : memref<4096xf32, #tpu.memory_space<vmem>>, vector<16xf32>,
        %parallel_loop3A_128 = arith.constant 0 : i32
        %parallel_loop3A_129 = arith.addi %parallel_loop3A_128, %parallel_loop3A_125 : i32
        %parallel_loop3A_130 = arith.index_cast %parallel_loop3A_129 : i32 to index
        %parallel_loop3A_131 = tpu.vector_load %arg15[%parallel_loop3A_130] {strides = array<i32>} : memref<16384xf32, #tpu.memory_space<vmem>>, vector<16xf32>,
        %parallel_loop3A_132 = arith.constant 0 : i32
        %parallel_loop3A_133 = arith.addi %parallel_loop3A_132, %parallel_loop3A_125 : i32
        %parallel_loop3A_134 = arith.index_cast %parallel_loop3A_133 : i32 to index
        %parallel_loop3A_135 = tpu.vector_load %arg16[%parallel_loop3A_134] {strides = array<i32>} : memref<16384xf32, #tpu.memory_space<vmem>>, vector<16xf32>,
        %parallel_loop3A_136 = arith.constant 0.000000e+00 : f32
        %parallel_loop3A_137 = vector.broadcast %parallel_loop3A_136 : f32 to vector<16xf32>
        %parallel_loop3A_138 = arith.subf %parallel_loop3A_137, %parallel_loop3A_131 : vector<16xf32>
        %parallel_loop3A_139 = math.exp %parallel_loop3A_138 : vector<16xf32>
        %parallel_loop3A_140 = arith.constant 1.000000e+00 : f32
        %parallel_loop3A_141 = vector.broadcast %parallel_loop3A_140 : f32 to vector<16xf32>
        %parallel_loop3A_142 = arith.addf %parallel_loop3A_141, %parallel_loop3A_139 : vector<16xf32>
        %parallel_loop3A_143 = arith.divf %parallel_loop3A_131, %parallel_loop3A_142 : vector<16xf32>
        %parallel_loop3A_144 = arith.mulf %parallel_loop3A_143, %parallel_loop3A_135 : vector<16xf32>
        %parallel_loop3A_145 = arith.constant 0 : i32
        %parallel_loop3A_146 = arith.addi %parallel_loop3A_145, %parallel_loop3A_125 : i32
        %parallel_loop3A_147 = arith.index_cast %parallel_loop3A_146 : i32 to index
        %parallel_loop3A_148 = tpu.vector_load %arg15[%parallel_loop3A_147] {strides = array<i32>} : memref<16384xf32, #tpu.memory_space<vmem>>, vector<16xf32>,
        tpu.vector_store %arg15[%parallel_loop3A_147], %parallel_loop3A_144 {strides = array<i32>} : memref<16384xf32, #tpu.memory_space<vmem>>, vector<16xf32>,
        %parallel_loop3A_149 = arith.constant 0 : i32
        %parallel_loop3A_150 = arith.addi %parallel_loop3A_149, %parallel_loop3A_125 : i32
        %parallel_loop3A_151 = arith.index_cast %parallel_loop3A_150 : i32 to index
        %parallel_loop3A_152 = tpu.vector_load %arg16[%parallel_loop3A_151] {strides = array<i32>} : memref<16384xf32, #tpu.memory_space<vmem>>, vector<16xf32>,
        tpu.vector_store %arg16[%parallel_loop3A_151], %parallel_loop3A_127 {strides = array<i32>} : memref<16384xf32, #tpu.memory_space<vmem>>, vector<16xf32>,
        %parallel_loop3A_153 = arith.constant 4096 : i32
        %parallel_loop3A_154 = arith.addi %parallel_loop3A_153, %parallel_loop3A_125 : i32
        %parallel_loop3A_155 = arith.index_cast %parallel_loop3A_154 : i32 to index
        %parallel_loop3A_156 = tpu.vector_load %arg15[%parallel_loop3A_155] {strides = array<i32>} : memref<16384xf32, #tpu.memory_space<vmem>>, vector<16xf32>,
        %parallel_loop3A_157 = arith.constant 4096 : i32
        %parallel_loop3A_158 = arith.addi %parallel_loop3A_157, %parallel_loop3A_125 : i32
        %parallel_loop3A_159 = arith.index_cast %parallel_loop3A_158 : i32 to index
        %parallel_loop3A_160 = tpu.vector_load %arg16[%parallel_loop3A_159] {strides = array<i32>} : memref<16384xf32, #tpu.memory_space<vmem>>, vector<16xf32>,
        %parallel_loop3A_161 = arith.constant 0.000000e+00 : f32
        %parallel_loop3A_162 = vector.broadcast %parallel_loop3A_161 : f32 to vector<16xf32>
        %parallel_loop3A_163 = arith.subf %parallel_loop3A_162, %parallel_loop3A_156 : vector<16xf32>
        %parallel_loop3A_164 = math.exp %parallel_loop3A_163 : vector<16xf32>
        %parallel_loop3A_165 = arith.constant 1.000000e+00 : f32
        %parallel_loop3A_166 = vector.broadcast %parallel_loop3A_165 : f32 to vector<16xf32>
        %parallel_loop3A_167 = arith.addf %parallel_loop3A_166, %parallel_loop3A_164 : vector<16xf32>
        %parallel_loop3A_168 = arith.divf %parallel_loop3A_156, %parallel_loop3A_167 : vector<16xf32>
        %parallel_loop3A_169 = arith.mulf %parallel_loop3A_168, %parallel_loop3A_160 : vector<16xf32>
        %parallel_loop3A_170 = arith.constant 4096 : i32
        %parallel_loop3A_171 = arith.addi %parallel_loop3A_170, %parallel_loop3A_125 : i32
        %parallel_loop3A_172 = arith.index_cast %parallel_loop3A_171 : i32 to index
        %parallel_loop3A_173 = tpu.vector_load %arg15[%parallel_loop3A_172] {strides = array<i32>} : memref<16384xf32, #tpu.memory_space<vmem>>, vector<16xf32>,
        tpu.vector_store %arg15[%parallel_loop3A_172], %parallel_loop3A_169 {strides = array<i32>} : memref<16384xf32, #tpu.memory_space<vmem>>, vector<16xf32>,
        %parallel_loop3A_174 = arith.constant 4096 : i32
        %parallel_loop3A_175 = arith.addi %parallel_loop3A_174, %parallel_loop3A_125 : i32
        %parallel_loop3A_176 = arith.index_cast %parallel_loop3A_175 : i32 to index
        %parallel_loop3A_177 = tpu.vector_load %arg16[%parallel_loop3A_176] {strides = array<i32>} : memref<16384xf32, #tpu.memory_space<vmem>>, vector<16xf32>,
        tpu.vector_store %arg16[%parallel_loop3A_176], %parallel_loop3A_127 {strides = array<i32>} : memref<16384xf32, #tpu.memory_space<vmem>>, vector<16xf32>,
        %parallel_loop3A_178 = arith.constant 8192 : i32
        %parallel_loop3A_179 = arith.addi %parallel_loop3A_178, %parallel_loop3A_125 : i32
        %parallel_loop3A_180 = arith.index_cast %parallel_loop3A_179 : i32 to index
        %parallel_loop3A_181 = tpu.vector_load %arg15[%parallel_loop3A_180] {strides = array<i32>} : memref<16384xf32, #tpu.memory_space<vmem>>, vector<16xf32>,
        %parallel_loop3A_182 = arith.constant 8192 : i32
        %parallel_loop3A_183 = arith.addi %parallel_loop3A_182, %parallel_loop3A_125 : i32
        %parallel_loop3A_184 = arith.index_cast %parallel_loop3A_183 : i32 to index
        %parallel_loop3A_185 = tpu.vector_load %arg16[%parallel_loop3A_184] {strides = array<i32>} : memref<16384xf32, #tpu.memory_space<vmem>>, vector<16xf32>,
        %parallel_loop3A_186 = arith.constant 0.000000e+00 : f32
        %parallel_loop3A_187 = vector.broadcast %parallel_loop3A_186 : f32 to vector<16xf32>
        %parallel_loop3A_188 = arith.subf %parallel_loop3A_187, %parallel_loop3A_181 : vector<16xf32>
        %parallel_loop3A_189 = math.exp %parallel_loop3A_188 : vector<16xf32>
        %parallel_loop3A_190 = arith.constant 1.000000e+00 : f32
        %parallel_loop3A_191 = vector.broadcast %parallel_loop3A_190 : f32 to vector<16xf32>
        %parallel_loop3A_192 = arith.addf %parallel_loop3A_191, %parallel_loop3A_189 : vector<16xf32>
        %parallel_loop3A_193 = arith.divf %parallel_loop3A_181, %parallel_loop3A_192 : vector<16xf32>
        %parallel_loop3A_194 = arith.mulf %parallel_loop3A_193, %parallel_loop3A_185 : vector<16xf32>
        %parallel_loop3A_195 = arith.constant 8192 : i32
        %parallel_loop3A_196 = arith.addi %parallel_loop3A_195, %parallel_loop3A_125 : i32
        %parallel_loop3A_197 = arith.index_cast %parallel_loop3A_196 : i32 to index
        %parallel_loop3A_198 = tpu.vector_load %arg15[%parallel_loop3A_197] {strides = array<i32>} : memref<16384xf32, #tpu.memory_space<vmem>>, vector<16xf32>,
        tpu.vector_store %arg15[%parallel_loop3A_197], %parallel_loop3A_194 {strides = array<i32>} : memref<16384xf32, #tpu.memory_space<vmem>>, vector<16xf32>,
        %parallel_loop3A_199 = arith.constant 8192 : i32
        %parallel_loop3A_200 = arith.addi %parallel_loop3A_199, %parallel_loop3A_125 : i32
        %parallel_loop3A_201 = arith.index_cast %parallel_loop3A_200 : i32 to index
        %parallel_loop3A_202 = tpu.vector_load %arg16[%parallel_loop3A_201] {strides = array<i32>} : memref<16384xf32, #tpu.memory_space<vmem>>, vector<16xf32>,
        tpu.vector_store %arg16[%parallel_loop3A_201], %parallel_loop3A_127 {strides = array<i32>} : memref<16384xf32, #tpu.memory_space<vmem>>, vector<16xf32>,
        %parallel_loop3A_203 = arith.constant 12288 : i32
        %parallel_loop3A_204 = arith.addi %parallel_loop3A_203, %parallel_loop3A_125 : i32
        %parallel_loop3A_205 = arith.index_cast %parallel_loop3A_204 : i32 to index
        %parallel_loop3A_206 = tpu.vector_load %arg15[%parallel_loop3A_205] {strides = array<i32>} : memref<16384xf32, #tpu.memory_space<vmem>>, vector<16xf32>,
        %parallel_loop3A_207 = arith.constant 12288 : i32
        %parallel_loop3A_208 = arith.addi %parallel_loop3A_207, %parallel_loop3A_125 : i32
        %parallel_loop3A_209 = arith.index_cast %parallel_loop3A_208 : i32 to index
        %parallel_loop3A_210 = tpu.vector_load %arg16[%parallel_loop3A_209] {strides = array<i32>} : memref<16384xf32, #tpu.memory_space<vmem>>, vector<16xf32>,
        %parallel_loop3A_211 = arith.constant 0.000000e+00 : f32
        %parallel_loop3A_212 = vector.broadcast %parallel_loop3A_211 : f32 to vector<16xf32>
        %parallel_loop3A_213 = arith.subf %parallel_loop3A_212, %parallel_loop3A_206 : vector<16xf32>
        %parallel_loop3A_214 = math.exp %parallel_loop3A_213 : vector<16xf32>
        %parallel_loop3A_215 = arith.constant 1.000000e+00 : f32
        %parallel_loop3A_216 = vector.broadcast %parallel_loop3A_215 : f32 to vector<16xf32>
        %parallel_loop3A_217 = arith.addf %parallel_loop3A_216, %parallel_loop3A_214 : vector<16xf32>
        %parallel_loop3A_218 = arith.divf %parallel_loop3A_206, %parallel_loop3A_217 : vector<16xf32>
        %parallel_loop3A_219 = arith.mulf %parallel_loop3A_218, %parallel_loop3A_210 : vector<16xf32>
        %parallel_loop3A_220 = arith.constant 12288 : i32
        %parallel_loop3A_221 = arith.addi %parallel_loop3A_220, %parallel_loop3A_125 : i32
        %parallel_loop3A_222 = arith.index_cast %parallel_loop3A_221 : i32 to index
        %parallel_loop3A_223 = tpu.vector_load %arg15[%parallel_loop3A_222] {strides = array<i32>} : memref<16384xf32, #tpu.memory_space<vmem>>, vector<16xf32>,
        tpu.vector_store %arg15[%parallel_loop3A_222], %parallel_loop3A_219 {strides = array<i32>} : memref<16384xf32, #tpu.memory_space<vmem>>, vector<16xf32>,
        %parallel_loop3A_224 = arith.constant 12288 : i32
        %parallel_loop3A_225 = arith.addi %parallel_loop3A_224, %parallel_loop3A_125 : i32
        %parallel_loop3A_226 = arith.index_cast %parallel_loop3A_225 : i32 to index
        %parallel_loop3A_227 = tpu.vector_load %arg16[%parallel_loop3A_226] {strides = array<i32>} : memref<16384xf32, #tpu.memory_space<vmem>>, vector<16xf32>,
        tpu.vector_store %arg16[%parallel_loop3A_226], %parallel_loop3A_127 {strides = array<i32>} : memref<16384xf32, #tpu.memory_space<vmem>>, vector<16xf32>,
      } {sc.loop_unroll_factor = 4 : i64, sc.parallel_access}
      %parallel_loop3A_114 = arith.constant 0 : i32
      %parallel_loop3A_115 = arith.constant 512 : i32
      %parallel_loop3A_116 = arith.constant 1 : i32
      scf.for %parallel_loop3A_123 = %parallel_loop3A_114 to %parallel_loop3A_115 step %parallel_loop3A_116  : i32 {
        %parallel_loop3A_124 = arith.constant 16 : i32
        %parallel_loop3A_125 = arith.muli %parallel_loop3A_123, %parallel_loop3A_124 : i32
        %parallel_loop3A_126 = arith.index_cast %parallel_loop3A_125 : i32 to index
        %parallel_loop3A_127 = tpu.vector_load %arg23[%parallel_loop3A_126] {strides = array<i32>} : memref<8192xi32, #tpu.memory_space<vmem>>, vector<16xi32>,
        %parallel_loop3A_128 = arith.index_cast %parallel_loop3A_125 : i32 to index
        %parallel_loop3A_129 = tpu.vector_load %arg24[%parallel_loop3A_128] {strides = array<i32>} : memref<8192xf32, #tpu.memory_space<vmem>>, vector<16xf32>,
        %parallel_loop3A_130 = tpu.iota {dimensions = array<i32: 0>} : vector<16xi32>
        %parallel_loop3A_131 = arith.constant 13 : i32
        %parallel_loop3A_132 = vector.broadcast %parallel_loop3A_131 : i32 to vector<16xi32>
        %parallel_loop3A_133 = arith.shrui %parallel_loop3A_127, %parallel_loop3A_132 : vector<16xi32>
        %parallel_loop3A_134 = arith.constant 4080 : i32
        %parallel_loop3A_135 = vector.broadcast %parallel_loop3A_134 : i32 to vector<16xi32>
        %parallel_loop3A_136 = arith.andi %parallel_loop3A_127, %parallel_loop3A_135 : vector<16xi32>
        %parallel_loop3A_137 = arith.ori %parallel_loop3A_136, %parallel_loop3A_130 : vector<16xi32>
        %parallel_loop3A_138 = arith.constant 0 : i32
        %parallel_loop3A_139 = tpu.memref_slice %arg15[%parallel_loop3A_138] : memref<16384xf32, #tpu.memory_space<vmem>> -> memref<4096xf32, #tpu.memory_space<vmem>>
        %parallel_loop3A_140 = tpu.vector_load_idx %parallel_loop3A_139[%parallel_loop3A_137] : memref<4096xf32, #tpu.memory_space<vmem>>[vector<16xi32>], vector<16xf32>,
        %parallel_loop3A_141 = arith.constant 0 : i32
        %parallel_loop3A_142 = vector.broadcast %parallel_loop3A_141 : i32 to vector<16xi32>
        %parallel_loop3A_143 = arith.mulf %parallel_loop3A_140, %parallel_loop3A_129 : vector<16xf32>
        tpu.vector_store_idx %arg18[%parallel_loop3A_142, %parallel_loop3A_133], %parallel_loop3A_143 {add = true} : memref<4x1024xf32, #tpu.memory_space<vmem>>[vector<16xi32>, vector<16xi32>], vector<16xf32>,
        %parallel_loop3A_144 = arith.constant 4096 : i32
        %parallel_loop3A_145 = tpu.memref_slice %arg15[%parallel_loop3A_144] : memref<16384xf32, #tpu.memory_space<vmem>> -> memref<4096xf32, #tpu.memory_space<vmem>>
        %parallel_loop3A_146 = tpu.vector_load_idx %parallel_loop3A_145[%parallel_loop3A_137] : memref<4096xf32, #tpu.memory_space<vmem>>[vector<16xi32>], vector<16xf32>,
        %parallel_loop3A_147 = arith.constant 1 : i32
        %parallel_loop3A_148 = vector.broadcast %parallel_loop3A_147 : i32 to vector<16xi32>
        %parallel_loop3A_149 = arith.mulf %parallel_loop3A_146, %parallel_loop3A_129 : vector<16xf32>
        tpu.vector_store_idx %arg18[%parallel_loop3A_148, %parallel_loop3A_133], %parallel_loop3A_149 {add = true} : memref<4x1024xf32, #tpu.memory_space<vmem>>[vector<16xi32>, vector<16xi32>], vector<16xf32>,
        %parallel_loop3A_150 = arith.constant 8192 : i32
        %parallel_loop3A_151 = tpu.memref_slice %arg15[%parallel_loop3A_150] : memref<16384xf32, #tpu.memory_space<vmem>> -> memref<4096xf32, #tpu.memory_space<vmem>>
        %parallel_loop3A_152 = tpu.vector_load_idx %parallel_loop3A_151[%parallel_loop3A_137] : memref<4096xf32, #tpu.memory_space<vmem>>[vector<16xi32>], vector<16xf32>,
        %parallel_loop3A_153 = arith.constant 2 : i32
        %parallel_loop3A_154 = vector.broadcast %parallel_loop3A_153 : i32 to vector<16xi32>
        %parallel_loop3A_155 = arith.mulf %parallel_loop3A_152, %parallel_loop3A_129 : vector<16xf32>
        tpu.vector_store_idx %arg18[%parallel_loop3A_154, %parallel_loop3A_133], %parallel_loop3A_155 {add = true} : memref<4x1024xf32, #tpu.memory_space<vmem>>[vector<16xi32>, vector<16xi32>], vector<16xf32>,
        %parallel_loop3A_156 = arith.constant 12288 : i32
        %parallel_loop3A_157 = tpu.memref_slice %arg15[%parallel_loop3A_156] : memref<16384xf32, #tpu.memory_space<vmem>> -> memref<4096xf32, #tpu.memory_space<vmem>>
        %parallel_loop3A_158 = tpu.vector_load_idx %parallel_loop3A_157[%parallel_loop3A_137] : memref<4096xf32, #tpu.memory_space<vmem>>[vector<16xi32>], vector<16xf32>,
        %parallel_loop3A_159 = arith.constant 3 : i32
        %parallel_loop3A_160 = vector.broadcast %parallel_loop3A_159 : i32 to vector<16xi32>
        %parallel_loop3A_161 = arith.mulf %parallel_loop3A_158, %parallel_loop3A_129 : vector<16xf32>
        tpu.vector_store_idx %arg18[%parallel_loop3A_160, %parallel_loop3A_133], %parallel_loop3A_161 {add = true} : memref<4x1024xf32, #tpu.memory_space<vmem>>[vector<16xi32>, vector<16xi32>], vector<16xf32>,
      } {sc.loop_unroll_factor = 8 : i64, sc.parallel_access}
      %mul3A_117 = arith.constant 4 : i32
      %mul3A_118 = arith.muli %add3A_83, %mul3A_117 : i32
      %dma_start3A_119 = arith.constant 0 : i32
      %dma_start3A_120 = tpu.memref_slice %arg12[%mul3A_118, %dma_start3A_119] : memref<2048x1024xf32, #tpu.memory_space<hbm>> -> memref<4x1024xf32, #tpu.memory_space<hbm>>
      %dma_start3A_121 = arith.constant 0 : i32
      %dma_start3A_122 = tpu.memref_slice %arg12[%mul3A_118, %dma_start3A_121] : memref<2048x1024xf32, #tpu.memory_space<hbm>> -> memref<4x1024xf32, #tpu.memory_space<hbm>>
      tpu.enqueue_dma source(%arg18 : memref<4x1024xf32, #tpu.memory_space<vmem>>) target(%dma_start3A_122 : memref<4x1024xf32, #tpu.memory_space<hbm>>) target_semaphore(%arg31 : memref<!tpu.dma_semaphore, #tpu.memory_space<semaphore_mem>>)
    }
    %scan3A_14 = arith.constant 8 : i32
    %add3A_15 = arith.constant 16 : i32
    %add3A_16 = arith.addi %mul3A_2, %add3A_15 : i32
    %sub3A = arith.constant 2 : i32
    %sub3A_17 = arith.subi %add3A_16, %sub3A : i32
    %mul3A_18 = arith.constant 4 : i32
    %mul3A_19 = arith.muli %sub3A_17, %mul3A_18 : i32
    %dma_wait3A = arith.constant 0 : i32
    %dma_wait3A_20 = tpu.memref_slice %arg12[%mul3A_19, %dma_wait3A] : memref<2048x1024xf32, #tpu.memory_space<hbm>> -> memref<4x1024xf32, #tpu.memory_space<hbm>>
    %dma_wait3A_21 = arith.constant 0 : i32
    %dma_wait3A_22 = tpu.memref_slice %arg12[%mul3A_19, %dma_wait3A_21] : memref<2048x1024xf32, #tpu.memory_space<hbm>> -> memref<4x1024xf32, #tpu.memory_space<hbm>>
    tpu.wait_dma2 semaphore(%arg30 : memref<!tpu.dma_semaphore, #tpu.memory_space<semaphore_mem>>) src(%arg17 : memref<4x1024xf32, #tpu.memory_space<vmem>>) dst(%dma_wait3A_22 : memref<4x1024xf32, #tpu.memory_space<hbm>>)
    %add3A_23 = arith.constant 16 : i32
    %add3A_24 = arith.addi %mul3A_2, %add3A_23 : i32
    %sub3A_25 = arith.constant 1 : i32
    %sub3A_26 = arith.subi %add3A_24, %sub3A_25 : i32
    %mul3A_27 = arith.constant 4 : i32
    %mul3A_28 = arith.muli %sub3A_26, %mul3A_27 : i32
    %dma_wait3A_29 = arith.constant 0 : i32
    %dma_wait3A_30 = tpu.memref_slice %arg12[%mul3A_28, %dma_wait3A_29] : memref<2048x1024xf32, #tpu.memory_space<hbm>> -> memref<4x1024xf32, #tpu.memory_space<hbm>>
    %dma_wait3A_31 = arith.constant 0 : i32
    %dma_wait3A_32 = tpu.memref_slice %arg12[%mul3A_28, %dma_wait3A_31] : memref<2048x1024xf32, #tpu.memory_space<hbm>> -> memref<4x1024xf32, #tpu.memory_space<hbm>>
    tpu.wait_dma2 semaphore(%arg31 : memref<!tpu.dma_semaphore, #tpu.memory_space<semaphore_mem>>) src(%arg18 : memref<4x1024xf32, #tpu.memory_space<vmem>>) dst(%dma_wait3A_32 : memref<4x1024xf32, #tpu.memory_space<hbm>>)
    return
  }
}

</mosaic_0001>

<sc_bundles>
// kernel: kernel.3.cloned.1.call-start
scs
__scs_entry_jumppad:
0x0: {  	(pc) =	sbr.rel $0x88, $3  }
0x1: {  	(tag) =	ssettag $0x0;
	lr =	simm.s32 $0x1  }
0x2: {  	[smem:$0x3F94] =	sst lr;
	_ =	strace $0xD0000000  }
0x3: {  	_ = 	snop  }
0x4: {  	_ = 	snop  }
0x5: {  	_ = 	snop  }
0x6: {  	_ = 	snop  }
0x7: {  	_ = 	snop  }
__scs_overlays_trampoline_lowered:
0x8: {  	[smem:$0x3FA3] =	sst s0  }
0x9: {  	[smem:$0x3FA4] =	sst s1  }
0xa: {  	[smem:$0x3FA5] =	sst s2  }
0xb: {  	[smem:$0x3FA6] =	sst s3  }
0xc: {  	[smem:$0x3FA7] =	sst s4  }
0xd: {  	[smem:$0x3FA8] =	sst s5  }
0xe: {  	[smem:$0x3FA9] =	sst s6  }
0xf: {  	[smem:$0x3FAA] =	sst s7  }
0x10: {  	[smem:$0x3FAB] =	sst s8  }
0x11: {  	[smem:$0x3FAC] =	sst s9;
	s0 =	simm.s32 @!p0 $0x0  }
0x12: {  	s1 =	sld [smem:$0x3F92];
	s0 =	simm.s32 @p0 $0x1  }
0x13: {  	[smem:$0x3FAD] =	sst s0;
	s0 =	simm.s32 @!p1 $0x0  }
0x14: {  	s2 =	sld [smem:$0x3F91];
	s0 =	simm.s32 @p1 $0x1  }
0x15: {  	[smem:$0x3FAE] =	sst s0;
	s0 =	simm.s32 @!p2 $0x0  }
0x16: {  	s3 =	sld [smem:$0x3FDB];
	s0 =	simm.s32 @p2 $0x1  }
0x17: {  	s4 =	simm.s32 $0x1BF5;
	[smem:$0x3FB0] =	sst s0  }
0x18: {  	s0 =	sld [smem:$0x3F93];
	_ =	swait.ge [sflag:s4], $0x0  }
0x19: {  	s7 =	sld [smem:$0x3F94]  }
0x1a: {  	s8 =	sadd.s32 $0xFFFFE003, lr  }
0x1b: {  	s9 =	sadd.s32 $0xFFFFFEF7, lr;
	s5 =	simm.s32 $0xFFFFFFFF;
	p2 =	slt.u32 s8, $0xFFFFF086  }
0x1c: {  	p1 =	slt.u32 s9, $0xF7A;
	s5 =	simm.s32 @!p2 $0x0  }
0x1d: {  	s5 =	simm.s32 @p1 $0x1;
	p0 =	seq.s32 s7, s2  }
0x1e: {  	s7 =	smul.u32 @!p0 $0xF7A, s2;
	p2 =	seq.s32 @!p0 s5, $0x0  }
0x1f: {  	s9 =	smul.u32 $0xF7A, s1;
	s8 =	simm.s32 @!p0 $0x1BF5;
	p2 =	por !p2, p0  }
0x20: {  	[sflag:s8] =	ssyncset.s32 @!p0 $0xFFFFF086;
	s6 =	sadd.s32 @!p0 s3, s7;
	s7 =	simm.s32 @!p0 $0x108  }
0x21: {  	s3 =	sadd.s32 s3, s9;
	s6 =	sadd.s32 @!p0 $0x88, s6;
	s7 =	simm.s32 @p2 $0x1082  }
0x22: {  	[simem:s7], [sflag:s8] =	dma.local @!p0 [hbm:s6], $0xF7A  }
0x23: {  	s9 =	sor.u32 $0xD0000000, s2;
	s6 =	simm.s32 $0x108;
	_ =	swait.ge @!p0 [sflag:s8], $0x0  }
0x24: {  	s3 =	sadd.s32 $0x88, s3;
	s6 =	simm.s32 @!p1 $0x1082;
	[sflag:s4] =	ssyncset.s32 $0xFFFFF086  }
0x25: {  	[simem:s6], [sflag:s4] =	dma.local [hbm:s3], $0xF7A  }
0x26: {  	[smem:$0x3F94] =	sst s1;
	(tag) =	ssettag s2;
	_ =	strace s9  }
0x27: {  	s1 =	sld [smem:$0x3FA4]  }
0x28: {  	s2 =	sld [smem:$0x3FA5]  }
0x29: {  	s4 =	sld [smem:$0x3FA7]  }
0x2a: {  	p0 =	seq.s32 s5, $0x0;
	s5 =	sld [smem:$0x3FA8]  }
0x2b: {  	s6 =	sld [smem:$0x3FA9]  }
0x2c: {  	s7 =	sld [smem:$0x3FAA]  }
0x2d: {  	s3 =	simm.s32 $0x108;
	s8 =	sld [smem:$0x3FAB]  }
0x2e: {  	s3 =	simm.s32 @!p0 $0x1082;
	s9 =	sld [smem:$0x3FAC]  }
0x2f: {  	lr =	sadd.s32 s0, s3;
	s0 =	sld [smem:$0x3FA3]  }
0x30: {  	s3 =	sld [smem:$0x3FA6]  }
0x31: {  	[smem:$0x3FAF] =	sst s10  }
0x32: {  	s10 =	sld [smem:$0x3FAD];
	_ =	sdelay $0x3  }
0x33: {  	p0 =	seq.s32 s10, $0x1;
	s10 =	sld [smem:$0x3FAF];
	_ =	sdelay $0x3  }
0x34: {  	[smem:$0x3FAF] =	sst s10  }
0x35: {  	s10 =	sld [smem:$0x3FAE];
	_ =	sdelay $0x3  }
0x36: {  	p1 =	seq.s32 s10, $0x1;
	s10 =	sld [smem:$0x3FAF];
	_ =	sdelay $0x3  }
0x37: {  	[smem:$0x3FAF] =	sst s10  }
0x38: {  	s10 =	sld [smem:$0x3FB0]  }
0x39: {  	_ = 	snop;
	(pc) =	sbr.ind lr, $3  }
0x3a: {  	_ = 	snop  }
0x3b: {  	_ = 	snop  }
0x3c: {  	p2 =	seq.s32 s10, $0x1;
	s10 =	sld [smem:$0x3FAF]  }
0x3d: {  	_ =	shalt  }
0x3e: {  	_ =	shalt  }
0x3f: {  	_ =	shalt  }
0x40: {  	_ =	shalt  }
0x41: {  	_ =	shalt  }
0x42: {  	_ =	shalt  }
0x43: {  	_ =	shalt  }
0x44: {  	_ =	shalt  }
0x45: {  	_ =	shalt  }
0x46: {  	_ =	shalt  }
0x47: {  	_ =	shalt  }
0x48: {  	_ =	shalt  }
0x49: {  	_ =	shalt  }
0x4a: {  	_ =	shalt  }
0x4b: {  	_ =	shalt  }
0x4c: {  	_ =	shalt  }
0x4d: {  	_ =	shalt  }
0x4e: {  	_ =	shalt  }
0x4f: {  	_ =	shalt  }
0x50: {  	_ =	shalt  }
0x51: {  	_ =	shalt  }
0x52: {  	_ =	shalt  }
0x53: {  	_ =	shalt  }
0x54: {  	_ =	shalt  }
0x55: {  	_ =	shalt  }
0x56: {  	_ =	shalt  }
0x57: {  	_ =	shalt  }
0x58: {  	_ =	shalt  }
0x59: {  	_ =	shalt  }
0x5a: {  	_ =	shalt  }
0x5b: {  	_ =	shalt  }
0x5c: {  	_ =	shalt  }
0x5d: {  	_ =	shalt  }
0x5e: {  	_ =	shalt  }
0x5f: {  	_ =	shalt  }
0x60: {  	_ =	shalt  }
0x61: {  	_ =	shalt  }
0x62: {  	_ =	shalt  }
0x63: {  	_ =	shalt  }
0x64: {  	_ =	shalt  }
0x65: {  	_ =	shalt  }
0x66: {  	_ =	shalt  }
0x67: {  	_ =	shalt  }
0x68: {  	_ =	shalt  }
0x69: {  	_ =	shalt  }
0x6a: {  	_ =	shalt  }
0x6b: {  	_ =	shalt  }
0x6c: {  	_ =	shalt  }
0x6d: {  	_ =	shalt  }
0x6e: {  	_ =	shalt  }
0x6f: {  	_ =	shalt  }
0x70: {  	_ =	shalt  }
0x71: {  	_ =	shalt  }
0x72: {  	_ =	shalt  }
0x73: {  	_ =	shalt  }
0x74: {  	_ =	shalt  }
0x75: {  	_ =	shalt  }
0x76: {  	_ =	shalt  }
0x77: {  	_ =	shalt  }
0x78: {  	_ =	shalt  }
0x79: {  	_ =	shalt  }
0x7a: {  	_ =	shalt  }
0x7b: {  	_ =	shalt  }
0x7c: {  	_ =	shalt  }
0x7d: {  	_ =	shalt  }
0x7e: {  	_ =	shalt  }
0x7f: {  	_ =	shalt  }
0x80: {  	_ =	shalt  }
0x81: {  	_ =	shalt  }
0x82: {  	_ =	shalt  }
0x83: {  	_ =	shalt  }
0x84: {  	_ =	shalt  }
0x85: {  	_ =	shalt  }
0x86: {  	_ =	shalt  }
0x87: {  	_ =	shalt  }
.Lfunc_end0:
.L_simem_size_0:
called_computation_lowered:
.L_overlay_start_0:
0x88: {  	s2 =	sld [smem:$0x3FD9]  }
0x89: {  	s3 =	sld [smem:$0x3FFE];
	_ =	sdelay $0x1  }
0x8a: {  	s1 =	srdreg.scid  }
0x8b: {  	s0 =	sand.u32 $0x1, s1  }
0x8c: {  	s17 =	sshll.u32 s0, $0xA;
	s2 =	sadd.s32 s3, s2  }
0x8d: {  	s2 =	sadd.s32 s2, s17  }
0x8e: {  	[smem:$0x3FBB] =	sst s2  }
0x8f: {  	_ = 	snop  }
0x90: {  	s2 =	sld [smem:$0x3FC9]  }
0x91: {  	s18 =	sld [smem:$0x3FC6]  }
0x92: {  	s4 =	sld [smem:$0x3FC5]  }
0x93: {  	s5 =	sld [smem:$0x3FC2]  }
0x94: {  	s6 =	sld [smem:$0x3FC1]  }
0x95: {  	s7 =	sld [smem:$0x3FBE]  }
0x96: {  	s8 =	sld [smem:$0x3FBD]  }
0x97: {  	s9 =	sld [smem:$0x3FD0];
	(tm) =	ssettm $0x1  }
0x98: {  	s10 =	sld [smem:$0x3FFB];
	_ =	sdelay $0x3  }
0x99: {  	_ =	strace s10  }
0x9a: {  	s10 =	sld [smem:$0x3FFC];
	_ =	sdelay $0x3  }
0x9b: {  	_ =	strace s10  }
0x9c: {  	s10 =	sld [smem:$0x3FFD];
	_ =	sdelay $0x3  }
0x9d: {  	_ =	strace s10  }
0x9e: {  	_ =	strace $0x8FFFFFFF  }
0x9f: {  	s19 =	sld [smem:$0x3FDB];
	_ =	sdelay $0x1  }
0xa0: {  	s11 =	simm.s32 $_scs_section_size  }
0xa1: {  	s12 =	simm.s32 $_size__tile_overlayer_lowered;
	s13 =	simm.s32 $_tile_overlayer_lowered  }
0xa2: {  	s22 =	simm.s32 $0x1BFF;
	s21 =	sshll.u32 s13, $0x1;
	s10 =	sadd.s32 s11, s19  }
0xa3: {  	s14 =	simm.s32 $0x0;
	s20 =	sshll.u32 s12, $0x1;
	s12 =	sadd.s32 s21, s10  }
0xa4: {  	[timem:s14], [sflag:s22] =	dma.local [hbm:s12], s20  }
0xa5: {  	_ =	swait.ge [sflag:s22], s20  }
0xa6: {  	s11 =	ssub.s32 $0x0, s20;
	[sflag:s22] =	ssyncset.done $0x0  }
0xa7: {  	[sflag:s22] =	ssyncadd.s32 s11;
	_ =	sdelay $0x1  }
0xa8: {  	s23 =	simm.s32 $0x1B8B  }
0xa9: {  	_ =	swait.ge [sflag:s23], $0x1  }
0xaa: {  	[sflag:s23] =	ssyncset.done $0x0  }
0xab: {  	s25 =	simm.s32 $0x1B8E;
	s24 =	sld [smem:$0x3FFE];
	[sflag:s23] =	ssyncadd.s32 $0xFFFFFFFF  }
0xac: {  	s26 =	simm.s32 $execute0_lowered;
	[smem:$0x3FD2] =	sst s25  }
0xad: {  	s12 =	sshll.u32 s26, $0x1;
	_ =	strace $0x80000046;
	[dreg:$0x1] =	wrdreg $0xFFFFFFFF  }
0xae: {  	s28 =	simm.s32 $_size_execute0_lowered;
	s10 =	sadd.s32 s10, s12;
	[dreg:$0x0] =	wrdreg $0x0  }
0xaf: {  	s12 =	sshll.u32 s28, $0x1;
	[dreg:$0x2] =	wrdreg s10  }
0xb0: {  	[dreg:$0x3] =	wrdreg s12  }
0xb1: {  	[dreg:$0x4] =	wrdreg $0xC0  }
0xb2: {  	_ =	task [dreg:s14], $0x5FFFF  }
0xb3: {  	[dreg:$0x1] =	wrdreg $0xFFFFFFFF  }
0xb4: {  	[dreg:$0x0] =	wrdreg $0x60  }
0xb5: {  	[dreg:$0x2] =	wrdreg s2  }
0xb6: {  	[dreg:$0x3] =	wrdreg s24  }
0xb7: {  	[dreg:$0x4] =	wrdreg s18  }
0xb8: {  	[dreg:$0x5] =	wrdreg s4  }
0xb9: {  	[dreg:$0x6] =	wrdreg s5  }
0xba: {  	[dreg:$0x7] =	wrdreg s6  }
0xbb: {  	[dreg:$0x8] =	wrdreg s7  }
0xbc: {  	[dreg:$0x9] =	wrdreg s8  }
0xbd: {  	[dreg:$0xa] =	wrdreg s9  }
0xbe: {  	[dreg:$0xb] =	wrdreg $0x9  }
0xbf: {  	_ =	task.clear_ibuf [dreg:s14], $0xCFFFF;
	_ =	strace $0x90000046  }
0xc0: {  	s29 =	simm.s32 $0x9;
	_ =	strace $0x80000048  }
0xc1: {  	_ =	swait.ge [sflag:s29], $0x1  }
0xc2: {  	[sflag:s29] =	ssyncadd.s32 $0xFFFFFFFF  }
0xc3: {  	_ =	strace $0x90000048  }
0xc4: {  	_ =	sfence  }
0xc5: {  	s30 =	sld [smem:$0x0];
	_ =	sdelay $0x2  }
0xc6: {  	s31 =	sshll.u32 s1, $0xD;
	s1 =	sshrl.u32 s1, $0x2  }
0xc7: {  	s3 =	sand.u32 $0x4000, s31;
	s1 =	sadd.s32 s1, s30  }
0xc8: {  	s0 =	sor.u32 s3, s0;
	s1 =	sshll.u32 s1, $0x11  }
0xc9: {  	s0 =	sor.u32 s1, s0  }
0xca: {  	s0 =	sadd.s32 $0x8F2B, s0  }
0xcb: {  	[sflag:s0] =	ssyncadd.remote.s32 $0x1  }
0xcc: {  	_ =	sfence.sel $0xFFFF  }
0xcd: {  	[dreg:$0x0] =	wrdreg $0xFFFFFFFF;
	(pc) =	sbr.abs _section_cstart, $3  }
0xce: {  	[dreg:$0x1] =	wrdreg $0xFFFFFFFF  }
0xcf: {  	_ =	task.clear_ibuf [dreg:s14], $0x2FFFF;
	_ =	strace $0x9FFFFFFF  }
0xd0: {  	(tm) =	ssettm $0x7FFFFFFF  }
0xd1: {  	_ =	shalt  }
tec
execute0_lowered:
.L_overlay_start_1:
0x0: {  	(tag) =	ssettag $0x1  }
0x1: {  	s0 =	rddreg [dreg:$0x0]  }
0x2: {  	s1 =	rddreg [dreg:$0x1]  }
0x3: {  	s6 =	rddreg [dreg:$0x8];
	s9 =	simm.s32 $0x0;
	s2 =	srdreg.scid  }
0x4: {  	s4 =	stileid.u32;
	s21 =	simm.s32 $0x200;
	s29 =	simm.s32 $0x400  }
0x5: {  	s8 =	simm.s32 $0x1000;
	[smem:$0x7FF] =	sst s9;
	s3 =	sadd.s32 $0x600, s1  }
0x6: {  	s5 =	sadd.s32 $0xE00, s1;
	_ =	strace $0x80000047;
	[dreg:$0xa] =	wrdreg s3  }
0x7: {  	s2 =	sand.u32 $0x1, s2;
	s1 =	sadd.s32 $0xA00, s1;
	[dreg:$0xb] =	wrdreg s5  }
0x8: {  	s4 =	sshll.u32 s4, $0x1;
	s28 =	sadd.s32 $0x40, s0;
	[dreg:$0xc] =	wrdreg s1  }
0x9: {  	s30 =	sadd.s32 $0x40, s6;
	s6 =	simm.s32 $0x0;
	[dreg:$0xf] =	wrdreg s28  }
0xa: {  	s22 =	ssub.s32 $0x2, s2;
	s2 =	sor.u32 s2, s4;
	[dreg:$0x11] =	wrdreg s30  }
0xb: {  	s3 =	simm.s32 $0x4000;
	s4 =	simm.s32 $0x5000;
	s23 =	sshrl.u32 s22, $0x1  }
.Ltmp0:
0xc: {  	s25 =	sshll.u32 s2, $0xD;
	s2 =	sshll.u32 s2, $0x4;
	(pc) =	sbr.rel .LBB2_1-.Ltmp0, $4  }
0xd: {  	s24 =	ssub.s32 s22, s23;
	[dreg:$0xd] =	wrdreg s2;
	s26 =	sadd.s32 s0, s25  }
0xe: {  	s0 =	sadd.s32 $0x200, s0;
	s2 =	simm.s32 $0x3000;
	[dreg:$0xe] =	wrdreg s26  }
0xf: {  	s22 =	simm.s32 $0xA000;
	[dreg:$0x10] =	wrdreg s0;
	s31 =	smax.u32 s24, $0x1  }
0x10: {  	v0 =	vlaneseq.u32;
	s0 =	simm.s32 $0x2000;
	s24 =	simm.s32 $0xB000;
	[dreg:$0x12] =	wrdreg s31  }
.LBB2_57:
0x11: {  	s1 =	simm.s32 $0x3  }
0x12: {  	_ =	swait.ge [sflag:s1], $0x1000  }
0x13: {  	[sflag:s1] =	ssyncset.done $0x0  }
0x14: {  	s5 =	simm.s32 $0x4;
	[sflag:s1] =	ssyncadd.s32 $0xFFFFF000  }
0x15: {  	_ =	swait.ge [sflag:s5], $0x1000  }
0x16: {  	s6 =	rddreg [dreg:$0x13]  }
0x17: {  	s31 =	rddreg [dreg:$0x12];
	s6 =	sadd.s32 $0x1, s6  }
0x18: {  	p0 =	sne.s32 s6, s31  }
.Ltmp1:
0x19: {  	_ = 	snop;
	(pc) =	sbr.rel @!p0 .LBB2_58-.Ltmp1, $3  }
0x1a: {  	_ =	sdelay $0x1  }
0x1b: {  	[sflag:s5] =	ssyncset.done $0x0  }
0x1c: {  	[sflag:s5] =	ssyncadd.s32 $0xFFFFF000  }
.LBB2_1:
0x1d: {  	[dreg:$0x13] =	wrdreg s6  }
0x1e: {  	s1 =	rddreg [dreg:$0xe]  }
0x1f: {  	[tilespmem:s9], [sflag:$0x1] =	stream.strided.gather [hbm4b:s1+s21], $0x1000, s29, s21, $0x38;
	[tilespmem:$0x1A400] =	vst v63  }
0x20: {  	s7 =	rddreg [dreg:$0x3];
	s5 =	simm.s32 $0x18000  }
0x21: {  	[tilespmem:s5], [sflag:$0x5] =	stream.linear.gather [hbm4b:s7+s9], $0x1000, $0x38;
	[tilespmem:$0x1A400] =	vst v63  }
0x22: {  	s10 =	rddreg [dreg:$0x5];
	s11 =	simm.s32 $0x19000  }
0x23: {  	[tilespmem:s11], [sflag:$0x5] =	stream.linear.gather [hbm4b:s10+s9], $0x1000, $0x38;
	[tilespmem:$0x1A400] =	vst v63  }
0x24: {  	s12 =	rddreg [dreg:$0x7];
	s13 =	simm.s32 $0x1A000  }
0x25: {  	[tilespmem:s13], [sflag:$0x5] =	stream.linear.gather [hbm4b:s12+s9], $0x400, $0x38;
	[tilespmem:$0x1A400] =	vst v63  }
0x26: {  	s14 =	rddreg [dreg:$0xa];
	s15 =	simm.s32 $0xC000  }
0x27: {  	[tilespmem:s15], [sflag:$0x5] =	stream.linear.gather [hbm4b:s14+s9], $0x2000, $0x38;
	[tilespmem:$0x1A400] =	vst v63  }
0x28: {  	s16 =	rddreg [dreg:$0x2];
	s17 =	simm.s32 $0xE000  }
0x29: {  	[tilespmem:s17], [sflag:$0x5] =	stream.linear.gather [hbm4b:s16+s9], $0x2000, $0x38;
	[tilespmem:$0x1A400] =	vst v63  }
0x2a: {  	s18 =	rddreg [dreg:$0xb];
	s19 =	simm.s32 $0x10000  }
0x2b: {  	[tilespmem:s19], [sflag:$0x5] =	stream.linear.gather [hbm4b:s18+s9], $0x2000, $0x38;
	[tilespmem:$0x1A400] =	vst v63  }
0x2c: {  	s20 =	rddreg [dreg:$0x4];
	s23 =	simm.s32 $0x12000  }
0x2d: {  	[tilespmem:s23], [sflag:$0x5] =	stream.linear.gather [hbm4b:s20+s9], $0x2000, $0x38;
	[tilespmem:$0x1A400] =	vst v63  }
0x2e: {  	s25 =	rddreg [dreg:$0xc];
	s26 =	simm.s32 $0x14000  }
0x2f: {  	[tilespmem:s26], [sflag:$0x5] =	stream.linear.gather [hbm4b:s25+s9], $0x2000, $0x38;
	[tilespmem:$0x1A400] =	vst v63  }
0x30: {  	s28 =	rddreg [dreg:$0x6];
	s30 =	simm.s32 $0x16000;
	s31 =	simm.s32 $0x5  }
0x31: {  	[tilespmem:s30], [sflag:$0x5] =	stream.linear.gather [hbm4b:s28+s9], $0x2000, $0x38;
	[tilespmem:$0x1A400] =	vst v63  }
0x32: {  	_ =	swait.ge [sflag:s31], $0x1000  }
0x33: {  	[sflag:s31] =	ssyncset.done $0x0  }
0x34: {  	[sflag:s31] =	ssyncadd.s32 $0xFFFFF000  }
0x35: {  	_ =	swait.ge [sflag:s31], $0x1000  }
0x36: {  	[sflag:s31] =	ssyncset.done $0x0  }
0x37: {  	[sflag:s31] =	ssyncadd.s32 $0xFFFFF000  }
0x38: {  	_ =	swait.ge [sflag:s31], $0x400  }
0x39: {  	[sflag:s31] =	ssyncset.done $0x0  }
0x3a: {  	[sflag:s31] =	ssyncadd.s32 $0xFFFFFC00  }
0x3b: {  	_ =	swait.ge [sflag:s31], $0x2000  }
0x3c: {  	[sflag:s31] =	ssyncset.done $0x0  }
0x3d: {  	[sflag:s31] =	ssyncadd.s32 $0xFFFFE000  }
0x3e: {  	_ =	swait.ge [sflag:s31], $0x2000  }
0x3f: {  	[sflag:s31] =	ssyncset.done $0x0  }
0x40: {  	[sflag:s31] =	ssyncadd.s32 $0xFFFFE000  }
0x41: {  	_ =	swait.ge [sflag:s31], $0x2000  }
0x42: {  	[sflag:s31] =	ssyncset.done $0x0  }
0x43: {  	[sflag:s31] =	ssyncadd.s32 $0xFFFFE000  }
0x44: {  	_ =	swait.ge [sflag:s31], $0x2000  }
0x45: {  	[sflag:s31] =	ssyncset.done $0x0  }
0x46: {  	[sflag:s31] =	ssyncadd.s32 $0xFFFFE000  }
0x47: {  	_ =	swait.ge [sflag:s31], $0x2000  }
0x48: {  	[sflag:s31] =	ssyncset.done $0x0  }
0x49: {  	[sflag:s31] =	ssyncadd.s32 $0xFFFFE000  }
0x4a: {  	_ =	swait.ge [sflag:s31], $0x2000  }
0x4b: {  	[sflag:s31] =	ssyncset.done $0x0  }
0x4c: {  	s7 =	simm.s32 $0x19020;
	[sflag:s31] =	ssyncadd.s32 $0xFFFFE000  }
0x4d: {  	v1 =	vld [tilespmem:s7+$0x10]  }
0x4e: {  	v3 =	vld [tilespmem:s7+$0xFFFFFFF0];
	_ =	sdelay $0x1  }
0x4f: {  	v4 =	vld [tilespmem:s7+$0xFFFFFFE0]  }
0x50: {  	s1 =	simm.s32 $0x8010  }
0x51: {  	[tilespmem:s1+$0x1020] =	vst v1  }
0x52: {  	v2 =	vld [tilespmem:s7+$0x0];
	[tilespmem:s1+$0xFFFFE000] =	vst v3  }
0x53: {  	[tilespmem:s1+$0xFFFFF000] =	vst v3  }
0x54: {  	[tilespmem:s1+$0xFFFFDFF0] =	vst v4  }
0x55: {  	[tilespmem:s1+$0x0] =	vst v3  }
0x56: {  	[tilespmem:s1+$0x1000] =	vst v3  }
0x57: {  	[tilespmem:s1+$0xFFFFE010] =	vst v2  }
0x58: {  	s10 =	sand.u32 $0xFC0, s9;
	[tilespmem:s1+$0xFFFFF010] =	vst v2  }
0x59: {  	[tilespmem:s10+$0x7000] =	vst v4  }
0x5a: {  	[tilespmem:s10+$0x8000] =	vst v4  }
0x5b: {  	s11 =	simm.s32 $0x0;
	s7 =	simm.s32 $0x0;
	[tilespmem:s10+$0x9000] =	vst v4;
	s10 =	simm.s32 $0x19060  }
.LBB2_2:
0x5c: {  	v3 =	vld [tilespmem:s10+$0x10];
	s7 =	sadd.s32 $0x4, s7;
	[tilespmem:s1+$0x10] =	vst v2  }
0x5d: {  	v4 =	vld [tilespmem:s10+$0xFFFFFFF0];
	p0 =	slt.u32 s7, $0xFC;
	[tilespmem:s1+$0x1010] =	vst v2  }
0x5e: {  	v2 =	vld [tilespmem:s10+$0x0];
	[tilespmem:s1+$0xFFFFE020] =	vst v1  }
0x5f: {  	v5 =	vld [tilespmem:s10+$0xFFFFFFE0];
	[tilespmem:s1+$0xFFFFF020] =	vst v1  }
0x60: {  	[tilespmem:s1+$0x20] =	vst v1;
	s1 =	sadd.s32 $0x40, s1  }
0x61: {  	s30 =	simm.s32 $0x0;
	[tilespmem:s1+$0x1020] =	vst v3;
	v1 =	vmov v3  }
0x62: {  	[tilespmem:s1+$0xFFFFE000] =	vst v4  }
0x63: {  	s11 =	sadd.s32 $0x40, s11;
	[tilespmem:s1+$0xFFFFF000] =	vst v4  }
0x64: {  	s12 =	sand.u32 $0xFC0, s11;
	[tilespmem:s1+$0xFFFFDFF0] =	vst v5  }
0x65: {  	[tilespmem:s12+$0x7000] =	vst v5  }
0x66: {  	[tilespmem:s12+$0x8000] =	vst v5  }
.Ltmp2:
0x67: {  	[tilespmem:s12+$0x9000] =	vst v5;
	(pc) =	sbr.rel @p0 .LBB2_2-.Ltmp2, $4  }
0x68: {  	[tilespmem:s1+$0x0] =	vst v4  }
0x69: {  	[tilespmem:s1+$0x1000] =	vst v4  }
0x6a: {  	[tilespmem:s1+$0xFFFFE010] =	vst v2  }
0x6b: {  	s10 =	sadd.s32 $0x40, s10;
	[tilespmem:s1+$0xFFFFF010] =	vst v2  }
0x6c: {  	[tilespmem:s1+$0x10] =	vst v2  }
0x6d: {  	[tilespmem:s1+$0x1010] =	vst v2  }
0x6e: {  	[tilespmem:s1+$0xFFFFE020] =	vst v1  }
0x6f: {  	[tilespmem:s1+$0xFFFFF020] =	vst v1  }
0x70: {  	[tilespmem:s1+$0x20] =	vst v1;
	s6 =	simm.s32 $0x0  }
.LBB2_4:
0x71: {  	s5 =	sshll.u32 s6, $0x1;
	s1 =	rddreg [dreg:$0xd]  }
0x72: {  	s26 =	simm.s32 $0x1;
	[dreg:$0x15] =	wrdreg s5  }
0x73: {  	s31 =	simm.s32 $0x18020;
	s1 =	sadd.s32 s1, s5;
	_ =	swait.ge [sflag:s26], $0x1000  }
0x74: {  	s7 =	sshll.u32 s1, $0x9;
	[sflag:s26] =	ssyncset.done $0x0;
	s28 =	rddreg [dreg:$0xf]  }
0x75: {  	[dreg:$0x17] =	wrdreg s7;
	[sflag:s26] =	ssyncadd.s32 $0xFFFFF000;
	s1 =	sadd.s32 s7, s28  }
0x76: {  	[tilespmem:s8], [sflag:$0x2] =	stream.strided.gather [hbm4b:s1+s21], $0x1000, s29, s21, $0x38;
	[tilespmem:$0x1A400] =	vst v63  }
0x77: {  	v1 =	vld [tilespmem:s31+$0x10]  }
0x78: {  	v3 =	vld [tilespmem:s31+$0xFFFFFFF0];
	_ =	sdelay $0x1  }
0x79: {  	v4 =	vld [tilespmem:s31+$0xFFFFFFE0]  }
0x7a: {  	s1 =	simm.s32 $0x4010  }
0x7b: {  	[tilespmem:s1+$0x1020] =	vst v1  }
0x7c: {  	v2 =	vld [tilespmem:s31+$0x0];
	[tilespmem:s1+$0xFFFFE000] =	vst v3  }
0x7d: {  	[tilespmem:s1+$0xFFFFF000] =	vst v3  }
0x7e: {  	[tilespmem:s1+$0xFFFFDFF0] =	vst v4  }
0x7f: {  	[tilespmem:s1+$0x0] =	vst v3  }
0x80: {  	[tilespmem:s1+$0x1000] =	vst v3  }
0x81: {  	[tilespmem:s1+$0xFFFFE010] =	vst v2  }
0x82: {  	s10 =	sand.u32 $0xFC0, s30;
	[tilespmem:s1+$0xFFFFF010] =	vst v2  }
0x83: {  	[tilespmem:s10+$0x3000] =	vst v4  }
0x84: {  	[tilespmem:s10+$0x4000] =	vst v4  }
0x85: {  	s11 =	simm.s32 $0x0;
	s7 =	simm.s32 $0x0;
	[tilespmem:s10+$0x5000] =	vst v4;
	s10 =	simm.s32 $0x18060  }
.LBB2_5:
0x86: {  	v3 =	vld [tilespmem:s10+$0x10];
	s7 =	sadd.s32 $0x4, s7;
	[tilespmem:s1+$0x10] =	vst v2  }
0x87: {  	v4 =	vld [tilespmem:s10+$0xFFFFFFF0];
	p0 =	slt.u32 s7, $0xFC;
	[tilespmem:s1+$0x1010] =	vst v2  }
0x88: {  	v2 =	vld [tilespmem:s10+$0x0];
	[tilespmem:s1+$0xFFFFE020] =	vst v1  }
0x89: {  	v5 =	vld [tilespmem:s10+$0xFFFFFFE0];
	[tilespmem:s1+$0xFFFFF020] =	vst v1  }
0x8a: {  	[tilespmem:s1+$0x20] =	vst v1;
	s1 =	sadd.s32 $0x40, s1  }
0x8b: {  	[tilespmem:s1+$0x1020] =	vst v3;
	v1 =	vmov v3  }
0x8c: {  	[tilespmem:s1+$0xFFFFE000] =	vst v4  }
0x8d: {  	s11 =	sadd.s32 $0x40, s11;
	[tilespmem:s1+$0xFFFFF000] =	vst v4  }
0x8e: {  	s12 =	sand.u32 $0xFC0, s11;
	[tilespmem:s1+$0xFFFFDFF0] =	vst v5  }
0x8f: {  	[tilespmem:s12+$0x3000] =	vst v5  }
0x90: {  	[tilespmem:s12+$0x4000] =	vst v5  }
.Ltmp3:
0x91: {  	[tilespmem:s12+$0x5000] =	vst v5;
	(pc) =	sbr.rel @p0 .LBB2_5-.Ltmp3, $4  }
0x92: {  	[tilespmem:s1+$0x0] =	vst v4  }
0x93: {  	[tilespmem:s1+$0x1000] =	vst v4  }
0x94: {  	[tilespmem:s1+$0xFFFFE010] =	vst v2  }
0x95: {  	s10 =	sadd.s32 $0x40, s10;
	[tilespmem:s1+$0xFFFFF010] =	vst v2  }
0x96: {  	[tilespmem:s1+$0x10] =	vst v2  }
0x97: {  	[tilespmem:s1+$0x1010] =	vst v2  }
0x98: {  	[tilespmem:s1+$0xFFFFE020] =	vst v1  }
0x99: {  	[tilespmem:s1+$0xFFFFF020] =	vst v1  }
0x9a: {  	p0 =	seq.s32 s6, $0x0;
	[dreg:$0x14] =	wrdreg s6  }
0x9b: {  	s7 =	simm.s32 $0x0;
	[tilespmem:s1+$0x20] =	vst v1;
	s1 =	simm.s32 @!p0 $0x3  }
0x9c: {  	s10 =	sand.u32 $0x40, s7;
	s11 =	sand.u32 $0x380, s7;
	_ =	swait.ge @!p0 [sflag:s1], $0x1000  }
0x9d: {  	s11 =	sor.u32 $0x1A000, s11;
	s12 =	sor.u32 $0x30, s10;
	[sflag:s1] =	ssyncset.done @!p0 $0x0  }
0x9e: {  	s29 =	sand.u32 $0xE00, s7;
	s30 =	sor.u32 s12, s11;
	[sflag:s1] =	ssyncadd.s32 @!p0 $0xFFFFF000  }
0x9f: {  	s12 =	sor.u32 s29, s12;
	v5 =	vld [tilespmem:s30+$0x0]  }
0xa0: {  	v1 =	vld [tilespmem:s12+$0x0]  }
0xa1: {  	s5 =	sor.u32 $0x10, s10;
	v2 =	vld [tilespmem:s12+$0x80]  }
0xa2: {  	s13 =	sor.u32 s5, s11  }
0xa3: {  	p1 =	por $0x0, $0x0;
	s7 =	simm.s32 $0x1;
	s16 =	sor.u32 s29, s5;
	v9 =	vld [tilespmem:s13+$0x0]  }
0xa4: {  	s6 =	sor.u32 $0x20, s10;
	s7 =	simm.s32 @!p1 $0x0;
	v3 =	vld [tilespmem:s16+$0x0]  }
0xa5: {  	s11 =	sor.u32 s6, s11;
	s7 =	sshll.u32 s7, $0x6;
	v4 =	vld [tilespmem:s16+$0x80];
	v1 =	vadd.f32 v1, v5  }
0xa6: {  	s7 =	sadd.s32 $0x0, s7;
	s13 =	sor.u32 s29, s6;
	v8 =	vld [tilespmem:s11+$0x0];
	v2 =	vadd.f32 v2, v5  }
0xa7: {  	s17 =	sadd.s32 $0x30, s7;
	v6 =	vld [tilespmem:s13+$0x0];
	[tilespmem:s12+$0xA000] =	vst v1  }
0xa8: {  	s23 =	simm.s32 $0x40;
	s18 =	sor.u32 $0x100, s17;
	v1 =	vld [tilespmem:s13+$0x80];
	[tilespmem:s12+$0xA080] =	vst v2  }
0xa9: {  	s25 =	sand.u32 $0x40, s23;
	s11 =	sor.u32 s10, s29;
	s10 =	sand.u32 $0x380, s23;
	v2 =	vld [tilespmem:s18+$0x0]  }
0xaa: {  	s26 =	sor.u32 $0x30, s25;
	s10 =	sor.u32 $0x1A000, s10  }
0xab: {  	v7 =	vld [tilespmem:s11+$0x0];
	s19 =	sor.u32 s26, s10;
	v3 =	vadd.f32 v3, v9  }
0xac: {  	v13 =	vld [tilespmem:s19+$0x0];
	v4 =	vadd.f32 v4, v9  }
0xad: {  	s15 =	sadd.s32 $0x10, s7;
	s30 =	simm.s32 $0x0;
	[tilespmem:s16+$0xA000] =	vst v3;
	v3 =	vadd.f32 v6, v8;
	v6 =	vld [tilespmem:s11+$0x80]  }
0xae: {  	s5 =	sor.u32 $0x20, s25;
	s1 =	sor.u32 $0x100, s15;
	[tilespmem:s16+$0xA080] =	vst v4;
	v4 =	vadd.f32 v1, v8;
	v1 =	vld [tilespmem:s30+$0x1A000];
	s30 =	sor.u32 $0x10, s25;
	v2 =	vadd.f32 v2, v5  }
0xaf: {  	s29 =	simm.s32 $0x100;
	v10 =	vld [tilespmem:s1+$0x0];
	[tilespmem:s13+$0xA000] =	vst v3;
	s20 =	sor.u32 s30, s10;
	s10 =	sor.u32 s5, s10  }
0xb0: {  	v3 =	vld [tilespmem:s10+$0x0];
	[tilespmem:s18+$0xA000] =	vst v2;
	s18 =	sand.u32 $0xE00, s29  }
0xb1: {  	[tilespmem:s13+$0xA080] =	vst v4;
	s13 =	sor.u32 $0x180, s17;
	v2 =	vld [tilespmem:s20+$0x0];
	s17 =	sor.u32 s18, s26  }
0xb2: {  	v4 =	vld [tilespmem:s17+$0x0]  }
0xb3: {  	s19 =	sor.u32 s18, s30;
	v14 =	vld [tilespmem:s17+$0x80]  }
0xb4: {  	v15 =	vld [tilespmem:s19+$0x0]  }
0xb5: {  	s14 =	sadd.s32 $0x20, s7;
	v10 =	vadd.f32 v10, v9;
	s20 =	sor.u32 s18, s5;
	v16 =	vld [tilespmem:s19+$0x80]  }
0xb6: {  	p1 =	por !p1, !p1;
	s21 =	sor.u32 $0x100, s14;
	s23 =	simm.s32 $0x1;
	v7 =	vadd.f32 v7, v1;
	v17 =	vld [tilespmem:s20+$0x80]  }
0xb7: {  	s23 =	simm.s32 @!p1 $0x0;
	v11 =	vld [tilespmem:s21+$0x0];
	[tilespmem:s1+$0xA000] =	vst v10;
	v6 =	vadd.f32 v6, v1  }
0xb8: {  	s23 =	sshll.u32 s23, $0x6;
	v12 =	vld [tilespmem:s13+$0x0];
	[tilespmem:s11+$0xA000] =	vst v7;
	v4 =	vadd.f32 v4, v13  }
0xb9: {  	s10 =	sadd.s32 $0x100, s23;
	s18 =	sor.u32 s25, s18;
	v7 =	vld [tilespmem:s20+$0x0];
	[tilespmem:s11+$0xA080] =	vst v6;
	v14 =	vadd.f32 v14, v13  }
0xba: {  	s23 =	sadd.s32 $0x30, s10;
	v18 =	vld [tilespmem:s18+$0x0];
	v6 =	vadd.f32 v16, v2;
	[tilespmem:s17+$0xA000] =	vst v4  }
0xbb: {  	s25 =	sor.u32 $0x100, s23;
	v10 =	vadd.f32 v17, v3;
	v4 =	vadd.f32 v15, v2;
	[tilespmem:s17+$0xA080] =	vst v14;
	v15 =	vld [tilespmem:s18+$0x80]  }
0xbc: {  	s15 =	sor.u32 $0x180, s15;
	[tilespmem:s19+$0xA080] =	vst v6;
	v14 =	vld [tilespmem:s25+$0x0]  }
0xbd: {  	s6 =	simm.s32 $0x40;
	s12 =	sadd.s32 $0x10, s10;
	v11 =	vadd.f32 v11, v8;
	[tilespmem:s20+$0xA080] =	vst v10;
	v10 =	vld [tilespmem:s15+$0x0]  }
0xbe: {  	s16 =	simm.s32 $0x80;
	s26 =	sor.u32 $0x100, s12;
	v6 =	vadd.f32 v7, v3;
	[tilespmem:s19+$0xA000] =	vst v4;
	v4 =	vld [tilespmem:s6+$0x1A000]  }
0xbf: {  	s5 =	sor.u32 $0x180, s14;
	[tilespmem:s21+$0xA000] =	vst v11;
	s17 =	sadd.s32 $0x20, s10;
	s19 =	sor.u32 $0x100, s7;
	v7 =	vld [tilespmem:s26+$0x0]  }
0xc0: {  	s21 =	sand.u32 $0x380, s16;
	s14 =	sor.u32 $0x100, s17;
	[tilespmem:s20+$0xA000] =	vst v6;
	s20 =	sand.u32 $0x40, s16;
	v16 =	vld [tilespmem:s19+$0x0]  }
0xc1: {  	s16 =	sor.u32 $0x180, s23;
	s23 =	sor.u32 $0x1A000, s21;
	v11 =	vld [tilespmem:s14+$0x0];
	s29 =	sor.u32 $0x30, s20;
	v6 =	vadd.f32 v14, v13  }
0xc2: {  	s1 =	simm.s32 $0x200;
	s30 =	sor.u32 s29, s23;
	v14 =	vld [tilespmem:s5+$0x0]  }
0xc3: {  	s28 =	sand.u32 $0xE00, s1;
	v9 =	vadd.f32 v10, v9;
	[tilespmem:s25+$0xA000] =	vst v6;
	v6 =	vadd.f32 v12, v5;
	v5 =	vld [tilespmem:s30+$0x0]  }
0xc4: {  	v15 =	vadd.f32 v15, v4;
	s25 =	sor.u32 s28, s29;
	v17 =	vld [tilespmem:s16+$0x0]  }
0xc5: {  	s6 =	sor.u32 $0x10, s20;
	[tilespmem:s15+$0xA000] =	vst v9;
	v62 =	vld [tilespmem:s25+$0x0]  }
0xc6: {  	s11 =	sor.u32 s6, s23;
	v12 =	vadd.f32 v18, v4;
	v19 =	vld [tilespmem:s25+$0x80];
	[tilespmem:s18+$0xA080] =	vst v15  }
0xc7: {  	v7 =	vadd.f32 v7, v2;
	s30 =	sor.u32 s28, s6;
	[tilespmem:s13+$0xA000] =	vst v6;
	v6 =	vld [tilespmem:s11+$0x0]  }
0xc8: {  	p1 =	por !p1, !p1;
	s21 =	sor.u32 $0x20, s20;
	[tilespmem:s18+$0xA000] =	vst v12;
	v12 =	vadd.f32 v16, v1;
	s18 =	simm.s32 $0x1;
	v16 =	vld [tilespmem:s30+$0x80]  }
0xc9: {  	v11 =	vadd.f32 v11, v3;
	s29 =	sor.u32 s28, s21;
	v15 =	vld [tilespmem:s30+$0x0];
	[tilespmem:s26+$0xA000] =	vst v7;
	s18 =	simm.s32 @!p1 $0x0  }
0xca: {  	s23 =	sor.u32 s21, s23;
	v63 =	vld [tilespmem:s29+$0x0];
	[tilespmem:s19+$0xA000] =	vst v12;
	s26 =	sshll.u32 s18, $0x6;
	v12 =	vadd.f32 v62, v5  }
0xcb: {  	v7 =	vld [tilespmem:s23+$0x0];
	[tilespmem:s14+$0xA000] =	vst v11;
	s6 =	sadd.s32 $0x200, s26;
	v11 =	vadd.f32 v19, v5  }
0xcc: {  	s14 =	sor.u32 s20, s28;
	s28 =	sadd.s32 $0x30, s6;
	[tilespmem:s25+$0xA000] =	vst v12;
	v12 =	vld [tilespmem:s29+$0x80]  }
0xcd: {  	v10 =	vld [tilespmem:s14+$0x0];
	s31 =	sor.u32 $0x100, s28;
	v9 =	vadd.f32 v16, v6;
	[tilespmem:s25+$0xA080] =	vst v11  }
0xce: {  	s20 =	simm.s32 $0x80;
	v11 =	vadd.f32 v15, v6;
	v15 =	vld [tilespmem:s31+$0x0]  }
0xcf: {  	v13 =	vadd.f32 v17, v13;
	s21 =	sadd.s32 $0x10, s6;
	[tilespmem:s30+$0xA080] =	vst v9;
	v9 =	vld [tilespmem:s20+$0x1A000]  }
0xd0: {  	s7 =	sor.u32 $0x180, s7;
	v16 =	vadd.f32 v63, v7;
	s25 =	sor.u32 $0x100, s21;
	[tilespmem:s30+$0xA000] =	vst v11;
	v11 =	vld [tilespmem:s14+$0x80]  }
0xd1: {  	s15 =	sor.u32 $0x100, s10;
	s10 =	sor.u32 $0x180, s10;
	s13 =	sor.u32 $0x180, s12;
	[tilespmem:s16+$0xA000] =	vst v13;
	v13 =	vld [tilespmem:s25+$0x0];
	v17 =	vadd.f32 v12, v7  }
0xd2: {  	s12 =	sor.u32 $0x180, s17;
	v14 =	vadd.f32 v14, v8;
	s18 =	simm.s32 $0x8;
	[tilespmem:s29+$0xA000] =	vst v16;
	s30 =	sadd.s32 $0x20, s6;
	v12 =	vld [tilespmem:s15+$0x0]  }
0xd3: {  	v8 =	vld [tilespmem:s13+$0x0];
	s23 =	sor.u32 $0x100, s6;
	s19 =	sor.u32 $0x180, s21;
	s26 =	sor.u32 $0x100, s30;
	v15 =	vadd.f32 v15, v5;
	[tilespmem:s29+$0xA080] =	vst v17  }
0xd4: {  	[tilespmem:s5+$0xA000] =	vst v14;
	s16 =	sor.u32 $0x180, s6;
	s20 =	simm.s32 $0xC0;
	s17 =	sor.u32 $0x180, s30;
	v14 =	vld [tilespmem:s26+$0x0]  }
.LBB2_7:
0xd5: {  	s11 =	sand.u32 $0x40, s20;
	s29 =	sand.u32 $0x380, s20;
	v10 =	vadd.f32 v10, v9;
	v11 =	vadd.f32 v11, v9;
	[tilespmem:s31+$0xA000] =	vst v15;
	s28 =	sor.u32 $0x180, s28;
	v15 =	vld [tilespmem:s12+$0x0]  }
0xd6: {  	s1 =	sadd.s32 $0x100, s1;
	s29 =	sor.u32 $0x1A000, s29;
	s30 =	sor.u32 $0x30, s11;
	v13 =	vadd.f32 v13, v6;
	v16 =	vld [tilespmem:s28+$0x0]  }
0xd7: {  	s18 =	sadd.s32 $0x4, s18;
	s5 =	sand.u32 $0xE00, s1;
	s31 =	sor.u32 s30, s29;
	[tilespmem:s14+$0xA000] =	vst v10;
	v10 =	vadd.f32 v12, v4;
	v12 =	vld [tilespmem:s7+$0x0]  }
0xd8: {  	s6 =	sor.u32 $0x10, s11;
	p2 =	slt.u32 s18, $0x3C;
	v17 =	vld [tilespmem:s31+$0x0];
	s31 =	sor.u32 s5, s30;
	[tilespmem:s14+$0xA080] =	vst v11;
	v8 =	vadd.f32 v8, v2;
	v2 =	vmov v6  }
0xd9: {  	s21 =	sor.u32 s6, s29;
	s30 =	sor.u32 s5, s6;
	s6 =	sor.u32 $0x20, s11;
	v11 =	vld [tilespmem:s31+$0x0];
	[tilespmem:s25+$0xA000] =	vst v13;
	v13 =	vadd.f32 v14, v7  }
0xda: {  	s14 =	sor.u32 s11, s5;
	s25 =	sor.u32 s6, s29;
	s11 =	sor.u32 s5, s6;
	v14 =	vld [tilespmem:s31+$0x80];
	[tilespmem:s15+$0xA000] =	vst v10;
	v10 =	vadd.f32 v15, v3;
	v3 =	vmov v7  }
0xdb: {  	s5 =	sshra.s32 s1, $0x2;
	s15 =	smov.u32 s23;
	v6 =	vld [tilespmem:s21+$0x0];
	[tilespmem:s26+$0xA000] =	vst v13;
	v7 =	vadd.f32 v16, v5  }
0xdc: {  	p1 =	por !p1, !p1;
	s6 =	simm.s32 $0x1;
	v13 =	vld [tilespmem:s30+$0x0];
	[tilespmem:s13+$0xA000] =	vst v8;
	v8 =	vadd.f32 v12, v1;
	v1 =	vmov v4;
	v4 =	vmov v9;
	s13 =	smov.u32 s19  }
0xdd: {  	s6 =	simm.s32 @!p1 $0x0;
	v9 =	vld [tilespmem:s30+$0x80];
	[tilespmem:s28+$0xA000] =	vst v7;
	v5 =	vmov v17  }
0xde: {  	s6 =	sshll.u32 s6, $0x6;
	v7 =	vld [tilespmem:s25+$0x0];
	v11 =	vadd.f32 v11, v5;
	[tilespmem:s12+$0xA000] =	vst v10;
	s12 =	smov.u32 s17  }
0xdf: {  	s6 =	sadd.s32 s6, s1;
	v12 =	vld [tilespmem:s11+$0x0];
	v14 =	vadd.f32 v14, v5;
	[tilespmem:s7+$0xA000] =	vst v8;
	s7 =	smov.u32 s10;
	s10 =	smov.u32 s16  }
0xe0: {  	s28 =	sadd.s32 $0x30, s6;
	s17 =	sadd.s32 $0x20, s6;
	s16 =	sadd.s32 $0x10, s6;
	v8 =	vld [tilespmem:s11+$0x80];
	[tilespmem:s31+$0xA000] =	vst v11  }
0xe1: {  	s26 =	sor.u32 $0x100, s17;
	s25 =	sor.u32 $0x100, s16;
	v10 =	vld [tilespmem:s14+$0x0];
	v13 =	vadd.f32 v13, v6;
	[tilespmem:s31+$0xA080] =	vst v14;
	s31 =	sor.u32 $0x100, s28  }
0xe2: {  	s23 =	sor.u32 $0x100, s6;
	s17 =	sor.u32 $0x180, s17;
	s19 =	sor.u32 $0x180, s16;
	v14 =	vadd.f32 v9, v6;
	v15 =	vld [tilespmem:s31+$0x0]  }
0xe3: {  	s16 =	sor.u32 $0x180, s6;
	v11 =	vld [tilespmem:s14+$0x80];
	[tilespmem:s30+$0xA000] =	vst v13  }
.Ltmp4:
0xe4: {  	v9 =	vld [tilespmem:s5+$0x1A000];
	[tilespmem:s30+$0xA080] =	vst v14;
	v12 =	vadd.f32 v12, v7;
	(pc) =	sbr.rel @p2 .LBB2_7-.Ltmp4, $4  }
0xe5: {  	v13 =	vld [tilespmem:s25+$0x0];
	v8 =	vadd.f32 v8, v7  }
0xe6: {  	[tilespmem:s11+$0xA000] =	vst v12;
	v12 =	vld [tilespmem:s15+$0x0]  }
0xe7: {  	[tilespmem:s11+$0xA080] =	vst v8;
	v15 =	vadd.f32 v15, v5;
	v8 =	vld [tilespmem:s13+$0x0]  }
0xe8: {  	s20 =	sadd.s32 $0x40, s20;
	v14 =	vld [tilespmem:s26+$0x0]  }
0xe9: {  	v10 =	vadd.f32 v10, v9  }
0xea: {  	v11 =	vadd.f32 v11, v9  }
0xeb: {  	[tilespmem:s14+$0xA000] =	vst v10  }
0xec: {  	[tilespmem:s14+$0xA080] =	vst v11  }
0xed: {  	v10 =	vld [tilespmem:s23+$0x0];
	_ =	sdelay $0x1  }
0xee: {  	[tilespmem:s31+$0xA000] =	vst v15;
	v15 =	vld [tilespmem:s12+$0x0];
	v11 =	vadd.f32 v13, v6  }
0xef: {  	s1 =	sor.u32 $0x180, s28;
	v16 =	vld [tilespmem:s7+$0x0];
	v14 =	vadd.f32 v14, v7  }
0xf0: {  	v13 =	vld [tilespmem:s1+$0x0];
	v12 =	vadd.f32 v12, v4;
	[tilespmem:s25+$0xA000] =	vst v11  }
0xf1: {  	v11 =	vld [tilespmem:s19+$0x0];
	[tilespmem:s26+$0xA000] =	vst v14;
	v10 =	vadd.f32 v10, v9  }
0xf2: {  	v2 =	vadd.f32 v8, v2;
	[tilespmem:s15+$0xA000] =	vst v12;
	v8 =	vld [tilespmem:s17+$0x0]  }
0xf3: {  	v12 =	vld [tilespmem:s10+$0x0];
	v3 =	vadd.f32 v15, v3;
	[tilespmem:s23+$0xA000] =	vst v10  }
0xf4: {  	[tilespmem:s13+$0xA000] =	vst v2;
	v1 =	vadd.f32 v16, v1;
	v2 =	vld [tilespmem:s16+$0x0]  }
0xf5: {  	v5 =	vadd.f32 v13, v5;
	[tilespmem:s12+$0xA000] =	vst v3  }
0xf6: {  	[tilespmem:s7+$0xA000] =	vst v1;
	v3 =	vadd.f32 v11, v6  }
0xf7: {  	[tilespmem:s1+$0xA000] =	vst v5;
	v1 =	vadd.f32 v8, v7  }
0xf8: {  	[tilespmem:s19+$0xA000] =	vst v3;
	v3 =	vadd.f32 v12, v4  }
0xf9: {  	[tilespmem:s17+$0xA000] =	vst v1;
	v1 =	vadd.f32 v2, v9  }
0xfa: {  	[tilespmem:s10+$0xA000] =	vst v3  }
0xfb: {  	s31 =	simm.s32 $0xC040;
	[tilespmem:s16+$0xA000] =	vst v1  }
0xfc: {  	v1 =	vld [tilespmem:s31+$0x30]  }
0xfd: {  	v6 =	vld [tilespmem:s31+$0xFFFFFFD0]  }
0xfe: {  	v7 =	vld [tilespmem:s31+$0xFFFFFFE0]  }
0xff: {  	v16 =	vld [tilespmem:s31+$0x10]  }
0x100: {  	v8 =	vld [tilespmem:s31+$0xFFFFFFF0]  }
0x101: {  	v17 =	vld [tilespmem:s31+$0x20];
	_ =	sdelay $0x1  }
0x102: {  	v2 =	vand.u32 $0xFF0, v1;
	v3 =	vshll.u32 v1, $0x2;
	v18 =	vshll.u32 v6, $0x2  }
0x103: {  	v21 =	vand.u32 $0xFF0, v16;
	v22 =	vshll.u32 v7, $0x2;
	v2 =	vor.u32 v0, v2  }
0x104: {  	v14 =	vld [tilespmem:s31+$0x0];
	v24 =	vshrl.u32 v1, $0xD;
	v3 =	vand.u32 $0x3E00, v3;
	v2 =	vand.u32 $0x7F, v2  }
0x105: {  	s12 =	simm.s32 $0xE040;
	v9 =	vld [tilespmem:s31+$0xFFFFFFC0];
	v1 =	vshll.u32 v8, $0x2;
	v47 =	vand.u32 $0xFF0, v17;
	v15 =	vor.u32 v2, v3  }
0x106: {  	v20 =	vld [tilespmem:s12+$0x30];
	v49 =	vshll.u32 v17, $0x2;
	v18 =	vand.u32 $0x3E00, v18;
	v2 =	vand.u32 $0xFF0, v6  }
0x107: {  	v13 =	vld [tilespmem:s12+$0xFFFFFFC0];
	v22 =	vand.u32 $0x3E00, v22;
	v3 =	vand.u32 $0xFF0, v7;
	v4 =	vor.u32 v0, v2  }
0x108: {  	v12 =	vld [tilespmem:s12+$0xFFFFFFD0];
	v2 =	vand.u32 $0xFF0, v8;
	v5 =	vor.u32 v0, v3;
	v27 =	vand.u32 $0x7F, v4  }
0x109: {  	v11 =	vor.u32 v0, v2;
	v4 =	vld [tilespmem:s12+$0x0];
	v45 =	vand.u32 $0x7F, v5;
	v18 =	vor.u32 v27, v18  }
0x10a: {  	v1 =	vand.u32 $0x3E00, v1;
	v11 =	vand.u32 $0x7F, v11;
	v22 =	vor.u32 v45, v22;
	v10 =	vld.idx.msk [tilespmem:v15+s9+$0x0], $0xffff  }
0x10b: {  	v3 =	vand.u32 $0xFF0, v14;
	v2 =	vand.u32 $0xFF0, v9;
	v5 =	vld [tilespmem:s12+$0x10];
	v46 =	vor.u32 v11, v1  }
0x10c: {  	v19 =	vor.u32 v0, v3;
	v3 =	vshll.u32 v9, $0x2;
	v23 =	vor.u32 v0, v2;
	v2 =	vld [tilespmem:s12+$0xFFFFFFE0]  }
0x10d: {  	v26 =	vor.u32 $0x80, v15;
	v28 =	vand.u32 $0x3E00, v3;
	v3 =	vld [tilespmem:s12+$0xFFFFFFF0];
	v23 =	vand.u32 $0x7F, v23  }
0x10e: {  	v11 =	vor.u32 v0, v21;
	v21 =	vor.u32 v0, v47;
	v23 =	vor.u32 v23, v28;
	v29 =	vld.idx.msk [tilespmem:v18+s9+$0x0], $0xffff  }
0x10f: {  	v27 =	vand.u32 $0x3E00, v49;
	v21 =	vand.u32 $0x7F, v21;
	v31 =	vld.idx.msk [tilespmem:v22+s9+$0x0], $0xffff;
	v10 =	vmul.f32 v10, v20  }
0x110: {  	v25 =	vshll.u32 v14, $0x2;
	v21 =	vor.u32 v21, v27;
	v51 =	vld.idx.msk [tilespmem:v46+s9+$0x0], $0xffff  }
0x111: {  	v48 =	vshll.u32 v16, $0x2;
	v32 =	vshrl.u32 v9, $0xD;
	v9 =	vshrl.u32 v7, $0xD;
	[tilespmem:v24+s0+$0x0] =	vst.idx.add.f32.msk $0xffff, v10  }
0x112: {  	v7 =	vshrl.u32 v8, $0xD;
	v10 =	vand.u32 $0x7F, v19;
	v19 =	vand.u32 $0x3E00, v25;
	v1 =	vld.idx.msk [tilespmem:v26+s9+$0x0], $0xffff  }
0x113: {  	v11 =	vand.u32 $0x7F, v11;
	v50 =	vld.idx.msk [tilespmem:v23+s9+$0x0], $0xffff;
	v19 =	vor.u32 v10, v19;
	v26 =	vand.u32 $0x3E00, v48  }
0x114: {  	v30 =	vor.u32 $0x100, v15;
	v10 =	vld [tilespmem:s12+$0x20];
	v53 =	vmul.f32 v31, v2;
	v26 =	vor.u32 v11, v26  }
0x115: {  	v11 =	vshrl.u32 v6, $0xD;
	v6 =	vshrl.u32 v14, $0xD;
	v14 =	vld.idx.msk [tilespmem:v21+s9+$0x0], $0xffff;
	v27 =	vmul.f32 v51, v3  }
0x116: {  	[tilespmem:v9+s0+$0x0] =	vst.idx.add.f32.msk $0xffff, v53  }
0x117: {  	[tilespmem:v7+s0+$0x0] =	vst.idx.add.f32.msk $0xffff, v27;
	v1 =	vmul.f32 v1, v20  }
0x118: {  	v33 =	vld.idx.msk [tilespmem:v19+s9+$0x0], $0xffff  }
0x119: {  	v55 =	vor.u32 $0x80, v46;
	[tilespmem:v24+s2+$0x0] =	vst.idx.add.f32.msk $0xffff, v1;
	v1 =	vmul.f32 v50, v13  }
0x11a: {  	v30 =	vld.idx.msk [tilespmem:v30+s9+$0x0], $0xffff  }
0x11b: {  	v8 =	vmul.f32 v29, v12;
	[tilespmem:v32+s0+$0x0] =	vst.idx.add.f32.msk $0xffff, v1;
	v1 =	vshrl.u32 v17, $0xD  }
0x11c: {  	v54 =	vor.u32 $0x80, v23;
	v52 =	vld.idx.msk [tilespmem:v26+s9+$0x0], $0xffff  }
0x11d: {  	[tilespmem:v11+s0+$0x0] =	vst.idx.add.f32.msk $0xffff, v8;
	v8 =	vshrl.u32 v16, $0xD;
	v16 =	vmul.f32 v33, v4  }
0x11e: {  	v15 =	vor.u32 $0x180, v15;
	v29 =	vld.idx.msk [tilespmem:v55+s9+$0x0], $0xffff;
	v14 =	vmul.f32 v14, v10  }
0x11f: {  	[tilespmem:v6+s0+$0x0] =	vst.idx.add.f32.msk $0xffff, v16  }
0x120: {  	v16 =	vor.u32 $0x80, v18;
	v17 =	vmul.f32 v30, v20;
	[tilespmem:v1+s0+$0x0] =	vst.idx.add.f32.msk $0xffff, v14  }
0x121: {  	v58 =	vor.u32 $0x80, v21;
	v14 =	vld.idx.msk [tilespmem:v54+s9+$0x0], $0xffff  }
0x122: {  	v28 =	vmul.f32 v52, v5;
	[tilespmem:v24+s3+$0x0] =	vst.idx.add.f32.msk $0xffff, v17;
	v17 =	vor.u32 $0x80, v22  }
0x123: {  	v56 =	vor.u32 $0x80, v19;
	v15 =	vld.idx.msk [tilespmem:v15+s9+$0x0], $0xffff  }
0x124: {  	[tilespmem:v8+s0+$0x0] =	vst.idx.add.f32.msk $0xffff, v28  }
0x125: {  	v16 =	vld.idx.msk [tilespmem:v16+s9+$0x0], $0xffff  }
0x126: {  	v57 =	vor.u32 $0x80, v26;
	v59 =	vld.idx.msk [tilespmem:v58+s9+$0x0], $0xffff  }
0x127: {  	v14 =	vmul.f32 v14, v13;
	v17 =	vld.idx.msk [tilespmem:v17+s9+$0x0], $0xffff  }
0x128: {  	v15 =	vmul.f32 v15, v20;
	v20 =	vld.idx.msk [tilespmem:v56+s9+$0x0], $0xffff  }
0x129: {  	[tilespmem:v32+s2+$0x0] =	vst.idx.add.f32.msk $0xffff, v14  }
0x12a: {  	v16 =	vmul.f32 v16, v12;
	[tilespmem:v24+s4+$0x0] =	vst.idx.add.f32.msk $0xffff, v15  }
0x12b: {  	v60 =	vor.u32 $0x100, v23;
	v15 =	vld.idx.msk [tilespmem:v57+s9+$0x0], $0xffff;
	v24 =	vmul.f32 v59, v10  }
0x12c: {  	[tilespmem:v11+s2+$0x0] =	vst.idx.add.f32.msk $0xffff, v16;
	v16 =	vmul.f32 v29, v3  }
0x12d: {  	v14 =	vmul.f32 v17, v2;
	v17 =	vor.u32 $0x100, v18;
	[tilespmem:v1+s2+$0x0] =	vst.idx.add.f32.msk $0xffff, v24  }
0x12e: {  	[tilespmem:v7+s2+$0x0] =	vst.idx.add.f32.msk $0xffff, v16  }
0x12f: {  	v16 =	vor.u32 $0x100, v22;
	[tilespmem:v9+s2+$0x0] =	vst.idx.add.f32.msk $0xffff, v14;
	v14 =	vmul.f32 v20, v4  }
0x130: {  	v62 =	vor.u32 $0x100, v21;
	v20 =	vld.idx.msk [tilespmem:v60+s9+$0x0], $0xffff  }
0x131: {  	v61 =	vor.u32 $0x100, v19;
	[tilespmem:v6+s2+$0x0] =	vst.idx.add.f32.msk $0xffff, v14;
	v14 =	vmul.f32 v15, v5  }
0x132: {  	v15 =	vor.u32 $0x100, v46;
	v17 =	vld.idx.msk [tilespmem:v17+s9+$0x0], $0xffff  }
0x133: {  	[tilespmem:v8+s2+$0x0] =	vst.idx.add.f32.msk $0xffff, v14  }
0x134: {  	v14 =	vor.u32 $0x100, v26;
	v16 =	vld.idx.msk [tilespmem:v16+s9+$0x0], $0xffff  }
0x135: {  	v24 =	vld.idx.msk [tilespmem:v62+s9+$0x0], $0xffff  }
0x136: {  	v27 =	vld.idx.msk [tilespmem:v61+s9+$0x0], $0xffff;
	v20 =	vmul.f32 v20, v13  }
0x137: {  	v23 =	vor.u32 $0x180, v23;
	v15 =	vld.idx.msk [tilespmem:v15+s9+$0x0], $0xffff  }
0x138: {  	[tilespmem:v32+s3+$0x0] =	vst.idx.add.f32.msk $0xffff, v20;
	v17 =	vmul.f32 v17, v12  }
0x139: {  	v14 =	vld.idx.msk [tilespmem:v14+s9+$0x0], $0xffff;
	v16 =	vmul.f32 v16, v2  }
0x13a: {  	[tilespmem:v11+s3+$0x0] =	vst.idx.add.f32.msk $0xffff, v17  }
0x13b: {  	v17 =	vor.u32 $0x180, v18;
	[tilespmem:v9+s3+$0x0] =	vst.idx.add.f32.msk $0xffff, v16;
	v16 =	vmul.f32 v27, v4  }
0x13c: {  	v20 =	vld.idx.msk [tilespmem:v23+s9+$0x0], $0xffff;
	v15 =	vmul.f32 v15, v3  }
0x13d: {  	v18 =	vor.u32 $0x180, v22;
	[tilespmem:v6+s3+$0x0] =	vst.idx.add.f32.msk $0xffff, v16;
	v16 =	vmul.f32 v24, v10  }
0x13e: {  	v19 =	vor.u32 $0x180, v19;
	[tilespmem:v7+s3+$0x0] =	vst.idx.add.f32.msk $0xffff, v15  }
0x13f: {  	v14 =	vmul.f32 v14, v5;
	v15 =	vor.u32 $0x180, v46;
	[tilespmem:v1+s3+$0x0] =	vst.idx.add.f32.msk $0xffff, v16  }
0x140: {  	v63 =	vld.idx.msk [tilespmem:v17+s9+$0x0], $0xffff  }
0x141: {  	[tilespmem:v8+s3+$0x0] =	vst.idx.add.f32.msk $0xffff, v14;
	v14 =	vor.u32 $0x180, v26  }
0x142: {  	p1 =	por $0x1, $0x1;
	v21 =	vor.u32 $0x180, v21;
	v18 =	vld.idx.msk [tilespmem:v18+s9+$0x0], $0xffff  }
.Ltmp5:
0x143: {  	v16 =	vld.idx.msk [tilespmem:v19+s9+$0x0], $0xffff;
	v19 =	vmul.f32 v20, v13;
	(pc) =	sbr.rel @!p1 .LBB2_9-.Ltmp5, $4  }
0x144: {  	v17 =	vld.idx.msk [tilespmem:v15+s9+$0x0], $0xffff  }
0x145: {  	[tilespmem:v32+s4+$0x0] =	vst.idx.add.f32.msk $0xffff, v19  }
0x146: {  	s13 =	simm.s32 $0xC0C0;
	v13 =	vld.idx.msk [tilespmem:v14+s9+$0x0], $0xffff  }
0x147: {  	s7 =	simm.s32 $0x12040;
	s1 =	simm.s32 $0x10040;
	s10 =	simm.s32 $0x0;
	v15 =	vld.idx.msk [tilespmem:v21+s9+$0x0], $0xffff;
	v12 =	vmul.f32 v63, v12  }
.LBB2_10:
0x148: {  	v14 =	vld [tilespmem:s13+$0x30];
	s10 =	sadd.s32 $0x8, s10;
	v2 =	vmul.f32 v18, v2  }
0x149: {  	v3 =	vmul.f32 v17, v3;
	v18 =	vld [tilespmem:s13+$0xFFFFFFD0];
	p1 =	slt.u32 s10, $0x1F8  }
0x14a: {  	v4 =	vmul.f32 v16, v4;
	v17 =	vld [tilespmem:s13+$0xFFFFFFE0]  }
0x14b: {  	v5 =	vmul.f32 v13, v5;
	v16 =	vld [tilespmem:s13+$0xFFFFFFF0]  }
0x14c: {  	v20 =	vmul.f32 v15, v10;
	v19 =	vld [tilespmem:s13+$0x0]  }
0x14d: {  	v21 =	vld [tilespmem:s13+$0x10];
	v10 =	vand.u32 $0xFF0, v14  }
0x14e: {  	v15 =	vshll.u32 v14, $0x2;
	v13 =	vand.u32 $0xFF0, v18;
	v22 =	vld [tilespmem:s13+$0x20];
	v10 =	vor.u32 v0, v10  }
0x14f: {  	v15 =	vand.u32 $0x3E00, v15;
	v23 =	vld [tilespmem:s13+$0xFFFFFFC0];
	v24 =	vand.u32 $0xFF0, v17;
	v10 =	vand.u32 $0x7F, v10  }
0x150: {  	v25 =	vor.u32 v0, v13;
	v13 =	vand.u32 $0xFF0, v16;
	v15 =	vor.u32 v10, v15;
	[tilespmem:v11+s4+$0x0] =	vst.idx.add.f32.msk $0xffff, v12  }
0x151: {  	v10 =	vor.u32 v0, v24;
	v11 =	vor.u32 v0, v13;
	v12 =	vand.u32 $0xFF0, v19;
	[tilespmem:v9+s4+$0x0] =	vst.idx.add.f32.msk $0xffff, v2  }
0x152: {  	v9 =	vshll.u32 v18, $0x2;
	v2 =	vor.u32 v0, v12;
	v12 =	vand.u32 $0xFF0, v21;
	[tilespmem:v7+s4+$0x0] =	vst.idx.add.f32.msk $0xffff, v3  }
0x153: {  	v3 =	vshll.u32 v17, $0x2;
	v7 =	vor.u32 v0, v12;
	v12 =	vand.u32 $0xFF0, v22;
	[tilespmem:v6+s4+$0x0] =	vst.idx.add.f32.msk $0xffff, v4  }
0x154: {  	v4 =	vand.u32 $0xFF0, v23;
	v6 =	vshll.u32 v23, $0x2;
	v24 =	vor.u32 v0, v12;
	[tilespmem:v8+s4+$0x0] =	vst.idx.add.f32.msk $0xffff, v5  }
0x155: {  	s12 =	sadd.s32 $0x80, s12;
	v5 =	vshll.u32 v16, $0x2;
	v8 =	vshll.u32 v19, $0x2;
	v4 =	vor.u32 v0, v4;
	v26 =	vld.idx.msk [tilespmem:v15+s9+$0x0], $0xffff  }
0x156: {  	v28 =	vshll.u32 v21, $0x2;
	v29 =	vshll.u32 v22, $0x2;
	v27 =	vand.u32 $0x7F, v4;
	v30 =	vld [tilespmem:s12+$0x30]  }
0x157: {  	v25 =	vand.u32 $0x7F, v25;
	v10 =	vand.u32 $0x7F, v10;
	v11 =	vand.u32 $0x7F, v11;
	v13 =	vld [tilespmem:s12+$0xFFFFFFC0]  }
0x158: {  	v32 =	vshrl.u32 v14, $0xD;
	v31 =	vand.u32 $0x7F, v2;
	v7 =	vand.u32 $0x7F, v7;
	v12 =	vld [tilespmem:s12+$0xFFFFFFD0]  }
0x159: {  	v33 =	vor.u32 $0x80, v15;
	v6 =	vand.u32 $0x3E00, v6;
	v24 =	vand.u32 $0x7F, v24;
	v2 =	vld [tilespmem:s12+$0xFFFFFFE0]  }
0x15a: {  	v9 =	vand.u32 $0x3E00, v9;
	v34 =	vand.u32 $0x3E00, v3;
	v35 =	vand.u32 $0x3E00, v5;
	v3 =	vld [tilespmem:s12+$0xFFFFFFF0]  }
0x15b: {  	v28 =	vand.u32 $0x3E00, v28;
	v8 =	vand.u32 $0x3E00, v8;
	v4 =	vld [tilespmem:s12+$0x0];
	v26 =	vmul.f32 v26, v30  }
0x15c: {  	v25 =	vor.u32 v25, v9;
	v27 =	vor.u32 v27, v6;
	v6 =	vand.u32 $0x3E00, v29;
	v5 =	vld [tilespmem:s12+$0x10]  }
0x15d: {  	v14 =	vshrl.u32 v23, $0xD;
	v23 =	vor.u32 v10, v34;
	v29 =	vor.u32 v11, v35;
	[tilespmem:v32+s0+$0x0] =	vst.idx.add.f32.msk $0xffff, v26  }
0x15e: {  	v28 =	vor.u32 v7, v28;
	v24 =	vor.u32 v24, v6;
	v26 =	vor.u32 v31, v8;
	v31 =	vld.idx.msk [tilespmem:v33+s9+$0x0], $0xffff  }
0x15f: {  	v9 =	vshrl.u32 v17, $0xD;
	v7 =	vshrl.u32 v16, $0xD;
	v11 =	vshrl.u32 v18, $0xD;
	v10 =	vld [tilespmem:s12+$0x20]  }
0x160: {  	v6 =	vshrl.u32 v19, $0xD;
	v8 =	vshrl.u32 v21, $0xD;
	[tilespmem:v1+s4+$0x0] =	vst.idx.add.f32.msk $0xffff, v20;
	v1 =	vshrl.u32 v22, $0xD  }
0x161: {  	v18 =	vor.u32 $0x80, v25;
	v17 =	vor.u32 $0x80, v27;
	v19 =	vor.u32 $0x80, v23;
	v16 =	vld.idx.msk [tilespmem:v27+s9+$0x0], $0xffff  }
0x162: {  	v21 =	vor.u32 $0x80, v29;
	v33 =	vor.u32 $0x100, v15;
	v22 =	vor.u32 $0x80, v26;
	v20 =	vld.idx.msk [tilespmem:v25+s9+$0x0], $0xffff  }
0x163: {  	v36 =	vor.u32 $0x80, v28;
	v34 =	vor.u32 $0x100, v27;
	v37 =	vor.u32 $0x80, v24;
	v35 =	vld.idx.msk [tilespmem:v23+s9+$0x0], $0xffff  }
0x164: {  	v38 =	vor.u32 $0x100, v25;
	v39 =	vor.u32 $0x100, v23;
	v31 =	vmul.f32 v31, v30;
	v40 =	vld.idx.msk [tilespmem:v29+s9+$0x0], $0xffff  }
0x165: {  	v44 =	vor.u32 $0x100, v28;
	v41 =	vor.u32 $0x100, v29;
	v43 =	vor.u32 $0x100, v26;
	v42 =	vld.idx.msk [tilespmem:v26+s9+$0x0], $0xffff  }
0x166: {  	v45 =	vor.u32 $0x100, v24;
	v27 =	vor.u32 $0x180, v27;
	v25 =	vor.u32 $0x180, v25;
	[tilespmem:v32+s2+$0x0] =	vst.idx.add.f32.msk $0xffff, v31  }
0x167: {  	v23 =	vor.u32 $0x180, v23;
	v29 =	vor.u32 $0x180, v29;
	v16 =	vmul.f32 v16, v13;
	v31 =	vld.idx.msk [tilespmem:v33+s9+$0x0], $0xffff  }
0x168: {  	v26 =	vor.u32 $0x180, v26;
	v20 =	vmul.f32 v20, v12;
	v33 =	vld.idx.msk [tilespmem:v28+s9+$0x0], $0xffff;
	v28 =	vor.u32 $0x180, v28  }
0x169: {  	v35 =	vmul.f32 v35, v2;
	v46 =	vld.idx.msk [tilespmem:v24+s9+$0x0], $0xffff;
	v24 =	vor.u32 $0x180, v24  }
0x16a: {  	[tilespmem:v14+s0+$0x0] =	vst.idx.add.f32.msk $0xffff, v16;
	v16 =	vmul.f32 v40, v3  }
0x16b: {  	v15 =	vor.u32 $0x180, v15;
	[tilespmem:v11+s0+$0x0] =	vst.idx.add.f32.msk $0xffff, v20;
	v20 =	vmul.f32 v42, v4  }
0x16c: {  	[tilespmem:v9+s0+$0x0] =	vst.idx.add.f32.msk $0xffff, v35  }
0x16d: {  	[tilespmem:v7+s0+$0x0] =	vst.idx.add.f32.msk $0xffff, v16;
	v16 =	vmul.f32 v31, v30  }
0x16e: {  	[tilespmem:v6+s0+$0x0] =	vst.idx.add.f32.msk $0xffff, v20;
	v20 =	vmul.f32 v33, v5  }
0x16f: {  	v31 =	vmul.f32 v46, v10;
	[tilespmem:v32+s3+$0x0] =	vst.idx.add.f32.msk $0xffff, v16  }
0x170: {  	v15 =	vld.idx.msk [tilespmem:v15+s9+$0x0], $0xffff  }
0x171: {  	[tilespmem:v8+s0+$0x0] =	vst.idx.add.f32.msk $0xffff, v20  }
0x172: {  	[tilespmem:v1+s0+$0x0] =	vst.idx.add.f32.msk $0xffff, v31  }
0x173: {  	v16 =	vld.idx.msk [tilespmem:v17+s9+$0x0], $0xffff  }
0x174: {  	v17 =	vld.idx.msk [tilespmem:v18+s9+$0x0], $0xffff  }
0x175: {  	v18 =	vld.idx.msk [tilespmem:v19+s9+$0x0], $0xffff  }
0x176: {  	v15 =	vmul.f32 v15, v30;
	v19 =	vld.idx.msk [tilespmem:v21+s9+$0x0], $0xffff  }
0x177: {  	v20 =	vld.idx.msk [tilespmem:v22+s9+$0x0], $0xffff  }
0x178: {  	[tilespmem:v32+s4+$0x0] =	vst.idx.add.f32.msk $0xffff, v15  }
0x179: {  	v15 =	vmul.f32 v16, v13;
	v16 =	vld.idx.msk [tilespmem:v36+s9+$0x0], $0xffff  }
0x17a: {  	v17 =	vmul.f32 v17, v12;
	v21 =	vld.idx.msk [tilespmem:v37+s9+$0x0], $0xffff  }
0x17b: {  	[tilespmem:v14+s2+$0x0] =	vst.idx.add.f32.msk $0xffff, v15;
	v15 =	vmul.f32 v18, v2  }
0x17c: {  	[tilespmem:v11+s2+$0x0] =	vst.idx.add.f32.msk $0xffff, v17;
	v17 =	vmul.f32 v19, v3  }
0x17d: {  	[tilespmem:v9+s2+$0x0] =	vst.idx.add.f32.msk $0xffff, v15;
	v15 =	vmul.f32 v20, v4  }
0x17e: {  	[tilespmem:v7+s2+$0x0] =	vst.idx.add.f32.msk $0xffff, v17  }
0x17f: {  	[tilespmem:v6+s2+$0x0] =	vst.idx.add.f32.msk $0xffff, v15;
	v15 =	vmul.f32 v16, v5  }
0x180: {  	v17 =	vmul.f32 v21, v10;
	v16 =	vld.idx.msk [tilespmem:v34+s9+$0x0], $0xffff  }
0x181: {  	[tilespmem:v8+s2+$0x0] =	vst.idx.add.f32.msk $0xffff, v15  }
0x182: {  	[tilespmem:v1+s2+$0x0] =	vst.idx.add.f32.msk $0xffff, v17  }
0x183: {  	v15 =	vld.idx.msk [tilespmem:v38+s9+$0x0], $0xffff  }
0x184: {  	v17 =	vld.idx.msk [tilespmem:v39+s9+$0x0], $0xffff  }
0x185: {  	v18 =	vld.idx.msk [tilespmem:v41+s9+$0x0], $0xffff  }
0x186: {  	v16 =	vmul.f32 v16, v13;
	v19 =	vld.idx.msk [tilespmem:v43+s9+$0x0], $0xffff  }
0x187: {  	v20 =	vld.idx.msk [tilespmem:v44+s9+$0x0], $0xffff  }
0x188: {  	v21 =	vld.idx.msk [tilespmem:v45+s9+$0x0], $0xffff  }
0x189: {  	v15 =	vmul.f32 v15, v12;
	[tilespmem:v14+s3+$0x0] =	vst.idx.add.f32.msk $0xffff, v16  }
0x18a: {  	v17 =	vmul.f32 v17, v2;
	v16 =	vld.idx.msk [tilespmem:v27+s9+$0x0], $0xffff  }
0x18b: {  	[tilespmem:v11+s3+$0x0] =	vst.idx.add.f32.msk $0xffff, v15;
	v15 =	vmul.f32 v18, v3  }
0x18c: {  	[tilespmem:v9+s3+$0x0] =	vst.idx.add.f32.msk $0xffff, v17;
	v17 =	vmul.f32 v19, v4  }
0x18d: {  	[tilespmem:v7+s3+$0x0] =	vst.idx.add.f32.msk $0xffff, v15;
	v15 =	vmul.f32 v20, v5  }
0x18e: {  	[tilespmem:v6+s3+$0x0] =	vst.idx.add.f32.msk $0xffff, v17;
	v17 =	vmul.f32 v21, v10  }
0x18f: {  	[tilespmem:v8+s3+$0x0] =	vst.idx.add.f32.msk $0xffff, v15  }
0x190: {  	v19 =	vmul.f32 v16, v13;
	[tilespmem:v1+s3+$0x0] =	vst.idx.add.f32.msk $0xffff, v17  }
0x191: {  	v20 =	vld.idx.msk [tilespmem:v25+s9+$0x0], $0xffff  }
0x192: {  	v18 =	vld.idx.msk [tilespmem:v23+s9+$0x0], $0xffff  }
.Ltmp6:
0x193: {  	v17 =	vld.idx.msk [tilespmem:v29+s9+$0x0], $0xffff;
	(pc) =	sbr.rel @p1 .LBB2_10-.Ltmp6, $4  }
0x194: {  	v16 =	vld.idx.msk [tilespmem:v26+s9+$0x0], $0xffff  }
0x195: {  	v13 =	vld.idx.msk [tilespmem:v28+s9+$0x0], $0xffff  }
0x196: {  	v15 =	vld.idx.msk [tilespmem:v24+s9+$0x0], $0xffff  }
0x197: {  	s13 =	sadd.s32 $0x80, s13;
	v12 =	vmul.f32 v20, v12;
	[tilespmem:v14+s4+$0x0] =	vst.idx.add.f32.msk $0xffff, v19  }
0x198: {  	s29 =	simm.s32 $0x400;
	s5 =	simm.s32 $0x6000  }
0x199: {  	s6 =	simm.s32 $0x7000;
	s11 =	simm.s32 $0x9000;
	s30 =	rddreg [dreg:$0x15]  }
.LBB2_12:
0x19a: {  	_ =	sdelay $0x2  }
0x19b: {  	v2 =	vmul.f32 v18, v2  }
0x19c: {  	v3 =	vmul.f32 v17, v3;
	[tilespmem:v11+s4+$0x0] =	vst.idx.add.f32.msk $0xffff, v12  }
0x19d: {  	v4 =	vmul.f32 v16, v4;
	[tilespmem:v9+s4+$0x0] =	vst.idx.add.f32.msk $0xffff, v2  }
0x19e: {  	v2 =	vmul.f32 v13, v5;
	[tilespmem:v7+s4+$0x0] =	vst.idx.add.f32.msk $0xffff, v3  }
0x19f: {  	v3 =	vmul.f32 v15, v10;
	[tilespmem:v6+s4+$0x0] =	vst.idx.add.f32.msk $0xffff, v4  }
0x1a0: {  	[tilespmem:v8+s4+$0x0] =	vst.idx.add.f32.msk $0xffff, v2  }
0x1a1: {  	[tilespmem:v1+s4+$0x0] =	vst.idx.add.f32.msk $0xffff, v3  }
0x1a2: {  	v1 =	vld [tilespmem:s1+$0x30]  }
0x1a3: {  	v6 =	vld [tilespmem:s1+$0xFFFFFFD0]  }
0x1a4: {  	v7 =	vld [tilespmem:s1+$0xFFFFFFE0]  }
0x1a5: {  	v16 =	vld [tilespmem:s1+$0x10]  }
0x1a6: {  	v8 =	vld [tilespmem:s1+$0xFFFFFFF0]  }
0x1a7: {  	v17 =	vld [tilespmem:s1+$0x20];
	_ =	sdelay $0x1  }
0x1a8: {  	v2 =	vand.u32 $0xFF0, v1;
	v3 =	vshll.u32 v1, $0x2;
	v18 =	vshll.u32 v6, $0x2  }
0x1a9: {  	v21 =	vand.u32 $0xFF0, v16;
	v22 =	vshll.u32 v7, $0x2;
	v2 =	vor.u32 v0, v2  }
0x1aa: {  	v14 =	vld [tilespmem:s1+$0x0];
	v24 =	vshrl.u32 v1, $0xD;
	v3 =	vand.u32 $0x3E00, v3;
	v2 =	vand.u32 $0x7F, v2  }
0x1ab: {  	v9 =	vld [tilespmem:s1+$0xFFFFFFC0];
	v1 =	vshll.u32 v8, $0x2;
	v47 =	vand.u32 $0xFF0, v17;
	v15 =	vor.u32 v2, v3  }
0x1ac: {  	v20 =	vld [tilespmem:s7+$0x30];
	v49 =	vshll.u32 v17, $0x2;
	v18 =	vand.u32 $0x3E00, v18;
	v2 =	vand.u32 $0xFF0, v6  }
0x1ad: {  	v13 =	vld [tilespmem:s7+$0xFFFFFFC0];
	v22 =	vand.u32 $0x3E00, v22;
	v3 =	vand.u32 $0xFF0, v7;
	v4 =	vor.u32 v0, v2  }
0x1ae: {  	v12 =	vld [tilespmem:s7+$0xFFFFFFD0];
	v2 =	vand.u32 $0xFF0, v8;
	v5 =	vor.u32 v0, v3;
	v27 =	vand.u32 $0x7F, v4  }
0x1af: {  	v11 =	vor.u32 v0, v2;
	v4 =	vld [tilespmem:s7+$0x0];
	v45 =	vand.u32 $0x7F, v5;
	v18 =	vor.u32 v27, v18  }
0x1b0: {  	v1 =	vand.u32 $0x3E00, v1;
	v11 =	vand.u32 $0x7F, v11;
	v22 =	vor.u32 v45, v22;
	v10 =	vld.idx.msk [tilespmem:v15+s9+$0x0], $0xffff  }
0x1b1: {  	v3 =	vand.u32 $0xFF0, v14;
	v2 =	vand.u32 $0xFF0, v9;
	v5 =	vld [tilespmem:s7+$0x10];
	v46 =	vor.u32 v11, v1  }
0x1b2: {  	v19 =	vor.u32 v0, v3;
	v3 =	vshll.u32 v9, $0x2;
	v23 =	vor.u32 v0, v2;
	v2 =	vld [tilespmem:s7+$0xFFFFFFE0]  }
0x1b3: {  	v26 =	vor.u32 $0x80, v15;
	v28 =	vand.u32 $0x3E00, v3;
	v3 =	vld [tilespmem:s7+$0xFFFFFFF0];
	v23 =	vand.u32 $0x7F, v23  }
0x1b4: {  	v11 =	vor.u32 v0, v21;
	v21 =	vor.u32 v0, v47;
	v23 =	vor.u32 v23, v28;
	v29 =	vld.idx.msk [tilespmem:v18+s9+$0x0], $0xffff  }
0x1b5: {  	v27 =	vand.u32 $0x3E00, v49;
	v21 =	vand.u32 $0x7F, v21;
	v31 =	vld.idx.msk [tilespmem:v22+s9+$0x0], $0xffff;
	v10 =	vmul.f32 v10, v20  }
0x1b6: {  	v25 =	vshll.u32 v14, $0x2;
	v21 =	vor.u32 v21, v27;
	v51 =	vld.idx.msk [tilespmem:v46+s9+$0x0], $0xffff  }
0x1b7: {  	v48 =	vshll.u32 v16, $0x2;
	v32 =	vshrl.u32 v9, $0xD;
	v9 =	vshrl.u32 v7, $0xD;
	[tilespmem:v24+s5+$0x0] =	vst.idx.add.f32.msk $0xffff, v10  }
0x1b8: {  	v7 =	vshrl.u32 v8, $0xD;
	v10 =	vand.u32 $0x7F, v19;
	v19 =	vand.u32 $0x3E00, v25;
	v1 =	vld.idx.msk [tilespmem:v26+s9+$0x0], $0xffff  }
0x1b9: {  	v11 =	vand.u32 $0x7F, v11;
	v50 =	vld.idx.msk [tilespmem:v23+s9+$0x0], $0xffff;
	v19 =	vor.u32 v10, v19;
	v26 =	vand.u32 $0x3E00, v48  }
0x1ba: {  	v30 =	vor.u32 $0x100, v15;
	v10 =	vld [tilespmem:s7+$0x20];
	v53 =	vmul.f32 v31, v2;
	v26 =	vor.u32 v11, v26  }
0x1bb: {  	v11 =	vshrl.u32 v6, $0xD;
	v6 =	vshrl.u32 v14, $0xD;
	v14 =	vld.idx.msk [tilespmem:v21+s9+$0x0], $0xffff;
	v27 =	vmul.f32 v51, v3  }
0x1bc: {  	[tilespmem:v9+s5+$0x0] =	vst.idx.add.f32.msk $0xffff, v53  }
0x1bd: {  	[tilespmem:v7+s5+$0x0] =	vst.idx.add.f32.msk $0xffff, v27;
	v1 =	vmul.f32 v1, v20  }
0x1be: {  	v33 =	vld.idx.msk [tilespmem:v19+s9+$0x0], $0xffff  }
0x1bf: {  	v55 =	vor.u32 $0x80, v46;
	[tilespmem:v24+s6+$0x0] =	vst.idx.add.f32.msk $0xffff, v1;
	v1 =	vmul.f32 v50, v13  }
0x1c0: {  	v30 =	vld.idx.msk [tilespmem:v30+s9+$0x0], $0xffff  }
0x1c1: {  	v8 =	vmul.f32 v29, v12;
	[tilespmem:v32+s5+$0x0] =	vst.idx.add.f32.msk $0xffff, v1;
	v1 =	vshrl.u32 v17, $0xD  }
0x1c2: {  	v54 =	vor.u32 $0x80, v23;
	v52 =	vld.idx.msk [tilespmem:v26+s9+$0x0], $0xffff  }
0x1c3: {  	[tilespmem:v11+s5+$0x0] =	vst.idx.add.f32.msk $0xffff, v8;
	v8 =	vshrl.u32 v16, $0xD;
	v16 =	vmul.f32 v33, v4  }
0x1c4: {  	v15 =	vor.u32 $0x180, v15;
	v29 =	vld.idx.msk [tilespmem:v55+s9+$0x0], $0xffff;
	v14 =	vmul.f32 v14, v10  }
0x1c5: {  	[tilespmem:v6+s5+$0x0] =	vst.idx.add.f32.msk $0xffff, v16  }
0x1c6: {  	v16 =	vor.u32 $0x80, v18;
	v17 =	vmul.f32 v30, v20;
	[tilespmem:v1+s5+$0x0] =	vst.idx.add.f32.msk $0xffff, v14  }
0x1c7: {  	s17 =	simm.s32 $0x8000;
	v58 =	vor.u32 $0x80, v21;
	v14 =	vld.idx.msk [tilespmem:v54+s9+$0x0], $0xffff  }
0x1c8: {  	v28 =	vmul.f32 v52, v5;
	[tilespmem:v24+s17+$0x0] =	vst.idx.add.f32.msk $0xffff, v17;
	v17 =	vor.u32 $0x80, v22  }
0x1c9: {  	v56 =	vor.u32 $0x80, v19;
	v15 =	vld.idx.msk [tilespmem:v15+s9+$0x0], $0xffff  }
0x1ca: {  	[tilespmem:v8+s5+$0x0] =	vst.idx.add.f32.msk $0xffff, v28  }
0x1cb: {  	v16 =	vld.idx.msk [tilespmem:v16+s9+$0x0], $0xffff  }
0x1cc: {  	v57 =	vor.u32 $0x80, v26;
	v59 =	vld.idx.msk [tilespmem:v58+s9+$0x0], $0xffff  }
0x1cd: {  	v14 =	vmul.f32 v14, v13;
	v17 =	vld.idx.msk [tilespmem:v17+s9+$0x0], $0xffff  }
0x1ce: {  	v15 =	vmul.f32 v15, v20;
	v20 =	vld.idx.msk [tilespmem:v56+s9+$0x0], $0xffff  }
0x1cf: {  	[tilespmem:v32+s6+$0x0] =	vst.idx.add.f32.msk $0xffff, v14  }
0x1d0: {  	v16 =	vmul.f32 v16, v12;
	[tilespmem:v24+s11+$0x0] =	vst.idx.add.f32.msk $0xffff, v15  }
0x1d1: {  	v60 =	vor.u32 $0x100, v23;
	v15 =	vld.idx.msk [tilespmem:v57+s9+$0x0], $0xffff;
	v24 =	vmul.f32 v59, v10  }
0x1d2: {  	[tilespmem:v11+s6+$0x0] =	vst.idx.add.f32.msk $0xffff, v16;
	v16 =	vmul.f32 v29, v3  }
0x1d3: {  	v14 =	vmul.f32 v17, v2;
	v17 =	vor.u32 $0x100, v18;
	[tilespmem:v1+s6+$0x0] =	vst.idx.add.f32.msk $0xffff, v24  }
0x1d4: {  	[tilespmem:v7+s6+$0x0] =	vst.idx.add.f32.msk $0xffff, v16  }
0x1d5: {  	v16 =	vor.u32 $0x100, v22;
	[tilespmem:v9+s6+$0x0] =	vst.idx.add.f32.msk $0xffff, v14;
	v14 =	vmul.f32 v20, v4  }
0x1d6: {  	v62 =	vor.u32 $0x100, v21;
	v20 =	vld.idx.msk [tilespmem:v60+s9+$0x0], $0xffff  }
0x1d7: {  	v61 =	vor.u32 $0x100, v19;
	[tilespmem:v6+s6+$0x0] =	vst.idx.add.f32.msk $0xffff, v14;
	v14 =	vmul.f32 v15, v5  }
0x1d8: {  	v15 =	vor.u32 $0x100, v46;
	v17 =	vld.idx.msk [tilespmem:v17+s9+$0x0], $0xffff  }
0x1d9: {  	[tilespmem:v8+s6+$0x0] =	vst.idx.add.f32.msk $0xffff, v14  }
0x1da: {  	v14 =	vor.u32 $0x100, v26;
	v16 =	vld.idx.msk [tilespmem:v16+s9+$0x0], $0xffff  }
0x1db: {  	v24 =	vld.idx.msk [tilespmem:v62+s9+$0x0], $0xffff  }
0x1dc: {  	v27 =	vld.idx.msk [tilespmem:v61+s9+$0x0], $0xffff;
	v20 =	vmul.f32 v20, v13  }
0x1dd: {  	v23 =	vor.u32 $0x180, v23;
	v15 =	vld.idx.msk [tilespmem:v15+s9+$0x0], $0xffff  }
0x1de: {  	[tilespmem:v32+s17+$0x0] =	vst.idx.add.f32.msk $0xffff, v20;
	v17 =	vmul.f32 v17, v12  }
0x1df: {  	v14 =	vld.idx.msk [tilespmem:v14+s9+$0x0], $0xffff;
	v16 =	vmul.f32 v16, v2  }
0x1e0: {  	[tilespmem:v11+s17+$0x0] =	vst.idx.add.f32.msk $0xffff, v17  }
0x1e1: {  	v17 =	vor.u32 $0x180, v18;
	[tilespmem:v9+s17+$0x0] =	vst.idx.add.f32.msk $0xffff, v16;
	v16 =	vmul.f32 v27, v4  }
0x1e2: {  	v20 =	vld.idx.msk [tilespmem:v23+s9+$0x0], $0xffff;
	v15 =	vmul.f32 v15, v3  }
0x1e3: {  	v18 =	vor.u32 $0x180, v22;
	[tilespmem:v6+s17+$0x0] =	vst.idx.add.f32.msk $0xffff, v16;
	v16 =	vmul.f32 v24, v10  }
0x1e4: {  	[tilespmem:v7+s17+$0x0] =	vst.idx.add.f32.msk $0xffff, v15;
	v15 =	vor.u32 $0x180, v46  }
0x1e5: {  	v19 =	vor.u32 $0x180, v19;
	v14 =	vmul.f32 v14, v5;
	[tilespmem:v1+s17+$0x0] =	vst.idx.add.f32.msk $0xffff, v16  }
0x1e6: {  	v16 =	vor.u32 $0x180, v21;
	v63 =	vld.idx.msk [tilespmem:v17+s9+$0x0], $0xffff  }
0x1e7: {  	[tilespmem:v8+s17+$0x0] =	vst.idx.add.f32.msk $0xffff, v14;
	v14 =	vor.u32 $0x180, v26  }
0x1e8: {  	p1 =	por $0x1, $0x1;
	v18 =	vld.idx.msk [tilespmem:v18+s9+$0x0], $0xffff  }
.Ltmp7:
0x1e9: {  	v17 =	vld.idx.msk [tilespmem:v15+s9+$0x0], $0xffff;
	(pc) =	sbr.rel @!p1 .LBB2_13-.Ltmp7, $4  }
0x1ea: {  	v15 =	vld.idx.msk [tilespmem:v19+s9+$0x0], $0xffff  }
0x1eb: {  	v19 =	vmul.f32 v20, v13;
	v16 =	vld.idx.msk [tilespmem:v16+s9+$0x0], $0xffff  }
0x1ec: {  	s10 =	simm.s32 $0x0;
	s14 =	simm.s32 $0xFFFFFFFC;
	v13 =	vld.idx.msk [tilespmem:v14+s9+$0x0], $0xffff  }
0x1ed: {  	s12 =	simm.s32 $0x19020;
	s19 =	simm.s32 $0x4000;
	s1 =	sadd.s32 $0x80, s1;
	v12 =	vmul.f32 v63, v12;
	[tilespmem:v32+s11+$0x0] =	vst.idx.add.f32.msk $0xffff, v19  }
.LBB2_14:
0x1ee: {  	v14 =	vld [tilespmem:s1+$0x30];
	s10 =	sadd.s32 $0x8, s10;
	v2 =	vmul.f32 v18, v2  }
0x1ef: {  	v3 =	vmul.f32 v17, v3;
	v18 =	vld [tilespmem:s1+$0xFFFFFFD0];
	p1 =	slt.u32 s10, $0x1F8  }
0x1f0: {  	v4 =	vmul.f32 v15, v4;
	v17 =	vld [tilespmem:s1+$0xFFFFFFE0]  }
0x1f1: {  	v5 =	vmul.f32 v13, v5;
	v19 =	vld [tilespmem:s1+$0xFFFFFFF0]  }
0x1f2: {  	v16 =	vmul.f32 v16, v10;
	v20 =	vld [tilespmem:s1+$0x0]  }
0x1f3: {  	v21 =	vld [tilespmem:s1+$0x10];
	v10 =	vand.u32 $0xFF0, v14  }
0x1f4: {  	v15 =	vshll.u32 v14, $0x2;
	v13 =	vand.u32 $0xFF0, v18;
	v22 =	vld [tilespmem:s1+$0x20];
	v10 =	vor.u32 v0, v10  }
0x1f5: {  	v15 =	vand.u32 $0x3E00, v15;
	v23 =	vld [tilespmem:s1+$0xFFFFFFC0];
	v24 =	vand.u32 $0xFF0, v17;
	v10 =	vand.u32 $0x7F, v10  }
0x1f6: {  	v25 =	vor.u32 v0, v13;
	v13 =	vand.u32 $0xFF0, v19;
	v15 =	vor.u32 v10, v15;
	[tilespmem:v11+s11+$0x0] =	vst.idx.add.f32.msk $0xffff, v12  }
0x1f7: {  	v10 =	vor.u32 v0, v24;
	v11 =	vor.u32 v0, v13;
	v12 =	vand.u32 $0xFF0, v20;
	[tilespmem:v9+s11+$0x0] =	vst.idx.add.f32.msk $0xffff, v2  }
0x1f8: {  	v9 =	vshll.u32 v18, $0x2;
	v2 =	vor.u32 v0, v12;
	v12 =	vand.u32 $0xFF0, v21;
	[tilespmem:v7+s11+$0x0] =	vst.idx.add.f32.msk $0xffff, v3  }
0x1f9: {  	v3 =	vshll.u32 v17, $0x2;
	v7 =	vor.u32 v0, v12;
	v12 =	vand.u32 $0xFF0, v22;
	[tilespmem:v6+s11+$0x0] =	vst.idx.add.f32.msk $0xffff, v4  }
0x1fa: {  	v4 =	vand.u32 $0xFF0, v23;
	v6 =	vshll.u32 v23, $0x2;
	v24 =	vor.u32 v0, v12;
	[tilespmem:v8+s11+$0x0] =	vst.idx.add.f32.msk $0xffff, v5  }
0x1fb: {  	s7 =	sadd.s32 $0x80, s7;
	v5 =	vshll.u32 v19, $0x2;
	v8 =	vshll.u32 v20, $0x2;
	v4 =	vor.u32 v0, v4;
	v26 =	vld.idx.msk [tilespmem:v15+s9+$0x0], $0xffff  }
0x1fc: {  	v28 =	vshll.u32 v21, $0x2;
	v29 =	vshll.u32 v22, $0x2;
	v27 =	vand.u32 $0x7F, v4;
	v30 =	vld [tilespmem:s7+$0x30]  }
0x1fd: {  	v25 =	vand.u32 $0x7F, v25;
	v10 =	vand.u32 $0x7F, v10;
	v11 =	vand.u32 $0x7F, v11;
	v13 =	vld [tilespmem:s7+$0xFFFFFFC0]  }
0x1fe: {  	v32 =	vshrl.u32 v14, $0xD;
	v31 =	vand.u32 $0x7F, v2;
	v7 =	vand.u32 $0x7F, v7;
	v12 =	vld [tilespmem:s7+$0xFFFFFFD0]  }
0x1ff: {  	v33 =	vor.u32 $0x80, v15;
	v6 =	vand.u32 $0x3E00, v6;
	v24 =	vand.u32 $0x7F, v24;
	v2 =	vld [tilespmem:s7+$0xFFFFFFE0]  }
0x200: {  	v9 =	vand.u32 $0x3E00, v9;
	v34 =	vand.u32 $0x3E00, v3;
	v35 =	vand.u32 $0x3E00, v5;
	v3 =	vld [tilespmem:s7+$0xFFFFFFF0]  }
0x201: {  	v28 =	vand.u32 $0x3E00, v28;
	v8 =	vand.u32 $0x3E00, v8;
	v4 =	vld [tilespmem:s7+$0x0];
	v26 =	vmul.f32 v26, v30  }
0x202: {  	v25 =	vor.u32 v25, v9;
	v27 =	vor.u32 v27, v6;
	v6 =	vand.u32 $0x3E00, v29;
	v5 =	vld [tilespmem:s7+$0x10]  }
0x203: {  	v14 =	vshrl.u32 v23, $0xD;
	v23 =	vor.u32 v10, v34;
	v29 =	vor.u32 v11, v35;
	[tilespmem:v32+s5+$0x0] =	vst.idx.add.f32.msk $0xffff, v26  }
0x204: {  	v28 =	vor.u32 v7, v28;
	v24 =	vor.u32 v24, v6;
	v26 =	vor.u32 v31, v8;
	v31 =	vld.idx.msk [tilespmem:v33+s9+$0x0], $0xffff  }
0x205: {  	v9 =	vshrl.u32 v17, $0xD;
	v7 =	vshrl.u32 v19, $0xD;
	v11 =	vshrl.u32 v18, $0xD;
	v10 =	vld [tilespmem:s7+$0x20]  }
0x206: {  	v6 =	vshrl.u32 v20, $0xD;
	v8 =	vshrl.u32 v21, $0xD;
	[tilespmem:v1+s11+$0x0] =	vst.idx.add.f32.msk $0xffff, v16;
	v1 =	vshrl.u32 v22, $0xD  }
0x207: {  	v19 =	vor.u32 $0x80, v23;
	v18 =	vor.u32 $0x80, v25;
	v17 =	vor.u32 $0x80, v27;
	v16 =	vld.idx.msk [tilespmem:v27+s9+$0x0], $0xffff  }
0x208: {  	v21 =	vor.u32 $0x80, v29;
	v33 =	vor.u32 $0x100, v15;
	v22 =	vor.u32 $0x80, v26;
	v20 =	vld.idx.msk [tilespmem:v25+s9+$0x0], $0xffff  }
0x209: {  	v36 =	vor.u32 $0x80, v28;
	v34 =	vor.u32 $0x100, v27;
	v37 =	vor.u32 $0x80, v24;
	v35 =	vld.idx.msk [tilespmem:v23+s9+$0x0], $0xffff  }
0x20a: {  	v38 =	vor.u32 $0x100, v25;
	v39 =	vor.u32 $0x100, v23;
	v31 =	vmul.f32 v31, v30;
	v40 =	vld.idx.msk [tilespmem:v29+s9+$0x0], $0xffff  }
0x20b: {  	v44 =	vor.u32 $0x100, v28;
	v41 =	vor.u32 $0x100, v29;
	v43 =	vor.u32 $0x100, v26;
	v42 =	vld.idx.msk [tilespmem:v26+s9+$0x0], $0xffff  }
0x20c: {  	v45 =	vor.u32 $0x100, v24;
	v27 =	vor.u32 $0x180, v27;
	v25 =	vor.u32 $0x180, v25;
	[tilespmem:v32+s6+$0x0] =	vst.idx.add.f32.msk $0xffff, v31  }
0x20d: {  	v23 =	vor.u32 $0x180, v23;
	v29 =	vor.u32 $0x180, v29;
	v16 =	vmul.f32 v16, v13;
	v31 =	vld.idx.msk [tilespmem:v33+s9+$0x0], $0xffff  }
0x20e: {  	v26 =	vor.u32 $0x180, v26;
	v20 =	vmul.f32 v20, v12;
	v33 =	vld.idx.msk [tilespmem:v28+s9+$0x0], $0xffff;
	v28 =	vor.u32 $0x180, v28  }
0x20f: {  	v35 =	vmul.f32 v35, v2;
	v46 =	vld.idx.msk [tilespmem:v24+s9+$0x0], $0xffff;
	v24 =	vor.u32 $0x180, v24  }
0x210: {  	[tilespmem:v14+s5+$0x0] =	vst.idx.add.f32.msk $0xffff, v16;
	v16 =	vmul.f32 v40, v3  }
0x211: {  	v15 =	vor.u32 $0x180, v15;
	[tilespmem:v11+s5+$0x0] =	vst.idx.add.f32.msk $0xffff, v20;
	v20 =	vmul.f32 v42, v4  }
0x212: {  	[tilespmem:v9+s5+$0x0] =	vst.idx.add.f32.msk $0xffff, v35  }
0x213: {  	[tilespmem:v7+s5+$0x0] =	vst.idx.add.f32.msk $0xffff, v16;
	v16 =	vmul.f32 v31, v30  }
0x214: {  	s17 =	simm.s32 $0x8000;
	[tilespmem:v6+s5+$0x0] =	vst.idx.add.f32.msk $0xffff, v20;
	v20 =	vmul.f32 v33, v5  }
0x215: {  	v31 =	vmul.f32 v46, v10;
	[tilespmem:v32+s17+$0x0] =	vst.idx.add.f32.msk $0xffff, v16  }
0x216: {  	v15 =	vld.idx.msk [tilespmem:v15+s9+$0x0], $0xffff  }
0x217: {  	[tilespmem:v8+s5+$0x0] =	vst.idx.add.f32.msk $0xffff, v20  }
0x218: {  	[tilespmem:v1+s5+$0x0] =	vst.idx.add.f32.msk $0xffff, v31  }
0x219: {  	v16 =	vld.idx.msk [tilespmem:v17+s9+$0x0], $0xffff  }
0x21a: {  	v17 =	vld.idx.msk [tilespmem:v18+s9+$0x0], $0xffff  }
0x21b: {  	v18 =	vld.idx.msk [tilespmem:v19+s9+$0x0], $0xffff  }
0x21c: {  	v15 =	vmul.f32 v15, v30;
	v19 =	vld.idx.msk [tilespmem:v21+s9+$0x0], $0xffff  }
0x21d: {  	v20 =	vld.idx.msk [tilespmem:v22+s9+$0x0], $0xffff  }
0x21e: {  	[tilespmem:v32+s11+$0x0] =	vst.idx.add.f32.msk $0xffff, v15  }
0x21f: {  	v15 =	vmul.f32 v16, v13;
	v16 =	vld.idx.msk [tilespmem:v36+s9+$0x0], $0xffff  }
0x220: {  	v17 =	vmul.f32 v17, v12;
	v21 =	vld.idx.msk [tilespmem:v37+s9+$0x0], $0xffff  }
0x221: {  	[tilespmem:v14+s6+$0x0] =	vst.idx.add.f32.msk $0xffff, v15;
	v15 =	vmul.f32 v18, v2  }
0x222: {  	[tilespmem:v11+s6+$0x0] =	vst.idx.add.f32.msk $0xffff, v17;
	v17 =	vmul.f32 v19, v3  }
0x223: {  	[tilespmem:v9+s6+$0x0] =	vst.idx.add.f32.msk $0xffff, v15;
	v15 =	vmul.f32 v20, v4  }
0x224: {  	[tilespmem:v7+s6+$0x0] =	vst.idx.add.f32.msk $0xffff, v17  }
0x225: {  	[tilespmem:v6+s6+$0x0] =	vst.idx.add.f32.msk $0xffff, v15;
	v15 =	vmul.f32 v16, v5  }
0x226: {  	v17 =	vmul.f32 v21, v10;
	v16 =	vld.idx.msk [tilespmem:v34+s9+$0x0], $0xffff  }
0x227: {  	[tilespmem:v8+s6+$0x0] =	vst.idx.add.f32.msk $0xffff, v15  }
0x228: {  	[tilespmem:v1+s6+$0x0] =	vst.idx.add.f32.msk $0xffff, v17  }
0x229: {  	v15 =	vld.idx.msk [tilespmem:v38+s9+$0x0], $0xffff  }
0x22a: {  	v17 =	vld.idx.msk [tilespmem:v39+s9+$0x0], $0xffff  }
0x22b: {  	v18 =	vld.idx.msk [tilespmem:v41+s9+$0x0], $0xffff  }
0x22c: {  	v16 =	vmul.f32 v16, v13;
	v19 =	vld.idx.msk [tilespmem:v43+s9+$0x0], $0xffff  }
0x22d: {  	v20 =	vld.idx.msk [tilespmem:v44+s9+$0x0], $0xffff  }
0x22e: {  	v21 =	vld.idx.msk [tilespmem:v45+s9+$0x0], $0xffff  }
0x22f: {  	v15 =	vmul.f32 v15, v12;
	[tilespmem:v14+s17+$0x0] =	vst.idx.add.f32.msk $0xffff, v16  }
0x230: {  	v17 =	vmul.f32 v17, v2;
	v16 =	vld.idx.msk [tilespmem:v27+s9+$0x0], $0xffff  }
0x231: {  	[tilespmem:v11+s17+$0x0] =	vst.idx.add.f32.msk $0xffff, v15;
	v15 =	vmul.f32 v18, v3  }
0x232: {  	[tilespmem:v9+s17+$0x0] =	vst.idx.add.f32.msk $0xffff, v17;
	v17 =	vmul.f32 v19, v4  }
0x233: {  	[tilespmem:v7+s17+$0x0] =	vst.idx.add.f32.msk $0xffff, v15;
	v15 =	vmul.f32 v20, v5  }
0x234: {  	[tilespmem:v6+s17+$0x0] =	vst.idx.add.f32.msk $0xffff, v17;
	v17 =	vmul.f32 v21, v10  }
0x235: {  	[tilespmem:v8+s17+$0x0] =	vst.idx.add.f32.msk $0xffff, v15  }
0x236: {  	v19 =	vmul.f32 v16, v13;
	[tilespmem:v1+s17+$0x0] =	vst.idx.add.f32.msk $0xffff, v17  }
0x237: {  	v20 =	vld.idx.msk [tilespmem:v25+s9+$0x0], $0xffff  }
0x238: {  	v18 =	vld.idx.msk [tilespmem:v23+s9+$0x0], $0xffff  }
.Ltmp8:
0x239: {  	v17 =	vld.idx.msk [tilespmem:v29+s9+$0x0], $0xffff;
	(pc) =	sbr.rel @p1 .LBB2_14-.Ltmp8, $4  }
0x23a: {  	v15 =	vld.idx.msk [tilespmem:v26+s9+$0x0], $0xffff  }
0x23b: {  	v13 =	vld.idx.msk [tilespmem:v28+s9+$0x0], $0xffff  }
0x23c: {  	v16 =	vld.idx.msk [tilespmem:v24+s9+$0x0], $0xffff  }
0x23d: {  	s1 =	sadd.s32 $0x80, s1;
	v12 =	vmul.f32 v20, v12;
	[tilespmem:v14+s11+$0x0] =	vst.idx.add.f32.msk $0xffff, v19  }
0x23e: {  	s21 =	simm.s32 $0x200  }
.LBB2_16:
0x23f: {  	_ =	sdelay $0x2  }
0x240: {  	v2 =	vmul.f32 v18, v2  }
0x241: {  	v3 =	vmul.f32 v17, v3;
	[tilespmem:v11+s11+$0x0] =	vst.idx.add.f32.msk $0xffff, v12  }
0x242: {  	v4 =	vmul.f32 v15, v4;
	[tilespmem:v9+s11+$0x0] =	vst.idx.add.f32.msk $0xffff, v2  }
0x243: {  	v2 =	vmul.f32 v13, v5;
	[tilespmem:v7+s11+$0x0] =	vst.idx.add.f32.msk $0xffff, v3  }
0x244: {  	v3 =	vmul.f32 v16, v10;
	[tilespmem:v6+s11+$0x0] =	vst.idx.add.f32.msk $0xffff, v4  }
0x245: {  	[tilespmem:v8+s11+$0x0] =	vst.idx.add.f32.msk $0xffff, v2  }
0x246: {  	[tilespmem:v1+s11+$0x0] =	vst.idx.add.f32.msk $0xffff, v3  }
0x247: {  	v1 =	vld [tilespmem:s19+$0xFFFFE030];
	_ =	sdelay $0x1  }
0x248: {  	v2 =	vld [tilespmem:s19+$0xFFFFE000];
	_ =	sdelay $0x2  }
0x249: {  	v3 =	vld [tilespmem:s19+$0xFFFFE010];
	v4 =	vsub.f32 $0.0e+00, v1;
	_ =	sdelay $0x1  }
0x24a: {  	v5 =	vld [tilespmem:s19+$0xFFFFE020];
	v6 =	vsub.f32 $0.0e+00, v2;
	v4 =	vmul.f32 $1.442695020e+00, v4;
	_ =	sdelay $0x1  }
0x24b: {  	v6 =	vmul.f32 $1.442695020e+00, v6;
	(erf) = vpow2.f32 v4  }
0x24c: {  	v7 =	vsub.f32 $0.0e+00, v3  }
0x24d: {  	(erf) = vpow2.f32 v6  }
0x24e: {  	v4 =	vmul.f32 $1.442695020e+00, v7;
	v7 =	vsub.f32 $0.0e+00, v5;
	_ =	sdelay $0x1  }
0x24f: {  	(erf) = vpow2.f32 v4;
	v4 =	vmul.f32 $1.442695020e+00, v7;
	_ =	sdelay $0x1  }
0x250: {  	(erf) = vpow2.f32 v4;
	_ =	sdelay $0x1  }
0x251: {  	v4 =	vpop (erf)  }
0x252: {  	v4 =	vadd.f32 $1.000000000e+00, v4  }
0x253: {  	v6 =	vpop (erf)  }
0x254: {  	v6 =	vadd.f32 $1.000000000e+00, v6;
	(erf) = vrcp.f32 v4;
	_ =	sdelay $0x1  }
0x255: {  	v7 =	vpop (erf)  }
0x256: {  	v4 =	vadd.f32 $1.000000000e+00, v7  }
0x257: {  	(erf) = vrcp.f32 v6;
	v6 =	vpop (erf)  }
0x258: {  	(erf) = vrcp.f32 v4;
	v4 =	vadd.f32 $1.000000000e+00, v6;
	_ =	sdelay $0x1  }
0x259: {  	(erf) = vrcp.f32 v4;
	v4 =	vld [tilespmem:s17+$0xFFFFE030];
	_ =	sdelay $0x1  }
0x25a: {  	v9 =	vpop (erf)  }
0x25b: {  	v8 =	vld [tilespmem:s17+$0xFFFFE010];
	v1 =	vmul.f32 v9, v1  }
0x25c: {  	v6 =	vld [tilespmem:s17+$0xFFFFE000]  }
0x25d: {  	v7 =	vld [tilespmem:s12+$0x10];
	v1 =	vmul.f32 v1, v4  }
0x25e: {  	v9 =	vpop (erf)  }
0x25f: {  	v2 =	vmul.f32 v9, v2;
	v9 =	vld [tilespmem:s17+$0xFFFFE020];
	v4 =	vpop (erf)  }
0x260: {  	v27 =	vld [tilespmem:s12+$0xFFFFFFF0];
	v4 =	vmul.f32 v4, v3  }
0x261: {  	s7 =	sadd.s32 $0x4, s14;
	v2 =	vmul.f32 v2, v6;
	v3 =	vld [tilespmem:s12+$0xFFFFFFE0];
	[tilespmem:s19+$0xFFFFE030] =	vst v1;
	v1 =	vpop (erf)  }
0x262: {  	p5 =	slt.u32 s7, $0xFC;
	v6 =	vld [tilespmem:s12+$0x0];
	v4 =	vmul.f32 v4, v8;
	[tilespmem:s17+$0xFFFFE030] =	vst v7;
	v1 =	vmul.f32 v1, v5  }
.Ltmp9:
0x263: {  	[tilespmem:s19+$0xFFFFE000] =	vst v2;
	v16 =	vld [tilespmem:s19+$0xFFFFF030];
	(pc) =	sbr.rel @!p5 .LBB2_17-.Ltmp9, $4  }
0x264: {  	v40 =	vld [tilespmem:s17+$0xFFFFF000];
	[tilespmem:s19+$0xFFFFE010] =	vst v4;
	v1 =	vmul.f32 v1, v9  }
0x265: {  	[tilespmem:s17+$0xFFFFE010] =	vst v27;
	v10 =	vld [tilespmem:s17+$0xFFFFF010]  }
0x266: {  	s1 =	sadd.s32 $0x40, s19;
	p1 =	por $0x0, $0x0;
	v14 =	vld [tilespmem:s19+$0xFFFFF010];
	[tilespmem:s19+$0xFFFFE020] =	vst v1  }
0x267: {  	p2 =	por $0x0, $0x0;
	p3 =	por $0x0, $0x0;
	p4 =	por $0x0, $0x0;
	[tilespmem:s17+$0xFFFFE000] =	vst v3;
	v4 =	vld [tilespmem:s17+$0xFFFFF020]  }
0x268: {  	v1 =	vld [tilespmem:s1+$0xFFFFE030]  }
0x269: {  	v2 =	vsub.f32 $0.0e+00, v16;
	v5 =	vld [tilespmem:s1+$0xFFFFE000]  }
0x26a: {  	v8 =	vld [tilespmem:s1+$0xFFFFE010]  }
0x26b: {  	v12 =	vld [tilespmem:s1+$0xFFFFE020];
	v2 =	vmul.f32 $1.442695020e+00, v2  }
0x26c: {  	[tilespmem:s17+$0xFFFFE020] =	vst v6;
	v9 =	vsub.f32 $0.0e+00, v14  }
0x26d: {  	v15 =	vld [tilespmem:s19+$0xFFFFF020];
	(erf) = vpow2.f32 v2;
	v11 =	vsub.f32 $0.0e+00, v1  }
0x26e: {  	v2 =	vld [tilespmem:s19+$0xFFFFF000];
	v9 =	vmul.f32 $1.442695020e+00, v9;
	v13 =	vsub.f32 $0.0e+00, v5  }
0x26f: {  	v17 =	vsub.f32 $0.0e+00, v8;
	v11 =	vmul.f32 $1.442695020e+00, v11  }
0x270: {  	(erf) = vpow2.f32 v9;
	v9 =	vmul.f32 $1.442695020e+00, v13;
	v13 =	vsub.f32 $0.0e+00, v12  }
0x271: {  	(erf) = vpow2.f32 v11;
	v11 =	vmul.f32 $1.442695020e+00, v17  }
0x272: {  	v13 =	vmul.f32 $1.442695020e+00, v13;
	(erf) = vpow2.f32 v9  }
0x273: {  	v17 =	vsub.f32 $0.0e+00, v2;
	v9 =	vsub.f32 $0.0e+00, v15;
	(erf) = vpow2.f32 v11;
	_ =	sdelay $0x1  }
0x274: {  	v11 =	vmul.f32 $1.442695020e+00, v17;
	v9 =	vmul.f32 $1.442695020e+00, v9  }
0x275: {  	(erf) = vpow2.f32 v13;
	v13 =	vpop (erf)  }
0x276: {  	(erf) = vpow2.f32 v11;
	v13 =	vadd.f32 $1.000000000e+00, v13  }
0x277: {  	(erf) = vpow2.f32 v9  }
0x278: {  	v9 =	vpop (erf)  }
0x279: {  	v9 =	vadd.f32 $1.000000000e+00, v9;
	v11 =	vpop (erf)  }
0x27a: {  	(erf) = vrcp.f32 v13;
	v11 =	vadd.f32 $1.000000000e+00, v11;
	v13 =	vpop (erf)  }
0x27b: {  	(erf) = vrcp.f32 v9;
	v9 =	vadd.f32 $1.000000000e+00, v13;
	v13 =	vpop (erf)  }
0x27c: {  	(erf) = vrcp.f32 v11;
	v11 =	vadd.f32 $1.000000000e+00, v13;
	_ =	sdelay $0x1  }
0x27d: {  	v13 =	vpop (erf)  }
0x27e: {  	(erf) = vrcp.f32 v9;
	v17 =	vpop (erf)  }
0x27f: {  	(erf) = vrcp.f32 v11;
	v11 =	vpop (erf)  }
0x280: {  	v9 =	vld [tilespmem:s17+$0xFFFFF030];
	v13 =	vadd.f32 $1.000000000e+00, v13;
	v11 =	vadd.f32 $1.000000000e+00, v11  }
0x281: {  	v17 =	vadd.f32 $1.000000000e+00, v17  }
0x282: {  	s23 =	sadd.s32 $0x40, s17;
	(erf) = vrcp.f32 v13;
	v18 =	vpop (erf)  }
0x283: {  	v13 =	vld [tilespmem:s23+$0xFFFFE030];
	(erf) = vrcp.f32 v17;
	v16 =	vmul.f32 v18, v16  }
0x284: {  	(erf) = vrcp.f32 v11;
	v11 =	vpop (erf)  }
0x285: {  	s10 =	sadd.s32 $0x40, s12;
	v9 =	vmul.f32 v16, v9;
	v17 =	vpop (erf)  }
0x286: {  	v23 =	vld [tilespmem:s10+$0x10];
	v11 =	vmul.f32 v11, v14;
	v1 =	vmul.f32 v17, v1  }
0x287: {  	v16 =	vld [tilespmem:s23+$0xFFFFE000];
	[tilespmem:s19+$0xFFFFF030] =	vst v9  }
0x288: {  	v14 =	vld [tilespmem:s23+$0xFFFFE010];
	[tilespmem:s17+$0xFFFFF030] =	vst v7;
	v10 =	vmul.f32 v11, v10;
	v1 =	vmul.f32 v1, v13  }
0x289: {  	v9 =	vpop (erf);
	v18 =	vld [tilespmem:s19+$0x30]  }
0x28a: {  	v17 =	vld [tilespmem:s23+$0xFFFFE020];
	v5 =	vmul.f32 v9, v5;
	v11 =	vpop (erf);
	[tilespmem:s19+$0xFFFFF010] =	vst v10  }
0x28b: {  	v9 =	vld [tilespmem:s10+$0xFFFFFFF0];
	v8 =	vmul.f32 v11, v8;
	[tilespmem:s1+$0xFFFFE030] =	vst v1  }
0x28c: {  	s7 =	sadd.s32 $0x4, s7;
	v13 =	vld [tilespmem:s10+$0xFFFFFFE0];
	v5 =	vmul.f32 v5, v16;
	[tilespmem:s17+$0xFFFFF010] =	vst v27;
	v1 =	vpop (erf)  }
0x28d: {  	p5 =	slt.u32 s7, $0xFC;
	v11 =	vld [tilespmem:s10+$0x0];
	[tilespmem:s23+$0xFFFFE030] =	vst v23;
	v8 =	vmul.f32 v8, v14;
	v10 =	vmul.f32 v1, v12;
	v12 =	vpop (erf)  }
.Ltmp10:
0x28e: {  	[tilespmem:s1+$0xFFFFE000] =	vst v5;
	v16 =	vld [tilespmem:s1+$0xFFFFF030];
	v5 =	vsub.f32 $0.0e+00, v18;
	v1 =	vpop (erf);
	v2 =	vmul.f32 v12, v2;
	(pc) =	sbr.rel @!p5 .LBB2_19-.Ltmp10, $4  }
0x28f: {  	[tilespmem:s1+$0xFFFFE010] =	vst v8;
	v8 =	vmul.f32 v1, v15;
	v1 =	vld [tilespmem:s23+$0xFFFFF000];
	v15 =	vmul.f32 v10, v17  }
0x290: {  	v5 =	vmul.f32 $1.442695020e+00, v5;
	[tilespmem:s23+$0xFFFFE010] =	vst v9;
	v10 =	vld [tilespmem:s23+$0xFFFFF010]  }
0x291: {  	v14 =	vld [tilespmem:s1+$0xFFFFF010];
	v63 =	vmul.f32 v2, v40;
	[tilespmem:s1+$0xFFFFE020] =	vst v15  }
0x292: {  	s12 =	sadd.s32 $0x40, s1;
	p1 =	por $0x1, $0x1;
	[tilespmem:s23+$0xFFFFE000] =	vst v13;
	(erf) = vpow2.f32 v5;
	v62 =	vmul.f32 v8, v4;
	v4 =	vld [tilespmem:s23+$0xFFFFF020]  }
0x293: {  	v8 =	vld [tilespmem:s12+$0xFFFFE030]  }
0x294: {  	v2 =	vsub.f32 $0.0e+00, v16;
	v12 =	vld [tilespmem:s12+$0xFFFFE000]  }
0x295: {  	v15 =	vld [tilespmem:s12+$0xFFFFE010]  }
0x296: {  	v17 =	vld [tilespmem:s12+$0xFFFFE020];
	v2 =	vmul.f32 $1.442695020e+00, v2  }
0x297: {  	v5 =	vsub.f32 $0.0e+00, v14  }
0x298: {  	[tilespmem:s23+$0xFFFFE020] =	vst v11;
	v19 =	vld [tilespmem:s1+$0xFFFFF000];
	(erf) = vpow2.f32 v2;
	v2 =	vsub.f32 $0.0e+00, v8  }
0x299: {  	v20 =	vld [tilespmem:s1+$0xFFFFF020];
	v5 =	vmul.f32 $1.442695020e+00, v5;
	v21 =	vsub.f32 $0.0e+00, v12  }
0x29a: {  	[tilespmem:s19+$0xFFFFF000] =	vst v63;
	v24 =	vsub.f32 $0.0e+00, v15;
	v22 =	vmul.f32 $1.442695020e+00, v2  }
0x29b: {  	[tilespmem:s17+$0xFFFFF000] =	vst v3;
	v26 =	vsub.f32 $0.0e+00, v17;
	(erf) = vpow2.f32 v5;
	v21 =	vmul.f32 $1.442695020e+00, v21;
	v5 =	vld [tilespmem:s19+$0x10];
	v25 =	vpop (erf)  }
0x29c: {  	[tilespmem:s19+$0xFFFFF020] =	vst v62;
	v2 =	vld [tilespmem:s19+$0x0];
	v24 =	vmul.f32 $1.442695020e+00, v24;
	(erf) = vpow2.f32 v22;
	v22 =	vadd.f32 $1.000000000e+00, v25  }
0x29d: {  	[tilespmem:s17+$0xFFFFF020] =	vst v6;
	v25 =	vmul.f32 $1.442695020e+00, v26;
	(erf) = vpow2.f32 v21  }
0x29e: {  	v31 =	vld [tilespmem:s19+$0x20];
	v26 =	vsub.f32 $0.0e+00, v20;
	v21 =	vsub.f32 $0.0e+00, v19;
	(erf) = vrcp.f32 v22  }
0x29f: {  	(erf) = vpow2.f32 v24  }
0x2a0: {  	v21 =	vmul.f32 $1.442695020e+00, v21;
	v24 =	vmul.f32 $1.442695020e+00, v26;
	v26 =	vsub.f32 $0.0e+00, v5  }
0x2a1: {  	v22 =	vsub.f32 $0.0e+00, v2;
	(erf) = vpow2.f32 v25;
	v25 =	vpop (erf)  }
0x2a2: {  	v25 =	vadd.f32 $1.000000000e+00, v25;
	(erf) = vpow2.f32 v21  }
0x2a3: {  	v21 =	vmul.f32 $1.442695020e+00, v22;
	v22 =	vsub.f32 $0.0e+00, v31;
	(erf) = vpow2.f32 v24  }
0x2a4: {  	v24 =	vmul.f32 $1.442695020e+00, v26;
	v26 =	vpop (erf);
	(erf) = vrcp.f32 v25  }
0x2a5: {  	(erf) = vpow2.f32 v21;
	v21 =	vmul.f32 $1.442695020e+00, v22  }
0x2a6: {  	v25 =	vadd.f32 $1.000000000e+00, v26  }
0x2a7: {  	v22 =	vpop (erf);
	(erf) = vpow2.f32 v24  }
0x2a8: {  	v24 =	vpop (erf);
	(erf) = vrcp.f32 v25  }
0x2a9: {  	v26 =	vld [tilespmem:s17+$0x30];
	v22 =	vadd.f32 $1.000000000e+00, v22;
	(erf) = vpow2.f32 v21;
	v21 =	vpop (erf)  }
0x2aa: {  	v25 =	vpop (erf)  }
0x2ab: {  	v18 =	vmul.f32 v21, v18;
	v21 =	vadd.f32 $1.000000000e+00, v25  }
0x2ac: {  	v24 =	vadd.f32 $1.000000000e+00, v24  }
0x2ad: {  	(erf) = vrcp.f32 v22;
	v22 =	vpop (erf)  }
0x2ae: {  	(erf) = vrcp.f32 v24;
	v24 =	vld [tilespmem:s23+$0xFFFFF030];
	v25 =	vpop (erf);
	v18 =	vmul.f32 v18, v26;
	v22 =	vadd.f32 $1.000000000e+00, v22  }
0x2af: {  	(erf) = vrcp.f32 v21;
	v21 =	vpop (erf)  }
0x2b0: {  	[tilespmem:s19+$0x30] =	vst v18;
	v18 =	vadd.f32 $1.000000000e+00, v25;
	v26 =	vpop (erf)  }
0x2b1: {  	v38 =	vld [tilespmem:s17+$0x10];
	(erf) = vrcp.f32 v22;
	v16 =	vmul.f32 v26, v16;
	v25 =	vpop (erf)  }
0x2b2: {  	v45 =	vld [tilespmem:s17+$0x0];
	[tilespmem:s17+$0x30] =	vst v7;
	v22 =	vpop (erf);
	(erf) = vrcp.f32 v18;
	v18 =	vadd.f32 $1.000000000e+00, v25  }
0x2b3: {  	s14 =	sadd.s32 $0x40, s23;
	v21 =	vadd.f32 $1.000000000e+00, v21;
	v32 =	vld [tilespmem:s19+$0x1030];
	v16 =	vmul.f32 v16, v24;
	v24 =	vpop (erf)  }
0x2b4: {  	v25 =	vld [tilespmem:s14+$0xFFFFE030];
	v26 =	vpop (erf)  }
0x2b5: {  	s13 =	sadd.s32 $0x40, s10;
	(erf) = vrcp.f32 v21;
	v21 =	vadd.f32 $1.000000000e+00, v22;
	v22 =	vld [tilespmem:s14+$0xFFFFE000];
	[tilespmem:s1+$0xFFFFF030] =	vst v16;
	v16 =	vadd.f32 $1.000000000e+00, v26  }
0x2b6: {  	v33 =	vld [tilespmem:s13+$0x10];
	v14 =	vmul.f32 v24, v14;
	(erf) = vrcp.f32 v18;
	v18 =	vpop (erf)  }
0x2b7: {  	v47 =	vld [tilespmem:s17+$0x20];
	(erf) = vrcp.f32 v21;
	v8 =	vmul.f32 v18, v8;
	v18 =	vpop (erf)  }
0x2b8: {  	v24 =	vld [tilespmem:s14+$0xFFFFE010];
	[tilespmem:s23+$0xFFFFF030] =	vst v23;
	v10 =	vmul.f32 v14, v10;
	v12 =	vmul.f32 v18, v12  }
0x2b9: {  	(erf) = vrcp.f32 v16;
	v18 =	vld [tilespmem:s1+$0x30];
	v8 =	vmul.f32 v8, v25;
	v16 =	vpop (erf)  }
0x2ba: {  	v14 =	vld [tilespmem:s14+$0xFFFFE020];
	v21 =	vsub.f32 $0.0e+00, v32;
	[tilespmem:s1+$0xFFFFF010] =	vst v10;
	v10 =	vmul.f32 v16, v15;
	v15 =	vmul.f32 v12, v22  }
0x2bb: {  	v26 =	vld [tilespmem:s13+$0xFFFFFFF0];
	[tilespmem:s23+$0xFFFFF010] =	vst v9;
	v16 =	vpop (erf)  }
0x2bc: {  	s10 =	sadd.s32 $0x4, s7;
	v21 =	vmul.f32 $1.442695020e+00, v21;
	v12 =	vld [tilespmem:s13+$0x0];
	[tilespmem:s12+$0xFFFFE030] =	vst v8;
	v17 =	vmul.f32 v16, v17;
	v22 =	vpop (erf)  }
0x2bd: {  	p5 =	slt.u32 s10, $0xFC;
	v8 =	vld [tilespmem:s13+$0xFFFFFFE0];
	v10 =	vmul.f32 v10, v24;
	[tilespmem:s14+$0xFFFFE030] =	vst v33;
	v19 =	vmul.f32 v22, v19  }
.Ltmp11:
0x2be: {  	(erf) = vpow2.f32 v21;
	[tilespmem:s12+$0xFFFFE000] =	vst v15;
	v16 =	vld [tilespmem:s12+$0xFFFFF030];
	v21 =	vsub.f32 $0.0e+00, v18;
	v15 =	vpop (erf);
	(pc) =	sbr.rel @!p5 .LBB2_21-.Ltmp11, $4  }
0x2bf: {  	v40 =	vld [tilespmem:s14+$0xFFFFF000];
	v17 =	vmul.f32 v17, v14;
	[tilespmem:s12+$0xFFFFE010] =	vst v10;
	v15 =	vmul.f32 v15, v20  }
0x2c0: {  	v63 =	vmul.f32 v19, v1;
	[tilespmem:s14+$0xFFFFE010] =	vst v26;
	v20 =	vpop (erf);
	v10 =	vld [tilespmem:s14+$0xFFFFF010];
	v1 =	vmul.f32 $1.442695020e+00, v21  }
0x2c1: {  	[tilespmem:s12+$0xFFFFE020] =	vst v17;
	v19 =	vpop (erf);
	v14 =	vld [tilespmem:s12+$0xFFFFF010];
	v37 =	vmul.f32 v20, v2;
	v62 =	vmul.f32 v15, v4  }
0x2c2: {  	s16 =	sadd.s32 $0x40, s12;
	p2 =	por $0x1, $0x1;
	[tilespmem:s14+$0xFFFFE000] =	vst v8;
	v4 =	vld [tilespmem:s14+$0xFFFFF020];
	(erf) = vpow2.f32 v1;
	v36 =	vmul.f32 v19, v5;
	v35 =	vpop (erf)  }
0x2c3: {  	_ = 	snop  }
0x2c4: {  	v25 =	vld [tilespmem:s16+$0xFFFFE030];
	v1 =	vsub.f32 $0.0e+00, v16  }
0x2c5: {  	v21 =	vld [tilespmem:s16+$0xFFFFE000]  }
0x2c6: {  	v17 =	vld [tilespmem:s16+$0xFFFFE010];
	v1 =	vmul.f32 $1.442695020e+00, v1  }
0x2c7: {  	v15 =	vld [tilespmem:s16+$0xFFFFE020];
	v2 =	vsub.f32 $0.0e+00, v14;
	v5 =	vpop (erf)  }
0x2c8: {  	[tilespmem:s14+$0xFFFFE020] =	vst v12;
	(erf) = vpow2.f32 v1;
	v1 =	vadd.f32 $1.000000000e+00, v5  }
0x2c9: {  	[tilespmem:s1+$0xFFFFF000] =	vst v63;
	v5 =	vld [tilespmem:s12+$0xFFFFF000];
	v20 =	vsub.f32 $0.0e+00, v25;
	v2 =	vmul.f32 $1.442695020e+00, v2  }
0x2ca: {  	v19 =	vld [tilespmem:s12+$0xFFFFF020];
	[tilespmem:s23+$0xFFFFF000] =	vst v13;
	v24 =	vsub.f32 $0.0e+00, v21;
	(erf) = vrcp.f32 v1  }
0x2cb: {  	v29 =	vsub.f32 $0.0e+00, v17;
	v20 =	vmul.f32 $1.442695020e+00, v20;
	(erf) = vpow2.f32 v2;
	v2 =	vld [tilespmem:s1+$0x0]  }
0x2cc: {  	v28 =	vmul.f32 v35, v31;
	[tilespmem:s1+$0xFFFFF020] =	vst v62;
	v31 =	vsub.f32 $0.0e+00, v15;
	v24 =	vmul.f32 $1.442695020e+00, v24;
	v30 =	vpop (erf)  }
0x2cd: {  	[tilespmem:s23+$0xFFFFF020] =	vst v11;
	v1 =	vld [tilespmem:s1+$0x10];
	v29 =	vmul.f32 $1.442695020e+00, v29;
	(erf) = vpow2.f32 v20;
	v20 =	vadd.f32 $1.000000000e+00, v30  }
0x2ce: {  	v39 =	vld [tilespmem:s1+$0x20];
	v30 =	vmul.f32 $1.442695020e+00, v31;
	(erf) = vpow2.f32 v24;
	v24 =	vsub.f32 $0.0e+00, v5  }
0x2cf: {  	v31 =	vsub.f32 $0.0e+00, v19;
	(erf) = vrcp.f32 v20  }
0x2d0: {  	(erf) = vpow2.f32 v29;
	v20 =	vmul.f32 $1.442695020e+00, v24;
	v24 =	vsub.f32 $0.0e+00, v2  }
0x2d1: {  	v29 =	vmul.f32 $1.442695020e+00, v31;
	(erf) = vpow2.f32 v30  }
0x2d2: {  	v22 =	vmul.f32 v37, v45;
	v31 =	vsub.f32 $0.0e+00, v1;
	v30 =	vpop (erf);
	(erf) = vpow2.f32 v20  }
0x2d3: {  	v30 =	vadd.f32 $1.000000000e+00, v30;
	(erf) = vpow2.f32 v29;
	v29 =	vsub.f32 $0.0e+00, v39  }
0x2d4: {  	v31 =	vmul.f32 $1.442695020e+00, v31;
	v20 =	vmul.f32 $1.442695020e+00, v24;
	v24 =	vpop (erf)  }
0x2d5: {  	(erf) = vrcp.f32 v30;
	v29 =	vmul.f32 $1.442695020e+00, v29;
	v34 =	vpop (erf)  }
0x2d6: {  	[tilespmem:s19+$0x0] =	vst v22;
	(erf) = vpow2.f32 v20;
	v22 =	vadd.f32 $1.000000000e+00, v34  }
0x2d7: {  	v30 =	vmul.f32 v36, v38;
	v41 =	vpop (erf);
	(erf) = vpow2.f32 v31  }
0x2d8: {  	v43 =	vpop (erf);
	(erf) = vrcp.f32 v22  }
0x2d9: {  	v42 =	vld [tilespmem:s23+$0x30];
	[tilespmem:s19+$0x10] =	vst v30;
	v30 =	vadd.f32 $1.000000000e+00, v43;
	(erf) = vpow2.f32 v29;
	v29 =	vpop (erf)  }
0x2da: {  	v31 =	vadd.f32 $1.000000000e+00, v41;
	v22 =	vmul.f32 v28, v47;
	v28 =	vld [tilespmem:s17+$0x1030];
	v44 =	vpop (erf)  }
0x2db: {  	[tilespmem:s17+$0x0] =	vst v3;
	v18 =	vmul.f32 v29, v18;
	v29 =	vadd.f32 $1.000000000e+00, v44  }
0x2dc: {  	v20 =	vld [tilespmem:s19+$0x1000];
	(erf) = vrcp.f32 v31  }
0x2dd: {  	v46 =	vld [tilespmem:s14+$0xFFFFF030];
	v31 =	vmul.f32 v24, v32;
	(erf) = vrcp.f32 v30;
	v30 =	vpop (erf)  }
0x2de: {  	s7 =	sadd.s32 $0x40, s14;
	v45 =	vld [tilespmem:s23+$0x0];
	v18 =	vmul.f32 v18, v42;
	v48 =	vpop (erf);
	v30 =	vadd.f32 $1.000000000e+00, v30  }
0x2df: {  	v53 =	vld [tilespmem:s7+$0xFFFFE000];
	(erf) = vrcp.f32 v29;
	v31 =	vmul.f32 v31, v28;
	v28 =	vadd.f32 $1.000000000e+00, v48;
	v29 =	vpop (erf)  }
0x2e0: {  	s13 =	sadd.s32 $0x40, s13;
	v62 =	vld [tilespmem:s7+$0xFFFFE020];
	[tilespmem:s1+$0x30] =	vst v18;
	v50 =	vpop (erf);
	(erf) = vrcp.f32 v30;
	v18 =	vadd.f32 $1.000000000e+00, v29  }
0x2e1: {  	v59 =	vld [tilespmem:s13+$0xFFFFFFF0];
	v49 =	vsub.f32 $0.0e+00, v20;
	v29 =	vpop (erf);
	(erf) = vrcp.f32 v28  }
0x2e2: {  	v38 =	vld [tilespmem:s23+$0x10];
	(erf) = vrcp.f32 v18;
	v18 =	vadd.f32 $1.000000000e+00, v29  }
0x2e3: {  	[tilespmem:s17+$0x10] =	vst v27;
	v47 =	vld [tilespmem:s23+$0x20];
	v51 =	vmul.f32 $1.442695020e+00, v49;
	v52 =	vpop (erf)  }
0x2e4: {  	v55 =	vld [tilespmem:s19+$0x1010];
	[tilespmem:s19+$0x1030] =	vst v31;
	v16 =	vmul.f32 v50, v16;
	v31 =	vpop (erf)  }
0x2e5: {  	[tilespmem:s19+$0x20] =	vst v22;
	v22 =	vld [tilespmem:s17+$0x1000];
	(erf) = vpow2.f32 v51;
	v60 =	vpop (erf)  }
0x2e6: {  	[tilespmem:s17+$0x20] =	vst v6;
	v29 =	vld [tilespmem:s7+$0xFFFFE030];
	v16 =	vmul.f32 v16, v46;
	(erf) = vrcp.f32 v18;
	v18 =	vpop (erf)  }
0x2e7: {  	v24 =	vld [tilespmem:s17+$0x1010];
	[tilespmem:s17+$0x1030] =	vst v7;
	v7 =	vadd.f32 $1.000000000e+00, v52;
	v14 =	vmul.f32 v31, v14;
	v25 =	vmul.f32 v18, v25  }
0x2e8: {  	v31 =	vld [tilespmem:s7+$0xFFFFE010];
	[tilespmem:s12+$0xFFFFF030] =	vst v16;
	v16 =	vadd.f32 $1.000000000e+00, v60  }
0x2e9: {  	[tilespmem:s23+$0x30] =	vst v23;
	(erf) = vrcp.f32 v7;
	v7 =	vld [tilespmem:s13+$0x10];
	v10 =	vmul.f32 v14, v10  }
0x2ea: {  	v58 =	vld [tilespmem:s17+$0x1020];
	v30 =	vsub.f32 $0.0e+00, v55;
	[tilespmem:s14+$0xFFFFF030] =	vst v33;
	v18 =	vpop (erf);
	(erf) = vrcp.f32 v16  }
0x2eb: {  	v54 =	vld [tilespmem:s19+$0x1020];
	v14 =	vmul.f32 v18, v21;
	[tilespmem:s12+$0xFFFFF010] =	vst v10;
	v16 =	vmul.f32 v25, v29;
	v25 =	vpop (erf)  }
0x2ec: {  	v28 =	vld [tilespmem:s1+$0x1030];
	v30 =	vmul.f32 $1.442695020e+00, v30;
	[tilespmem:s14+$0xFFFFF010] =	vst v26;
	v10 =	vmul.f32 v25, v17  }
0x2ed: {  	v18 =	vld [tilespmem:s12+$0x30];
	v14 =	vmul.f32 v14, v53;
	[tilespmem:s16+$0xFFFFE030] =	vst v16;
	v63 =	vpop (erf)  }
0x2ee: {  	v25 =	vld [tilespmem:s13+$0xFFFFFFE0];
	[tilespmem:s7+$0xFFFFE030] =	vst v7;
	v15 =	vmul.f32 v63, v15;
	v10 =	vmul.f32 v10, v31  }
0x2ef: {  	v17 =	vld [tilespmem:s13+$0x0];
	[tilespmem:s16+$0xFFFFE000] =	vst v14  }
0x2f0: {  	(erf) = vpow2.f32 v30;
	v30 =	vpop (erf);
	v16 =	vld [tilespmem:s16+$0xFFFFF030];
	v15 =	vmul.f32 v15, v62;
	[tilespmem:s16+$0xFFFFE010] =	vst v10  }
0x2f1: {  	v31 =	vpop (erf);
	v14 =	vmul.f32 v30, v5;
	v5 =	vld [tilespmem:s7+$0xFFFFF000];
	[tilespmem:s7+$0xFFFFE010] =	vst v59  }
0x2f2: {  	v19 =	vmul.f32 v31, v19;
	v10 =	vld [tilespmem:s7+$0xFFFFF010];
	[tilespmem:s16+$0xFFFFE020] =	vst v15  }
0x2f3: {  	v63 =	vmul.f32 v14, v40;
	[tilespmem:s7+$0xFFFFE000] =	vst v25;
	v14 =	vld [tilespmem:s16+$0xFFFFF010]  }
0x2f4: {  	v62 =	vmul.f32 v19, v4;
	v4 =	vld [tilespmem:s7+$0xFFFFF020];
	[tilespmem:$0x1FF00] =	vst v3  }
0x2f5: {  	[tilespmem:$0x1FF10] =	vst v39  }
0x2f6: {  	[tilespmem:$0x1FF20] =	vst v20  }
0x2f7: {  	[tilespmem:$0x1FF30] =	vst v22  }
0x2f8: {  	v61 =	vsub.f32 $0.0e+00, v54;
	[tilespmem:$0x1FF40] =	vst v55  }
0x2f9: {  	v21 =	vsub.f32 $0.0e+00, v28;
	[tilespmem:$0x1FF50] =	vst v24  }
0x2fa: {  	v29 =	vmul.f32 $1.442695020e+00, v61;
	[tilespmem:$0x1FF60] =	vst v54  }
0x2fb: {  	v21 =	vmul.f32 $1.442695020e+00, v21;
	[tilespmem:$0x1FF70] =	vst v38  }
0x2fc: {  	[tilespmem:$0x1FF80] =	vst v45  }
0x2fd: {  	s10 =	sadd.s32 $0x4, s10;
	(erf) = vpow2.f32 v21;
	v30 =	vpop (erf);
	[tilespmem:$0x1FF90] =	vst v28  }
0x2fe: {  	p5 =	slt.u32 s10, $0xFC;
	(erf) = vpow2.f32 v29;
	v29 =	vpop (erf);
	v42 =	vadd.f32 $1.000000000e+00, v30;
	[tilespmem:$0x1FFA0] =	vst v47  }
.Ltmp12:
0x2ff: {  	v21 =	vsub.f32 $0.0e+00, v18;
	v31 =	vpop (erf);
	[tilespmem:$0x1FFB0] =	vst v58;
	(pc) =	sbr.rel @!p5 .LBB2_23-.Ltmp12, $4  }
0x300: {  	v37 =	vmul.f32 v29, v2;
	v35 =	vpop (erf);
	[tilespmem:$0x1FFF0] =	vst v42  }
0x301: {  	v21 =	vmul.f32 $1.442695020e+00, v21;
	v36 =	vmul.f32 v31, v1;
	[tilespmem:$0x1FFC0] =	vst v35  }
0x302: {  	[tilespmem:$0x1FFE0] =	vst v37  }
0x303: {  	s25 =	sadd.s32 $0x40, s16;
	p3 =	por $0x1, $0x1;
	(erf) = vpow2.f32 v21;
	[tilespmem:$0x1FFD0] =	vst v36  }
0x304: {  	v34 =	vld [tilespmem:s25+$0xFFFFE030];
	v1 =	vsub.f32 $0.0e+00, v16;
	v15 =	vpop (erf)  }
0x305: {  	v31 =	vmul.f32 v37, v45;
	v2 =	vld [tilespmem:s25+$0xFFFFE000];
	v19 =	vadd.f32 $1.000000000e+00, v15  }
0x306: {  	(erf) = vrcp.f32 v42;
	v1 =	vmul.f32 $1.442695020e+00, v1  }
0x307: {  	v21 =	vmul.f32 v35, v39;
	v32 =	vsub.f32 $0.0e+00, v14;
	v15 =	vld [tilespmem:s25+$0xFFFFE010];
	v30 =	vpop (erf);
	(erf) = vrcp.f32 v19  }
0x308: {  	v36 =	vmul.f32 v36, v38;
	v29 =	vld [tilespmem:s25+$0xFFFFE020];
	(erf) = vpow2.f32 v1;
	v1 =	vadd.f32 $1.000000000e+00, v30  }
0x309: {  	[tilespmem:s7+$0xFFFFE020] =	vst v17;
	v61 =	vmul.f32 v21, v47;
	v21 =	vmul.f32 $1.442695020e+00, v32;
	v44 =	vpop (erf);
	v19 =	vsub.f32 $0.0e+00, v34  }
0x30a: {  	[tilespmem:s12+$0xFFFFF000] =	vst v63;
	v35 =	vld [tilespmem:s16+$0xFFFFF020];
	v45 =	vsub.f32 $0.0e+00, v2;
	(erf) = vrcp.f32 v1;
	v1 =	vadd.f32 $1.000000000e+00, v44  }
0x30b: {  	[tilespmem:s14+$0xFFFFF000] =	vst v8;
	v30 =	vld [tilespmem:s16+$0xFFFFF000];
	v46 =	vmul.f32 $1.442695020e+00, v19;
	(erf) = vpow2.f32 v21  }
0x30c: {  	v47 =	vsub.f32 $0.0e+00, v15;
	v19 =	vld [tilespmem:s12+$0x0];
	v38 =	vmul.f32 $1.442695020e+00, v45;
	v40 =	vpop (erf);
	(erf) = vrcp.f32 v1  }
0x30d: {  	v1 =	vsub.f32 $0.0e+00, v29;
	(erf) = vpow2.f32 v46;
	v48 =	vadd.f32 $1.000000000e+00, v40  }
0x30e: {  	v39 =	vmul.f32 $1.442695020e+00, v47;
	(erf) = vpow2.f32 v38  }
0x30f: {  	v41 =	vsub.f32 $0.0e+00, v35;
	v1 =	vmul.f32 $1.442695020e+00, v1;
	(erf) = vrcp.f32 v48  }
0x310: {  	[tilespmem:s12+$0xFFFFF020] =	vst v62;
	v21 =	vld [tilespmem:s12+$0x10];
	v49 =	vsub.f32 $0.0e+00, v30;
	v40 =	vpop (erf);
	(erf) = vpow2.f32 v39  }
0x311: {  	[tilespmem:s14+$0xFFFFF020] =	vst v12;
	v51 =	vsub.f32 $0.0e+00, v19;
	(erf) = vpow2.f32 v1;
	v1 =	vmul.f32 $1.442695020e+00, v41  }
0x312: {  	[tilespmem:s1+$0x0] =	vst v31;
	v31 =	vld [tilespmem:s12+$0x20];
	v50 =	vmul.f32 $1.442695020e+00, v49;
	v42 =	vpop (erf)  }
0x313: {  	[tilespmem:s1+$0x10] =	vst v36;
	v52 =	vpop (erf);
	v36 =	vmul.f32 $1.442695020e+00, v51  }
0x314: {  	v38 =	vadd.f32 $1.000000000e+00, v52;
	(erf) = vpow2.f32 v50  }
0x315: {  	v53 =	vsub.f32 $0.0e+00, v21;
	(erf) = vpow2.f32 v1;
	v1 =	vpop (erf)  }
0x316: {  	v56 =	vld [tilespmem:s23+$0x1030];
	[tilespmem:s23+$0x0] =	vst v13;
	(erf) = vrcp.f32 v38;
	v43 =	vpop (erf)  }
0x317: {  	v62 =	vld [tilespmem:s14+$0x30];
	[tilespmem:s23+$0x10] =	vst v9;
	v57 =	vsub.f32 $0.0e+00, v31;
	v41 =	vmul.f32 $1.442695020e+00, v53;
	(erf) = vpow2.f32 v36;
	v36 =	vpop (erf)  }
0x318: {  	[tilespmem:s1+$0x20] =	vst v61;
	v39 =	vld [tilespmem:s1+$0x1000];
	v60 =	vadd.f32 $1.000000000e+00, v43;
	v61 =	vpop (erf)  }
0x319: {  	[tilespmem:s23+$0x20] =	vst v11;
	v46 =	vld [tilespmem:s1+$0x1010];
	v37 =	vmul.f32 $1.442695020e+00, v57;
	(erf) = vpow2.f32 v41;
	v52 =	vpop (erf)  }
0x31a: {  	v44 =	vld [tilespmem:s1+$0x1020];
	v1 =	vmul.f32 v1, v28;
	(erf) = vrcp.f32 v60;
	v53 =	vpop (erf)  }
0x31b: {  	v63 =	vadd.f32 $1.000000000e+00, v61;
	v43 =	vadd.f32 $1.000000000e+00, v52;
	(erf) = vpow2.f32 v37;
	v49 =	vpop (erf)  }
0x31c: {  	v37 =	vmul.f32 v1, v56;
	v18 =	vmul.f32 v53, v18;
	v1 =	vadd.f32 $1.000000000e+00, v49  }
0x31d: {  	v48 =	vsub.f32 $0.0e+00, v39;
	(erf) = vrcp.f32 v63  }
0x31e: {  	v45 =	vld [tilespmem:s14+$0x0];
	v57 =	vsub.f32 $0.0e+00, v46;
	(erf) = vrcp.f32 v43;
	v56 =	vpop (erf);
	v18 =	vmul.f32 v18, v62  }
0x31f: {  	v50 =	vld [tilespmem:s7+$0xFFFFF030];
	v48 =	vmul.f32 $1.442695020e+00, v48;
	v60 =	vsub.f32 $0.0e+00, v44;
	v51 =	vpop (erf)  }
0x320: {  	v47 =	vld [tilespmem:s14+$0x20];
	v52 =	vmul.f32 $1.442695020e+00, v57;
	v32 =	vadd.f32 $1.000000000e+00, v56;
	(erf) = vrcp.f32 v1;
	[tilespmem:s12+$0x30] =	vst v18;
	v1 =	vpop (erf)  }
0x321: {  	v38 =	vld [tilespmem:s14+$0x10];
	v57 =	vmul.f32 v42, v55;
	v49 =	vmul.f32 $1.442695020e+00, v60;
	v51 =	vadd.f32 $1.000000000e+00, v51;
	[tilespmem:s14+$0x30] =	vst v33;
	v53 =	vpop (erf)  }
0x322: {  	(erf) = vrcp.f32 v32;
	v1 =	vadd.f32 $1.000000000e+00, v1;
	v32 =	vld [tilespmem:s12+$0x1030];
	v16 =	vmul.f32 v53, v16;
	v18 =	vpop (erf)  }
0x323: {  	s31 =	sadd.s32 $0x40, s7;
	v41 =	vld [tilespmem:s23+$0x1010];
	v60 =	vmul.f32 v36, v54;
	(erf) = vrcp.f32 v51;
	v61 =	vpop (erf)  }
0x324: {  	v42 =	vld [tilespmem:s31+$0xFFFFE000];
	(erf) = vrcp.f32 v1;
	v1 =	vadd.f32 $1.000000000e+00, v18;
	v16 =	vmul.f32 v16, v50;
	v18 =	vpop (erf)  }
0x325: {  	v56 =	vmul.f32 v40, v20;
	v62 =	vld [tilespmem:s31+$0xFFFFE030];
	v40 =	vadd.f32 $1.000000000e+00, v61;
	(erf) = vpow2.f32 v48;
	v63 =	vpop (erf)  }
0x326: {  	v43 =	vld [tilespmem:s23+$0x1000];
	v14 =	vmul.f32 v18, v14;
	(erf) = vrcp.f32 v1;
	v18 =	vpop (erf);
	[tilespmem:s16+$0xFFFFF030] =	vst v16;
	v16 =	vadd.f32 $1.000000000e+00, v63  }
0x327: {  	s20 =	sadd.s32 $0x40, s13;
	v53 =	vld [tilespmem:s31+$0xFFFFE010];
	(erf) = vrcp.f32 v40;
	v40 =	vsub.f32 $0.0e+00, v32;
	v34 =	vmul.f32 v18, v34;
	v18 =	vpop (erf)  }
0x328: {  	[tilespmem:s1+$0x1030] =	vst v37;
	v1 =	vld [tilespmem:s20+$0x10];
	v10 =	vmul.f32 v14, v10;
	v14 =	vmul.f32 v18, v2  }
0x329: {  	v48 =	vld [tilespmem:s31+$0xFFFFE020];
	[tilespmem:s7+$0xFFFFF030] =	vst v7;
	(erf) = vrcp.f32 v16;
	v55 =	vpop (erf);
	v37 =	vmul.f32 $1.442695020e+00, v40  }
0x32a: {  	v18 =	vld [tilespmem:s16+$0x30];
	v16 =	vmul.f32 v34, v62;
	[tilespmem:s16+$0xFFFFF010] =	vst v10;
	v10 =	vmul.f32 v55, v15  }
0x32b: {  	[tilespmem:s23+$0x1030] =	vst v23;
	v50 =	vld [tilespmem:s23+$0x1020];
	(erf) = vpow2.f32 v52;
	v62 =	vpop (erf);
	v14 =	vmul.f32 v14, v42  }
0x32c: {  	v2 =	vld [tilespmem:s20+$0xFFFFFFF0];
	(erf) = vpow2.f32 v37;
	[tilespmem:s25+$0xFFFFE030] =	vst v16;
	v63 =	vpop (erf);
	v10 =	vmul.f32 v10, v53  }
0x32d: {  	s13 =	sadd.s32 $0x4, s10;
	v34 =	vld [tilespmem:s20+$0xFFFFFFE0];
	v29 =	vmul.f32 v62, v29;
	(erf) = vpow2.f32 v49;
	[tilespmem:s31+$0xFFFFE030] =	vst v1;
	v51 =	vpop (erf)  }
0x32e: {  	p5 =	slt.u32 s13, $0xFC;
	v61 =	vmovc v3;
	v15 =	vld [tilespmem:s20+$0x0];
	v49 =	vmov v22;
	[tilespmem:s25+$0xFFFFE000] =	vst v14;
	v14 =	vmul.f32 v63, v30;
	v30 =	vmul.f32 v51, v35  }
.Ltmp13:
0x32f: {  	[tilespmem:s7+$0xFFFFF010] =	vst v59;
	v16 =	vld [tilespmem:s25+$0xFFFFF030];
	v52 =	vsub.f32 $0.0e+00, v18;
	v53 =	vpop (erf);
	v29 =	vmul.f32 v29, v48;
	v51 =	vmov v27;
	(pc) =	sbr.rel @!p5 .LBB2_25-.Ltmp13, $4  }
0x330: {  	[tilespmem:s25+$0xFFFFE010] =	vst v10;
	v40 =	vld [tilespmem:s31+$0xFFFFF000];
	v48 =	vmov v9;
	v54 =	vpop (erf);
	v63 =	vmul.f32 v14, v5;
	v42 =	vadd.f32 $1.000000000e+00, v53  }
0x331: {  	[tilespmem:s31+$0xFFFFE010] =	vst v2;
	v10 =	vld [tilespmem:s31+$0xFFFFF010];
	v53 =	vmov v11;
	v5 =	vmul.f32 $1.442695020e+00, v52;
	v55 =	vpop (erf);
	v62 =	vmul.f32 v30, v4  }
0x332: {  	s10 =	sadd.s32 $0x40, s25;
	p4 =	por $0x1, $0x1;
	s26 =	smov.u32 s19;
	v14 =	vld [tilespmem:s25+$0xFFFFF010];
	[tilespmem:s25+$0xFFFFE020] =	vst v29;
	v37 =	vmul.f32 v54, v19;
	v54 =	vmovc v58;
	v58 =	vmov v6;
	v36 =	vmul.f32 v55, v21  }
0x333: {  	s15 =	smov.u32 s17;
	s18 =	smov.u32 s1;
	s28 =	smov.u32 s23;
	[tilespmem:s31+$0xFFFFE000] =	vst v34;
	v4 =	vld [tilespmem:s31+$0xFFFFF020];
	v55 =	vmov v13;
	(erf) = vpow2.f32 v5;
	v35 =	vpop (erf);
	v52 =	vmov v24  }
.LBB2_26:
0x334: {  	v29 =	vld [tilespmem:s10+$0xFFFFE030];
	[tilespmem:s31+$0xFFFFE020] =	vst v15;
	v30 =	vsub.f32 $0.0e+00, v16;
	v45 =	vmul.f32 v37, v45;
	v31 =	vmul.f32 v35, v31;
	v5 =	vpop (erf)  }
0x335: {  	v19 =	vld [tilespmem:s10+$0xFFFFE000];
	[tilespmem:s16+$0xFFFFF000] =	vst v63;
	v38 =	vmul.f32 v36, v38;
	v35 =	vadd.f32 $1.000000000e+00, v5;
	(erf) = vrcp.f32 v42;
	v5 =	vmovc v34;
	v21 =	vmovc v40  }
0x336: {  	v37 =	vld [tilespmem:s10+$0xFFFFE010];
	v30 =	vmul.f32 $1.442695020e+00, v30;
	[tilespmem:s7+$0xFFFFF000] =	vst v25;
	v42 =	vmul.f32 v31, v47  }
0x337: {  	v56 =	vmul.f32 v56, v49;
	v34 =	vld [tilespmem:s10+$0xFFFFE020];
	v31 =	vsub.f32 $0.0e+00, v14;
	[tilespmem:s16+$0xFFFFF020] =	vst v62;
	v40 =	vpop (erf);
	(erf) = vrcp.f32 v35  }
0x338: {  	s13 =	sadd.s32 $0x4, s13;
	v57 =	vmul.f32 v57, v52;
	v49 =	vmovc v43;
	v52 =	vmovc v41;
	v36 =	vld [tilespmem:s25+$0xFFFFF000];
	(erf) = vpow2.f32 v30;
	[tilespmem:s7+$0xFFFFF020] =	vst v17;
	v35 =	vadd.f32 $1.000000000e+00, v40  }
0x339: {  	v60 =	vmul.f32 v60, v54;
	p5 =	slt.u32 s13, $0xFC;
	v41 =	vsub.f32 $0.0e+00, v29;
	v31 =	vmul.f32 $1.442695020e+00, v31;
	v40 =	vld [tilespmem:s25+$0xFFFFF020];
	[tilespmem:s12+$0x0] =	vst v45;
	v43 =	vpop (erf)  }
0x33a: {  	v54 =	vmovc v50;
	v45 =	vsub.f32 $0.0e+00, v19;
	v30 =	vld [tilespmem:s16+$0x0];
	[tilespmem:s14+$0x0] =	vst v8;
	(erf) = vrcp.f32 v35;
	v43 =	vadd.f32 $1.000000000e+00, v43  }
0x33b: {  	v47 =	vsub.f32 $0.0e+00, v37;
	v41 =	vmul.f32 $1.442695020e+00, v41;
	(erf) = vpow2.f32 v31;
	v35 =	vld [tilespmem:s16+$0x10];
	[tilespmem:s12+$0x10] =	vst v38  }
0x33c: {  	v38 =	vmul.f32 $1.442695020e+00, v45;
	v50 =	vsub.f32 $0.0e+00, v34;
	v31 =	vld [tilespmem:s16+$0x20];
	v62 =	vpop (erf);
	[tilespmem:s14+$0x10] =	vst v26;
	(erf) = vrcp.f32 v43  }
0x33d: {  	v43 =	vmul.f32 $1.442695020e+00, v47;
	(erf) = vpow2.f32 v41;
	v45 =	vld [tilespmem:s7+$0x0];
	v41 =	vadd.f32 $1.000000000e+00, v62;
	[tilespmem:s12+$0x20] =	vst v42  }
0x33e: {  	v3 =	vsub.f32 $0.0e+00, v36;
	v42 =	vmul.f32 $1.442695020e+00, v50;
	(erf) = vpow2.f32 v38;
	v38 =	vld [tilespmem:s7+$0x10];
	[tilespmem:s14+$0x20] =	vst v12;
	v62 =	vpop (erf)  }
0x33f: {  	v63 =	vsub.f32 $0.0e+00, v40;
	v20 =	vsub.f32 $0.0e+00, v30;
	v47 =	vld [tilespmem:s7+$0x20];
	(erf) = vrcp.f32 v41;
	[tilespmem:s26+$0x1000] =	vst v56  }
0x340: {  	v3 =	vmul.f32 $1.442695020e+00, v3;
	(erf) = vpow2.f32 v43;
	v43 =	vsub.f32 $0.0e+00, v35;
	v22 =	vld [tilespmem:s12+$0x1000];
	v24 =	vpop (erf);
	[tilespmem:s15+$0x1000] =	vst v61  }
0x341: {  	(erf) = vpow2.f32 v42;
	v42 =	vmul.f32 $1.442695020e+00, v63;
	v50 =	vpop (erf);
	v56 =	vsub.f32 $0.0e+00, v31;
	v61 =	vld [tilespmem:s14+$0x1030];
	[tilespmem:s26+$0x1010] =	vst v57  }
0x342: {  	v50 =	vadd.f32 $1.000000000e+00, v50;
	(erf) = vpow2.f32 v3;
	v3 =	vmul.f32 $1.442695020e+00, v20;
	v63 =	vld [tilespmem:s12+$0x1010];
	[tilespmem:s15+$0x1010] =	vst v51;
	v51 =	vmovc v48;
	v48 =	vmovc v26  }
0x343: {  	(erf) = vpow2.f32 v42  }
0x344: {  	v26 =	vmov v59;
	v42 =	vmul.f32 $1.442695020e+00, v43;
	v28 =	vld [tilespmem:s12+$0x1020];
	v41 =	vpop (erf);
	[tilespmem:s26+$0x1020] =	vst v60;
	s26 =	smov.u32 s18;
	s18 =	smov.u32 s12;
	s12 =	smov.u32 s16;
	v56 =	vmul.f32 $1.442695020e+00, v56  }
0x345: {  	v59 =	vmov v2;
	v57 =	vpop (erf);
	(erf) = vrcp.f32 v50;
	v43 =	vld [tilespmem:s14+$0x1000];
	v32 =	vmul.f32 v41, v32;
	[tilespmem:s15+$0x1020] =	vst v58;
	s15 =	smov.u32 s28;
	s28 =	smov.u32 s14;
	s14 =	smov.u32 s7  }
0x346: {  	s16 =	smov.u32 s25;
	s25 =	smov.u32 s10;
	s7 =	smov.u32 s31;
	v2 =	vadd.f32 $1.000000000e+00, v57;
	(erf) = vpow2.f32 v3;
	v41 =	vld [tilespmem:s28+$0x1010];
	v20 =	vpop (erf)  }
0x347: {  	v50 =	vpop (erf);
	v57 =	vld [tilespmem:s14+$0x30];
	(erf) = vpow2.f32 v42;
	v42 =	vsub.f32 $0.0e+00, v22;
	v3 =	vmul.f32 v32, v61  }
0x348: {  	v58 =	vadd.f32 $1.000000000e+00, v50;
	v60 =	vpop (erf);
	(erf) = vrcp.f32 v2;
	v2 =	vsub.f32 $0.0e+00, v63;
	v50 =	vld [tilespmem:s28+$0x1020]  }
0x349: {  	v60 =	vadd.f32 $1.000000000e+00, v60;
	(erf) = vpow2.f32 v56;
	v56 =	vpop (erf);
	v61 =	vsub.f32 $0.0e+00, v28;
	[tilespmem:s18+$0x1030] =	vst v3  }
0x34a: {  	v32 =	vpop (erf);
	(erf) = vrcp.f32 v58;
	v18 =	vmul.f32 v56, v18;
	[tilespmem:s28+$0x1030] =	vst v33;
	v33 =	vmov v7  }
0x34b: {  	v42 =	vmul.f32 $1.442695020e+00, v42;
	v7 =	vadd.f32 $1.000000000e+00, v32;
	(erf) = vrcp.f32 v60;
	v32 =	vpop (erf)  }
0x34c: {  	v2 =	vmul.f32 $1.442695020e+00, v2;
	v32 =	vadd.f32 $1.000000000e+00, v32;
	v58 =	vld [tilespmem:s31+$0xFFFFF030];
	v56 =	vpop (erf);
	v18 =	vmul.f32 v18, v57  }
0x34d: {  	v61 =	vmul.f32 $1.442695020e+00, v61;
	(erf) = vrcp.f32 v7;
	v3 =	vadd.f32 $1.000000000e+00, v56;
	v56 =	vpop (erf)  }
0x34e: {  	(erf) = vrcp.f32 v32;
	v32 =	vadd.f32 $1.000000000e+00, v56;
	v57 =	vpop (erf);
	[tilespmem:s12+$0x30] =	vst v18;
	v56 =	vmul.f32 v62, v39  }
0x34f: {  	v39 =	vmov v22;
	v16 =	vmul.f32 v57, v16;
	(erf) = vrcp.f32 v3;
	[tilespmem:s14+$0x30] =	vst v33;
	v7 =	vpop (erf)  }
0x350: {  	s31 =	sadd.s32 $0x40, s31;
	v57 =	vmul.f32 v24, v46;
	(erf) = vrcp.f32 v32;
	v3 =	vadd.f32 $1.000000000e+00, v7;
	v32 =	vld [tilespmem:s12+$0x1030];
	v18 =	vpop (erf)  }
0x351: {  	v22 =	vld [tilespmem:s31+$0xFFFFE030];
	v16 =	vmul.f32 v16, v58;
	v24 =	vpop (erf);
	v62 =	vadd.f32 $1.000000000e+00, v18;
	(erf) = vpow2.f32 v42  }
0x352: {  	v46 =	vmov v63;
	v42 =	vld [tilespmem:s31+$0xFFFFE000];
	v14 =	vmul.f32 v24, v14;
	(erf) = vrcp.f32 v3;
	v7 =	vpop (erf)  }
0x353: {  	s20 =	sadd.s32 $0x40, s20;
	v60 =	vmul.f32 v20, v44;
	v24 =	vld [tilespmem:s31+$0xFFFFE010];
	v58 =	vpop (erf);
	[tilespmem:s16+$0xFFFFF030] =	vst v16;
	v3 =	vadd.f32 $1.000000000e+00, v7;
	(erf) = vrcp.f32 v62  }
0x354: {  	v44 =	vmov v28;
	v16 =	vld [tilespmem:s20+$0x10];
	v29 =	vmul.f32 v58, v29;
	v18 =	vpop (erf);
	v10 =	vmul.f32 v14, v10;
	[tilespmem:s7+$0xFFFFF030] =	vst v1  }
0x355: {  	v7 =	vmovc v1;
	v58 =	vmovc v53;
	v14 =	vmul.f32 v18, v19;
	v18 =	vld [tilespmem:s16+$0x30];
	v19 =	vsub.f32 $0.0e+00, v32;
	(erf) = vrcp.f32 v3  }
0x356: {  	v53 =	vmov v12;
	v28 =	vld [tilespmem:s31+$0xFFFFE020];
	v3 =	vmul.f32 v29, v22;
	v20 =	vpop (erf);
	[tilespmem:s16+$0xFFFFF010] =	vst v10;
	(erf) = vpow2.f32 v2  }
0x357: {  	v12 =	vmov v17;
	v2 =	vld [tilespmem:s20+$0xFFFFFFF0];
	v10 =	vmul.f32 v20, v37;
	v20 =	vpop (erf);
	[tilespmem:s7+$0xFFFFF010] =	vst v59;
	v19 =	vmul.f32 $1.442695020e+00, v19  }
0x358: {  	v17 =	vmov v15;
	v14 =	vmul.f32 v14, v42;
	v20 =	vmul.f32 v20, v34;
	[tilespmem:s10+$0xFFFFE030] =	vst v3;
	v22 =	vpop (erf);
	v15 =	vld [tilespmem:s20+$0x0]  }
0x359: {  	v34 =	vld [tilespmem:s20+$0xFFFFFFE0];
	v10 =	vmul.f32 v10, v24;
	[tilespmem:s31+$0xFFFFE030] =	vst v16;
	v24 =	vpop (erf);
	(erf) = vpow2.f32 v19;
	v1 =	vmov v16  }
.Ltmp14:
0x35a: {  	[tilespmem:s10+$0xFFFFE000] =	vst v14;
	v16 =	vld [tilespmem:s10+$0xFFFFF030];
	v14 =	vmul.f32 v22, v36;
	v19 =	vmul.f32 v24, v40;
	v3 =	vsub.f32 $0.0e+00, v18;
	v24 =	vpop (erf);
	(pc) =	sbr.rel @p5 .LBB2_26-.Ltmp14, $4  }
0x35b: {  	v40 =	vld [tilespmem:s31+$0xFFFFF000];
	[tilespmem:s10+$0xFFFFE010] =	vst v10;
	v20 =	vmul.f32 v20, v28;
	v28 =	vpop (erf);
	v42 =	vadd.f32 $1.000000000e+00, v24;
	(erf) = vpow2.f32 v61  }
0x35c: {  	v61 =	vmov v55;
	[tilespmem:s31+$0xFFFFE010] =	vst v2;
	v10 =	vld [tilespmem:s31+$0xFFFFF010];
	v63 =	vmul.f32 v14, v21;
	v21 =	vmul.f32 $1.442695020e+00, v3;
	v22 =	vpop (erf)  }
0x35d: {  	v55 =	vmovc v8;
	v8 =	vmov v25;
	v62 =	vmul.f32 v19, v4;
	v37 =	vmul.f32 v28, v30;
	v14 =	vld [tilespmem:s10+$0xFFFFF010];
	[tilespmem:s10+$0xFFFFE020] =	vst v20  }
0x35e: {  	v25 =	vmov v5;
	s10 =	sadd.s32 $0x40, s10;
	v36 =	vmul.f32 v22, v35;
	[tilespmem:s31+$0xFFFFE000] =	vst v34;
	v4 =	vld [tilespmem:s31+$0xFFFFF020];
	(erf) = vpow2.f32 v21;
	v35 =	vpop (erf)  }
0x35f: {  	v5 =	vmov v26  }
0x360: {  	s20 =	smov.u32 s16;
	v30 =	vmovc v7;
	s16 =	smov.u32 s25;
	v21 =	vmovc v59;
	v26 =	vmov v2;
	v59 =	vmov v33;
	v7 =	vmov v1  }
.LBB2_28:
0x361: {  	v1 =	vsub.f32 $0.0e+00, v16;
	v2 =	vpop @p3 (erf)  }
0x362: {  	v2 =	vadd.f32 @p3 $1.000000000e+00, v2  }
0x363: {  	(erf) = vrcp.f32 @p3 v42;
	v1 =	vmul.f32 $1.442695020e+00, v1  }
0x364: {  	(erf) = vrcp.f32 @p3 v2  }
0x365: {  	(erf) = vpow2.f32 v1  }
0x366: {  	[tilespmem:s31+$0xFFFFE020] =	vst v15;
	v19 =	vpop @p2 (erf);
	v1 =	vld [tilespmem:s16+$0xFFFFF000]  }
0x367: {  	v20 =	vld [tilespmem:s16+$0xFFFFF020];
	v19 =	vadd.f32 @p2 $1.000000000e+00, v19;
	v2 =	vsub.f32 $0.0e+00, v14;
	_ =	sdelay $0x1  }
0x368: {  	v2 =	vmul.f32 $1.442695020e+00, v2  }
0x369: {  	v22 =	vpop @p3 (erf)  }
0x36a: {  	v22 =	vadd.f32 @p3 $1.000000000e+00, v22;
	(erf) = vrcp.f32 @p2 v19;
	v19 =	vpop @p1 (erf);
	v24 =	vsub.f32 $0.0e+00, v1  }
0x36b: {  	v29 =	vsub.f32 $0.0e+00, v20;
	(erf) = vpow2.f32 v2;
	v28 =	vadd.f32 @p1 $1.000000000e+00, v19;
	v19 =	vpop @p3 (erf)  }
0x36c: {  	[tilespmem:s20+$0xFFFFF000] =	vst @p1 v63;
	(erf) = vrcp.f32 @p3 v22;
	v42 =	vmul.f32 $1.442695020e+00, v24;
	v2 =	vpop @p3 (erf)  }
0x36d: {  	[tilespmem:s7+$0xFFFFF000] =	vst @p1 v25;
	v63 =	vmul.f32 $1.442695020e+00, v29;
	(erf) = vrcp.f32 @p1 v28;
	v33 =	vpop (erf)  }
0x36e: {  	v24 =	vld @p1 [tilespmem:s20+$0x0];
	(erf) = vpow2.f32 v42;
	v42 =	vadd.f32 $1.000000000e+00, v33  }
0x36f: {  	(erf) = vpow2.f32 v63  }
0x370: {  	[tilespmem:s20+$0xFFFFF020] =	vst @p1 v62;
	(erf) = vrcp.f32 v42;
	v42 =	vld @p1 [tilespmem:s20+$0x10]  }
0x371: {  	[tilespmem:s7+$0xFFFFF020] =	vst @p1 v17  }
0x372: {  	v62 =	vld @p1 [tilespmem:s20+$0x20]  }
0x373: {  	v33 =	vpop @p2 (erf);
	v22 =	vsub.f32 @p1 $0.0e+00, v24  }
0x374: {  	v28 =	vpop (erf)  }
0x375: {  	v37 =	vmul.f32 @p2 v37, v45;
	s10 =	smov.u32 @p1 s7;
	v29 =	vpop @p3 (erf);
	v22 =	vmul.f32 @p1 $1.442695020e+00, v22;
	v45 =	vsub.f32 @p1 $0.0e+00, v42  }
0x376: {  	v31 =	vmul.f32 @p2 v35, v31;
	v36 =	vmul.f32 @p2 v36, v38;
	v35 =	vld @p1 [tilespmem:s10+$0x30];
	v63 =	vpop @p1 (erf)  }
0x377: {  	(erf) = vpow2.f32 @p1 v22;
	v22 =	vsub.f32 @p1 $0.0e+00, v62;
	v3 =	vpop (erf);
	v38 =	vmul.f32 @p1 $1.442695020e+00, v45  }
0x378: {  	v31 =	vmul.f32 @p2 v31, v47;
	v28 =	vadd.f32 $1.000000000e+00, v28;
	v18 =	vmul.f32 @p1 v63, v18;
	v45 =	vld [tilespmem:s31+$0xFFFFF030];
	v47 =	vpop (erf)  }
0x379: {  	[tilespmem:s12+$0x0] =	vst @p2 v37;
	v22 =	vmul.f32 @p1 $1.442695020e+00, v22;
	(erf) = vpow2.f32 @p1 v38;
	v63 =	vpop (erf)  }
0x37a: {  	[tilespmem:s14+$0x0] =	vst @p2 v8;
	v38 =	vmul.f32 v63, v16;
	(erf) = vrcp.f32 v28  }
0x37b: {  	[tilespmem:s12+$0x10] =	vst @p2 v36;
	v28 =	vmul.f32 @p1 v18, v35;
	v18 =	vld @p2 [tilespmem:s12+$0x1000];
	(erf) = vpow2.f32 @p1 v22  }
0x37c: {  	s13 =	smov.u32 @p1 s20;
	[tilespmem:s14+$0x10] =	vst @p2 v5  }
0x37d: {  	v16 =	vmul.f32 v38, v45;
	[tilespmem:s13+$0x30] =	vst @p1 v28  }
0x37e: {  	v3 =	vadd.f32 $1.000000000e+00, v3;
	[tilespmem:s10+$0x30] =	vst @p1 v30  }
0x37f: {  	[tilespmem:s16+$0xFFFFF030] =	vst v16;
	v16 =	vld @p2 [tilespmem:s12+$0x1010]  }
0x380: {  	[tilespmem:s12+$0x20] =	vst @p2 v31;
	(erf) = vrcp.f32 v3;
	v35 =	vld @p1 [tilespmem:s13+$0x1030];
	v22 =	vsub.f32 @p2 $0.0e+00, v18  }
0x381: {  	v3 =	vadd.f32 $1.000000000e+00, v47;
	v28 =	vpop @p1 (erf);
	[tilespmem:s31+$0xFFFFF030] =	vst v7  }
0x382: {  	[tilespmem:s14+$0x20] =	vst @p2 v12;
	v37 =	vld [tilespmem:s16+$0x30];
	v22 =	vmul.f32 @p2 $1.442695020e+00, v22;
	v36 =	vpop @p1 (erf)  }
0x383: {  	v31 =	vld @p2 [tilespmem:s12+$0x1020];
	(erf) = vrcp.f32 v3;
	v3 =	vadd.f32 @p1 $1.000000000e+00, v28;
	v47 =	vpop (erf)  }
0x384: {  	(erf) = vpow2.f32 @p2 v22;
	v22 =	vadd.f32 @p1 $1.000000000e+00, v36;
	v36 =	vsub.f32 @p2 $0.0e+00, v16;
	v38 =	vpop @p1 (erf)  }
0x385: {  	(erf) = vrcp.f32 @p1 v3;
	v3 =	vadd.f32 @p1 $1.000000000e+00, v38;
	v38 =	vsub.f32 @p1 $0.0e+00, v35  }
0x386: {  	(erf) = vrcp.f32 @p1 v22;
	v22 =	vmul.f32 @p2 $1.442695020e+00, v36  }
0x387: {  	v63 =	vsub.f32 $0.0e+00, v37;
	(erf) = vrcp.f32 @p1 v3;
	v3 =	vmul.f32 @p1 $1.442695020e+00, v38  }
0x388: {  	v14 =	vmul.f32 v47, v14;
	v36 =	vsub.f32 @p2 $0.0e+00, v31;
	(erf) = vpow2.f32 @p2 v22  }
0x389: {  	v45 =	vpop (erf);
	(erf) = vpow2.f32 @p1 v3;
	v3 =	vmul.f32 $1.442695020e+00, v63  }
0x38a: {  	v1 =	vmul.f32 v45, v1;
	v22 =	vmul.f32 @p2 $1.442695020e+00, v36  }
0x38b: {  	v10 =	vmul.f32 v14, v10  }
0x38c: {  	v1 =	vmul.f32 v1, v40;
	(erf) = vpow2.f32 @p2 v22  }
0x38d: {  	[tilespmem:s16+$0xFFFFF010] =	vst v10;
	(erf) = vpow2.f32 v3;
	v3 =	vpop (erf)  }
0x38e: {  	[tilespmem:s16+$0xFFFFF000] =	vst v1;
	v22 =	vpop @p2 (erf)  }
0x38f: {  	[tilespmem:s31+$0xFFFFF000] =	vst v34;
	v28 =	vpop @p1 (erf)  }
0x390: {  	v10 =	vld [tilespmem:$0x1FFF0];
	v3 =	vmul.f32 v3, v20;
	v20 =	vpop @p1 (erf)  }
0x391: {  	v1 =	vadd.f32 @p2 $1.000000000e+00, v22;
	v22 =	vpop @p1 (erf)  }
0x392: {  	v3 =	vmul.f32 v3, v4;
	v4 =	vpop @p2 (erf)  }
0x393: {  	v4 =	vadd.f32 @p2 $1.000000000e+00, v4;
	_ =	sdelay $0x1  }
0x394: {  	[tilespmem:s31+$0xFFFFF010] =	vst v26;
	v1 =	vpsel p2, v1, v10;
	v14 =	vpop @p1 (erf)  }
0x395: {  	(erf) = vrcp.f32 @p2 v1;
	[tilespmem:s16+$0xFFFFF020] =	vst v3;
	v1 =	vadd.f32 @p1 $1.000000000e+00, v14;
	v3 =	vpop @p2 (erf)  }
0x396: {  	v10 =	vld @p1 [tilespmem:s7+$0x0];
	[tilespmem:s31+$0xFFFFF020] =	vst v15;
	(erf) = vrcp.f32 @p2 v4;
	v4 =	vpop (erf)  }
0x397: {  	(erf) = vrcp.f32 @p1 v1;
	v1 =	vadd.f32 $1.000000000e+00, v4;
	v4 =	vld [tilespmem:$0x1FF80];
	_ =	sdelay $0x4  }
0x398: {  	v4 =	vpsel p1, v10, v4;
	v10 =	vld [tilespmem:$0x1FFE0];
	_ =	sdelay $0x2  }
0x399: {  	v14 =	vmul.f32 @p1 v28, v24  }
0x39a: {  	v3 =	vadd.f32 @p2 $1.000000000e+00, v3  }
0x39b: {  	v38 =	vld [tilespmem:s16+$0x0];
	v10 =	vpsel p1, v14, v10  }
0x39c: {  	(erf) = vrcp.f32 @p2 v3;
	v4 =	vmul.f32 @p1 v10, v4  }
0x39d: {  	s1 =	smov.u32 @p1 s13;
	v40 =	vld [tilespmem:s16+$0x10];
	(erf) = vrcp.f32 v1;
	v1 =	vmov @p1 v25  }
0x39e: {  	s23 =	smov.u32 @p1 s10;
	v1 =	vpsel p1, v1, v13;
	[tilespmem:s1+$0x0] =	vst @p1 v4  }
0x39f: {  	v24 =	vld [tilespmem:s16+$0x20];
	[tilespmem:s23+$0x0] =	vst @p1 v1  }
0x3a0: {  	v3 =	vsub.f32 $0.0e+00, v38;
	v47 =	vld [tilespmem:$0x1FF10]  }
0x3a1: {  	v63 =	vld [tilespmem:$0x1FFC0]  }
0x3a2: {  	v28 =	vld @p1 [tilespmem:s7+$0x20];
	v3 =	vmul.f32 $1.442695020e+00, v3;
	v10 =	vsub.f32 $0.0e+00, v40  }
0x3a3: {  	v4 =	vld @p1 [tilespmem:s7+$0x10]  }
0x3a4: {  	(erf) = vpow2.f32 v3;
	v3 =	vmul.f32 $1.442695020e+00, v10;
	v10 =	vsub.f32 $0.0e+00, v24;
	v45 =	vld [tilespmem:$0x1FF70]  }
0x3a5: {  	v20 =	vmul.f32 @p1 v20, v42;
	v42 =	vpsel p1, v62, v47;
	v47 =	vld [tilespmem:$0x1FFD0]  }
0x3a6: {  	v14 =	vpop @p2 (erf);
	(erf) = vpow2.f32 v3;
	v3 =	vmul.f32 $1.442695020e+00, v10;
	v22 =	vpsel p1, v22, v63;
	v63 =	vld [tilespmem:$0x1FFA0]  }
0x3a7: {  	v13 =	vpop @p2 (erf);
	v10 =	vld @p1 [tilespmem:s1+$0x1000]  }
0x3a8: {  	v36 =	vpop @p1 (erf);
	(erf) = vpow2.f32 v3;
	v3 =	vld [tilespmem:s31+$0x30]  }
0x3a9: {  	v25 =	vpop @p2 (erf)  }
0x3aa: {  	v4 =	vpsel p1, v4, v45;
	v62 =	vpop (erf);
	v22 =	vmul.f32 @p1 v22, v42;
	v20 =	vpsel p1, v20, v47  }
0x3ab: {  	v28 =	vpsel p1, v28, v63;
	v4 =	vmul.f32 @p1 v20, v4;
	v20 =	vmul.f32 v62, v37  }
0x3ac: {  	v21 =	vpsel p1, v21, v9;
	v37 =	vsub.f32 @p1 $0.0e+00, v10;
	v9 =	vmul.f32 @p1 v22, v28  }
0x3ad: {  	[tilespmem:s1+$0x10] =	vst @p1 v4;
	v3 =	vmul.f32 v20, v3  }
0x3ae: {  	v45 =	vpop (erf);
	v4 =	vmul.f32 @p1 $1.442695020e+00, v37;
	[tilespmem:s1+$0x20] =	vst @p1 v9  }
0x3af: {  	v9 =	vadd.f32 $1.000000000e+00, v45;
	[tilespmem:s23+$0x10] =	vst @p1 v21  }
0x3b0: {  	[tilespmem:s16+$0x30] =	vst v3;
	(erf) = vpow2.f32 @p1 v4  }
0x3b1: {  	v4 =	vpsel p1, v17, v11;
	v17 =	vld @p1 [tilespmem:s1+$0x1010];
	[tilespmem:s31+$0x30] =	vst v7;
	v3 =	vpop (erf);
	(erf) = vrcp.f32 v9  }
0x3b2: {  	v9 =	vld [tilespmem:s16+$0x1030];
	_ =	sdelay $0x1  }
0x3b3: {  	v20 =	vld @p2 [tilespmem:s14+$0x1030];
	v3 =	vadd.f32 $1.000000000e+00, v3;
	v47 =	vpop (erf)  }
0x3b4: {  	v46 =	vmul.f32 @p3 v2, v46;
	v22 =	vadd.f32 $1.000000000e+00, v47  }
0x3b5: {  	[tilespmem:s23+$0x20] =	vst @p1 v4;
	(erf) = vrcp.f32 v3;
	v3 =	vmul.f32 @p2 v33, v32;
	v33 =	vsub.f32 @p1 $0.0e+00, v17  }
0x3b6: {  	v11 =	vld @p1 [tilespmem:s1+$0x1020];
	(erf) = vrcp.f32 v22;
	v22 =	vmul.f32 @p4 v56, v49;
	v56 =	vsub.f32 $0.0e+00, v9  }
0x3b7: {  	v28 =	vmul.f32 @p4 v57, v52;
	v57 =	vld [tilespmem:s31+$0x0];
	v33 =	vmul.f32 @p1 $1.442695020e+00, v33  }
0x3b8: {  	v3 =	vmul.f32 @p2 v3, v20;
	v2 =	vmul.f32 $1.442695020e+00, v56;
	v20 =	vpop @p1 (erf)  }
0x3b9: {  	(erf) = vpow2.f32 @p1 v33;
	v62 =	vpop (erf)  }
0x3ba: {  	(erf) = vpow2.f32 v2;
	v2 =	vmul.f32 v62, v38  }
0x3bb: {  	v45 =	vsub.f32 @p1 $0.0e+00, v11  }
0x3bc: {  	v37 =	vmul.f32 @p4 v60, v54;
	v60 =	vld [tilespmem:s31+$0x10];
	[tilespmem:s26+$0x1000] =	vst @p4 v22;
	v2 =	vmul.f32 v2, v57  }
0x3bd: {  	v63 =	vld [tilespmem:s31+$0x20];
	v45 =	vmul.f32 @p1 $1.442695020e+00, v45;
	[tilespmem:s15+$0x1000] =	vst @p4 v61  }
0x3be: {  	v29 =	vmul.f32 @p3 v29, v44;
	v52 =	vld [tilespmem:$0x1FF30];
	v44 =	vpop (erf)  }
0x3bf: {  	v54 =	vld [tilespmem:$0x1FF50];
	(erf) = vpow2.f32 @p1 v45;
	v45 =	vmul.f32 v44, v40  }
0x3c0: {  	v56 =	vld [tilespmem:$0x1FFB0];
	[tilespmem:s16+$0x0] =	vst v2;
	v2 =	vmov @p2 v5  }
0x3c1: {  	v22 =	vmul.f32 v45, v60;
	v27 =	vpsel p2, v2, v27;
	v2 =	vld [tilespmem:$0x1FF90];
	[tilespmem:s31+$0x0] =	vst v34  }
0x3c2: {  	v5 =	vld [tilespmem:$0x1FF20]  }
0x3c3: {  	v20 =	vadd.f32 @p1 $1.000000000e+00, v20  }
0x3c4: {  	v12 =	vpsel p2, v12, v6;
	v19 =	vmul.f32 @p3 v19, v39;
	v32 =	vld @p2 [tilespmem:s14+$0x1000];
	v57 =	vpop (erf)  }
0x3c5: {  	v20 =	vpsel p1, v20, v0;
	v24 =	vmul.f32 v57, v24;
	[tilespmem:s16+$0x10] =	vst v22;
	v22 =	vmov @p3 v43  }
0x3c6: {  	[tilespmem:s31+$0x10] =	vst v26;
	v22 =	vpsel p3, v22, v0;
	v35 =	vpsel p1, v35, v2;
	v2 =	vmov @p2 v18  }
0x3c7: {  	v60 =	vld [tilespmem:$0x1FF40];
	v18 =	vpsel p1, v30, v23;
	v23 =	vpsel p2, v2, v5;
	v5 =	vmul.f32 v24, v63  }
0x3c8: {  	v19 =	vpsel p3, v19, v0;
	v29 =	vpsel p3, v29, v0;
	(erf) = vrcp.f32 @p1 v20;
	v2 =	vld [tilespmem:s16+$0x1000]  }
0x3c9: {  	v32 =	vpsel p2, v32, v52;
	v19 =	vmul.f32 @p3 v19, v22;
	v30 =	vpop @p1 (erf);
	v24 =	vmov @p2 v31;
	[tilespmem:s16+$0x20] =	vst v5;
	v5 =	vld [tilespmem:s16+$0x1010]  }
0x3ca: {  	v30 =	vadd.f32 @p1 $1.000000000e+00, v30;
	v62 =	vpop (erf);
	v31 =	vmov @p3 v41;
	v22 =	vmov @p3 v50;
	v61 =	vld [tilespmem:$0x1FF60];
	[tilespmem:s31+$0x20] =	vst v15  }
0x3cb: {  	s7 =	smov.u32 @p2 s14;
	v63 =	vadd.f32 $1.000000000e+00, v62;
	v20 =	vpsel p3, v31, v0;
	v22 =	vpsel p3, v22, v0;
	[tilespmem:s26+$0x1010] =	vst @p4 v28;
	v6 =	vld [tilespmem:s16+$0x1020]  }
0x3cc: {  	s5 =	smov.u32 @p2 s12;
	v42 =	vld @p2 [tilespmem:s7+$0x1010];
	v14 =	vmul.f32 @p2 v14, v23;
	v16 =	vpsel p2, v16, v60;
	v28 =	vpop @p1 (erf);
	(erf) = vrcp.f32 @p1 v30;
	[tilespmem:s26+$0x1020] =	vst @p4 v37  }
0x3cd: {  	[tilespmem:s5+$0x1030] =	vst @p2 v3;
	v3 =	vpsel p3, v46, v0;
	v28 =	vadd.f32 @p1 $1.000000000e+00, v28;
	v33 =	vsub.f32 $0.0e+00, v2  }
0x3ce: {  	v47 =	vld @p2 [tilespmem:s7+$0x1020];
	[tilespmem:s15+$0x1010] =	vst @p4 v51;
	v3 =	vmul.f32 @p3 v3, v20;
	v20 =	vmul.f32 @p3 v29, v22;
	v22 =	vmovc @p3 v55;
	v37 =	vsub.f32 $0.0e+00, v5  }
0x3cf: {  	s6 =	smov.u32 @p3 s18;
	(erf) = vrcp.f32 v63;
	[tilespmem:s15+$0x1020] =	vst @p4 v58;
	v22 =	vpsel p3, v22, v0;
	v30 =	vmul.f32 $1.442695020e+00, v33  }
0x3d0: {  	s6 =	smov.u32 @p3 s6;
	s10 =	smov.u32 @p3 s28;
	v31 =	vld @p1 [tilespmem:s23+$0x1030];
	[tilespmem:s7+$0x1030] =	vst @p2 v59;
	(erf) = vrcp.f32 @p1 v28;
	v40 =	vsub.f32 $0.0e+00, v6;
	v28 =	vmul.f32 $1.442695020e+00, v37  }
0x3d1: {  	s11 =	smov.u32 @p3 s10;
	v38 =	vpsel p2, v42, v54;
	v13 =	vmul.f32 @p2 v13, v16;
	v41 =	vld [tilespmem:$0x1FF00];
	[tilespmem:s6+$0x1000] =	vst @p3 v19;
	v19 =	vmovc @p3 v48;
	(erf) = vpow2.f32 v30  }
0x3d2: {  	[tilespmem:s11+$0x1000] =	vst @p3 v22;
	v19 =	vpsel p3, v19, v0;
	v22 =	vmovc @p3 v53;
	(erf) = vpow2.f32 v28;
	v42 =	vmul.f32 $1.442695020e+00, v40  }
0x3d3: {  	s10 =	smov.u32 @p1 s23;
	v39 =	vpsel p2, v47, v56;
	v14 =	vpsel p2, v14, v0;
	v29 =	vmul.f32 @p1 v36, v35;
	[tilespmem:s6+$0x1010] =	vst @p3 v3  }
0x3d4: {  	v13 =	vpsel p2, v13, v0;
	[tilespmem:s6+$0x1020] =	vst @p3 v20;
	v24 =	vpsel p2, v24, v61;
	v28 =	vld @p1 [tilespmem:s10+$0x1010];
	(erf) = vpow2.f32 v42  }
0x3d5: {  	[tilespmem:s11+$0x1010] =	vst @p3 v19;
	v3 =	vpsel p3, v22, v0;
	v19 =	vmovc @p2 v27;
	v27 =	vmul.f32 @p1 v29, v31;
	v22 =	vmov @p2 v32  }
0x3d6: {  	v23 =	vpop @p1 (erf);
	v20 =	vmov @p1 v21;
	[tilespmem:s11+$0x1020] =	vst @p3 v3;
	v3 =	vmul.f32 @p2 v25, v24;
	v21 =	vpsel p2, v22, v0  }
0x3d7: {  	s19 =	smov.u32 @p2 s5;
	v45 =	vld [tilespmem:s31+$0x1030];
	v33 =	vmov @p2 v39;
	v32 =	vmov @p2 v38;
	v16 =	vpop @p1 (erf);
	v14 =	vmul.f32 @p2 v14, v21  }
0x3d8: {  	s17 =	smov.u32 @p2 s7;
	s5 =	smov.u32 @p2 s19;
	v8 =	vpsel p2, v8, v41;
	[tilespmem:s1+$0x1030] =	vst @p1 v27;
	v24 =	vpsel p2, v32, v0;
	v3 =	vpsel p2, v3, v0;
	v43 =	vpop (erf)  }
0x3d9: {  	s5 =	smov.u32 @p2 s5;
	s6 =	smov.u32 @p2 s17;
	v30 =	vld @p1 [tilespmem:s23+$0x1000];
	[tilespmem:s10+$0x1030] =	vst @p1 v18;
	v13 =	vmul.f32 @p2 v13, v24;
	v27 =	vpop @p1 (erf);
	v18 =	vpsel p1, v28, v0;
	v28 =	vpsel p2, v33, v0  }
0x3da: {  	s6 =	smov.u32 @p2 s6;
	v8 =	vpsel p2, v8, v0;
	v9 =	vmul.f32 v43, v9;
	[tilespmem:s5+$0x1000] =	vst @p2 v14;
	v3 =	vmul.f32 @p2 v3, v28;
	v44 =	vpop (erf)  }
0x3db: {  	[tilespmem:s6+$0x1000] =	vst @p2 v8;
	v21 =	vadd.f32 $1.000000000e+00, v44;
	v14 =	vpop (erf)  }
0x3dc: {  	v10 =	vpsel p1, v10, v0;
	[tilespmem:s5+$0x1020] =	vst @p2 v3;
	v3 =	vmul.f32 v9, v45;
	v8 =	vadd.f32 $1.000000000e+00, v14  }
0x3dd: {  	[tilespmem:s5+$0x1010] =	vst @p2 v13;
	v9 =	vmul.f32 @p1 v23, v10;
	(erf) = vrcp.f32 v21;
	v13 =	vpop (erf)  }
0x3de: {  	v25 =	vpsel p1, v30, v0;
	(erf) = vrcp.f32 v8;
	v8 =	vadd.f32 $1.000000000e+00, v13  }
0x3df: {  	v29 =	vld @p1 [tilespmem:s10+$0x1020];
	v10 =	vpsel p1, v11, v0;
	v11 =	vmov @p1 v25;
	v9 =	vpsel p1, v9, v0  }
0x3e0: {  	[tilespmem:s16+$0x1030] =	vst v3;
	v13 =	vpsel p1, v17, v0;
	(erf) = vrcp.f32 v8;
	v8 =	vpsel p1, v11, v0  }
0x3e1: {  	v1 =	vpsel p1, v1, v0;
	[tilespmem:s31+$0x1030] =	vst v7;
	v3 =	vmul.f32 @p1 v16, v13;
	v7 =	vmul.f32 @p1 v9, v8  }
0x3e2: {  	v12 =	vpsel p2, v12, v0;
	v1 =	vpsel p1, v1, v0;
	s1 =	smov.u32 @p1 s1;
	v11 =	vmov @p1 v18  }
0x3e3: {  	s1 =	smov.u32 @p1 s1;
	s5 =	smov.u32 @p1 s10;
	[tilespmem:s6+$0x1020] =	vst @p2 v12;
	v9 =	vmul.f32 @p1 v27, v10;
	v10 =	vpsel p1, v11, v0;
	v3 =	vpsel p1, v3, v0  }
0x3e4: {  	v20 =	vpsel p1, v20, v0;
	v29 =	vpsel p1, v29, v0;
	s5 =	smov.u32 @p1 s5;
	v8 =	vld [tilespmem:s31+$0x1000];
	v3 =	vmul.f32 @p1 v3, v10;
	[tilespmem:s1+$0x1000] =	vst @p1 v7  }
0x3e5: {  	v4 =	vpsel p1, v4, v0;
	v11 =	vmovc @p1 v29;
	v9 =	vpsel p1, v9, v0;
	[tilespmem:s5+$0x1000] =	vst @p1 v1;
	v7 =	vmov @p1 v20  }
0x3e6: {  	v19 =	vpsel p2, v19, v0;
	v10 =	vld [tilespmem:s31+$0x1010];
	v11 =	vpsel p1, v11, v0;
	[tilespmem:s1+$0x1010] =	vst @p1 v3;
	v12 =	vpop (erf);
	v1 =	vpsel p1, v7, v0  }
0x3e7: {  	v7 =	vmul.f32 @p1 v9, v11;
	v2 =	vmul.f32 v12, v2;
	[tilespmem:s5+$0x1010] =	vst @p1 v1;
	v1 =	vpsel p1, v4, v0  }
0x3e8: {  	[tilespmem:s6+$0x1010] =	vst @p2 v19;
	v3 =	vld [tilespmem:s31+$0x1020];
	v9 =	vpop (erf)  }
0x3e9: {  	[tilespmem:s1+$0x1020] =	vst @p1 v7;
	v4 =	vmul.f32 v9, v5;
	v2 =	vmul.f32 v2, v8  }
0x3ea: {  	[tilespmem:s5+$0x1020] =	vst @p1 v1;
	v1 =	vpop (erf)  }
0x3eb: {  	v4 =	vmul.f32 v4, v10;
	[tilespmem:s16+$0x1000] =	vst v2;
	v1 =	vmul.f32 v1, v6  }
0x3ec: {  	[tilespmem:s31+$0x1000] =	vst v34  }
0x3ed: {  	[tilespmem:s16+$0x1010] =	vst v4;
	v1 =	vmul.f32 v1, v3  }
0x3ee: {  	[tilespmem:s31+$0x1010] =	vst v26  }
0x3ef: {  	[tilespmem:s16+$0x1020] =	vst v1  }
0x3f0: {  	s28 =	simm.s32 $0x14040;
	[tilespmem:s31+$0x1020] =	vst v15  }
0x3f1: {  	v2 =	vld [tilespmem:s28+$0x30]  }
0x3f2: {  	v4 =	vld [tilespmem:s28+$0xFFFFFFD0]  }
0x3f3: {  	v11 =	vld [tilespmem:s28+$0xFFFFFFE0]  }
0x3f4: {  	v12 =	vld [tilespmem:s28+$0xFFFFFFF0]  }
0x3f5: {  	v13 =	vld [tilespmem:s28+$0x0]  }
0x3f6: {  	s1 =	simm.s32 $0x16040;
	v14 =	vld [tilespmem:s28+$0xFFFFFFC0]  }
0x3f7: {  	v15 =	vld [tilespmem:s1+$0x30]  }
0x3f8: {  	v46 =	vld [tilespmem:s28+$0x10];
	v1 =	vand.u32 $0xFF0, v2;
	v5 =	vand.u32 $0xFF0, v11;
	v7 =	vshrl.u32 v2, $0xD  }
0x3f9: {  	v48 =	vld [tilespmem:s28+$0x20];
	v2 =	vshrl.u32 v2, $0xB;
	v57 =	vshrl.u32 v11, $0xD;
	v11 =	vshrl.u32 v11, $0xB  }
0x3fa: {  	v27 =	vld [tilespmem:s1+$0xFFFFFFC0];
	v10 =	vor.u32 v0, v1;
	v1 =	vand.u32 $0xFF0, v4;
	v6 =	vor.u32 v0, v5  }
0x3fb: {  	v25 =	vld [tilespmem:s1+$0xFFFFFFD0];
	v5 =	vand.u32 $0x7F, v7;
	v2 =	vand.u32 $0x1FFE00, v2;
	v29 =	vand.u32 $0x7F, v57  }
0x3fc: {  	v31 =	vld [tilespmem:s1+$0xFFFFFFE0];
	v1 =	vor.u32 v0, v1;
	v47 =	vor.u32 v5, v2;
	v2 =	vand.u32 $0xFF0, v12  }
0x3fd: {  	v32 =	vld [tilespmem:s1+$0x0];
	v11 =	vand.u32 $0x1FFE00, v11;
	v7 =	vor.u32 v0, v2;
	v2 =	vand.u32 $0xFF0, v13  }
0x3fe: {  	v11 =	vor.u32 v29, v11;
	v29 =	vld [tilespmem:s1+$0xFFFFFFF0];
	v8 =	vor.u32 v0, v2;
	v2 =	vand.u32 $0xFF0, v14  }
0x3ff: {  	v9 =	vor.u32 v0, v2;
	v2 =	vand.u32 $0xFF0, v46;
	v3 =	vld.idx.msk [tilespmem:v10+s0+$0x0], $0xffff  }
0x400: {  	v49 =	vld.idx.msk [tilespmem:v6+s0+$0x0], $0xffff;
	v5 =	vor.u32 v0, v2  }
0x401: {  	v55 =	vshrl.u32 v14, $0xD;
	v19 =	vld.idx.msk [tilespmem:v1+s0+$0x0], $0xffff  }
0x402: {  	v59 =	vshrl.u32 v12, $0xD;
	v12 =	vshrl.u32 v12, $0xB;
	v14 =	vshrl.u32 v14, $0xB;
	v51 =	vld.idx.msk [tilespmem:v7+s0+$0x0], $0xffff  }
0x403: {  	v26 =	vand.u32 $0x7F, v55;
	v12 =	vand.u32 $0x1FFE00, v12;
	v14 =	vand.u32 $0x1FFE00, v14;
	v52 =	vld.idx.msk [tilespmem:v8+s0+$0x0], $0xffff  }
0x404: {  	v14 =	vor.u32 v26, v14;
	v26 =	vand.u32 $0x7F, v59;
	v53 =	vld.idx.msk [tilespmem:v9+s0+$0x0], $0xffff;
	v3 =	vmul.f32 v3, v15  }
0x405: {  	v12 =	vor.u32 v26, v12;
	v56 =	vld.idx.msk [tilespmem:v5+s0+$0x0], $0xffff;
	v20 =	vmul.f32 v49, v31  }
0x406: {  	[tilespmem:v47+s22+$0x0] =	vst.idx.add.f32.msk $0xffff, v3  }
0x407: {  	[tilespmem:v11+s22+$0x0] =	vst.idx.add.f32.msk $0xffff, v20  }
0x408: {  	v2 =	vand.u32 $0xFF0, v48;
	v63 =	vmul.f32 v51, v29;
	v50 =	vld.idx.msk [tilespmem:v10+s2+$0x0], $0xffff  }
0x409: {  	v3 =	vor.u32 v0, v2;
	v41 =	vld.idx.msk [tilespmem:v6+s2+$0x0], $0xffff;
	v24 =	vmul.f32 v53, v27  }
0x40a: {  	v54 =	vshrl.u32 v4, $0xD;
	v2 =	vor.u32 $0x80, v47;
	[tilespmem:v12+s22+$0x0] =	vst.idx.add.f32.msk $0xffff, v63  }
0x40b: {  	v16 =	vshrl.u32 v46, $0xB;
	v34 =	vshrl.u32 v48, $0xD;
	v18 =	vshrl.u32 v48, $0xB;
	[tilespmem:v14+s22+$0x0] =	vst.idx.add.f32.msk $0xffff, v24  }
0x40c: {  	v4 =	vshrl.u32 v4, $0xB;
	v60 =	vand.u32 $0x7F, v54;
	v16 =	vand.u32 $0x1FFE00, v16;
	v38 =	vld.idx.msk [tilespmem:v9+s2+$0x0], $0xffff  }
0x40d: {  	v18 =	vand.u32 $0x1FFE00, v18;
	v20 =	vand.u32 $0x7F, v34;
	v42 =	vld.idx.msk [tilespmem:v7+s2+$0x0], $0xffff;
	v21 =	vmul.f32 v50, v15  }
0x40e: {  	v4 =	vand.u32 $0x1FFE00, v4;
	v39 =	vor.u32 $0x80, v14;
	v18 =	vor.u32 v20, v18;
	v58 =	vld.idx.msk [tilespmem:v3+s0+$0x0], $0xffff  }
0x40f: {  	[tilespmem:v2+s22+$0x0] =	vst.idx.add.f32.msk $0xffff, v21;
	v2 =	vshrl.u32 v13, $0xD;
	v13 =	vshrl.u32 v13, $0xB;
	v21 =	vor.u32 v60, v4  }
0x410: {  	v4 =	vshrl.u32 v46, $0xD;
	v61 =	vand.u32 $0x7F, v2;
	v13 =	vand.u32 $0x1FFE00, v13;
	v62 =	vld.idx.msk [tilespmem:v10+s3+$0x0], $0xffff  }
0x411: {  	v4 =	vand.u32 $0x7F, v4;
	v2 =	vld [tilespmem:s1+$0x10];
	v13 =	vor.u32 v61, v13;
	v20 =	vmul.f32 v38, v27  }
0x412: {  	v33 =	vor.u32 $0x100, v47;
	v19 =	vmul.f32 v19, v25;
	v16 =	vor.u32 v4, v16;
	v4 =	vld [tilespmem:s1+$0x20]  }
0x413: {  	[tilespmem:v39+s22+$0x0] =	vst.idx.add.f32.msk $0xffff, v20  }
0x414: {  	v23 =	vmul.f32 v52, v32;
	[tilespmem:v21+s22+$0x0] =	vst.idx.add.f32.msk $0xffff, v19  }
0x415: {  	v36 =	vmul.f32 v62, v15;
	v40 =	vld.idx.msk [tilespmem:v1+s2+$0x0], $0xffff  }
0x416: {  	[tilespmem:v13+s22+$0x0] =	vst.idx.add.f32.msk $0xffff, v23  }
0x417: {  	v35 =	vmul.f32 v56, v2;
	[tilespmem:v33+s22+$0x0] =	vst.idx.add.f32.msk $0xffff, v36  }
0x418: {  	v44 =	vor.u32 $0x80, v11;
	v10 =	vld.idx.msk [tilespmem:v10+s4+$0x0], $0xffff  }
0x419: {  	v37 =	vmul.f32 v58, v4;
	[tilespmem:v16+s22+$0x0] =	vst.idx.add.f32.msk $0xffff, v35  }
0x41a: {  	v17 =	vor.u32 $0x180, v47;
	v43 =	vld.idx.msk [tilespmem:v8+s2+$0x0], $0xffff  }
0x41b: {  	v23 =	vmul.f32 v41, v31;
	[tilespmem:v18+s22+$0x0] =	vst.idx.add.f32.msk $0xffff, v37  }
0x41c: {  	v45 =	vor.u32 $0x80, v13;
	v46 =	vld.idx.msk [tilespmem:v5+s2+$0x0], $0xffff  }
0x41d: {  	[tilespmem:v44+s22+$0x0] =	vst.idx.add.f32.msk $0xffff, v23;
	v10 =	vmul.f32 v10, v15;
	v15 =	vor.u32 $0x80, v21  }
0x41e: {  	v50 =	vor.u32 $0x80, v16;
	v54 =	vld.idx.msk [tilespmem:v6+s3+$0x0], $0xffff  }
0x41f: {  	v49 =	vmul.f32 v43, v32;
	[tilespmem:v17+s22+$0x0] =	vst.idx.add.f32.msk $0xffff, v10;
	v10 =	vor.u32 $0x80, v12  }
0x420: {  	v48 =	vld.idx.msk [tilespmem:v3+s2+$0x0], $0xffff;
	v47 =	vmul.f32 v40, v25  }
0x421: {  	v56 =	vor.u32 $0x100, v11;
	v51 =	vmul.f32 v46, v2;
	[tilespmem:v45+s22+$0x0] =	vst.idx.add.f32.msk $0xffff, v49  }
0x422: {  	[tilespmem:v15+s22+$0x0] =	vst.idx.add.f32.msk $0xffff, v47;
	v15 =	vmul.f32 v42, v29  }
0x423: {  	[tilespmem:v50+s22+$0x0] =	vst.idx.add.f32.msk $0xffff, v51  }
0x424: {  	v59 =	vmul.f32 v54, v31;
	[tilespmem:v10+s22+$0x0] =	vst.idx.add.f32.msk $0xffff, v15  }
0x425: {  	v10 =	vld.idx.msk [tilespmem:v9+s3+$0x0], $0xffff  }
0x426: {  	[tilespmem:v56+s22+$0x0] =	vst.idx.add.f32.msk $0xffff, v59;
	v15 =	vor.u32 $0x80, v18  }
0x427: {  	v53 =	vor.u32 $0x100, v14;
	v6 =	vld.idx.msk [tilespmem:v6+s4+$0x0], $0xffff  }
0x428: {  	v52 =	vld.idx.msk [tilespmem:v1+s3+$0x0], $0xffff  }
0x429: {  	v11 =	vor.u32 $0x180, v11;
	v22 =	vmul.f32 v48, v4;
	v57 =	vld.idx.msk [tilespmem:v7+s3+$0x0], $0xffff  }
0x42a: {  	v55 =	vor.u32 $0x100, v21;
	v58 =	vld.idx.msk [tilespmem:v8+s3+$0x0], $0xffff;
	v10 =	vmul.f32 v10, v27  }
0x42b: {  	[tilespmem:v15+s22+$0x0] =	vst.idx.add.f32.msk $0xffff, v22;
	v15 =	vor.u32 $0x100, v12  }
0x42c: {  	v6 =	vmul.f32 v6, v31;
	[tilespmem:v53+s22+$0x0] =	vst.idx.add.f32.msk $0xffff, v10;
	v10 =	vor.u32 $0x100, v13  }
0x42d: {  	v61 =	vld.idx.msk [tilespmem:v5+s3+$0x0], $0xffff;
	v19 =	vmul.f32 v52, v25  }
0x42e: {  	[tilespmem:v11+s22+$0x0] =	vst.idx.add.f32.msk $0xffff, v6;
	v60 =	vmul.f32 v57, v29  }
0x42f: {  	v62 =	vmul.f32 v58, v32;
	[tilespmem:v55+s22+$0x0] =	vst.idx.add.f32.msk $0xffff, v19  }
0x430: {  	[tilespmem:v15+s22+$0x0] =	vst.idx.add.f32.msk $0xffff, v60  }
0x431: {  	[tilespmem:v10+s22+$0x0] =	vst.idx.add.f32.msk $0xffff, v62  }
0x432: {  	v15 =	vor.u32 $0x100, v16;
	v10 =	vld.idx.msk [tilespmem:v3+s3+$0x0], $0xffff  }
0x433: {  	v1 =	vld.idx.msk [tilespmem:v1+s4+$0x0], $0xffff  }
0x434: {  	v63 =	vor.u32 $0x100, v18;
	v9 =	vld.idx.msk [tilespmem:v9+s4+$0x0], $0xffff  }
0x435: {  	v19 =	vmul.f32 v61, v2;
	v7 =	vld.idx.msk [tilespmem:v7+s4+$0x0], $0xffff  }
0x436: {  	v8 =	vld.idx.msk [tilespmem:v8+s4+$0x0], $0xffff  }
0x437: {  	v14 =	vor.u32 $0x180, v14;
	[tilespmem:v15+s22+$0x0] =	vst.idx.add.f32.msk $0xffff, v19;
	v10 =	vmul.f32 v10, v4  }
0x438: {  	p1 =	por $0x1, $0x1;
	v15 =	vor.u32 $0x180, v21;
	v5 =	vld.idx.msk [tilespmem:v5+s4+$0x0], $0xffff  }
.Ltmp15:
0x439: {  	[tilespmem:v63+s22+$0x0] =	vst.idx.add.f32.msk $0xffff, v10;
	(pc) =	sbr.rel @!p1 .LBB2_30-.Ltmp15, $4  }
0x43a: {  	v9 =	vmul.f32 v9, v27;
	v6 =	vld.idx.msk [tilespmem:v3+s4+$0x0], $0xffff  }
0x43b: {  	v1 =	vmul.f32 v1, v25  }
0x43c: {  	v13 =	vor.u32 $0x180, v13;
	[tilespmem:v14+s22+$0x0] =	vst.idx.add.f32.msk $0xffff, v9;
	v14 =	vor.u32 $0x180, v12;
	v12 =	vor.u32 $0x180, v16  }
0x43d: {  	s7 =	simm.s32 $0x0;
	s10 =	simm.s32 $0x140C0;
	v7 =	vmul.f32 v7, v29;
	v8 =	vmul.f32 v8, v32;
	[tilespmem:v15+s22+$0x0] =	vst.idx.add.f32.msk $0xffff, v1;
	v1 =	vor.u32 $0x180, v18  }
.LBB2_29:
0x43e: {  	v10 =	vld [tilespmem:s10+$0x30];
	s7 =	sadd.s32 $0x8, s7;
	v2 =	vmul.f32 v5, v2  }
0x43f: {  	v3 =	vmul.f32 v6, v4;
	v9 =	vld [tilespmem:s10+$0xFFFFFFD0];
	p1 =	slt.u32 s7, $0x1F8  }
0x440: {  	v4 =	vld [tilespmem:s10+$0xFFFFFFE0]  }
0x441: {  	v11 =	vld [tilespmem:s10+$0xFFFFFFF0]  }
0x442: {  	v15 =	vld [tilespmem:s10+$0x0]  }
0x443: {  	v16 =	vld [tilespmem:s10+$0x10];
	v5 =	vand.u32 $0xFF0, v10  }
0x444: {  	v17 =	vshrl.u32 v9, $0xD;
	v6 =	vand.u32 $0xFF0, v9;
	v18 =	vld [tilespmem:s10+$0x20];
	v20 =	vor.u32 v0, v5  }
0x445: {  	v22 =	vshrl.u32 v9, $0xB;
	v19 =	vld [tilespmem:s10+$0xFFFFFFC0];
	v5 =	vor.u32 v0, v6;
	v6 =	vand.u32 $0xFF0, v4  }
0x446: {  	v23 =	vshrl.u32 v4, $0xD;
	v6 =	vor.u32 v0, v6;
	v9 =	vand.u32 $0xFF0, v11;
	[tilespmem:v14+s22+$0x0] =	vst.idx.add.f32.msk $0xffff, v7  }
0x447: {  	v4 =	vshrl.u32 v4, $0xB;
	v7 =	vor.u32 v0, v9;
	v9 =	vand.u32 $0xFF0, v15;
	[tilespmem:v13+s22+$0x0] =	vst.idx.add.f32.msk $0xffff, v8  }
0x448: {  	v13 =	vshrl.u32 v11, $0xD;
	v8 =	vor.u32 v0, v9;
	v9 =	vand.u32 $0xFF0, v16;
	[tilespmem:v12+s22+$0x0] =	vst.idx.add.f32.msk $0xffff, v2  }
0x449: {  	s1 =	sadd.s32 $0x80, s1;
	v2 =	vshrl.u32 v11, $0xB;
	v9 =	vor.u32 v0, v9;
	v12 =	vand.u32 $0xFF0, v18;
	v14 =	vld.idx.msk [tilespmem:v20+s0+$0x0], $0xffff  }
0x44a: {  	v24 =	vshrl.u32 v10, $0xD;
	v10 =	vshrl.u32 v10, $0xB;
	v11 =	vand.u32 $0xFF0, v19;
	v21 =	vld [tilespmem:s1+$0x30]  }
0x44b: {  	v24 =	vand.u32 $0x7F, v24;
	v26 =	vand.u32 $0x1FFE00, v10;
	v11 =	vor.u32 v0, v11;
	v25 =	vld.idx.msk [tilespmem:v5+s0+$0x0], $0xffff  }
0x44c: {  	v24 =	vor.u32 v24, v26;
	v27 =	vshrl.u32 v19, $0xD;
	v10 =	vor.u32 v0, v12;
	v28 =	vld.idx.msk [tilespmem:v6+s0+$0x0], $0xffff  }
0x44d: {  	v12 =	vshrl.u32 v19, $0xB;
	v19 =	vshrl.u32 v15, $0xD;
	v15 =	vshrl.u32 v15, $0xB;
	v26 =	vld.idx.msk [tilespmem:v7+s0+$0x0], $0xffff  }
0x44e: {  	v30 =	vshrl.u32 v16, $0xD;
	v16 =	vshrl.u32 v16, $0xB;
	v31 =	vshrl.u32 v18, $0xD;
	v29 =	vld.idx.msk [tilespmem:v8+s0+$0x0], $0xffff  }
0x44f: {  	v18 =	vshrl.u32 v18, $0xB;
	v27 =	vand.u32 $0x7F, v27;
	v32 =	vld.idx.msk [tilespmem:v9+s0+$0x0], $0xffff;
	v14 =	vmul.f32 v14, v21  }
0x450: {  	v17 =	vand.u32 $0x7F, v17;
	v22 =	vand.u32 $0x1FFE00, v22;
	v12 =	vand.u32 $0x1FFE00, v12;
	v33 =	vld.idx.msk [tilespmem:v11+s0+$0x0], $0xffff  }
0x451: {  	v23 =	vand.u32 $0x7F, v23;
	v4 =	vand.u32 $0x1FFE00, v4;
	v13 =	vand.u32 $0x7F, v13;
	[tilespmem:v24+s22+$0x0] =	vst.idx.add.f32.msk $0xffff, v14  }
0x452: {  	v2 =	vand.u32 $0x1FFE00, v2;
	v34 =	vand.u32 $0x1FFE00, v15;
	v14 =	vand.u32 $0x7F, v19;
	v35 =	vld.idx.msk [tilespmem:v20+s2+$0x0], $0xffff  }
0x453: {  	v30 =	vand.u32 $0x7F, v30;
	v36 =	vand.u32 $0x1FFE00, v16;
	v31 =	vand.u32 $0x7F, v31;
	v37 =	vld.idx.msk [tilespmem:v10+s0+$0x0], $0xffff  }
0x454: {  	v22 =	vor.u32 v17, v22;
	v17 =	vand.u32 $0x1FFE00, v18;
	v12 =	vor.u32 v27, v12;
	v19 =	vld [tilespmem:s1+$0xFFFFFFC0]  }
0x455: {  	v23 =	vor.u32 v23, v4;
	v4 =	vor.u32 $0x80, v24;
	v27 =	vor.u32 v13, v2;
	v15 =	vld [tilespmem:s1+$0xFFFFFFD0]  }
0x456: {  	v30 =	vor.u32 v30, v36;
	v31 =	vor.u32 v31, v17;
	v34 =	vor.u32 v14, v34;
	v16 =	vld [tilespmem:s1+$0xFFFFFFE0]  }
0x457: {  	v38 =	vor.u32 $0x80, v22;
	v39 =	vor.u32 $0x80, v23;
	v36 =	vor.u32 $0x80, v12;
	v17 =	vld [tilespmem:s1+$0xFFFFFFF0]  }
0x458: {  	v40 =	vor.u32 $0x80, v27;
	v41 =	vor.u32 $0x80, v34;
	v13 =	vmul.f32 v35, v21;
	v18 =	vld [tilespmem:s1+$0x0]  }
0x459: {  	v35 =	vor.u32 $0x80, v31;
	v14 =	vmul.f32 v33, v19;
	v2 =	vld [tilespmem:s1+$0x10];
	v33 =	vor.u32 $0x80, v30  }
0x45a: {  	v43 =	vor.u32 $0x100, v22;
	v42 =	vor.u32 $0x100, v12;
	v25 =	vmul.f32 v25, v15;
	[tilespmem:v4+s22+$0x0] =	vst.idx.add.f32.msk $0xffff, v13  }
0x45b: {  	v44 =	vor.u32 $0x100, v27;
	v13 =	vmul.f32 v28, v16;
	v28 =	vor.u32 $0x100, v23;
	v45 =	vld.idx.msk [tilespmem:v20+s3+$0x0], $0xffff  }
0x45c: {  	v47 =	vor.u32 $0x100, v30;
	v46 =	vor.u32 $0x100, v34;
	v26 =	vmul.f32 v26, v17;
	v4 =	vld [tilespmem:s1+$0x20]  }
0x45d: {  	v49 =	vor.u32 $0x100, v31;
	v48 =	vor.u32 $0x180, v12;
	[tilespmem:v12+s22+$0x0] =	vst.idx.add.f32.msk $0xffff, v14;
	v29 =	vmul.f32 v29, v18  }
0x45e: {  	[tilespmem:v22+s22+$0x0] =	vst.idx.add.f32.msk $0xffff, v25;
	v22 =	vor.u32 $0x180, v22;
	v25 =	vmul.f32 v32, v2;
	v32 =	vor.u32 $0x100, v24  }
0x45f: {  	v14 =	vor.u32 $0x180, v27;
	[tilespmem:v23+s22+$0x0] =	vst.idx.add.f32.msk $0xffff, v13;
	v23 =	vor.u32 $0x180, v23;
	v13 =	vor.u32 $0x180, v34  }
0x460: {  	v12 =	vor.u32 $0x180, v30;
	[tilespmem:v27+s22+$0x0] =	vst.idx.add.f32.msk $0xffff, v26;
	v26 =	vor.u32 $0x180, v31  }
0x461: {  	[tilespmem:v34+s22+$0x0] =	vst.idx.add.f32.msk $0xffff, v29;
	v27 =	vmul.f32 v37, v4;
	v29 =	vmul.f32 v45, v21  }
0x462: {  	[tilespmem:v30+s22+$0x0] =	vst.idx.add.f32.msk $0xffff, v25  }
0x463: {  	[tilespmem:v32+s22+$0x0] =	vst.idx.add.f32.msk $0xffff, v29  }
0x464: {  	v20 =	vld.idx.msk [tilespmem:v20+s4+$0x0], $0xffff  }
0x465: {  	[tilespmem:v31+s22+$0x0] =	vst.idx.add.f32.msk $0xffff, v27  }
0x466: {  	v25 =	vld.idx.msk [tilespmem:v11+s2+$0x0], $0xffff  }
0x467: {  	v24 =	vor.u32 $0x180, v24;
	v27 =	vld.idx.msk [tilespmem:v5+s2+$0x0], $0xffff  }
0x468: {  	v29 =	vld.idx.msk [tilespmem:v6+s2+$0x0], $0xffff  }
0x469: {  	v30 =	vld.idx.msk [tilespmem:v7+s2+$0x0], $0xffff  }
0x46a: {  	v20 =	vmul.f32 v20, v21;
	v31 =	vld.idx.msk [tilespmem:v8+s2+$0x0], $0xffff  }
0x46b: {  	v21 =	vld.idx.msk [tilespmem:v9+s2+$0x0], $0xffff  }
0x46c: {  	v25 =	vmul.f32 v25, v19;
	[tilespmem:v24+s22+$0x0] =	vst.idx.add.f32.msk $0xffff, v20  }
0x46d: {  	v20 =	vmul.f32 v27, v15;
	v24 =	vld.idx.msk [tilespmem:v10+s2+$0x0], $0xffff  }
0x46e: {  	[tilespmem:v36+s22+$0x0] =	vst.idx.add.f32.msk $0xffff, v25;
	v25 =	vmul.f32 v29, v16  }
0x46f: {  	[tilespmem:v38+s22+$0x0] =	vst.idx.add.f32.msk $0xffff, v20;
	v20 =	vmul.f32 v30, v17  }
0x470: {  	[tilespmem:v39+s22+$0x0] =	vst.idx.add.f32.msk $0xffff, v25;
	v25 =	vmul.f32 v31, v18  }
0x471: {  	[tilespmem:v40+s22+$0x0] =	vst.idx.add.f32.msk $0xffff, v20;
	v20 =	vmul.f32 v21, v2  }
0x472: {  	[tilespmem:v41+s22+$0x0] =	vst.idx.add.f32.msk $0xffff, v25  }
0x473: {  	[tilespmem:v33+s22+$0x0] =	vst.idx.add.f32.msk $0xffff, v20;
	v20 =	vmul.f32 v24, v4  }
0x474: {  	v21 =	vld.idx.msk [tilespmem:v11+s3+$0x0], $0xffff  }
0x475: {  	[tilespmem:v35+s22+$0x0] =	vst.idx.add.f32.msk $0xffff, v20  }
0x476: {  	v20 =	vld.idx.msk [tilespmem:v5+s3+$0x0], $0xffff  }
0x477: {  	v24 =	vld.idx.msk [tilespmem:v6+s3+$0x0], $0xffff  }
0x478: {  	v25 =	vld.idx.msk [tilespmem:v7+s3+$0x0], $0xffff  }
0x479: {  	v27 =	vld.idx.msk [tilespmem:v8+s3+$0x0], $0xffff  }
0x47a: {  	v21 =	vmul.f32 v21, v19;
	v29 =	vld.idx.msk [tilespmem:v9+s3+$0x0], $0xffff  }
0x47b: {  	v30 =	vld.idx.msk [tilespmem:v10+s3+$0x0], $0xffff  }
0x47c: {  	v20 =	vmul.f32 v20, v15;
	[tilespmem:v42+s22+$0x0] =	vst.idx.add.f32.msk $0xffff, v21  }
0x47d: {  	v21 =	vmul.f32 v24, v16;
	v11 =	vld.idx.msk [tilespmem:v11+s4+$0x0], $0xffff  }
0x47e: {  	[tilespmem:v43+s22+$0x0] =	vst.idx.add.f32.msk $0xffff, v20;
	v20 =	vmul.f32 v25, v17  }
0x47f: {  	[tilespmem:v28+s22+$0x0] =	vst.idx.add.f32.msk $0xffff, v21;
	v21 =	vmul.f32 v27, v18  }
0x480: {  	[tilespmem:v44+s22+$0x0] =	vst.idx.add.f32.msk $0xffff, v20;
	v20 =	vmul.f32 v29, v2  }
0x481: {  	[tilespmem:v46+s22+$0x0] =	vst.idx.add.f32.msk $0xffff, v21;
	v21 =	vmul.f32 v30, v4  }
0x482: {  	[tilespmem:v47+s22+$0x0] =	vst.idx.add.f32.msk $0xffff, v20  }
0x483: {  	v11 =	vmul.f32 v11, v19;
	[tilespmem:v49+s22+$0x0] =	vst.idx.add.f32.msk $0xffff, v21  }
0x484: {  	v19 =	vld.idx.msk [tilespmem:v5+s4+$0x0], $0xffff  }
0x485: {  	v20 =	vld.idx.msk [tilespmem:v6+s4+$0x0], $0xffff  }
0x486: {  	v7 =	vld.idx.msk [tilespmem:v7+s4+$0x0], $0xffff  }
0x487: {  	v8 =	vld.idx.msk [tilespmem:v8+s4+$0x0], $0xffff  }
0x488: {  	v5 =	vld.idx.msk [tilespmem:v9+s4+$0x0], $0xffff  }
.Ltmp16:
0x489: {  	v6 =	vld.idx.msk [tilespmem:v10+s4+$0x0], $0xffff;
	(pc) =	sbr.rel @p1 .LBB2_29-.Ltmp16, $4  }
0x48a: {  	v9 =	vmul.f32 v19, v15;
	[tilespmem:v48+s22+$0x0] =	vst.idx.add.f32.msk $0xffff, v11  }
0x48b: {  	v10 =	vmul.f32 v20, v16;
	[tilespmem:v1+s22+$0x0] =	vst.idx.add.f32.msk $0xffff, v3;
	v1 =	vmov v26  }
0x48c: {  	v7 =	vmul.f32 v7, v17;
	[tilespmem:v22+s22+$0x0] =	vst.idx.add.f32.msk $0xffff, v9  }
0x48d: {  	s10 =	sadd.s32 $0x80, s10;
	v8 =	vmul.f32 v8, v18;
	[tilespmem:v23+s22+$0x0] =	vst.idx.add.f32.msk $0xffff, v10  }
.LBB2_30:
0x48e: {  	_ =	sdelay $0x3  }
0x48f: {  	v2 =	vmul.f32 v5, v2;
	[tilespmem:v14+s22+$0x0] =	vst.idx.add.f32.msk $0xffff, v7  }
0x490: {  	v3 =	vmul.f32 v6, v4;
	[tilespmem:v13+s22+$0x0] =	vst.idx.add.f32.msk $0xffff, v8  }
0x491: {  	[tilespmem:v12+s22+$0x0] =	vst.idx.add.f32.msk $0xffff, v2  }
0x492: {  	s1 =	rddreg [dreg:$0x8];
	[tilespmem:v1+s22+$0x0] =	vst.idx.add.f32.msk $0xffff, v3  }
0x493: {  	s5 =	rddreg [dreg:$0x17]  }
0x494: {  	s6 =	simm.s32 $0x2;
	s28 =	rddreg [dreg:$0xd];
	s1 =	sadd.s32 s1, s5  }
0x495: {  	[hbm4b:s1+s21] =	stream.strided.scatter [tilespmem:s22], [sflag:$0x3], $0x1000, s29, s21, $0x38;
	[tilespmem:$0x1A400] =	vst v63  }
0x496: {  	s5 =	sor.u32 s30, s28;
	s30 =	simm.s32 $0x18020;
	s29 =	rddreg [dreg:$0x14]  }
0x497: {  	p1 =	seq.s32 s29, $0x7;
	_ =	swait.ge [sflag:s6], $0x1000;
	[dreg:$0x16] =	wrdreg s5  }
0x498: {  	s1 =	sshll.u32 @!p1 s5, $0x9;
	[sflag:s6] =	ssyncset.done $0x0;
	s5 =	rddreg [dreg:$0x10]  }
0x499: {  	s7 =	simm.s32 @!p1 $0x0;
	s1 =	sadd.s32 @!p1 s1, s5;
	[sflag:s6] =	ssyncadd.s32 $0xFFFFF000  }
0x49a: {  	s5 =	simm.s32 @!p1 $0x200;
	s6 =	simm.s32 @!p1 $0x400;
	s1 =	sadd.s32 @!p1 $0x200, s1  }
0x49b: {  	[tilespmem:s7], [sflag:$0x1] =	stream.strided.gather @!p1 [hbm4b:s1+s5], $0x1000, s6, s5, $0x38;
	[tilespmem:$0x1A400] =	vst v63  }
0x49c: {  	v1 =	vld [tilespmem:s30+$0x10]  }
0x49d: {  	v3 =	vld [tilespmem:s30+$0xFFFFFFF0];
	_ =	sdelay $0x1  }
0x49e: {  	v63 =	vld [tilespmem:s30+$0xFFFFFFE0]  }
0x49f: {  	s1 =	simm.s32 $0x4010  }
0x4a0: {  	[tilespmem:s1+$0x1020] =	vst v1  }
0x4a1: {  	v2 =	vld [tilespmem:s30+$0x0];
	[tilespmem:s1+$0xFFFFE000] =	vst v3  }
0x4a2: {  	[tilespmem:s1+$0xFFFFF000] =	vst v3  }
0x4a3: {  	[tilespmem:s1+$0xFFFFDFF0] =	vst v63  }
0x4a4: {  	[tilespmem:s1+$0x0] =	vst v3  }
0x4a5: {  	[tilespmem:s1+$0x1000] =	vst v3  }
0x4a6: {  	s7 =	simm.s32 $0x0;
	[tilespmem:s1+$0xFFFFE010] =	vst v2  }
0x4a7: {  	s31 =	sand.u32 $0xFC0, s7;
	[tilespmem:s1+$0xFFFFF010] =	vst v2  }
0x4a8: {  	[tilespmem:s31+$0x3000] =	vst v63  }
0x4a9: {  	[tilespmem:s31+$0x4000] =	vst v63  }
0x4aa: {  	s10 =	simm.s32 $0x0;
	s11 =	simm.s32 $0x18060;
	[tilespmem:s31+$0x5000] =	vst v63  }
.LBB2_31:
0x4ab: {  	v3 =	vld [tilespmem:s11+$0x10];
	s10 =	sadd.s32 $0x4, s10;
	[tilespmem:s1+$0x10] =	vst v2  }
0x4ac: {  	v4 =	vld [tilespmem:s11+$0xFFFFFFF0];
	p1 =	slt.u32 s10, $0xFC;
	[tilespmem:s1+$0x1010] =	vst v2  }
0x4ad: {  	v2 =	vld [tilespmem:s11+$0x0];
	[tilespmem:s1+$0xFFFFE020] =	vst v1  }
0x4ae: {  	v5 =	vld [tilespmem:s11+$0xFFFFFFE0];
	[tilespmem:s1+$0xFFFFF020] =	vst v1  }
0x4af: {  	[tilespmem:s1+$0x20] =	vst v1;
	s1 =	sadd.s32 $0x40, s1  }
0x4b0: {  	[tilespmem:s1+$0x1020] =	vst v3;
	v1 =	vmov v3  }
0x4b1: {  	[tilespmem:s1+$0xFFFFE000] =	vst v4  }
0x4b2: {  	s7 =	sadd.s32 $0x40, s7;
	[tilespmem:s1+$0xFFFFF000] =	vst v4  }
0x4b3: {  	s5 =	sand.u32 $0xFC0, s7;
	[tilespmem:s1+$0xFFFFDFF0] =	vst v5  }
0x4b4: {  	[tilespmem:s5+$0x3000] =	vst v5  }
0x4b5: {  	[tilespmem:s5+$0x4000] =	vst v5  }
.Ltmp17:
0x4b6: {  	[tilespmem:s5+$0x5000] =	vst v5;
	(pc) =	sbr.rel @p1 .LBB2_31-.Ltmp17, $4  }
0x4b7: {  	[tilespmem:s1+$0x0] =	vst v4  }
0x4b8: {  	[tilespmem:s1+$0x1000] =	vst v4  }
0x4b9: {  	[tilespmem:s1+$0xFFFFE010] =	vst v2  }
0x4ba: {  	s11 =	sadd.s32 $0x40, s11;
	[tilespmem:s1+$0xFFFFF010] =	vst v2  }
0x4bb: {  	[tilespmem:s1+$0x10] =	vst v2  }
0x4bc: {  	[tilespmem:s1+$0x1010] =	vst v2  }
0x4bd: {  	[tilespmem:s1+$0xFFFFE020] =	vst v1  }
0x4be: {  	[tilespmem:s1+$0xFFFFF020] =	vst v1  }
0x4bf: {  	[tilespmem:s1+$0x20] =	vst v1;
	s1 =	simm.s32 @!p0 $0x4;
	s5 =	simm.s32 $0x0  }
0x4c0: {  	_ =	swait.ge @!p0 [sflag:s1], $0x1000;
	s6 =	sand.u32 $0x40, s5;
	s7 =	sand.u32 $0x380, s5  }
0x4c1: {  	[sflag:s1] =	ssyncset.done @!p0 $0x0;
	s7 =	sor.u32 $0x1A000, s7;
	s10 =	sor.u32 $0x30, s6  }
0x4c2: {  	s19 =	sand.u32 $0xE00, s5;
	[sflag:s1] =	ssyncadd.s32 @!p0 $0xFFFFF000;
	s20 =	sor.u32 s10, s7  }
0x4c3: {  	s21 =	sor.u32 s19, s10;
	v5 =	vld [tilespmem:s20+$0x0]  }
0x4c4: {  	s23 =	sor.u32 $0x10, s6;
	v1 =	vld [tilespmem:s21+$0x1000]  }
0x4c5: {  	s11 =	sor.u32 s23, s7;
	v2 =	vld [tilespmem:s21+$0x1080]  }
0x4c6: {  	s10 =	sor.u32 s19, s23;
	v9 =	vld [tilespmem:s11+$0x0]  }
0x4c7: {  	s29 =	simm.s32 $0x40;
	s12 =	sor.u32 $0x20, s6;
	v3 =	vld [tilespmem:s10+$0x1000]  }
0x4c8: {  	p0 =	por $0x0, $0x0;
	s7 =	sor.u32 s12, s7;
	s11 =	simm.s32 $0x1;
	v4 =	vld [tilespmem:s10+$0x1080]  }
0x4c9: {  	s16 =	sand.u32 $0x40, s29;
	s13 =	sor.u32 s19, s12;
	v8 =	vld [tilespmem:s7+$0x0];
	s11 =	simm.s32 @!p0 $0x0  }
0x4ca: {  	s12 =	sor.u32 s6, s19;
	s6 =	sand.u32 $0x380, s29;
	v6 =	vld [tilespmem:s13+$0x1000];
	s11 =	sshll.u32 s11, $0x6;
	v1 =	vadd.f32 v1, v5  }
0x4cb: {  	v7 =	vld [tilespmem:s12+$0x1000];
	s30 =	sor.u32 $0x1A000, s6;
	s20 =	sor.u32 $0x30, s16;
	s7 =	sadd.s32 $0x0, s11;
	v2 =	vadd.f32 v2, v5  }
0x4cc: {  	s23 =	sor.u32 s20, s30;
	s11 =	sadd.s32 $0x30, s7;
	v3 =	vadd.f32 v3, v9;
	[tilespmem:s21+$0xB000] =	vst v1;
	v1 =	vld [tilespmem:s13+$0x1080]  }
0x4cd: {  	v13 =	vld [tilespmem:s23+$0x0];
	s25 =	sor.u32 $0x100, s11;
	v4 =	vadd.f32 v4, v9;
	[tilespmem:s21+$0xB080] =	vst v2  }
0x4ce: {  	s15 =	sadd.s32 $0x10, s7;
	[tilespmem:s10+$0xB000] =	vst v3;
	s21 =	simm.s32 $0x100;
	v2 =	vld [tilespmem:s25+$0x1000]  }
0x4cf: {  	v3 =	vadd.f32 v6, v8;
	v6 =	vld [tilespmem:s12+$0x1080];
	[tilespmem:s10+$0xB080] =	vst v4;
	s10 =	sor.u32 $0x100, s15;
	s17 =	sand.u32 $0xE00, s21  }
0x4d0: {  	v10 =	vld [tilespmem:s10+$0x1000];
	s6 =	sor.u32 s17, s20  }
0x4d1: {  	s26 =	simm.s32 $0x0;
	v14 =	vld [tilespmem:s6+$0x1080];
	v4 =	vadd.f32 v1, v8  }
0x4d2: {  	v1 =	vld [tilespmem:s26+$0x1A000];
	s26 =	sor.u32 $0x20, s16  }
0x4d3: {  	v2 =	vadd.f32 v2, v5;
	s5 =	sor.u32 s26, s30;
	[tilespmem:s13+$0xB080] =	vst v4;
	v4 =	vld [tilespmem:s6+$0x1000]  }
0x4d4: {  	s14 =	sadd.s32 $0x20, s7;
	[tilespmem:s13+$0xB000] =	vst v3;
	s20 =	sor.u32 s17, s26;
	v3 =	vld [tilespmem:s5+$0x0]  }
0x4d5: {  	s1 =	sor.u32 $0x100, s14;
	v17 =	vld [tilespmem:s20+$0x1080];
	[tilespmem:s25+$0xB000] =	vst v2;
	s25 =	sor.u32 $0x10, s16  }
0x4d6: {  	v11 =	vld [tilespmem:s1+$0x1000];
	s18 =	sor.u32 s25, s30  }
0x4d7: {  	v10 =	vadd.f32 v10, v9;
	s19 =	sor.u32 s17, s25;
	v2 =	vld [tilespmem:s18+$0x0]  }
0x4d8: {  	p0 =	por !p0, !p0;
	v14 =	vadd.f32 v14, v13;
	v15 =	vld [tilespmem:s19+$0x1000];
	s18 =	simm.s32 $0x1  }
0x4d9: {  	s13 =	sor.u32 $0x180, s11;
	[tilespmem:s10+$0xB000] =	vst v10;
	v7 =	vadd.f32 v7, v1;
	v16 =	vld [tilespmem:s19+$0x1080];
	s18 =	simm.s32 @!p0 $0x0  }
0x4da: {  	v12 =	vld [tilespmem:s13+$0x1000];
	[tilespmem:s6+$0xB080] =	vst v14;
	s29 =	sshll.u32 s18, $0x6;
	v4 =	vadd.f32 v4, v13  }
0x4db: {  	[tilespmem:s12+$0xB000] =	vst v7;
	v7 =	vld [tilespmem:s20+$0x1000];
	s18 =	sor.u32 s16, s17;
	v10 =	vadd.f32 v17, v3;
	s11 =	sadd.s32 $0x100, s29  }
0x4dc: {  	s15 =	sor.u32 $0x180, s15;
	v6 =	vadd.f32 v6, v1;
	v18 =	vld [tilespmem:s18+$0x1000];
	[tilespmem:s6+$0xB000] =	vst v4;
	s30 =	sadd.s32 $0x30, s11  }
0x4dd: {  	[tilespmem:s20+$0xB080] =	vst v10;
	v10 =	vld [tilespmem:s15+$0x1000];
	v4 =	vadd.f32 v15, v2;
	s23 =	sor.u32 $0x100, s30  }
0x4de: {  	[tilespmem:s12+$0xB080] =	vst v6;
	v6 =	vadd.f32 v16, v2;
	v14 =	vld [tilespmem:s23+$0x1000]  }
0x4df: {  	s25 =	simm.s32 $0x40;
	s12 =	sadd.s32 $0x10, s11;
	v15 =	vld [tilespmem:s18+$0x1080];
	[tilespmem:s19+$0xB000] =	vst v4  }
0x4e0: {  	s26 =	simm.s32 $0x80;
	s21 =	sor.u32 $0x100, s12;
	v4 =	vld [tilespmem:s25+$0x1A000];
	[tilespmem:s19+$0xB080] =	vst v6;
	v6 =	vadd.f32 v7, v3  }
0x4e1: {  	s16 =	sor.u32 $0x180, s14;
	v11 =	vadd.f32 v11, v8;
	s17 =	sadd.s32 $0x20, s11;
	s19 =	sor.u32 $0x100, s7;
	v7 =	vld [tilespmem:s21+$0x1000]  }
0x4e2: {  	s29 =	sand.u32 $0x380, s26;
	s14 =	sor.u32 $0x100, s17;
	v16 =	vld [tilespmem:s19+$0x1000];
	[tilespmem:s20+$0xB000] =	vst v6;
	s20 =	sand.u32 $0x40, s26  }
0x4e3: {  	s5 =	sor.u32 $0x1A000, s29;
	[tilespmem:s1+$0xB000] =	vst v11;
	s10 =	sor.u32 $0x180, s30;
	v11 =	vld [tilespmem:s14+$0x1000];
	s30 =	sor.u32 $0x30, s20;
	v6 =	vadd.f32 v14, v13  }
0x4e4: {  	s1 =	simm.s32 $0x200;
	v14 =	vld [tilespmem:s16+$0x1000];
	s25 =	sor.u32 s30, s5  }
0x4e5: {  	v9 =	vadd.f32 v10, v9;
	[tilespmem:s23+$0xB000] =	vst v6;
	s23 =	sand.u32 $0xE00, s1;
	v6 =	vadd.f32 v12, v5;
	v5 =	vld [tilespmem:s25+$0x0]  }
0x4e6: {  	v15 =	vadd.f32 v15, v4;
	v17 =	vld [tilespmem:s10+$0x1000];
	s6 =	sor.u32 s23, s30  }
0x4e7: {  	s26 =	sor.u32 $0x10, s20;
	[tilespmem:s15+$0xB000] =	vst v9;
	v62 =	vld [tilespmem:s6+$0x1000]  }
0x4e8: {  	s29 =	sor.u32 s26, s5;
	v12 =	vadd.f32 v18, v4;
	[tilespmem:s18+$0xB080] =	vst v15;
	v19 =	vld [tilespmem:s6+$0x1080]  }
0x4e9: {  	v7 =	vadd.f32 v7, v2;
	s26 =	sor.u32 s23, s26;
	[tilespmem:s13+$0xB000] =	vst v6;
	v6 =	vld [tilespmem:s29+$0x0]  }
0x4ea: {  	p0 =	por !p0, !p0;
	s30 =	sor.u32 $0x20, s20;
	[tilespmem:s18+$0xB000] =	vst v12;
	v12 =	vadd.f32 v16, v1;
	s18 =	simm.s32 $0x1;
	v16 =	vld [tilespmem:s26+$0x1080]  }
0x4eb: {  	v15 =	vld [tilespmem:s26+$0x1000];
	[tilespmem:s21+$0xB000] =	vst v7;
	v11 =	vadd.f32 v11, v3;
	s5 =	sor.u32 s30, s5;
	s18 =	simm.s32 @!p0 $0x0  }
0x4ec: {  	s21 =	sor.u32 s23, s30;
	v7 =	vld [tilespmem:s5+$0x0];
	[tilespmem:s19+$0xB000] =	vst v12;
	s19 =	sshll.u32 s18, $0x6;
	v12 =	vadd.f32 v62, v5  }
0x4ed: {  	v63 =	vld [tilespmem:s21+$0x1000];
	[tilespmem:s14+$0xB000] =	vst v11;
	s5 =	sadd.s32 $0x200, s19;
	v11 =	vadd.f32 v19, v5  }
0x4ee: {  	v14 =	vadd.f32 v14, v8;
	s14 =	sor.u32 s20, s23;
	s28 =	sadd.s32 $0x30, s5;
	[tilespmem:s6+$0xB000] =	vst v12;
	v12 =	vld [tilespmem:s21+$0x1080]  }
0x4ef: {  	v10 =	vld [tilespmem:s14+$0x1000];
	s31 =	sor.u32 $0x100, s28;
	v9 =	vadd.f32 v16, v6;
	[tilespmem:s6+$0xB080] =	vst v11  }
0x4f0: {  	s23 =	simm.s32 $0x80;
	[tilespmem:s16+$0xB000] =	vst v14;
	v11 =	vadd.f32 v15, v6;
	v15 =	vld [tilespmem:s31+$0x1000]  }
0x4f1: {  	v13 =	vadd.f32 v17, v13;
	s29 =	sadd.s32 $0x10, s5;
	[tilespmem:s26+$0xB080] =	vst v9;
	v9 =	vld [tilespmem:s23+$0x1A000]  }
0x4f2: {  	s7 =	sor.u32 $0x180, s7;
	s25 =	sor.u32 $0x100, s29;
	v16 =	vadd.f32 v63, v7;
	[tilespmem:s26+$0xB000] =	vst v11;
	v11 =	vld [tilespmem:s14+$0x1080]  }
0x4f3: {  	s15 =	sor.u32 $0x100, s11;
	s11 =	sor.u32 $0x180, s11;
	s13 =	sor.u32 $0x180, s12;
	[tilespmem:s10+$0xB000] =	vst v13;
	v13 =	vld [tilespmem:s25+$0x1000];
	v17 =	vadd.f32 v12, v7  }
0x4f4: {  	s12 =	sor.u32 $0x180, s17;
	s18 =	simm.s32 $0x8;
	s30 =	sadd.s32 $0x20, s5;
	[tilespmem:s21+$0xB000] =	vst v16;
	v12 =	vld [tilespmem:s15+$0x1000]  }
0x4f5: {  	v8 =	vld [tilespmem:s13+$0x1000];
	s20 =	simm.s32 $0xC0;
	s16 =	sor.u32 $0x180, s5;
	s26 =	sor.u32 $0x100, s30;
	v15 =	vadd.f32 v15, v5;
	[tilespmem:s21+$0xB080] =	vst v17  }
0x4f6: {  	s19 =	sor.u32 $0x180, s29;
	s17 =	sor.u32 $0x180, s30;
	s23 =	sor.u32 $0x100, s5;
	v14 =	vld [tilespmem:s26+$0x1000]  }
.LBB2_33:
0x4f7: {  	s5 =	sand.u32 $0x40, s20;
	s6 =	sand.u32 $0x380, s20;
	v10 =	vadd.f32 v10, v9;
	v11 =	vadd.f32 v11, v9;
	[tilespmem:s31+$0xB000] =	vst v15;
	s21 =	sor.u32 $0x180, s28;
	v15 =	vld [tilespmem:s12+$0x1000]  }
0x4f8: {  	s1 =	sadd.s32 $0x100, s1;
	s6 =	sor.u32 $0x1A000, s6;
	s10 =	sor.u32 $0x30, s5;
	v13 =	vadd.f32 v13, v6;
	v16 =	vld [tilespmem:s21+$0x1000]  }
0x4f9: {  	s18 =	sadd.s32 $0x4, s18;
	s28 =	sand.u32 $0xE00, s1;
	s29 =	sor.u32 s10, s6;
	[tilespmem:s14+$0xB000] =	vst v10;
	v10 =	vadd.f32 v12, v4;
	v12 =	vld [tilespmem:s7+$0x1000]  }
0x4fa: {  	s30 =	sor.u32 $0x10, s5;
	p1 =	slt.u32 s18, $0x3C;
	s31 =	sor.u32 s28, s10;
	v17 =	vld [tilespmem:s29+$0x0];
	[tilespmem:s14+$0xB080] =	vst v11;
	v8 =	vadd.f32 v8, v2;
	v2 =	vmov v6  }
0x4fb: {  	s10 =	sor.u32 $0x20, s5;
	s29 =	sor.u32 s30, s6;
	s30 =	sor.u32 s28, s30;
	v11 =	vld [tilespmem:s31+$0x1000];
	[tilespmem:s25+$0xB000] =	vst v13;
	v13 =	vadd.f32 v14, v7  }
0x4fc: {  	s14 =	sor.u32 s5, s28;
	s5 =	sor.u32 s10, s6;
	s10 =	sor.u32 s28, s10;
	v14 =	vld [tilespmem:s31+$0x1080];
	[tilespmem:s15+$0xB000] =	vst v10;
	v10 =	vadd.f32 v15, v3;
	v3 =	vmov v7  }
0x4fd: {  	s6 =	sshra.s32 s1, $0x2;
	s15 =	smov.u32 s23;
	v6 =	vld [tilespmem:s29+$0x0];
	[tilespmem:s26+$0xB000] =	vst v13;
	v7 =	vadd.f32 v16, v5  }
0x4fe: {  	p0 =	por !p0, !p0;
	v13 =	vld [tilespmem:s30+$0x1000];
	[tilespmem:s13+$0xB000] =	vst v8;
	v8 =	vadd.f32 v12, v1;
	v1 =	vmov v4;
	v4 =	vmov v9;
	s13 =	smov.u32 s19;
	s19 =	simm.s32 $0x1  }
0x4ff: {  	s19 =	simm.s32 @!p0 $0x0;
	v9 =	vld [tilespmem:s30+$0x1080];
	[tilespmem:s21+$0xB000] =	vst v7;
	v5 =	vmov v17  }
0x500: {  	s19 =	sshll.u32 s19, $0x6;
	v7 =	vld [tilespmem:s5+$0x0];
	v11 =	vadd.f32 v11, v5;
	[tilespmem:s12+$0xB000] =	vst v10;
	s12 =	smov.u32 s17  }
0x501: {  	s5 =	sadd.s32 s19, s1;
	v12 =	vld [tilespmem:s10+$0x1000];
	v14 =	vadd.f32 v14, v5;
	[tilespmem:s7+$0xB000] =	vst v8;
	s7 =	smov.u32 s11;
	s11 =	smov.u32 s16  }
0x502: {  	s16 =	sadd.s32 $0x10, s5;
	v8 =	vld [tilespmem:s10+$0x1080];
	s17 =	sadd.s32 $0x20, s5;
	[tilespmem:s31+$0xB000] =	vst v11;
	s28 =	sadd.s32 $0x30, s5  }
0x503: {  	v10 =	vld [tilespmem:s14+$0x1000];
	v13 =	vadd.f32 v13, v6;
	s25 =	sor.u32 $0x100, s16;
	s26 =	sor.u32 $0x100, s17;
	[tilespmem:s31+$0xB080] =	vst v14;
	s31 =	sor.u32 $0x100, s28  }
0x504: {  	s23 =	sor.u32 $0x100, s5;
	s19 =	sor.u32 $0x180, s16;
	s17 =	sor.u32 $0x180, s17;
	v14 =	vadd.f32 v9, v6;
	v15 =	vld [tilespmem:s31+$0x1000]  }
0x505: {  	s16 =	sor.u32 $0x180, s5;
	v11 =	vld [tilespmem:s14+$0x1080];
	[tilespmem:s30+$0xB000] =	vst v13  }
.Ltmp18:
0x506: {  	v9 =	vld [tilespmem:s6+$0x1A000];
	[tilespmem:s30+$0xB080] =	vst v14;
	v12 =	vadd.f32 v12, v7;
	(pc) =	sbr.rel @p1 .LBB2_33-.Ltmp18, $4  }
0x507: {  	v13 =	vld [tilespmem:s25+$0x1000];
	v8 =	vadd.f32 v8, v7  }
0x508: {  	[tilespmem:s10+$0xB000] =	vst v12;
	v12 =	vld [tilespmem:s15+$0x1000]  }
0x509: {  	[tilespmem:s10+$0xB080] =	vst v8;
	v15 =	vadd.f32 v15, v5;
	v8 =	vld [tilespmem:s13+$0x1000]  }
0x50a: {  	s20 =	sadd.s32 $0x40, s20;
	v14 =	vld [tilespmem:s26+$0x1000]  }
0x50b: {  	v10 =	vadd.f32 v10, v9  }
0x50c: {  	v11 =	vadd.f32 v11, v9  }
0x50d: {  	[tilespmem:s14+$0xB000] =	vst v10  }
0x50e: {  	[tilespmem:s14+$0xB080] =	vst v11  }
0x50f: {  	v10 =	vld [tilespmem:s23+$0x1000];
	_ =	sdelay $0x1  }
0x510: {  	[tilespmem:s31+$0xB000] =	vst v15;
	v15 =	vld [tilespmem:s12+$0x1000];
	v11 =	vadd.f32 v13, v6  }
0x511: {  	s1 =	sor.u32 $0x180, s28;
	v16 =	vld [tilespmem:s7+$0x1000];
	v14 =	vadd.f32 v14, v7  }
0x512: {  	v13 =	vld [tilespmem:s1+$0x1000];
	v12 =	vadd.f32 v12, v4;
	[tilespmem:s25+$0xB000] =	vst v11  }
0x513: {  	v11 =	vld [tilespmem:s19+$0x1000];
	[tilespmem:s26+$0xB000] =	vst v14;
	v10 =	vadd.f32 v10, v9  }
0x514: {  	v2 =	vadd.f32 v8, v2;
	[tilespmem:s15+$0xB000] =	vst v12;
	v8 =	vld [tilespmem:s17+$0x1000]  }
0x515: {  	v12 =	vld [tilespmem:s11+$0x1000];
	v3 =	vadd.f32 v15, v3;
	[tilespmem:s23+$0xB000] =	vst v10  }
0x516: {  	[tilespmem:s13+$0xB000] =	vst v2;
	v1 =	vadd.f32 v16, v1;
	v2 =	vld [tilespmem:s16+$0x1000]  }
0x517: {  	v5 =	vadd.f32 v13, v5;
	[tilespmem:s12+$0xB000] =	vst v3  }
0x518: {  	[tilespmem:s7+$0xB000] =	vst v1;
	v3 =	vadd.f32 v11, v6  }
0x519: {  	[tilespmem:s1+$0xB000] =	vst v5;
	v1 =	vadd.f32 v8, v7  }
0x51a: {  	[tilespmem:s19+$0xB000] =	vst v3;
	v3 =	vadd.f32 v12, v4  }
0x51b: {  	[tilespmem:s17+$0xB000] =	vst v1;
	v1 =	vadd.f32 v2, v9  }
0x51c: {  	[tilespmem:s11+$0xB000] =	vst v3  }
0x51d: {  	s31 =	simm.s32 $0xC040;
	[tilespmem:s16+$0xB000] =	vst v1  }
0x51e: {  	v1 =	vld [tilespmem:s31+$0x30]  }
0x51f: {  	v6 =	vld [tilespmem:s31+$0xFFFFFFD0]  }
0x520: {  	v7 =	vld [tilespmem:s31+$0xFFFFFFE0]  }
0x521: {  	v16 =	vld [tilespmem:s31+$0x10]  }
0x522: {  	v8 =	vld [tilespmem:s31+$0xFFFFFFF0]  }
0x523: {  	v17 =	vld [tilespmem:s31+$0x20];
	_ =	sdelay $0x1  }
0x524: {  	v2 =	vand.u32 $0xFF0, v1;
	v3 =	vshll.u32 v1, $0x2;
	v18 =	vshll.u32 v6, $0x2  }
0x525: {  	v21 =	vand.u32 $0xFF0, v16;
	v22 =	vshll.u32 v7, $0x2;
	v2 =	vor.u32 v0, v2  }
0x526: {  	v14 =	vld [tilespmem:s31+$0x0];
	v24 =	vshrl.u32 v1, $0xD;
	v3 =	vand.u32 $0x3E00, v3;
	v2 =	vand.u32 $0x7F, v2  }
0x527: {  	s11 =	simm.s32 $0xE040;
	v9 =	vld [tilespmem:s31+$0xFFFFFFC0];
	v1 =	vshll.u32 v8, $0x2;
	v47 =	vand.u32 $0xFF0, v17;
	v15 =	vor.u32 v2, v3  }
0x528: {  	v20 =	vld [tilespmem:s11+$0x30];
	v49 =	vshll.u32 v17, $0x2;
	v18 =	vand.u32 $0x3E00, v18;
	v2 =	vand.u32 $0xFF0, v6  }
0x529: {  	v13 =	vld [tilespmem:s11+$0xFFFFFFC0];
	v22 =	vand.u32 $0x3E00, v22;
	v3 =	vand.u32 $0xFF0, v7;
	v4 =	vor.u32 v0, v2  }
0x52a: {  	v12 =	vld [tilespmem:s11+$0xFFFFFFD0];
	v2 =	vand.u32 $0xFF0, v8;
	v5 =	vor.u32 v0, v3;
	v27 =	vand.u32 $0x7F, v4  }
0x52b: {  	v11 =	vor.u32 v0, v2;
	v4 =	vld [tilespmem:s11+$0x0];
	v45 =	vand.u32 $0x7F, v5;
	v18 =	vor.u32 v27, v18  }
0x52c: {  	v1 =	vand.u32 $0x3E00, v1;
	v11 =	vand.u32 $0x7F, v11;
	v22 =	vor.u32 v45, v22;
	v10 =	vld.idx.msk [tilespmem:v15+s8+$0x0], $0xffff  }
0x52d: {  	v3 =	vand.u32 $0xFF0, v14;
	v2 =	vand.u32 $0xFF0, v9;
	v5 =	vld [tilespmem:s11+$0x10];
	v46 =	vor.u32 v11, v1  }
0x52e: {  	v19 =	vor.u32 v0, v3;
	v3 =	vshll.u32 v9, $0x2;
	v23 =	vor.u32 v0, v2;
	v2 =	vld [tilespmem:s11+$0xFFFFFFE0]  }
0x52f: {  	v26 =	vor.u32 $0x80, v15;
	v28 =	vand.u32 $0x3E00, v3;
	v3 =	vld [tilespmem:s11+$0xFFFFFFF0];
	v23 =	vand.u32 $0x7F, v23  }
0x530: {  	v11 =	vor.u32 v0, v21;
	v21 =	vor.u32 v0, v47;
	v23 =	vor.u32 v23, v28;
	v29 =	vld.idx.msk [tilespmem:v18+s8+$0x0], $0xffff  }
0x531: {  	v27 =	vand.u32 $0x3E00, v49;
	v21 =	vand.u32 $0x7F, v21;
	v31 =	vld.idx.msk [tilespmem:v22+s8+$0x0], $0xffff;
	v10 =	vmul.f32 v10, v20  }
0x532: {  	v25 =	vshll.u32 v14, $0x2;
	v21 =	vor.u32 v21, v27;
	v51 =	vld.idx.msk [tilespmem:v46+s8+$0x0], $0xffff  }
0x533: {  	v48 =	vshll.u32 v16, $0x2;
	v32 =	vshrl.u32 v9, $0xD;
	v9 =	vshrl.u32 v7, $0xD;
	[tilespmem:v24+s0+$0x0] =	vst.idx.add.f32.msk $0xffff, v10  }
0x534: {  	v7 =	vshrl.u32 v8, $0xD;
	v10 =	vand.u32 $0x7F, v19;
	v19 =	vand.u32 $0x3E00, v25;
	v1 =	vld.idx.msk [tilespmem:v26+s8+$0x0], $0xffff  }
0x535: {  	v11 =	vand.u32 $0x7F, v11;
	v50 =	vld.idx.msk [tilespmem:v23+s8+$0x0], $0xffff;
	v19 =	vor.u32 v10, v19;
	v26 =	vand.u32 $0x3E00, v48  }
0x536: {  	v30 =	vor.u32 $0x100, v15;
	v10 =	vld [tilespmem:s11+$0x20];
	v53 =	vmul.f32 v31, v2;
	v26 =	vor.u32 v11, v26  }
0x537: {  	v11 =	vshrl.u32 v6, $0xD;
	v6 =	vshrl.u32 v14, $0xD;
	v14 =	vld.idx.msk [tilespmem:v21+s8+$0x0], $0xffff;
	v27 =	vmul.f32 v51, v3  }
0x538: {  	[tilespmem:v9+s0+$0x0] =	vst.idx.add.f32.msk $0xffff, v53  }
0x539: {  	[tilespmem:v7+s0+$0x0] =	vst.idx.add.f32.msk $0xffff, v27;
	v1 =	vmul.f32 v1, v20  }
0x53a: {  	v33 =	vld.idx.msk [tilespmem:v19+s8+$0x0], $0xffff  }
0x53b: {  	v55 =	vor.u32 $0x80, v46;
	[tilespmem:v24+s2+$0x0] =	vst.idx.add.f32.msk $0xffff, v1;
	v1 =	vmul.f32 v50, v13  }
0x53c: {  	v30 =	vld.idx.msk [tilespmem:v30+s8+$0x0], $0xffff  }
0x53d: {  	v8 =	vmul.f32 v29, v12;
	[tilespmem:v32+s0+$0x0] =	vst.idx.add.f32.msk $0xffff, v1;
	v1 =	vshrl.u32 v17, $0xD  }
0x53e: {  	v54 =	vor.u32 $0x80, v23;
	v52 =	vld.idx.msk [tilespmem:v26+s8+$0x0], $0xffff  }
0x53f: {  	[tilespmem:v11+s0+$0x0] =	vst.idx.add.f32.msk $0xffff, v8;
	v8 =	vshrl.u32 v16, $0xD;
	v16 =	vmul.f32 v33, v4  }
0x540: {  	v15 =	vor.u32 $0x180, v15;
	v29 =	vld.idx.msk [tilespmem:v55+s8+$0x0], $0xffff;
	v14 =	vmul.f32 v14, v10  }
0x541: {  	[tilespmem:v6+s0+$0x0] =	vst.idx.add.f32.msk $0xffff, v16  }
0x542: {  	v16 =	vor.u32 $0x80, v18;
	v17 =	vmul.f32 v30, v20;
	[tilespmem:v1+s0+$0x0] =	vst.idx.add.f32.msk $0xffff, v14  }
0x543: {  	v58 =	vor.u32 $0x80, v21;
	v14 =	vld.idx.msk [tilespmem:v54+s8+$0x0], $0xffff  }
0x544: {  	v28 =	vmul.f32 v52, v5;
	[tilespmem:v24+s3+$0x0] =	vst.idx.add.f32.msk $0xffff, v17;
	v17 =	vor.u32 $0x80, v22  }
0x545: {  	v56 =	vor.u32 $0x80, v19;
	v15 =	vld.idx.msk [tilespmem:v15+s8+$0x0], $0xffff  }
0x546: {  	[tilespmem:v8+s0+$0x0] =	vst.idx.add.f32.msk $0xffff, v28  }
0x547: {  	v16 =	vld.idx.msk [tilespmem:v16+s8+$0x0], $0xffff  }
0x548: {  	v57 =	vor.u32 $0x80, v26;
	v59 =	vld.idx.msk [tilespmem:v58+s8+$0x0], $0xffff  }
0x549: {  	v14 =	vmul.f32 v14, v13;
	v17 =	vld.idx.msk [tilespmem:v17+s8+$0x0], $0xffff  }
0x54a: {  	v15 =	vmul.f32 v15, v20;
	v20 =	vld.idx.msk [tilespmem:v56+s8+$0x0], $0xffff  }
0x54b: {  	[tilespmem:v32+s2+$0x0] =	vst.idx.add.f32.msk $0xffff, v14  }
0x54c: {  	v16 =	vmul.f32 v16, v12;
	[tilespmem:v24+s4+$0x0] =	vst.idx.add.f32.msk $0xffff, v15  }
0x54d: {  	v60 =	vor.u32 $0x100, v23;
	v15 =	vld.idx.msk [tilespmem:v57+s8+$0x0], $0xffff;
	v24 =	vmul.f32 v59, v10  }
0x54e: {  	[tilespmem:v11+s2+$0x0] =	vst.idx.add.f32.msk $0xffff, v16;
	v16 =	vmul.f32 v29, v3  }
0x54f: {  	v14 =	vmul.f32 v17, v2;
	v17 =	vor.u32 $0x100, v18;
	[tilespmem:v1+s2+$0x0] =	vst.idx.add.f32.msk $0xffff, v24  }
0x550: {  	[tilespmem:v7+s2+$0x0] =	vst.idx.add.f32.msk $0xffff, v16  }
0x551: {  	v16 =	vor.u32 $0x100, v22;
	[tilespmem:v9+s2+$0x0] =	vst.idx.add.f32.msk $0xffff, v14;
	v14 =	vmul.f32 v20, v4  }
0x552: {  	v62 =	vor.u32 $0x100, v21;
	v20 =	vld.idx.msk [tilespmem:v60+s8+$0x0], $0xffff  }
0x553: {  	v61 =	vor.u32 $0x100, v19;
	[tilespmem:v6+s2+$0x0] =	vst.idx.add.f32.msk $0xffff, v14;
	v14 =	vmul.f32 v15, v5  }
0x554: {  	v15 =	vor.u32 $0x100, v46;
	v17 =	vld.idx.msk [tilespmem:v17+s8+$0x0], $0xffff  }
0x555: {  	[tilespmem:v8+s2+$0x0] =	vst.idx.add.f32.msk $0xffff, v14  }
0x556: {  	v14 =	vor.u32 $0x100, v26;
	v16 =	vld.idx.msk [tilespmem:v16+s8+$0x0], $0xffff  }
0x557: {  	v24 =	vld.idx.msk [tilespmem:v62+s8+$0x0], $0xffff  }
0x558: {  	v27 =	vld.idx.msk [tilespmem:v61+s8+$0x0], $0xffff;
	v20 =	vmul.f32 v20, v13  }
0x559: {  	v23 =	vor.u32 $0x180, v23;
	v15 =	vld.idx.msk [tilespmem:v15+s8+$0x0], $0xffff  }
0x55a: {  	[tilespmem:v32+s3+$0x0] =	vst.idx.add.f32.msk $0xffff, v20;
	v17 =	vmul.f32 v17, v12  }
0x55b: {  	v14 =	vld.idx.msk [tilespmem:v14+s8+$0x0], $0xffff;
	v16 =	vmul.f32 v16, v2  }
0x55c: {  	[tilespmem:v11+s3+$0x0] =	vst.idx.add.f32.msk $0xffff, v17  }
0x55d: {  	v17 =	vor.u32 $0x180, v18;
	[tilespmem:v9+s3+$0x0] =	vst.idx.add.f32.msk $0xffff, v16;
	v16 =	vmul.f32 v27, v4  }
0x55e: {  	v20 =	vld.idx.msk [tilespmem:v23+s8+$0x0], $0xffff;
	v15 =	vmul.f32 v15, v3  }
0x55f: {  	v18 =	vor.u32 $0x180, v22;
	[tilespmem:v6+s3+$0x0] =	vst.idx.add.f32.msk $0xffff, v16;
	v16 =	vmul.f32 v24, v10  }
0x560: {  	v19 =	vor.u32 $0x180, v19;
	[tilespmem:v7+s3+$0x0] =	vst.idx.add.f32.msk $0xffff, v15  }
0x561: {  	v14 =	vmul.f32 v14, v5;
	v15 =	vor.u32 $0x180, v46;
	[tilespmem:v1+s3+$0x0] =	vst.idx.add.f32.msk $0xffff, v16  }
0x562: {  	v63 =	vld.idx.msk [tilespmem:v17+s8+$0x0], $0xffff  }
0x563: {  	[tilespmem:v8+s3+$0x0] =	vst.idx.add.f32.msk $0xffff, v14;
	v14 =	vor.u32 $0x180, v26  }
0x564: {  	p0 =	por $0x1, $0x1;
	v21 =	vor.u32 $0x180, v21;
	v18 =	vld.idx.msk [tilespmem:v18+s8+$0x0], $0xffff  }
.Ltmp19:
0x565: {  	v16 =	vld.idx.msk [tilespmem:v19+s8+$0x0], $0xffff;
	v19 =	vmul.f32 v20, v13;
	(pc) =	sbr.rel @!p0 .LBB2_35-.Ltmp19, $4  }
0x566: {  	v17 =	vld.idx.msk [tilespmem:v15+s8+$0x0], $0xffff  }
0x567: {  	[tilespmem:v32+s4+$0x0] =	vst.idx.add.f32.msk $0xffff, v19  }
0x568: {  	s13 =	simm.s32 $0xC0C0;
	v13 =	vld.idx.msk [tilespmem:v14+s8+$0x0], $0xffff  }
0x569: {  	s12 =	simm.s32 $0x0;
	s7 =	simm.s32 $0x12040;
	s1 =	simm.s32 $0x10040;
	v15 =	vld.idx.msk [tilespmem:v21+s8+$0x0], $0xffff;
	v12 =	vmul.f32 v63, v12  }
.LBB2_36:
0x56a: {  	v14 =	vld [tilespmem:s13+$0x30];
	s12 =	sadd.s32 $0x8, s12;
	v2 =	vmul.f32 v18, v2  }
0x56b: {  	v3 =	vmul.f32 v17, v3;
	v18 =	vld [tilespmem:s13+$0xFFFFFFD0];
	p0 =	slt.u32 s12, $0x1F8  }
0x56c: {  	v4 =	vmul.f32 v16, v4;
	v17 =	vld [tilespmem:s13+$0xFFFFFFE0]  }
0x56d: {  	v5 =	vmul.f32 v13, v5;
	v16 =	vld [tilespmem:s13+$0xFFFFFFF0]  }
0x56e: {  	v20 =	vmul.f32 v15, v10;
	v19 =	vld [tilespmem:s13+$0x0]  }
0x56f: {  	v21 =	vld [tilespmem:s13+$0x10];
	v10 =	vand.u32 $0xFF0, v14  }
0x570: {  	v15 =	vshll.u32 v14, $0x2;
	v13 =	vand.u32 $0xFF0, v18;
	v22 =	vld [tilespmem:s13+$0x20];
	v10 =	vor.u32 v0, v10  }
0x571: {  	v15 =	vand.u32 $0x3E00, v15;
	v23 =	vld [tilespmem:s13+$0xFFFFFFC0];
	v24 =	vand.u32 $0xFF0, v17;
	v10 =	vand.u32 $0x7F, v10  }
0x572: {  	v25 =	vor.u32 v0, v13;
	v13 =	vand.u32 $0xFF0, v16;
	v15 =	vor.u32 v10, v15;
	[tilespmem:v11+s4+$0x0] =	vst.idx.add.f32.msk $0xffff, v12  }
0x573: {  	v10 =	vor.u32 v0, v24;
	v11 =	vor.u32 v0, v13;
	v12 =	vand.u32 $0xFF0, v19;
	[tilespmem:v9+s4+$0x0] =	vst.idx.add.f32.msk $0xffff, v2  }
0x574: {  	v9 =	vshll.u32 v18, $0x2;
	v2 =	vor.u32 v0, v12;
	v12 =	vand.u32 $0xFF0, v21;
	[tilespmem:v7+s4+$0x0] =	vst.idx.add.f32.msk $0xffff, v3  }
0x575: {  	v3 =	vshll.u32 v17, $0x2;
	v7 =	vor.u32 v0, v12;
	v12 =	vand.u32 $0xFF0, v22;
	[tilespmem:v6+s4+$0x0] =	vst.idx.add.f32.msk $0xffff, v4  }
0x576: {  	v4 =	vand.u32 $0xFF0, v23;
	v6 =	vshll.u32 v23, $0x2;
	v24 =	vor.u32 v0, v12;
	[tilespmem:v8+s4+$0x0] =	vst.idx.add.f32.msk $0xffff, v5  }
0x577: {  	s11 =	sadd.s32 $0x80, s11;
	v5 =	vshll.u32 v16, $0x2;
	v8 =	vshll.u32 v19, $0x2;
	v4 =	vor.u32 v0, v4;
	v26 =	vld.idx.msk [tilespmem:v15+s8+$0x0], $0xffff  }
0x578: {  	v28 =	vshll.u32 v21, $0x2;
	v29 =	vshll.u32 v22, $0x2;
	v27 =	vand.u32 $0x7F, v4;
	v30 =	vld [tilespmem:s11+$0x30]  }
0x579: {  	v25 =	vand.u32 $0x7F, v25;
	v10 =	vand.u32 $0x7F, v10;
	v11 =	vand.u32 $0x7F, v11;
	v13 =	vld [tilespmem:s11+$0xFFFFFFC0]  }
0x57a: {  	v32 =	vshrl.u32 v14, $0xD;
	v31 =	vand.u32 $0x7F, v2;
	v7 =	vand.u32 $0x7F, v7;
	v12 =	vld [tilespmem:s11+$0xFFFFFFD0]  }
0x57b: {  	v33 =	vor.u32 $0x80, v15;
	v6 =	vand.u32 $0x3E00, v6;
	v24 =	vand.u32 $0x7F, v24;
	v2 =	vld [tilespmem:s11+$0xFFFFFFE0]  }
0x57c: {  	v9 =	vand.u32 $0x3E00, v9;
	v34 =	vand.u32 $0x3E00, v3;
	v35 =	vand.u32 $0x3E00, v5;
	v3 =	vld [tilespmem:s11+$0xFFFFFFF0]  }
0x57d: {  	v28 =	vand.u32 $0x3E00, v28;
	v8 =	vand.u32 $0x3E00, v8;
	v4 =	vld [tilespmem:s11+$0x0];
	v26 =	vmul.f32 v26, v30  }
0x57e: {  	v25 =	vor.u32 v25, v9;
	v27 =	vor.u32 v27, v6;
	v6 =	vand.u32 $0x3E00, v29;
	v5 =	vld [tilespmem:s11+$0x10]  }
0x57f: {  	v14 =	vshrl.u32 v23, $0xD;
	v23 =	vor.u32 v10, v34;
	v29 =	vor.u32 v11, v35;
	[tilespmem:v32+s0+$0x0] =	vst.idx.add.f32.msk $0xffff, v26  }
0x580: {  	v28 =	vor.u32 v7, v28;
	v24 =	vor.u32 v24, v6;
	v26 =	vor.u32 v31, v8;
	v31 =	vld.idx.msk [tilespmem:v33+s8+$0x0], $0xffff  }
0x581: {  	v9 =	vshrl.u32 v17, $0xD;
	v7 =	vshrl.u32 v16, $0xD;
	v11 =	vshrl.u32 v18, $0xD;
	v10 =	vld [tilespmem:s11+$0x20]  }
0x582: {  	v6 =	vshrl.u32 v19, $0xD;
	v8 =	vshrl.u32 v21, $0xD;
	[tilespmem:v1+s4+$0x0] =	vst.idx.add.f32.msk $0xffff, v20;
	v1 =	vshrl.u32 v22, $0xD  }
0x583: {  	v18 =	vor.u32 $0x80, v25;
	v17 =	vor.u32 $0x80, v27;
	v19 =	vor.u32 $0x80, v23;
	v16 =	vld.idx.msk [tilespmem:v27+s8+$0x0], $0xffff  }
0x584: {  	v21 =	vor.u32 $0x80, v29;
	v33 =	vor.u32 $0x100, v15;
	v22 =	vor.u32 $0x80, v26;
	v20 =	vld.idx.msk [tilespmem:v25+s8+$0x0], $0xffff  }
0x585: {  	v36 =	vor.u32 $0x80, v28;
	v34 =	vor.u32 $0x100, v27;
	v37 =	vor.u32 $0x80, v24;
	v35 =	vld.idx.msk [tilespmem:v23+s8+$0x0], $0xffff  }
0x586: {  	v38 =	vor.u32 $0x100, v25;
	v39 =	vor.u32 $0x100, v23;
	v31 =	vmul.f32 v31, v30;
	v40 =	vld.idx.msk [tilespmem:v29+s8+$0x0], $0xffff  }
0x587: {  	v44 =	vor.u32 $0x100, v28;
	v41 =	vor.u32 $0x100, v29;
	v43 =	vor.u32 $0x100, v26;
	v42 =	vld.idx.msk [tilespmem:v26+s8+$0x0], $0xffff  }
0x588: {  	v45 =	vor.u32 $0x100, v24;
	v27 =	vor.u32 $0x180, v27;
	v25 =	vor.u32 $0x180, v25;
	[tilespmem:v32+s2+$0x0] =	vst.idx.add.f32.msk $0xffff, v31  }
0x589: {  	v23 =	vor.u32 $0x180, v23;
	v29 =	vor.u32 $0x180, v29;
	v16 =	vmul.f32 v16, v13;
	v31 =	vld.idx.msk [tilespmem:v33+s8+$0x0], $0xffff  }
0x58a: {  	v26 =	vor.u32 $0x180, v26;
	v20 =	vmul.f32 v20, v12;
	v33 =	vld.idx.msk [tilespmem:v28+s8+$0x0], $0xffff;
	v28 =	vor.u32 $0x180, v28  }
0x58b: {  	v35 =	vmul.f32 v35, v2;
	v46 =	vld.idx.msk [tilespmem:v24+s8+$0x0], $0xffff;
	v24 =	vor.u32 $0x180, v24  }
0x58c: {  	[tilespmem:v14+s0+$0x0] =	vst.idx.add.f32.msk $0xffff, v16;
	v16 =	vmul.f32 v40, v3  }
0x58d: {  	v15 =	vor.u32 $0x180, v15;
	[tilespmem:v11+s0+$0x0] =	vst.idx.add.f32.msk $0xffff, v20;
	v20 =	vmul.f32 v42, v4  }
0x58e: {  	[tilespmem:v9+s0+$0x0] =	vst.idx.add.f32.msk $0xffff, v35  }
0x58f: {  	[tilespmem:v7+s0+$0x0] =	vst.idx.add.f32.msk $0xffff, v16;
	v16 =	vmul.f32 v31, v30  }
0x590: {  	[tilespmem:v6+s0+$0x0] =	vst.idx.add.f32.msk $0xffff, v20;
	v20 =	vmul.f32 v33, v5  }
0x591: {  	v31 =	vmul.f32 v46, v10;
	[tilespmem:v32+s3+$0x0] =	vst.idx.add.f32.msk $0xffff, v16  }
0x592: {  	v15 =	vld.idx.msk [tilespmem:v15+s8+$0x0], $0xffff  }
0x593: {  	[tilespmem:v8+s0+$0x0] =	vst.idx.add.f32.msk $0xffff, v20  }
0x594: {  	[tilespmem:v1+s0+$0x0] =	vst.idx.add.f32.msk $0xffff, v31  }
0x595: {  	v16 =	vld.idx.msk [tilespmem:v17+s8+$0x0], $0xffff  }
0x596: {  	v17 =	vld.idx.msk [tilespmem:v18+s8+$0x0], $0xffff  }
0x597: {  	v18 =	vld.idx.msk [tilespmem:v19+s8+$0x0], $0xffff  }
0x598: {  	v15 =	vmul.f32 v15, v30;
	v19 =	vld.idx.msk [tilespmem:v21+s8+$0x0], $0xffff  }
0x599: {  	v20 =	vld.idx.msk [tilespmem:v22+s8+$0x0], $0xffff  }
0x59a: {  	[tilespmem:v32+s4+$0x0] =	vst.idx.add.f32.msk $0xffff, v15  }
0x59b: {  	v15 =	vmul.f32 v16, v13;
	v16 =	vld.idx.msk [tilespmem:v36+s8+$0x0], $0xffff  }
0x59c: {  	v17 =	vmul.f32 v17, v12;
	v21 =	vld.idx.msk [tilespmem:v37+s8+$0x0], $0xffff  }
0x59d: {  	[tilespmem:v14+s2+$0x0] =	vst.idx.add.f32.msk $0xffff, v15;
	v15 =	vmul.f32 v18, v2  }
0x59e: {  	[tilespmem:v11+s2+$0x0] =	vst.idx.add.f32.msk $0xffff, v17;
	v17 =	vmul.f32 v19, v3  }
0x59f: {  	[tilespmem:v9+s2+$0x0] =	vst.idx.add.f32.msk $0xffff, v15;
	v15 =	vmul.f32 v20, v4  }
0x5a0: {  	[tilespmem:v7+s2+$0x0] =	vst.idx.add.f32.msk $0xffff, v17  }
0x5a1: {  	[tilespmem:v6+s2+$0x0] =	vst.idx.add.f32.msk $0xffff, v15;
	v15 =	vmul.f32 v16, v5  }
0x5a2: {  	v17 =	vmul.f32 v21, v10;
	v16 =	vld.idx.msk [tilespmem:v34+s8+$0x0], $0xffff  }
0x5a3: {  	[tilespmem:v8+s2+$0x0] =	vst.idx.add.f32.msk $0xffff, v15  }
0x5a4: {  	[tilespmem:v1+s2+$0x0] =	vst.idx.add.f32.msk $0xffff, v17  }
0x5a5: {  	v15 =	vld.idx.msk [tilespmem:v38+s8+$0x0], $0xffff  }
0x5a6: {  	v17 =	vld.idx.msk [tilespmem:v39+s8+$0x0], $0xffff  }
0x5a7: {  	v18 =	vld.idx.msk [tilespmem:v41+s8+$0x0], $0xffff  }
0x5a8: {  	v16 =	vmul.f32 v16, v13;
	v19 =	vld.idx.msk [tilespmem:v43+s8+$0x0], $0xffff  }
0x5a9: {  	v20 =	vld.idx.msk [tilespmem:v44+s8+$0x0], $0xffff  }
0x5aa: {  	v21 =	vld.idx.msk [tilespmem:v45+s8+$0x0], $0xffff  }
0x5ab: {  	v15 =	vmul.f32 v15, v12;
	[tilespmem:v14+s3+$0x0] =	vst.idx.add.f32.msk $0xffff, v16  }
0x5ac: {  	v17 =	vmul.f32 v17, v2;
	v16 =	vld.idx.msk [tilespmem:v27+s8+$0x0], $0xffff  }
0x5ad: {  	[tilespmem:v11+s3+$0x0] =	vst.idx.add.f32.msk $0xffff, v15;
	v15 =	vmul.f32 v18, v3  }
0x5ae: {  	[tilespmem:v9+s3+$0x0] =	vst.idx.add.f32.msk $0xffff, v17;
	v17 =	vmul.f32 v19, v4  }
0x5af: {  	[tilespmem:v7+s3+$0x0] =	vst.idx.add.f32.msk $0xffff, v15;
	v15 =	vmul.f32 v20, v5  }
0x5b0: {  	[tilespmem:v6+s3+$0x0] =	vst.idx.add.f32.msk $0xffff, v17;
	v17 =	vmul.f32 v21, v10  }
0x5b1: {  	[tilespmem:v8+s3+$0x0] =	vst.idx.add.f32.msk $0xffff, v15  }
0x5b2: {  	v19 =	vmul.f32 v16, v13;
	[tilespmem:v1+s3+$0x0] =	vst.idx.add.f32.msk $0xffff, v17  }
0x5b3: {  	v20 =	vld.idx.msk [tilespmem:v25+s8+$0x0], $0xffff  }
0x5b4: {  	v18 =	vld.idx.msk [tilespmem:v23+s8+$0x0], $0xffff  }
.Ltmp20:
0x5b5: {  	v17 =	vld.idx.msk [tilespmem:v29+s8+$0x0], $0xffff;
	(pc) =	sbr.rel @p0 .LBB2_36-.Ltmp20, $4  }
0x5b6: {  	v16 =	vld.idx.msk [tilespmem:v26+s8+$0x0], $0xffff  }
0x5b7: {  	v13 =	vld.idx.msk [tilespmem:v28+s8+$0x0], $0xffff  }
0x5b8: {  	v15 =	vld.idx.msk [tilespmem:v24+s8+$0x0], $0xffff  }
0x5b9: {  	s13 =	sadd.s32 $0x80, s13;
	v12 =	vmul.f32 v20, v12;
	[tilespmem:v14+s4+$0x0] =	vst.idx.add.f32.msk $0xffff, v19  }
0x5ba: {  	s21 =	simm.s32 $0x200;
	s5 =	simm.s32 $0x6000  }
0x5bb: {  	s6 =	simm.s32 $0x7000;
	s10 =	simm.s32 $0x9000;
	s30 =	simm.s32 $0x0  }
.LBB2_38:
0x5bc: {  	_ =	sdelay $0x2  }
0x5bd: {  	v2 =	vmul.f32 v18, v2  }
0x5be: {  	v3 =	vmul.f32 v17, v3;
	[tilespmem:v11+s4+$0x0] =	vst.idx.add.f32.msk $0xffff, v12  }
0x5bf: {  	v4 =	vmul.f32 v16, v4;
	[tilespmem:v9+s4+$0x0] =	vst.idx.add.f32.msk $0xffff, v2  }
0x5c0: {  	v2 =	vmul.f32 v13, v5;
	[tilespmem:v7+s4+$0x0] =	vst.idx.add.f32.msk $0xffff, v3  }
0x5c1: {  	v3 =	vmul.f32 v15, v10;
	[tilespmem:v6+s4+$0x0] =	vst.idx.add.f32.msk $0xffff, v4  }
0x5c2: {  	[tilespmem:v8+s4+$0x0] =	vst.idx.add.f32.msk $0xffff, v2  }
0x5c3: {  	[tilespmem:v1+s4+$0x0] =	vst.idx.add.f32.msk $0xffff, v3  }
0x5c4: {  	v1 =	vld [tilespmem:s1+$0x30]  }
0x5c5: {  	v6 =	vld [tilespmem:s1+$0xFFFFFFD0]  }
0x5c6: {  	v7 =	vld [tilespmem:s1+$0xFFFFFFE0]  }
0x5c7: {  	v16 =	vld [tilespmem:s1+$0x10]  }
0x5c8: {  	v8 =	vld [tilespmem:s1+$0xFFFFFFF0]  }
0x5c9: {  	v17 =	vld [tilespmem:s1+$0x20];
	_ =	sdelay $0x1  }
0x5ca: {  	v2 =	vand.u32 $0xFF0, v1;
	v3 =	vshll.u32 v1, $0x2;
	v18 =	vshll.u32 v6, $0x2  }
0x5cb: {  	v21 =	vand.u32 $0xFF0, v16;
	v22 =	vshll.u32 v7, $0x2;
	v2 =	vor.u32 v0, v2  }
0x5cc: {  	v14 =	vld [tilespmem:s1+$0x0];
	v24 =	vshrl.u32 v1, $0xD;
	v3 =	vand.u32 $0x3E00, v3;
	v2 =	vand.u32 $0x7F, v2  }
0x5cd: {  	v9 =	vld [tilespmem:s1+$0xFFFFFFC0];
	v1 =	vshll.u32 v8, $0x2;
	v47 =	vand.u32 $0xFF0, v17;
	v15 =	vor.u32 v2, v3  }
0x5ce: {  	v20 =	vld [tilespmem:s7+$0x30];
	v49 =	vshll.u32 v17, $0x2;
	v18 =	vand.u32 $0x3E00, v18;
	v2 =	vand.u32 $0xFF0, v6  }
0x5cf: {  	v13 =	vld [tilespmem:s7+$0xFFFFFFC0];
	v22 =	vand.u32 $0x3E00, v22;
	v3 =	vand.u32 $0xFF0, v7;
	v4 =	vor.u32 v0, v2  }
0x5d0: {  	v12 =	vld [tilespmem:s7+$0xFFFFFFD0];
	v2 =	vand.u32 $0xFF0, v8;
	v5 =	vor.u32 v0, v3;
	v27 =	vand.u32 $0x7F, v4  }
0x5d1: {  	v11 =	vor.u32 v0, v2;
	v4 =	vld [tilespmem:s7+$0x0];
	v45 =	vand.u32 $0x7F, v5;
	v18 =	vor.u32 v27, v18  }
0x5d2: {  	v1 =	vand.u32 $0x3E00, v1;
	v11 =	vand.u32 $0x7F, v11;
	v22 =	vor.u32 v45, v22;
	v10 =	vld.idx.msk [tilespmem:v15+s8+$0x0], $0xffff  }
0x5d3: {  	v3 =	vand.u32 $0xFF0, v14;
	v2 =	vand.u32 $0xFF0, v9;
	v5 =	vld [tilespmem:s7+$0x10];
	v46 =	vor.u32 v11, v1  }
0x5d4: {  	v19 =	vor.u32 v0, v3;
	v3 =	vshll.u32 v9, $0x2;
	v23 =	vor.u32 v0, v2;
	v2 =	vld [tilespmem:s7+$0xFFFFFFE0]  }
0x5d5: {  	v26 =	vor.u32 $0x80, v15;
	v28 =	vand.u32 $0x3E00, v3;
	v3 =	vld [tilespmem:s7+$0xFFFFFFF0];
	v23 =	vand.u32 $0x7F, v23  }
0x5d6: {  	v11 =	vor.u32 v0, v21;
	v21 =	vor.u32 v0, v47;
	v23 =	vor.u32 v23, v28;
	v29 =	vld.idx.msk [tilespmem:v18+s8+$0x0], $0xffff  }
0x5d7: {  	v27 =	vand.u32 $0x3E00, v49;
	v21 =	vand.u32 $0x7F, v21;
	v31 =	vld.idx.msk [tilespmem:v22+s8+$0x0], $0xffff;
	v10 =	vmul.f32 v10, v20  }
0x5d8: {  	v25 =	vshll.u32 v14, $0x2;
	v21 =	vor.u32 v21, v27;
	v51 =	vld.idx.msk [tilespmem:v46+s8+$0x0], $0xffff  }
0x5d9: {  	v48 =	vshll.u32 v16, $0x2;
	v32 =	vshrl.u32 v9, $0xD;
	v9 =	vshrl.u32 v7, $0xD;
	[tilespmem:v24+s5+$0x0] =	vst.idx.add.f32.msk $0xffff, v10  }
0x5da: {  	v7 =	vshrl.u32 v8, $0xD;
	v10 =	vand.u32 $0x7F, v19;
	v19 =	vand.u32 $0x3E00, v25;
	v1 =	vld.idx.msk [tilespmem:v26+s8+$0x0], $0xffff  }
0x5db: {  	v11 =	vand.u32 $0x7F, v11;
	v50 =	vld.idx.msk [tilespmem:v23+s8+$0x0], $0xffff;
	v19 =	vor.u32 v10, v19;
	v26 =	vand.u32 $0x3E00, v48  }
0x5dc: {  	v30 =	vor.u32 $0x100, v15;
	v10 =	vld [tilespmem:s7+$0x20];
	v53 =	vmul.f32 v31, v2;
	v26 =	vor.u32 v11, v26  }
0x5dd: {  	v11 =	vshrl.u32 v6, $0xD;
	v6 =	vshrl.u32 v14, $0xD;
	v14 =	vld.idx.msk [tilespmem:v21+s8+$0x0], $0xffff;
	v27 =	vmul.f32 v51, v3  }
0x5de: {  	[tilespmem:v9+s5+$0x0] =	vst.idx.add.f32.msk $0xffff, v53  }
0x5df: {  	[tilespmem:v7+s5+$0x0] =	vst.idx.add.f32.msk $0xffff, v27;
	v1 =	vmul.f32 v1, v20  }
0x5e0: {  	v33 =	vld.idx.msk [tilespmem:v19+s8+$0x0], $0xffff  }
0x5e1: {  	v55 =	vor.u32 $0x80, v46;
	[tilespmem:v24+s6+$0x0] =	vst.idx.add.f32.msk $0xffff, v1;
	v1 =	vmul.f32 v50, v13  }
0x5e2: {  	v30 =	vld.idx.msk [tilespmem:v30+s8+$0x0], $0xffff  }
0x5e3: {  	v8 =	vmul.f32 v29, v12;
	[tilespmem:v32+s5+$0x0] =	vst.idx.add.f32.msk $0xffff, v1;
	v1 =	vshrl.u32 v17, $0xD  }
0x5e4: {  	v54 =	vor.u32 $0x80, v23;
	v52 =	vld.idx.msk [tilespmem:v26+s8+$0x0], $0xffff  }
0x5e5: {  	[tilespmem:v11+s5+$0x0] =	vst.idx.add.f32.msk $0xffff, v8;
	v8 =	vshrl.u32 v16, $0xD;
	v16 =	vmul.f32 v33, v4  }
0x5e6: {  	v15 =	vor.u32 $0x180, v15;
	v29 =	vld.idx.msk [tilespmem:v55+s8+$0x0], $0xffff;
	v14 =	vmul.f32 v14, v10  }
0x5e7: {  	[tilespmem:v6+s5+$0x0] =	vst.idx.add.f32.msk $0xffff, v16  }
0x5e8: {  	v16 =	vor.u32 $0x80, v18;
	v17 =	vmul.f32 v30, v20;
	[tilespmem:v1+s5+$0x0] =	vst.idx.add.f32.msk $0xffff, v14  }
0x5e9: {  	s12 =	simm.s32 $0x8000;
	v58 =	vor.u32 $0x80, v21;
	v14 =	vld.idx.msk [tilespmem:v54+s8+$0x0], $0xffff  }
0x5ea: {  	v28 =	vmul.f32 v52, v5;
	[tilespmem:v24+s12+$0x0] =	vst.idx.add.f32.msk $0xffff, v17;
	v17 =	vor.u32 $0x80, v22  }
0x5eb: {  	v56 =	vor.u32 $0x80, v19;
	v15 =	vld.idx.msk [tilespmem:v15+s8+$0x0], $0xffff  }
0x5ec: {  	[tilespmem:v8+s5+$0x0] =	vst.idx.add.f32.msk $0xffff, v28  }
0x5ed: {  	v16 =	vld.idx.msk [tilespmem:v16+s8+$0x0], $0xffff  }
0x5ee: {  	v57 =	vor.u32 $0x80, v26;
	v59 =	vld.idx.msk [tilespmem:v58+s8+$0x0], $0xffff  }
0x5ef: {  	v14 =	vmul.f32 v14, v13;
	v17 =	vld.idx.msk [tilespmem:v17+s8+$0x0], $0xffff  }
0x5f0: {  	v15 =	vmul.f32 v15, v20;
	v20 =	vld.idx.msk [tilespmem:v56+s8+$0x0], $0xffff  }
0x5f1: {  	[tilespmem:v32+s6+$0x0] =	vst.idx.add.f32.msk $0xffff, v14  }
0x5f2: {  	v16 =	vmul.f32 v16, v12;
	[tilespmem:v24+s10+$0x0] =	vst.idx.add.f32.msk $0xffff, v15  }
0x5f3: {  	v60 =	vor.u32 $0x100, v23;
	v15 =	vld.idx.msk [tilespmem:v57+s8+$0x0], $0xffff;
	v24 =	vmul.f32 v59, v10  }
0x5f4: {  	[tilespmem:v11+s6+$0x0] =	vst.idx.add.f32.msk $0xffff, v16;
	v16 =	vmul.f32 v29, v3  }
0x5f5: {  	v14 =	vmul.f32 v17, v2;
	v17 =	vor.u32 $0x100, v18;
	[tilespmem:v1+s6+$0x0] =	vst.idx.add.f32.msk $0xffff, v24  }
0x5f6: {  	[tilespmem:v7+s6+$0x0] =	vst.idx.add.f32.msk $0xffff, v16  }
0x5f7: {  	v16 =	vor.u32 $0x100, v22;
	[tilespmem:v9+s6+$0x0] =	vst.idx.add.f32.msk $0xffff, v14;
	v14 =	vmul.f32 v20, v4  }
0x5f8: {  	v62 =	vor.u32 $0x100, v21;
	v20 =	vld.idx.msk [tilespmem:v60+s8+$0x0], $0xffff  }
0x5f9: {  	v61 =	vor.u32 $0x100, v19;
	[tilespmem:v6+s6+$0x0] =	vst.idx.add.f32.msk $0xffff, v14;
	v14 =	vmul.f32 v15, v5  }
0x5fa: {  	v15 =	vor.u32 $0x100, v46;
	v17 =	vld.idx.msk [tilespmem:v17+s8+$0x0], $0xffff  }
0x5fb: {  	[tilespmem:v8+s6+$0x0] =	vst.idx.add.f32.msk $0xffff, v14  }
0x5fc: {  	v14 =	vor.u32 $0x100, v26;
	v16 =	vld.idx.msk [tilespmem:v16+s8+$0x0], $0xffff  }
0x5fd: {  	v24 =	vld.idx.msk [tilespmem:v62+s8+$0x0], $0xffff  }
0x5fe: {  	v27 =	vld.idx.msk [tilespmem:v61+s8+$0x0], $0xffff;
	v20 =	vmul.f32 v20, v13  }
0x5ff: {  	v23 =	vor.u32 $0x180, v23;
	v15 =	vld.idx.msk [tilespmem:v15+s8+$0x0], $0xffff  }
0x600: {  	[tilespmem:v32+s12+$0x0] =	vst.idx.add.f32.msk $0xffff, v20;
	v17 =	vmul.f32 v17, v12  }
0x601: {  	v14 =	vld.idx.msk [tilespmem:v14+s8+$0x0], $0xffff;
	v16 =	vmul.f32 v16, v2  }
0x602: {  	[tilespmem:v11+s12+$0x0] =	vst.idx.add.f32.msk $0xffff, v17  }
0x603: {  	v17 =	vor.u32 $0x180, v18;
	[tilespmem:v9+s12+$0x0] =	vst.idx.add.f32.msk $0xffff, v16;
	v16 =	vmul.f32 v27, v4  }
0x604: {  	v20 =	vld.idx.msk [tilespmem:v23+s8+$0x0], $0xffff;
	v15 =	vmul.f32 v15, v3  }
0x605: {  	v18 =	vor.u32 $0x180, v22;
	[tilespmem:v6+s12+$0x0] =	vst.idx.add.f32.msk $0xffff, v16;
	v16 =	vmul.f32 v24, v10  }
0x606: {  	[tilespmem:v7+s12+$0x0] =	vst.idx.add.f32.msk $0xffff, v15;
	v15 =	vor.u32 $0x180, v46  }
0x607: {  	v19 =	vor.u32 $0x180, v19;
	v14 =	vmul.f32 v14, v5;
	[tilespmem:v1+s12+$0x0] =	vst.idx.add.f32.msk $0xffff, v16  }
0x608: {  	v16 =	vor.u32 $0x180, v21;
	v63 =	vld.idx.msk [tilespmem:v17+s8+$0x0], $0xffff  }
0x609: {  	[tilespmem:v8+s12+$0x0] =	vst.idx.add.f32.msk $0xffff, v14;
	v14 =	vor.u32 $0x180, v26  }
0x60a: {  	p0 =	por $0x1, $0x1;
	v18 =	vld.idx.msk [tilespmem:v18+s8+$0x0], $0xffff  }
.Ltmp21:
0x60b: {  	v17 =	vld.idx.msk [tilespmem:v15+s8+$0x0], $0xffff;
	(pc) =	sbr.rel @!p0 .LBB2_39-.Ltmp21, $4  }
0x60c: {  	v15 =	vld.idx.msk [tilespmem:v19+s8+$0x0], $0xffff  }
0x60d: {  	v19 =	vmul.f32 v20, v13;
	v16 =	vld.idx.msk [tilespmem:v16+s8+$0x0], $0xffff  }
0x60e: {  	s13 =	simm.s32 $0x0;
	s14 =	simm.s32 $0xFFFFFFFC;
	v13 =	vld.idx.msk [tilespmem:v14+s8+$0x0], $0xffff  }
0x60f: {  	s15 =	simm.s32 $0x19020;
	s11 =	simm.s32 $0x4000;
	s1 =	sadd.s32 $0x80, s1;
	v12 =	vmul.f32 v63, v12;
	[tilespmem:v32+s10+$0x0] =	vst.idx.add.f32.msk $0xffff, v19  }
.LBB2_40:
0x610: {  	v14 =	vld [tilespmem:s1+$0x30];
	s13 =	sadd.s32 $0x8, s13;
	v2 =	vmul.f32 v18, v2  }
0x611: {  	v3 =	vmul.f32 v17, v3;
	v18 =	vld [tilespmem:s1+$0xFFFFFFD0];
	p0 =	slt.u32 s13, $0x1F8  }
0x612: {  	v4 =	vmul.f32 v15, v4;
	v17 =	vld [tilespmem:s1+$0xFFFFFFE0]  }
0x613: {  	v5 =	vmul.f32 v13, v5;
	v19 =	vld [tilespmem:s1+$0xFFFFFFF0]  }
0x614: {  	v16 =	vmul.f32 v16, v10;
	v20 =	vld [tilespmem:s1+$0x0]  }
0x615: {  	v21 =	vld [tilespmem:s1+$0x10];
	v10 =	vand.u32 $0xFF0, v14  }
0x616: {  	v15 =	vshll.u32 v14, $0x2;
	v13 =	vand.u32 $0xFF0, v18;
	v22 =	vld [tilespmem:s1+$0x20];
	v10 =	vor.u32 v0, v10  }
0x617: {  	v15 =	vand.u32 $0x3E00, v15;
	v23 =	vld [tilespmem:s1+$0xFFFFFFC0];
	v24 =	vand.u32 $0xFF0, v17;
	v10 =	vand.u32 $0x7F, v10  }
0x618: {  	v25 =	vor.u32 v0, v13;
	v13 =	vand.u32 $0xFF0, v19;
	v15 =	vor.u32 v10, v15;
	[tilespmem:v11+s10+$0x0] =	vst.idx.add.f32.msk $0xffff, v12  }
0x619: {  	v10 =	vor.u32 v0, v24;
	v11 =	vor.u32 v0, v13;
	v12 =	vand.u32 $0xFF0, v20;
	[tilespmem:v9+s10+$0x0] =	vst.idx.add.f32.msk $0xffff, v2  }
0x61a: {  	v9 =	vshll.u32 v18, $0x2;
	v2 =	vor.u32 v0, v12;
	v12 =	vand.u32 $0xFF0, v21;
	[tilespmem:v7+s10+$0x0] =	vst.idx.add.f32.msk $0xffff, v3  }
0x61b: {  	v3 =	vshll.u32 v17, $0x2;
	v7 =	vor.u32 v0, v12;
	v12 =	vand.u32 $0xFF0, v22;
	[tilespmem:v6+s10+$0x0] =	vst.idx.add.f32.msk $0xffff, v4  }
0x61c: {  	v4 =	vand.u32 $0xFF0, v23;
	v6 =	vshll.u32 v23, $0x2;
	v24 =	vor.u32 v0, v12;
	[tilespmem:v8+s10+$0x0] =	vst.idx.add.f32.msk $0xffff, v5  }
0x61d: {  	s7 =	sadd.s32 $0x80, s7;
	v5 =	vshll.u32 v19, $0x2;
	v8 =	vshll.u32 v20, $0x2;
	v4 =	vor.u32 v0, v4;
	v26 =	vld.idx.msk [tilespmem:v15+s8+$0x0], $0xffff  }
0x61e: {  	v28 =	vshll.u32 v21, $0x2;
	v29 =	vshll.u32 v22, $0x2;
	v27 =	vand.u32 $0x7F, v4;
	v30 =	vld [tilespmem:s7+$0x30]  }
0x61f: {  	v25 =	vand.u32 $0x7F, v25;
	v10 =	vand.u32 $0x7F, v10;
	v11 =	vand.u32 $0x7F, v11;
	v13 =	vld [tilespmem:s7+$0xFFFFFFC0]  }
0x620: {  	v32 =	vshrl.u32 v14, $0xD;
	v31 =	vand.u32 $0x7F, v2;
	v7 =	vand.u32 $0x7F, v7;
	v12 =	vld [tilespmem:s7+$0xFFFFFFD0]  }
0x621: {  	v33 =	vor.u32 $0x80, v15;
	v6 =	vand.u32 $0x3E00, v6;
	v24 =	vand.u32 $0x7F, v24;
	v2 =	vld [tilespmem:s7+$0xFFFFFFE0]  }
0x622: {  	v9 =	vand.u32 $0x3E00, v9;
	v34 =	vand.u32 $0x3E00, v3;
	v35 =	vand.u32 $0x3E00, v5;
	v3 =	vld [tilespmem:s7+$0xFFFFFFF0]  }
0x623: {  	v28 =	vand.u32 $0x3E00, v28;
	v8 =	vand.u32 $0x3E00, v8;
	v4 =	vld [tilespmem:s7+$0x0];
	v26 =	vmul.f32 v26, v30  }
0x624: {  	v25 =	vor.u32 v25, v9;
	v27 =	vor.u32 v27, v6;
	v6 =	vand.u32 $0x3E00, v29;
	v5 =	vld [tilespmem:s7+$0x10]  }
0x625: {  	v14 =	vshrl.u32 v23, $0xD;
	v23 =	vor.u32 v10, v34;
	v29 =	vor.u32 v11, v35;
	[tilespmem:v32+s5+$0x0] =	vst.idx.add.f32.msk $0xffff, v26  }
0x626: {  	v28 =	vor.u32 v7, v28;
	v24 =	vor.u32 v24, v6;
	v26 =	vor.u32 v31, v8;
	v31 =	vld.idx.msk [tilespmem:v33+s8+$0x0], $0xffff  }
0x627: {  	v9 =	vshrl.u32 v17, $0xD;
	v7 =	vshrl.u32 v19, $0xD;
	v11 =	vshrl.u32 v18, $0xD;
	v10 =	vld [tilespmem:s7+$0x20]  }
0x628: {  	v6 =	vshrl.u32 v20, $0xD;
	v8 =	vshrl.u32 v21, $0xD;
	[tilespmem:v1+s10+$0x0] =	vst.idx.add.f32.msk $0xffff, v16;
	v1 =	vshrl.u32 v22, $0xD  }
0x629: {  	v19 =	vor.u32 $0x80, v23;
	v18 =	vor.u32 $0x80, v25;
	v17 =	vor.u32 $0x80, v27;
	v16 =	vld.idx.msk [tilespmem:v27+s8+$0x0], $0xffff  }
0x62a: {  	v21 =	vor.u32 $0x80, v29;
	v33 =	vor.u32 $0x100, v15;
	v22 =	vor.u32 $0x80, v26;
	v20 =	vld.idx.msk [tilespmem:v25+s8+$0x0], $0xffff  }
0x62b: {  	v36 =	vor.u32 $0x80, v28;
	v34 =	vor.u32 $0x100, v27;
	v37 =	vor.u32 $0x80, v24;
	v35 =	vld.idx.msk [tilespmem:v23+s8+$0x0], $0xffff  }
0x62c: {  	v38 =	vor.u32 $0x100, v25;
	v39 =	vor.u32 $0x100, v23;
	v31 =	vmul.f32 v31, v30;
	v40 =	vld.idx.msk [tilespmem:v29+s8+$0x0], $0xffff  }
0x62d: {  	v44 =	vor.u32 $0x100, v28;
	v41 =	vor.u32 $0x100, v29;
	v43 =	vor.u32 $0x100, v26;
	v42 =	vld.idx.msk [tilespmem:v26+s8+$0x0], $0xffff  }
0x62e: {  	v45 =	vor.u32 $0x100, v24;
	v27 =	vor.u32 $0x180, v27;
	v25 =	vor.u32 $0x180, v25;
	[tilespmem:v32+s6+$0x0] =	vst.idx.add.f32.msk $0xffff, v31  }
0x62f: {  	v23 =	vor.u32 $0x180, v23;
	v29 =	vor.u32 $0x180, v29;
	v16 =	vmul.f32 v16, v13;
	v31 =	vld.idx.msk [tilespmem:v33+s8+$0x0], $0xffff  }
0x630: {  	v26 =	vor.u32 $0x180, v26;
	v20 =	vmul.f32 v20, v12;
	v33 =	vld.idx.msk [tilespmem:v28+s8+$0x0], $0xffff;
	v28 =	vor.u32 $0x180, v28  }
0x631: {  	v35 =	vmul.f32 v35, v2;
	v46 =	vld.idx.msk [tilespmem:v24+s8+$0x0], $0xffff;
	v24 =	vor.u32 $0x180, v24  }
0x632: {  	[tilespmem:v14+s5+$0x0] =	vst.idx.add.f32.msk $0xffff, v16;
	v16 =	vmul.f32 v40, v3  }
0x633: {  	v15 =	vor.u32 $0x180, v15;
	[tilespmem:v11+s5+$0x0] =	vst.idx.add.f32.msk $0xffff, v20;
	v20 =	vmul.f32 v42, v4  }
0x634: {  	[tilespmem:v9+s5+$0x0] =	vst.idx.add.f32.msk $0xffff, v35  }
0x635: {  	[tilespmem:v7+s5+$0x0] =	vst.idx.add.f32.msk $0xffff, v16;
	v16 =	vmul.f32 v31, v30  }
0x636: {  	s12 =	simm.s32 $0x8000;
	[tilespmem:v6+s5+$0x0] =	vst.idx.add.f32.msk $0xffff, v20;
	v20 =	vmul.f32 v33, v5  }
0x637: {  	v31 =	vmul.f32 v46, v10;
	[tilespmem:v32+s12+$0x0] =	vst.idx.add.f32.msk $0xffff, v16  }
0x638: {  	v15 =	vld.idx.msk [tilespmem:v15+s8+$0x0], $0xffff  }
0x639: {  	[tilespmem:v8+s5+$0x0] =	vst.idx.add.f32.msk $0xffff, v20  }
0x63a: {  	[tilespmem:v1+s5+$0x0] =	vst.idx.add.f32.msk $0xffff, v31  }
0x63b: {  	v16 =	vld.idx.msk [tilespmem:v17+s8+$0x0], $0xffff  }
0x63c: {  	v17 =	vld.idx.msk [tilespmem:v18+s8+$0x0], $0xffff  }
0x63d: {  	v18 =	vld.idx.msk [tilespmem:v19+s8+$0x0], $0xffff  }
0x63e: {  	v15 =	vmul.f32 v15, v30;
	v19 =	vld.idx.msk [tilespmem:v21+s8+$0x0], $0xffff  }
0x63f: {  	v20 =	vld.idx.msk [tilespmem:v22+s8+$0x0], $0xffff  }
0x640: {  	[tilespmem:v32+s10+$0x0] =	vst.idx.add.f32.msk $0xffff, v15  }
0x641: {  	v15 =	vmul.f32 v16, v13;
	v16 =	vld.idx.msk [tilespmem:v36+s8+$0x0], $0xffff  }
0x642: {  	v17 =	vmul.f32 v17, v12;
	v21 =	vld.idx.msk [tilespmem:v37+s8+$0x0], $0xffff  }
0x643: {  	[tilespmem:v14+s6+$0x0] =	vst.idx.add.f32.msk $0xffff, v15;
	v15 =	vmul.f32 v18, v2  }
0x644: {  	[tilespmem:v11+s6+$0x0] =	vst.idx.add.f32.msk $0xffff, v17;
	v17 =	vmul.f32 v19, v3  }
0x645: {  	[tilespmem:v9+s6+$0x0] =	vst.idx.add.f32.msk $0xffff, v15;
	v15 =	vmul.f32 v20, v4  }
0x646: {  	[tilespmem:v7+s6+$0x0] =	vst.idx.add.f32.msk $0xffff, v17  }
0x647: {  	[tilespmem:v6+s6+$0x0] =	vst.idx.add.f32.msk $0xffff, v15;
	v15 =	vmul.f32 v16, v5  }
0x648: {  	v17 =	vmul.f32 v21, v10;
	v16 =	vld.idx.msk [tilespmem:v34+s8+$0x0], $0xffff  }
0x649: {  	[tilespmem:v8+s6+$0x0] =	vst.idx.add.f32.msk $0xffff, v15  }
0x64a: {  	[tilespmem:v1+s6+$0x0] =	vst.idx.add.f32.msk $0xffff, v17  }
0x64b: {  	v15 =	vld.idx.msk [tilespmem:v38+s8+$0x0], $0xffff  }
0x64c: {  	v17 =	vld.idx.msk [tilespmem:v39+s8+$0x0], $0xffff  }
0x64d: {  	v18 =	vld.idx.msk [tilespmem:v41+s8+$0x0], $0xffff  }
0x64e: {  	v16 =	vmul.f32 v16, v13;
	v19 =	vld.idx.msk [tilespmem:v43+s8+$0x0], $0xffff  }
0x64f: {  	v20 =	vld.idx.msk [tilespmem:v44+s8+$0x0], $0xffff  }
0x650: {  	v21 =	vld.idx.msk [tilespmem:v45+s8+$0x0], $0xffff  }
0x651: {  	v15 =	vmul.f32 v15, v12;
	[tilespmem:v14+s12+$0x0] =	vst.idx.add.f32.msk $0xffff, v16  }
0x652: {  	v17 =	vmul.f32 v17, v2;
	v16 =	vld.idx.msk [tilespmem:v27+s8+$0x0], $0xffff  }
0x653: {  	[tilespmem:v11+s12+$0x0] =	vst.idx.add.f32.msk $0xffff, v15;
	v15 =	vmul.f32 v18, v3  }
0x654: {  	[tilespmem:v9+s12+$0x0] =	vst.idx.add.f32.msk $0xffff, v17;
	v17 =	vmul.f32 v19, v4  }
0x655: {  	[tilespmem:v7+s12+$0x0] =	vst.idx.add.f32.msk $0xffff, v15;
	v15 =	vmul.f32 v20, v5  }
0x656: {  	[tilespmem:v6+s12+$0x0] =	vst.idx.add.f32.msk $0xffff, v17;
	v17 =	vmul.f32 v21, v10  }
0x657: {  	[tilespmem:v8+s12+$0x0] =	vst.idx.add.f32.msk $0xffff, v15  }
0x658: {  	v19 =	vmul.f32 v16, v13;
	[tilespmem:v1+s12+$0x0] =	vst.idx.add.f32.msk $0xffff, v17  }
0x659: {  	v20 =	vld.idx.msk [tilespmem:v25+s8+$0x0], $0xffff  }
0x65a: {  	v18 =	vld.idx.msk [tilespmem:v23+s8+$0x0], $0xffff  }
.Ltmp22:
0x65b: {  	v17 =	vld.idx.msk [tilespmem:v29+s8+$0x0], $0xffff;
	(pc) =	sbr.rel @p0 .LBB2_40-.Ltmp22, $4  }
0x65c: {  	v15 =	vld.idx.msk [tilespmem:v26+s8+$0x0], $0xffff  }
0x65d: {  	v13 =	vld.idx.msk [tilespmem:v28+s8+$0x0], $0xffff  }
0x65e: {  	v16 =	vld.idx.msk [tilespmem:v24+s8+$0x0], $0xffff  }
0x65f: {  	s1 =	sadd.s32 $0x80, s1;
	v12 =	vmul.f32 v20, v12;
	[tilespmem:v14+s10+$0x0] =	vst.idx.add.f32.msk $0xffff, v19  }
0x660: {  	s29 =	simm.s32 $0x400  }
.LBB2_42:
0x661: {  	_ =	sdelay $0x2  }
0x662: {  	v2 =	vmul.f32 v18, v2  }
0x663: {  	v3 =	vmul.f32 v17, v3;
	[tilespmem:v11+s10+$0x0] =	vst.idx.add.f32.msk $0xffff, v12  }
0x664: {  	v4 =	vmul.f32 v15, v4;
	[tilespmem:v9+s10+$0x0] =	vst.idx.add.f32.msk $0xffff, v2  }
0x665: {  	v2 =	vmul.f32 v13, v5;
	[tilespmem:v7+s10+$0x0] =	vst.idx.add.f32.msk $0xffff, v3  }
0x666: {  	v3 =	vmul.f32 v16, v10;
	[tilespmem:v6+s10+$0x0] =	vst.idx.add.f32.msk $0xffff, v4  }
0x667: {  	[tilespmem:v8+s10+$0x0] =	vst.idx.add.f32.msk $0xffff, v2  }
0x668: {  	[tilespmem:v1+s10+$0x0] =	vst.idx.add.f32.msk $0xffff, v3  }
0x669: {  	v1 =	vld [tilespmem:s11+$0xFFFFE030];
	_ =	sdelay $0x1  }
0x66a: {  	v2 =	vld [tilespmem:s11+$0xFFFFE000];
	_ =	sdelay $0x2  }
0x66b: {  	v3 =	vld [tilespmem:s11+$0xFFFFE010];
	v4 =	vsub.f32 $0.0e+00, v1;
	_ =	sdelay $0x1  }
0x66c: {  	v5 =	vld [tilespmem:s11+$0xFFFFE020];
	v6 =	vsub.f32 $0.0e+00, v2;
	v4 =	vmul.f32 $1.442695020e+00, v4;
	_ =	sdelay $0x1  }
0x66d: {  	v6 =	vmul.f32 $1.442695020e+00, v6;
	(erf) = vpow2.f32 v4  }
0x66e: {  	v7 =	vsub.f32 $0.0e+00, v3  }
0x66f: {  	(erf) = vpow2.f32 v6  }
0x670: {  	v4 =	vmul.f32 $1.442695020e+00, v7;
	v7 =	vsub.f32 $0.0e+00, v5;
	_ =	sdelay $0x1  }
0x671: {  	(erf) = vpow2.f32 v4;
	v4 =	vmul.f32 $1.442695020e+00, v7;
	_ =	sdelay $0x1  }
0x672: {  	(erf) = vpow2.f32 v4;
	_ =	sdelay $0x1  }
0x673: {  	v4 =	vpop (erf)  }
0x674: {  	v4 =	vadd.f32 $1.000000000e+00, v4  }
0x675: {  	v6 =	vpop (erf)  }
0x676: {  	v6 =	vadd.f32 $1.000000000e+00, v6;
	(erf) = vrcp.f32 v4;
	_ =	sdelay $0x1  }
0x677: {  	v7 =	vpop (erf)  }
0x678: {  	v4 =	vadd.f32 $1.000000000e+00, v7  }
0x679: {  	(erf) = vrcp.f32 v6;
	v6 =	vpop (erf)  }
0x67a: {  	(erf) = vrcp.f32 v4;
	v4 =	vadd.f32 $1.000000000e+00, v6;
	_ =	sdelay $0x1  }
0x67b: {  	(erf) = vrcp.f32 v4;
	v4 =	vld [tilespmem:s12+$0xFFFFE030];
	_ =	sdelay $0x1  }
0x67c: {  	v9 =	vpop (erf)  }
0x67d: {  	v8 =	vld [tilespmem:s12+$0xFFFFE010];
	v1 =	vmul.f32 v9, v1  }
0x67e: {  	v6 =	vld [tilespmem:s12+$0xFFFFE000]  }
0x67f: {  	v7 =	vld [tilespmem:s15+$0x10];
	v1 =	vmul.f32 v1, v4  }
0x680: {  	v9 =	vpop (erf)  }
0x681: {  	v2 =	vmul.f32 v9, v2;
	v9 =	vld [tilespmem:s12+$0xFFFFE020];
	v4 =	vpop (erf)  }
0x682: {  	v27 =	vld [tilespmem:s15+$0xFFFFFFF0];
	v4 =	vmul.f32 v4, v3  }
0x683: {  	s1 =	sadd.s32 $0x4, s14;
	v2 =	vmul.f32 v2, v6;
	v3 =	vld [tilespmem:s15+$0xFFFFFFE0];
	[tilespmem:s11+$0xFFFFE030] =	vst v1;
	v1 =	vpop (erf)  }
0x684: {  	p4 =	slt.u32 s1, $0xFC;
	v6 =	vld [tilespmem:s15+$0x0];
	v4 =	vmul.f32 v4, v8;
	[tilespmem:s12+$0xFFFFE030] =	vst v7;
	v1 =	vmul.f32 v1, v5  }
.Ltmp23:
0x685: {  	[tilespmem:s11+$0xFFFFE000] =	vst v2;
	v16 =	vld [tilespmem:s11+$0xFFFFF030];
	(pc) =	sbr.rel @!p4 .LBB2_43-.Ltmp23, $4  }
0x686: {  	v40 =	vld [tilespmem:s12+$0xFFFFF000];
	[tilespmem:s11+$0xFFFFE010] =	vst v4;
	v1 =	vmul.f32 v1, v9  }
0x687: {  	[tilespmem:s12+$0xFFFFE010] =	vst v27;
	v10 =	vld [tilespmem:s12+$0xFFFFF010]  }
0x688: {  	s14 =	sadd.s32 $0x40, s11;
	p0 =	por $0x0, $0x0;
	v14 =	vld [tilespmem:s11+$0xFFFFF010];
	[tilespmem:s11+$0xFFFFE020] =	vst v1  }
0x689: {  	p1 =	por $0x0, $0x0;
	p2 =	por $0x0, $0x0;
	p3 =	por $0x0, $0x0;
	[tilespmem:s12+$0xFFFFE000] =	vst v3;
	v4 =	vld [tilespmem:s12+$0xFFFFF020]  }
0x68a: {  	v1 =	vld [tilespmem:s14+$0xFFFFE030]  }
0x68b: {  	v2 =	vsub.f32 $0.0e+00, v16;
	v5 =	vld [tilespmem:s14+$0xFFFFE000]  }
0x68c: {  	v8 =	vld [tilespmem:s14+$0xFFFFE010]  }
0x68d: {  	v12 =	vld [tilespmem:s14+$0xFFFFE020];
	v2 =	vmul.f32 $1.442695020e+00, v2  }
0x68e: {  	[tilespmem:s12+$0xFFFFE020] =	vst v6;
	v9 =	vsub.f32 $0.0e+00, v14  }
0x68f: {  	v15 =	vld [tilespmem:s11+$0xFFFFF020];
	(erf) = vpow2.f32 v2;
	v11 =	vsub.f32 $0.0e+00, v1  }
0x690: {  	v2 =	vld [tilespmem:s11+$0xFFFFF000];
	v9 =	vmul.f32 $1.442695020e+00, v9;
	v13 =	vsub.f32 $0.0e+00, v5  }
0x691: {  	v17 =	vsub.f32 $0.0e+00, v8;
	v11 =	vmul.f32 $1.442695020e+00, v11  }
0x692: {  	(erf) = vpow2.f32 v9;
	v9 =	vmul.f32 $1.442695020e+00, v13;
	v13 =	vsub.f32 $0.0e+00, v12  }
0x693: {  	(erf) = vpow2.f32 v11;
	v11 =	vmul.f32 $1.442695020e+00, v17  }
0x694: {  	v13 =	vmul.f32 $1.442695020e+00, v13;
	(erf) = vpow2.f32 v9  }
0x695: {  	v17 =	vsub.f32 $0.0e+00, v2;
	v9 =	vsub.f32 $0.0e+00, v15;
	(erf) = vpow2.f32 v11;
	_ =	sdelay $0x1  }
0x696: {  	v11 =	vmul.f32 $1.442695020e+00, v17;
	v9 =	vmul.f32 $1.442695020e+00, v9  }
0x697: {  	(erf) = vpow2.f32 v13;
	v13 =	vpop (erf)  }
0x698: {  	(erf) = vpow2.f32 v11;
	v13 =	vadd.f32 $1.000000000e+00, v13  }
0x699: {  	(erf) = vpow2.f32 v9  }
0x69a: {  	v9 =	vpop (erf)  }
0x69b: {  	v9 =	vadd.f32 $1.000000000e+00, v9;
	v11 =	vpop (erf)  }
0x69c: {  	(erf) = vrcp.f32 v13;
	v11 =	vadd.f32 $1.000000000e+00, v11;
	v13 =	vpop (erf)  }
0x69d: {  	(erf) = vrcp.f32 v9;
	v9 =	vadd.f32 $1.000000000e+00, v13;
	v13 =	vpop (erf)  }
0x69e: {  	(erf) = vrcp.f32 v11;
	v11 =	vadd.f32 $1.000000000e+00, v13;
	_ =	sdelay $0x1  }
0x69f: {  	v13 =	vpop (erf)  }
0x6a0: {  	(erf) = vrcp.f32 v9;
	v17 =	vpop (erf)  }
0x6a1: {  	(erf) = vrcp.f32 v11;
	v11 =	vpop (erf)  }
0x6a2: {  	v9 =	vld [tilespmem:s12+$0xFFFFF030];
	v13 =	vadd.f32 $1.000000000e+00, v13;
	v11 =	vadd.f32 $1.000000000e+00, v11  }
0x6a3: {  	v17 =	vadd.f32 $1.000000000e+00, v17  }
0x6a4: {  	s26 =	sadd.s32 $0x40, s12;
	(erf) = vrcp.f32 v13;
	v18 =	vpop (erf)  }
0x6a5: {  	v13 =	vld [tilespmem:s26+$0xFFFFE030];
	(erf) = vrcp.f32 v17;
	v16 =	vmul.f32 v18, v16  }
0x6a6: {  	(erf) = vrcp.f32 v11;
	v11 =	vpop (erf)  }
0x6a7: {  	s7 =	sadd.s32 $0x40, s15;
	v9 =	vmul.f32 v16, v9;
	v17 =	vpop (erf)  }
0x6a8: {  	v23 =	vld [tilespmem:s7+$0x10];
	v11 =	vmul.f32 v11, v14;
	v1 =	vmul.f32 v17, v1  }
0x6a9: {  	v16 =	vld [tilespmem:s26+$0xFFFFE000];
	[tilespmem:s11+$0xFFFFF030] =	vst v9  }
0x6aa: {  	v14 =	vld [tilespmem:s26+$0xFFFFE010];
	[tilespmem:s12+$0xFFFFF030] =	vst v7;
	v10 =	vmul.f32 v11, v10;
	v1 =	vmul.f32 v1, v13  }
0x6ab: {  	v9 =	vpop (erf);
	v18 =	vld [tilespmem:s11+$0x30]  }
0x6ac: {  	v17 =	vld [tilespmem:s26+$0xFFFFE020];
	v5 =	vmul.f32 v9, v5;
	v11 =	vpop (erf);
	[tilespmem:s11+$0xFFFFF010] =	vst v10  }
0x6ad: {  	v9 =	vld [tilespmem:s7+$0xFFFFFFF0];
	v8 =	vmul.f32 v11, v8;
	[tilespmem:s14+$0xFFFFE030] =	vst v1  }
0x6ae: {  	s1 =	sadd.s32 $0x4, s1;
	v13 =	vld [tilespmem:s7+$0xFFFFFFE0];
	v5 =	vmul.f32 v5, v16;
	[tilespmem:s12+$0xFFFFF010] =	vst v27;
	v1 =	vpop (erf)  }
0x6af: {  	p4 =	slt.u32 s1, $0xFC;
	v11 =	vld [tilespmem:s7+$0x0];
	[tilespmem:s26+$0xFFFFE030] =	vst v23;
	v8 =	vmul.f32 v8, v14;
	v10 =	vmul.f32 v1, v12;
	v12 =	vpop (erf)  }
.Ltmp24:
0x6b0: {  	[tilespmem:s14+$0xFFFFE000] =	vst v5;
	v16 =	vld [tilespmem:s14+$0xFFFFF030];
	v5 =	vsub.f32 $0.0e+00, v18;
	v1 =	vpop (erf);
	v2 =	vmul.f32 v12, v2;
	(pc) =	sbr.rel @!p4 .LBB2_45-.Ltmp24, $4  }
0x6b1: {  	[tilespmem:s14+$0xFFFFE010] =	vst v8;
	v8 =	vmul.f32 v1, v15;
	v1 =	vld [tilespmem:s26+$0xFFFFF000];
	v15 =	vmul.f32 v10, v17  }
0x6b2: {  	v5 =	vmul.f32 $1.442695020e+00, v5;
	[tilespmem:s26+$0xFFFFE010] =	vst v9;
	v10 =	vld [tilespmem:s26+$0xFFFFF010]  }
0x6b3: {  	v14 =	vld [tilespmem:s14+$0xFFFFF010];
	v63 =	vmul.f32 v2, v40;
	[tilespmem:s14+$0xFFFFE020] =	vst v15  }
0x6b4: {  	s25 =	sadd.s32 $0x40, s14;
	p0 =	por $0x1, $0x1;
	[tilespmem:s26+$0xFFFFE000] =	vst v13;
	(erf) = vpow2.f32 v5;
	v62 =	vmul.f32 v8, v4;
	v4 =	vld [tilespmem:s26+$0xFFFFF020]  }
0x6b5: {  	v8 =	vld [tilespmem:s25+$0xFFFFE030]  }
0x6b6: {  	v2 =	vsub.f32 $0.0e+00, v16;
	v12 =	vld [tilespmem:s25+$0xFFFFE000]  }
0x6b7: {  	v15 =	vld [tilespmem:s25+$0xFFFFE010]  }
0x6b8: {  	v17 =	vld [tilespmem:s25+$0xFFFFE020];
	v2 =	vmul.f32 $1.442695020e+00, v2  }
0x6b9: {  	v5 =	vsub.f32 $0.0e+00, v14  }
0x6ba: {  	[tilespmem:s26+$0xFFFFE020] =	vst v11;
	v19 =	vld [tilespmem:s14+$0xFFFFF000];
	(erf) = vpow2.f32 v2;
	v2 =	vsub.f32 $0.0e+00, v8  }
0x6bb: {  	v20 =	vld [tilespmem:s14+$0xFFFFF020];
	v5 =	vmul.f32 $1.442695020e+00, v5;
	v21 =	vsub.f32 $0.0e+00, v12  }
0x6bc: {  	[tilespmem:s11+$0xFFFFF000] =	vst v63;
	v24 =	vsub.f32 $0.0e+00, v15;
	v22 =	vmul.f32 $1.442695020e+00, v2  }
0x6bd: {  	[tilespmem:s12+$0xFFFFF000] =	vst v3;
	v26 =	vsub.f32 $0.0e+00, v17;
	(erf) = vpow2.f32 v5;
	v21 =	vmul.f32 $1.442695020e+00, v21;
	v5 =	vld [tilespmem:s11+$0x10];
	v25 =	vpop (erf)  }
0x6be: {  	[tilespmem:s11+$0xFFFFF020] =	vst v62;
	v2 =	vld [tilespmem:s11+$0x0];
	v24 =	vmul.f32 $1.442695020e+00, v24;
	(erf) = vpow2.f32 v22;
	v22 =	vadd.f32 $1.000000000e+00, v25  }
0x6bf: {  	[tilespmem:s12+$0xFFFFF020] =	vst v6;
	v25 =	vmul.f32 $1.442695020e+00, v26;
	(erf) = vpow2.f32 v21  }
0x6c0: {  	v31 =	vld [tilespmem:s11+$0x20];
	v26 =	vsub.f32 $0.0e+00, v20;
	v21 =	vsub.f32 $0.0e+00, v19;
	(erf) = vrcp.f32 v22  }
0x6c1: {  	(erf) = vpow2.f32 v24  }
0x6c2: {  	v21 =	vmul.f32 $1.442695020e+00, v21;
	v24 =	vmul.f32 $1.442695020e+00, v26;
	v26 =	vsub.f32 $0.0e+00, v5  }
0x6c3: {  	v22 =	vsub.f32 $0.0e+00, v2;
	(erf) = vpow2.f32 v25;
	v25 =	vpop (erf)  }
0x6c4: {  	v25 =	vadd.f32 $1.000000000e+00, v25;
	(erf) = vpow2.f32 v21  }
0x6c5: {  	v21 =	vmul.f32 $1.442695020e+00, v22;
	v22 =	vsub.f32 $0.0e+00, v31;
	(erf) = vpow2.f32 v24  }
0x6c6: {  	v24 =	vmul.f32 $1.442695020e+00, v26;
	v26 =	vpop (erf);
	(erf) = vrcp.f32 v25  }
0x6c7: {  	(erf) = vpow2.f32 v21;
	v21 =	vmul.f32 $1.442695020e+00, v22  }
0x6c8: {  	v25 =	vadd.f32 $1.000000000e+00, v26  }
0x6c9: {  	v22 =	vpop (erf);
	(erf) = vpow2.f32 v24  }
0x6ca: {  	v24 =	vpop (erf);
	(erf) = vrcp.f32 v25  }
0x6cb: {  	v26 =	vld [tilespmem:s12+$0x30];
	v22 =	vadd.f32 $1.000000000e+00, v22;
	(erf) = vpow2.f32 v21;
	v21 =	vpop (erf)  }
0x6cc: {  	v25 =	vpop (erf)  }
0x6cd: {  	v18 =	vmul.f32 v21, v18;
	v21 =	vadd.f32 $1.000000000e+00, v25  }
0x6ce: {  	v24 =	vadd.f32 $1.000000000e+00, v24  }
0x6cf: {  	(erf) = vrcp.f32 v22;
	v22 =	vpop (erf)  }
0x6d0: {  	(erf) = vrcp.f32 v24;
	v24 =	vld [tilespmem:s26+$0xFFFFF030];
	v25 =	vpop (erf);
	v18 =	vmul.f32 v18, v26;
	v22 =	vadd.f32 $1.000000000e+00, v22  }
0x6d1: {  	(erf) = vrcp.f32 v21;
	v21 =	vpop (erf)  }
0x6d2: {  	[tilespmem:s11+$0x30] =	vst v18;
	v18 =	vadd.f32 $1.000000000e+00, v25;
	v26 =	vpop (erf)  }
0x6d3: {  	v38 =	vld [tilespmem:s12+$0x10];
	(erf) = vrcp.f32 v22;
	v16 =	vmul.f32 v26, v16;
	v25 =	vpop (erf)  }
0x6d4: {  	v45 =	vld [tilespmem:s12+$0x0];
	[tilespmem:s12+$0x30] =	vst v7;
	v22 =	vpop (erf);
	(erf) = vrcp.f32 v18;
	v18 =	vadd.f32 $1.000000000e+00, v25  }
0x6d5: {  	s28 =	sadd.s32 $0x40, s26;
	v21 =	vadd.f32 $1.000000000e+00, v21;
	v32 =	vld [tilespmem:s11+$0x1030];
	v16 =	vmul.f32 v16, v24;
	v24 =	vpop (erf)  }
0x6d6: {  	v25 =	vld [tilespmem:s28+$0xFFFFE030];
	v26 =	vpop (erf)  }
0x6d7: {  	s7 =	sadd.s32 $0x40, s7;
	(erf) = vrcp.f32 v21;
	v21 =	vadd.f32 $1.000000000e+00, v22;
	v22 =	vld [tilespmem:s28+$0xFFFFE000];
	[tilespmem:s14+$0xFFFFF030] =	vst v16;
	v16 =	vadd.f32 $1.000000000e+00, v26  }
0x6d8: {  	v33 =	vld [tilespmem:s7+$0x10];
	v14 =	vmul.f32 v24, v14;
	(erf) = vrcp.f32 v18;
	v18 =	vpop (erf)  }
0x6d9: {  	v47 =	vld [tilespmem:s12+$0x20];
	(erf) = vrcp.f32 v21;
	v8 =	vmul.f32 v18, v8;
	v18 =	vpop (erf)  }
0x6da: {  	v24 =	vld [tilespmem:s28+$0xFFFFE010];
	[tilespmem:s26+$0xFFFFF030] =	vst v23;
	v10 =	vmul.f32 v14, v10;
	v12 =	vmul.f32 v18, v12  }
0x6db: {  	(erf) = vrcp.f32 v16;
	v18 =	vld [tilespmem:s14+$0x30];
	v8 =	vmul.f32 v8, v25;
	v16 =	vpop (erf)  }
0x6dc: {  	v14 =	vld [tilespmem:s28+$0xFFFFE020];
	v21 =	vsub.f32 $0.0e+00, v32;
	[tilespmem:s14+$0xFFFFF010] =	vst v10;
	v10 =	vmul.f32 v16, v15;
	v15 =	vmul.f32 v12, v22  }
0x6dd: {  	v26 =	vld [tilespmem:s7+$0xFFFFFFF0];
	[tilespmem:s26+$0xFFFFF010] =	vst v9;
	v16 =	vpop (erf)  }
0x6de: {  	s1 =	sadd.s32 $0x4, s1;
	v21 =	vmul.f32 $1.442695020e+00, v21;
	v12 =	vld [tilespmem:s7+$0x0];
	[tilespmem:s25+$0xFFFFE030] =	vst v8;
	v17 =	vmul.f32 v16, v17;
	v22 =	vpop (erf)  }
0x6df: {  	p4 =	slt.u32 s1, $0xFC;
	v8 =	vld [tilespmem:s7+$0xFFFFFFE0];
	v10 =	vmul.f32 v10, v24;
	[tilespmem:s28+$0xFFFFE030] =	vst v33;
	v19 =	vmul.f32 v22, v19  }
.Ltmp25:
0x6e0: {  	(erf) = vpow2.f32 v21;
	[tilespmem:s25+$0xFFFFE000] =	vst v15;
	v16 =	vld [tilespmem:s25+$0xFFFFF030];
	v21 =	vsub.f32 $0.0e+00, v18;
	v15 =	vpop (erf);
	(pc) =	sbr.rel @!p4 .LBB2_47-.Ltmp25, $4  }
0x6e1: {  	v40 =	vld [tilespmem:s28+$0xFFFFF000];
	v17 =	vmul.f32 v17, v14;
	[tilespmem:s25+$0xFFFFE010] =	vst v10;
	v15 =	vmul.f32 v15, v20  }
0x6e2: {  	v63 =	vmul.f32 v19, v1;
	[tilespmem:s28+$0xFFFFE010] =	vst v26;
	v20 =	vpop (erf);
	v10 =	vld [tilespmem:s28+$0xFFFFF010];
	v1 =	vmul.f32 $1.442695020e+00, v21  }
0x6e3: {  	[tilespmem:s25+$0xFFFFE020] =	vst v17;
	v19 =	vpop (erf);
	v14 =	vld [tilespmem:s25+$0xFFFFF010];
	v37 =	vmul.f32 v20, v2;
	v62 =	vmul.f32 v15, v4  }
0x6e4: {  	s18 =	sadd.s32 $0x40, s25;
	p1 =	por $0x1, $0x1;
	[tilespmem:s28+$0xFFFFE000] =	vst v8;
	v4 =	vld [tilespmem:s28+$0xFFFFF020];
	(erf) = vpow2.f32 v1;
	v36 =	vmul.f32 v19, v5;
	v35 =	vpop (erf)  }
0x6e5: {  	_ = 	snop  }
0x6e6: {  	v25 =	vld [tilespmem:s18+$0xFFFFE030];
	v1 =	vsub.f32 $0.0e+00, v16  }
0x6e7: {  	v21 =	vld [tilespmem:s18+$0xFFFFE000]  }
0x6e8: {  	v17 =	vld [tilespmem:s18+$0xFFFFE010];
	v1 =	vmul.f32 $1.442695020e+00, v1  }
0x6e9: {  	v15 =	vld [tilespmem:s18+$0xFFFFE020];
	v2 =	vsub.f32 $0.0e+00, v14;
	v5 =	vpop (erf)  }
0x6ea: {  	[tilespmem:s28+$0xFFFFE020] =	vst v12;
	(erf) = vpow2.f32 v1;
	v1 =	vadd.f32 $1.000000000e+00, v5  }
0x6eb: {  	[tilespmem:s14+$0xFFFFF000] =	vst v63;
	v5 =	vld [tilespmem:s25+$0xFFFFF000];
	v20 =	vsub.f32 $0.0e+00, v25;
	v2 =	vmul.f32 $1.442695020e+00, v2  }
0x6ec: {  	v19 =	vld [tilespmem:s25+$0xFFFFF020];
	[tilespmem:s26+$0xFFFFF000] =	vst v13;
	v24 =	vsub.f32 $0.0e+00, v21;
	(erf) = vrcp.f32 v1  }
0x6ed: {  	v29 =	vsub.f32 $0.0e+00, v17;
	v20 =	vmul.f32 $1.442695020e+00, v20;
	(erf) = vpow2.f32 v2;
	v2 =	vld [tilespmem:s14+$0x0]  }
0x6ee: {  	v28 =	vmul.f32 v35, v31;
	[tilespmem:s14+$0xFFFFF020] =	vst v62;
	v31 =	vsub.f32 $0.0e+00, v15;
	v24 =	vmul.f32 $1.442695020e+00, v24;
	v30 =	vpop (erf)  }
0x6ef: {  	[tilespmem:s26+$0xFFFFF020] =	vst v11;
	v1 =	vld [tilespmem:s14+$0x10];
	v29 =	vmul.f32 $1.442695020e+00, v29;
	(erf) = vpow2.f32 v20;
	v20 =	vadd.f32 $1.000000000e+00, v30  }
0x6f0: {  	v39 =	vld [tilespmem:s14+$0x20];
	v30 =	vmul.f32 $1.442695020e+00, v31;
	(erf) = vpow2.f32 v24;
	v24 =	vsub.f32 $0.0e+00, v5  }
0x6f1: {  	v31 =	vsub.f32 $0.0e+00, v19;
	(erf) = vrcp.f32 v20  }
0x6f2: {  	(erf) = vpow2.f32 v29;
	v20 =	vmul.f32 $1.442695020e+00, v24;
	v24 =	vsub.f32 $0.0e+00, v2  }
0x6f3: {  	v29 =	vmul.f32 $1.442695020e+00, v31;
	(erf) = vpow2.f32 v30  }
0x6f4: {  	v22 =	vmul.f32 v37, v45;
	v31 =	vsub.f32 $0.0e+00, v1;
	v30 =	vpop (erf);
	(erf) = vpow2.f32 v20  }
0x6f5: {  	v30 =	vadd.f32 $1.000000000e+00, v30;
	(erf) = vpow2.f32 v29;
	v29 =	vsub.f32 $0.0e+00, v39  }
0x6f6: {  	v31 =	vmul.f32 $1.442695020e+00, v31;
	v20 =	vmul.f32 $1.442695020e+00, v24;
	v24 =	vpop (erf)  }
0x6f7: {  	(erf) = vrcp.f32 v30;
	v29 =	vmul.f32 $1.442695020e+00, v29;
	v34 =	vpop (erf)  }
0x6f8: {  	[tilespmem:s11+$0x0] =	vst v22;
	(erf) = vpow2.f32 v20;
	v22 =	vadd.f32 $1.000000000e+00, v34  }
0x6f9: {  	v30 =	vmul.f32 v36, v38;
	v41 =	vpop (erf);
	(erf) = vpow2.f32 v31  }
0x6fa: {  	v43 =	vpop (erf);
	(erf) = vrcp.f32 v22  }
0x6fb: {  	v42 =	vld [tilespmem:s26+$0x30];
	[tilespmem:s11+$0x10] =	vst v30;
	v30 =	vadd.f32 $1.000000000e+00, v43;
	(erf) = vpow2.f32 v29;
	v29 =	vpop (erf)  }
0x6fc: {  	v31 =	vadd.f32 $1.000000000e+00, v41;
	v22 =	vmul.f32 v28, v47;
	v28 =	vld [tilespmem:s12+$0x1030];
	v44 =	vpop (erf)  }
0x6fd: {  	[tilespmem:s12+$0x0] =	vst v3;
	v18 =	vmul.f32 v29, v18;
	v29 =	vadd.f32 $1.000000000e+00, v44  }
0x6fe: {  	v20 =	vld [tilespmem:s11+$0x1000];
	(erf) = vrcp.f32 v31  }
0x6ff: {  	v46 =	vld [tilespmem:s28+$0xFFFFF030];
	v31 =	vmul.f32 v24, v32;
	(erf) = vrcp.f32 v30;
	v30 =	vpop (erf)  }
0x700: {  	s15 =	sadd.s32 $0x40, s28;
	v45 =	vld [tilespmem:s26+$0x0];
	v18 =	vmul.f32 v18, v42;
	v48 =	vpop (erf);
	v30 =	vadd.f32 $1.000000000e+00, v30  }
0x701: {  	v53 =	vld [tilespmem:s15+$0xFFFFE000];
	(erf) = vrcp.f32 v29;
	v31 =	vmul.f32 v31, v28;
	v28 =	vadd.f32 $1.000000000e+00, v48;
	v29 =	vpop (erf)  }
0x702: {  	s13 =	sadd.s32 $0x40, s7;
	v62 =	vld [tilespmem:s15+$0xFFFFE020];
	[tilespmem:s14+$0x30] =	vst v18;
	v50 =	vpop (erf);
	(erf) = vrcp.f32 v30;
	v18 =	vadd.f32 $1.000000000e+00, v29  }
0x703: {  	v59 =	vld [tilespmem:s13+$0xFFFFFFF0];
	v49 =	vsub.f32 $0.0e+00, v20;
	v29 =	vpop (erf);
	(erf) = vrcp.f32 v28  }
0x704: {  	v38 =	vld [tilespmem:s26+$0x10];
	(erf) = vrcp.f32 v18;
	v18 =	vadd.f32 $1.000000000e+00, v29  }
0x705: {  	[tilespmem:s12+$0x10] =	vst v27;
	v47 =	vld [tilespmem:s26+$0x20];
	v51 =	vmul.f32 $1.442695020e+00, v49;
	v52 =	vpop (erf)  }
0x706: {  	v55 =	vld [tilespmem:s11+$0x1010];
	[tilespmem:s11+$0x1030] =	vst v31;
	v16 =	vmul.f32 v50, v16;
	v31 =	vpop (erf)  }
0x707: {  	[tilespmem:s11+$0x20] =	vst v22;
	v22 =	vld [tilespmem:s12+$0x1000];
	(erf) = vpow2.f32 v51;
	v60 =	vpop (erf)  }
0x708: {  	[tilespmem:s12+$0x20] =	vst v6;
	v29 =	vld [tilespmem:s15+$0xFFFFE030];
	v16 =	vmul.f32 v16, v46;
	(erf) = vrcp.f32 v18;
	v18 =	vpop (erf)  }
0x709: {  	v24 =	vld [tilespmem:s12+$0x1010];
	[tilespmem:s12+$0x1030] =	vst v7;
	v7 =	vadd.f32 $1.000000000e+00, v52;
	v14 =	vmul.f32 v31, v14;
	v25 =	vmul.f32 v18, v25  }
0x70a: {  	v31 =	vld [tilespmem:s15+$0xFFFFE010];
	[tilespmem:s25+$0xFFFFF030] =	vst v16;
	v16 =	vadd.f32 $1.000000000e+00, v60  }
0x70b: {  	[tilespmem:s26+$0x30] =	vst v23;
	(erf) = vrcp.f32 v7;
	v7 =	vld [tilespmem:s13+$0x10];
	v10 =	vmul.f32 v14, v10  }
0x70c: {  	v58 =	vld [tilespmem:s12+$0x1020];
	v30 =	vsub.f32 $0.0e+00, v55;
	[tilespmem:s28+$0xFFFFF030] =	vst v33;
	v18 =	vpop (erf);
	(erf) = vrcp.f32 v16  }
0x70d: {  	v54 =	vld [tilespmem:s11+$0x1020];
	v14 =	vmul.f32 v18, v21;
	[tilespmem:s25+$0xFFFFF010] =	vst v10;
	v16 =	vmul.f32 v25, v29;
	v25 =	vpop (erf)  }
0x70e: {  	v28 =	vld [tilespmem:s14+$0x1030];
	v30 =	vmul.f32 $1.442695020e+00, v30;
	[tilespmem:s28+$0xFFFFF010] =	vst v26;
	v10 =	vmul.f32 v25, v17  }
0x70f: {  	v18 =	vld [tilespmem:s25+$0x30];
	v14 =	vmul.f32 v14, v53;
	[tilespmem:s18+$0xFFFFE030] =	vst v16;
	v63 =	vpop (erf)  }
0x710: {  	v25 =	vld [tilespmem:s13+$0xFFFFFFE0];
	[tilespmem:s15+$0xFFFFE030] =	vst v7;
	v15 =	vmul.f32 v63, v15;
	v10 =	vmul.f32 v10, v31  }
0x711: {  	v17 =	vld [tilespmem:s13+$0x0];
	[tilespmem:s18+$0xFFFFE000] =	vst v14  }
0x712: {  	(erf) = vpow2.f32 v30;
	v30 =	vpop (erf);
	v16 =	vld [tilespmem:s18+$0xFFFFF030];
	v15 =	vmul.f32 v15, v62;
	[tilespmem:s18+$0xFFFFE010] =	vst v10  }
0x713: {  	v31 =	vpop (erf);
	v14 =	vmul.f32 v30, v5;
	v5 =	vld [tilespmem:s15+$0xFFFFF000];
	[tilespmem:s15+$0xFFFFE010] =	vst v59  }
0x714: {  	v19 =	vmul.f32 v31, v19;
	v10 =	vld [tilespmem:s15+$0xFFFFF010];
	[tilespmem:s18+$0xFFFFE020] =	vst v15  }
0x715: {  	v63 =	vmul.f32 v14, v40;
	[tilespmem:s15+$0xFFFFE000] =	vst v25;
	v14 =	vld [tilespmem:s18+$0xFFFFF010]  }
0x716: {  	v62 =	vmul.f32 v19, v4;
	v4 =	vld [tilespmem:s15+$0xFFFFF020];
	[tilespmem:$0x1FE00] =	vst v3  }
0x717: {  	[tilespmem:$0x1FE10] =	vst v39  }
0x718: {  	[tilespmem:$0x1FE20] =	vst v20  }
0x719: {  	[tilespmem:$0x1FE30] =	vst v22  }
0x71a: {  	v61 =	vsub.f32 $0.0e+00, v54;
	[tilespmem:$0x1FE40] =	vst v55  }
0x71b: {  	v21 =	vsub.f32 $0.0e+00, v28;
	[tilespmem:$0x1FE50] =	vst v24  }
0x71c: {  	v29 =	vmul.f32 $1.442695020e+00, v61;
	[tilespmem:$0x1FE60] =	vst v54  }
0x71d: {  	v21 =	vmul.f32 $1.442695020e+00, v21;
	[tilespmem:$0x1FE70] =	vst v38  }
0x71e: {  	[tilespmem:$0x1FE80] =	vst v45  }
0x71f: {  	s1 =	sadd.s32 $0x4, s1;
	(erf) = vpow2.f32 v21;
	v30 =	vpop (erf);
	[tilespmem:$0x1FE90] =	vst v28  }
0x720: {  	p4 =	slt.u32 s1, $0xFC;
	(erf) = vpow2.f32 v29;
	v29 =	vpop (erf);
	v42 =	vadd.f32 $1.000000000e+00, v30;
	[tilespmem:$0x1FEA0] =	vst v47  }
.Ltmp26:
0x721: {  	v21 =	vsub.f32 $0.0e+00, v18;
	v31 =	vpop (erf);
	[tilespmem:$0x1FEB0] =	vst v58;
	(pc) =	sbr.rel @!p4 .LBB2_49-.Ltmp26, $4  }
0x722: {  	v37 =	vmul.f32 v29, v2;
	v35 =	vpop (erf);
	[tilespmem:$0x1FEF0] =	vst v42  }
0x723: {  	v21 =	vmul.f32 $1.442695020e+00, v21;
	v36 =	vmul.f32 v31, v1;
	[tilespmem:$0x1FEC0] =	vst v35  }
0x724: {  	[tilespmem:$0x1FEE0] =	vst v37  }
0x725: {  	s19 =	sadd.s32 $0x40, s18;
	p2 =	por $0x1, $0x1;
	(erf) = vpow2.f32 v21;
	[tilespmem:$0x1FED0] =	vst v36  }
0x726: {  	v34 =	vld [tilespmem:s19+$0xFFFFE030];
	v1 =	vsub.f32 $0.0e+00, v16;
	v15 =	vpop (erf)  }
0x727: {  	v31 =	vmul.f32 v37, v45;
	v2 =	vld [tilespmem:s19+$0xFFFFE000];
	v19 =	vadd.f32 $1.000000000e+00, v15  }
0x728: {  	(erf) = vrcp.f32 v42;
	v1 =	vmul.f32 $1.442695020e+00, v1  }
0x729: {  	v21 =	vmul.f32 v35, v39;
	v32 =	vsub.f32 $0.0e+00, v14;
	v15 =	vld [tilespmem:s19+$0xFFFFE010];
	v30 =	vpop (erf);
	(erf) = vrcp.f32 v19  }
0x72a: {  	v36 =	vmul.f32 v36, v38;
	v29 =	vld [tilespmem:s19+$0xFFFFE020];
	(erf) = vpow2.f32 v1;
	v1 =	vadd.f32 $1.000000000e+00, v30  }
0x72b: {  	[tilespmem:s15+$0xFFFFE020] =	vst v17;
	v61 =	vmul.f32 v21, v47;
	v21 =	vmul.f32 $1.442695020e+00, v32;
	v44 =	vpop (erf);
	v19 =	vsub.f32 $0.0e+00, v34  }
0x72c: {  	[tilespmem:s25+$0xFFFFF000] =	vst v63;
	v35 =	vld [tilespmem:s18+$0xFFFFF020];
	v45 =	vsub.f32 $0.0e+00, v2;
	(erf) = vrcp.f32 v1;
	v1 =	vadd.f32 $1.000000000e+00, v44  }
0x72d: {  	[tilespmem:s28+$0xFFFFF000] =	vst v8;
	v30 =	vld [tilespmem:s18+$0xFFFFF000];
	v46 =	vmul.f32 $1.442695020e+00, v19;
	(erf) = vpow2.f32 v21  }
0x72e: {  	v47 =	vsub.f32 $0.0e+00, v15;
	v19 =	vld [tilespmem:s25+$0x0];
	v38 =	vmul.f32 $1.442695020e+00, v45;
	v40 =	vpop (erf);
	(erf) = vrcp.f32 v1  }
0x72f: {  	v1 =	vsub.f32 $0.0e+00, v29;
	(erf) = vpow2.f32 v46;
	v48 =	vadd.f32 $1.000000000e+00, v40  }
0x730: {  	v39 =	vmul.f32 $1.442695020e+00, v47;
	(erf) = vpow2.f32 v38  }
0x731: {  	v41 =	vsub.f32 $0.0e+00, v35;
	v1 =	vmul.f32 $1.442695020e+00, v1;
	(erf) = vrcp.f32 v48  }
0x732: {  	[tilespmem:s25+$0xFFFFF020] =	vst v62;
	v21 =	vld [tilespmem:s25+$0x10];
	v49 =	vsub.f32 $0.0e+00, v30;
	v40 =	vpop (erf);
	(erf) = vpow2.f32 v39  }
0x733: {  	[tilespmem:s28+$0xFFFFF020] =	vst v12;
	v51 =	vsub.f32 $0.0e+00, v19;
	(erf) = vpow2.f32 v1;
	v1 =	vmul.f32 $1.442695020e+00, v41  }
0x734: {  	[tilespmem:s14+$0x0] =	vst v31;
	v31 =	vld [tilespmem:s25+$0x20];
	v50 =	vmul.f32 $1.442695020e+00, v49;
	v42 =	vpop (erf)  }
0x735: {  	[tilespmem:s14+$0x10] =	vst v36;
	v52 =	vpop (erf);
	v36 =	vmul.f32 $1.442695020e+00, v51  }
0x736: {  	v38 =	vadd.f32 $1.000000000e+00, v52;
	(erf) = vpow2.f32 v50  }
0x737: {  	v53 =	vsub.f32 $0.0e+00, v21;
	(erf) = vpow2.f32 v1;
	v1 =	vpop (erf)  }
0x738: {  	v56 =	vld [tilespmem:s26+$0x1030];
	[tilespmem:s26+$0x0] =	vst v13;
	(erf) = vrcp.f32 v38;
	v43 =	vpop (erf)  }
0x739: {  	v62 =	vld [tilespmem:s28+$0x30];
	[tilespmem:s26+$0x10] =	vst v9;
	v57 =	vsub.f32 $0.0e+00, v31;
	v41 =	vmul.f32 $1.442695020e+00, v53;
	(erf) = vpow2.f32 v36;
	v36 =	vpop (erf)  }
0x73a: {  	[tilespmem:s14+$0x20] =	vst v61;
	v39 =	vld [tilespmem:s14+$0x1000];
	v60 =	vadd.f32 $1.000000000e+00, v43;
	v61 =	vpop (erf)  }
0x73b: {  	[tilespmem:s26+$0x20] =	vst v11;
	v46 =	vld [tilespmem:s14+$0x1010];
	v37 =	vmul.f32 $1.442695020e+00, v57;
	(erf) = vpow2.f32 v41;
	v52 =	vpop (erf)  }
0x73c: {  	v44 =	vld [tilespmem:s14+$0x1020];
	v1 =	vmul.f32 v1, v28;
	(erf) = vrcp.f32 v60;
	v53 =	vpop (erf)  }
0x73d: {  	v63 =	vadd.f32 $1.000000000e+00, v61;
	v43 =	vadd.f32 $1.000000000e+00, v52;
	(erf) = vpow2.f32 v37;
	v49 =	vpop (erf)  }
0x73e: {  	v37 =	vmul.f32 v1, v56;
	v18 =	vmul.f32 v53, v18;
	v1 =	vadd.f32 $1.000000000e+00, v49  }
0x73f: {  	v48 =	vsub.f32 $0.0e+00, v39;
	(erf) = vrcp.f32 v63  }
0x740: {  	v45 =	vld [tilespmem:s28+$0x0];
	v57 =	vsub.f32 $0.0e+00, v46;
	(erf) = vrcp.f32 v43;
	v56 =	vpop (erf);
	v18 =	vmul.f32 v18, v62  }
0x741: {  	v50 =	vld [tilespmem:s15+$0xFFFFF030];
	v48 =	vmul.f32 $1.442695020e+00, v48;
	v60 =	vsub.f32 $0.0e+00, v44;
	v51 =	vpop (erf)  }
0x742: {  	v47 =	vld [tilespmem:s28+$0x20];
	v52 =	vmul.f32 $1.442695020e+00, v57;
	v32 =	vadd.f32 $1.000000000e+00, v56;
	(erf) = vrcp.f32 v1;
	[tilespmem:s25+$0x30] =	vst v18;
	v1 =	vpop (erf)  }
0x743: {  	v38 =	vld [tilespmem:s28+$0x10];
	v57 =	vmul.f32 v42, v55;
	v49 =	vmul.f32 $1.442695020e+00, v60;
	v51 =	vadd.f32 $1.000000000e+00, v51;
	[tilespmem:s28+$0x30] =	vst v33;
	v53 =	vpop (erf)  }
0x744: {  	(erf) = vrcp.f32 v32;
	v1 =	vadd.f32 $1.000000000e+00, v1;
	v32 =	vld [tilespmem:s25+$0x1030];
	v16 =	vmul.f32 v53, v16;
	v18 =	vpop (erf)  }
0x745: {  	s7 =	sadd.s32 $0x40, s15;
	v41 =	vld [tilespmem:s26+$0x1010];
	v60 =	vmul.f32 v36, v54;
	(erf) = vrcp.f32 v51;
	v61 =	vpop (erf)  }
0x746: {  	v42 =	vld [tilespmem:s7+$0xFFFFE000];
	(erf) = vrcp.f32 v1;
	v1 =	vadd.f32 $1.000000000e+00, v18;
	v16 =	vmul.f32 v16, v50;
	v18 =	vpop (erf)  }
0x747: {  	v56 =	vmul.f32 v40, v20;
	v62 =	vld [tilespmem:s7+$0xFFFFE030];
	v40 =	vadd.f32 $1.000000000e+00, v61;
	(erf) = vpow2.f32 v48;
	v63 =	vpop (erf)  }
0x748: {  	v43 =	vld [tilespmem:s26+$0x1000];
	v14 =	vmul.f32 v18, v14;
	(erf) = vrcp.f32 v1;
	v18 =	vpop (erf);
	[tilespmem:s18+$0xFFFFF030] =	vst v16;
	v16 =	vadd.f32 $1.000000000e+00, v63  }
0x749: {  	s20 =	sadd.s32 $0x40, s13;
	v53 =	vld [tilespmem:s7+$0xFFFFE010];
	(erf) = vrcp.f32 v40;
	v40 =	vsub.f32 $0.0e+00, v32;
	v34 =	vmul.f32 v18, v34;
	v18 =	vpop (erf)  }
0x74a: {  	[tilespmem:s14+$0x1030] =	vst v37;
	v1 =	vld [tilespmem:s20+$0x10];
	v10 =	vmul.f32 v14, v10;
	v14 =	vmul.f32 v18, v2  }
0x74b: {  	v48 =	vld [tilespmem:s7+$0xFFFFE020];
	[tilespmem:s15+$0xFFFFF030] =	vst v7;
	(erf) = vrcp.f32 v16;
	v55 =	vpop (erf);
	v37 =	vmul.f32 $1.442695020e+00, v40  }
0x74c: {  	v18 =	vld [tilespmem:s18+$0x30];
	v16 =	vmul.f32 v34, v62;
	[tilespmem:s18+$0xFFFFF010] =	vst v10;
	v10 =	vmul.f32 v55, v15  }
0x74d: {  	[tilespmem:s26+$0x1030] =	vst v23;
	v50 =	vld [tilespmem:s26+$0x1020];
	(erf) = vpow2.f32 v52;
	v62 =	vpop (erf);
	v14 =	vmul.f32 v14, v42  }
0x74e: {  	v2 =	vld [tilespmem:s20+$0xFFFFFFF0];
	(erf) = vpow2.f32 v37;
	[tilespmem:s19+$0xFFFFE030] =	vst v16;
	v63 =	vpop (erf);
	v10 =	vmul.f32 v10, v53  }
0x74f: {  	s13 =	sadd.s32 $0x4, s1;
	v34 =	vld [tilespmem:s20+$0xFFFFFFE0];
	v29 =	vmul.f32 v62, v29;
	(erf) = vpow2.f32 v49;
	[tilespmem:s7+$0xFFFFE030] =	vst v1;
	v51 =	vpop (erf)  }
0x750: {  	p4 =	slt.u32 s13, $0xFC;
	v61 =	vmovc v3;
	v15 =	vld [tilespmem:s20+$0x0];
	v49 =	vmov v22;
	[tilespmem:s19+$0xFFFFE000] =	vst v14;
	v14 =	vmul.f32 v63, v30;
	v30 =	vmul.f32 v51, v35  }
.Ltmp27:
0x751: {  	[tilespmem:s15+$0xFFFFF010] =	vst v59;
	v16 =	vld [tilespmem:s19+$0xFFFFF030];
	v52 =	vsub.f32 $0.0e+00, v18;
	v53 =	vpop (erf);
	v29 =	vmul.f32 v29, v48;
	v51 =	vmov v27;
	(pc) =	sbr.rel @!p4 .LBB2_51-.Ltmp27, $4  }
0x752: {  	[tilespmem:s19+$0xFFFFE010] =	vst v10;
	v40 =	vld [tilespmem:s7+$0xFFFFF000];
	v48 =	vmov v9;
	v54 =	vpop (erf);
	v63 =	vmul.f32 v14, v5;
	v42 =	vadd.f32 $1.000000000e+00, v53  }
0x753: {  	[tilespmem:s7+$0xFFFFE010] =	vst v2;
	v10 =	vld [tilespmem:s7+$0xFFFFF010];
	v53 =	vmov v11;
	v5 =	vmul.f32 $1.442695020e+00, v52;
	v55 =	vpop (erf);
	v62 =	vmul.f32 v30, v4  }
0x754: {  	s31 =	sadd.s32 $0x40, s19;
	p3 =	por $0x1, $0x1;
	s16 =	smov.u32 s11;
	v14 =	vld [tilespmem:s19+$0xFFFFF010];
	[tilespmem:s19+$0xFFFFE020] =	vst v29;
	v37 =	vmul.f32 v54, v19;
	v54 =	vmovc v58;
	v58 =	vmov v6;
	v36 =	vmul.f32 v55, v21  }
0x755: {  	s17 =	smov.u32 s12;
	s1 =	smov.u32 s14;
	s23 =	smov.u32 s26;
	[tilespmem:s7+$0xFFFFE000] =	vst v34;
	v4 =	vld [tilespmem:s7+$0xFFFFF020];
	v55 =	vmov v13;
	(erf) = vpow2.f32 v5;
	v35 =	vpop (erf);
	v52 =	vmov v24  }
.LBB2_52:
0x756: {  	v29 =	vld [tilespmem:s31+$0xFFFFE030];
	[tilespmem:s7+$0xFFFFE020] =	vst v15;
	v30 =	vsub.f32 $0.0e+00, v16;
	v45 =	vmul.f32 v37, v45;
	v31 =	vmul.f32 v35, v31;
	v5 =	vpop (erf)  }
0x757: {  	v19 =	vld [tilespmem:s31+$0xFFFFE000];
	[tilespmem:s18+$0xFFFFF000] =	vst v63;
	v38 =	vmul.f32 v36, v38;
	v35 =	vadd.f32 $1.000000000e+00, v5;
	(erf) = vrcp.f32 v42;
	v5 =	vmovc v34;
	v21 =	vmovc v40  }
0x758: {  	v37 =	vld [tilespmem:s31+$0xFFFFE010];
	v30 =	vmul.f32 $1.442695020e+00, v30;
	[tilespmem:s15+$0xFFFFF000] =	vst v25;
	v42 =	vmul.f32 v31, v47  }
0x759: {  	v56 =	vmul.f32 v56, v49;
	v34 =	vld [tilespmem:s31+$0xFFFFE020];
	v31 =	vsub.f32 $0.0e+00, v14;
	[tilespmem:s18+$0xFFFFF020] =	vst v62;
	v40 =	vpop (erf);
	(erf) = vrcp.f32 v35  }
0x75a: {  	s13 =	sadd.s32 $0x4, s13;
	v57 =	vmul.f32 v57, v52;
	v49 =	vmovc v43;
	v52 =	vmovc v41;
	v36 =	vld [tilespmem:s19+$0xFFFFF000];
	(erf) = vpow2.f32 v30;
	[tilespmem:s15+$0xFFFFF020] =	vst v17;
	v35 =	vadd.f32 $1.000000000e+00, v40  }
0x75b: {  	v60 =	vmul.f32 v60, v54;
	p4 =	slt.u32 s13, $0xFC;
	v41 =	vsub.f32 $0.0e+00, v29;
	v31 =	vmul.f32 $1.442695020e+00, v31;
	v40 =	vld [tilespmem:s19+$0xFFFFF020];
	[tilespmem:s25+$0x0] =	vst v45;
	v43 =	vpop (erf)  }
0x75c: {  	v54 =	vmovc v50;
	v45 =	vsub.f32 $0.0e+00, v19;
	v30 =	vld [tilespmem:s18+$0x0];
	[tilespmem:s28+$0x0] =	vst v8;
	(erf) = vrcp.f32 v35;
	v43 =	vadd.f32 $1.000000000e+00, v43  }
0x75d: {  	v47 =	vsub.f32 $0.0e+00, v37;
	v41 =	vmul.f32 $1.442695020e+00, v41;
	(erf) = vpow2.f32 v31;
	v35 =	vld [tilespmem:s18+$0x10];
	[tilespmem:s25+$0x10] =	vst v38  }
0x75e: {  	v38 =	vmul.f32 $1.442695020e+00, v45;
	v50 =	vsub.f32 $0.0e+00, v34;
	v31 =	vld [tilespmem:s18+$0x20];
	v62 =	vpop (erf);
	[tilespmem:s28+$0x10] =	vst v26;
	(erf) = vrcp.f32 v43  }
0x75f: {  	v43 =	vmul.f32 $1.442695020e+00, v47;
	(erf) = vpow2.f32 v41;
	v45 =	vld [tilespmem:s15+$0x0];
	v41 =	vadd.f32 $1.000000000e+00, v62;
	[tilespmem:s25+$0x20] =	vst v42  }
0x760: {  	v3 =	vsub.f32 $0.0e+00, v36;
	v42 =	vmul.f32 $1.442695020e+00, v50;
	(erf) = vpow2.f32 v38;
	v38 =	vld [tilespmem:s15+$0x10];
	[tilespmem:s28+$0x20] =	vst v12;
	v62 =	vpop (erf)  }
0x761: {  	v63 =	vsub.f32 $0.0e+00, v40;
	v20 =	vsub.f32 $0.0e+00, v30;
	v47 =	vld [tilespmem:s15+$0x20];
	(erf) = vrcp.f32 v41;
	[tilespmem:s16+$0x1000] =	vst v56  }
0x762: {  	v3 =	vmul.f32 $1.442695020e+00, v3;
	(erf) = vpow2.f32 v43;
	v43 =	vsub.f32 $0.0e+00, v35;
	v22 =	vld [tilespmem:s25+$0x1000];
	v24 =	vpop (erf);
	[tilespmem:s17+$0x1000] =	vst v61  }
0x763: {  	(erf) = vpow2.f32 v42;
	v42 =	vmul.f32 $1.442695020e+00, v63;
	v50 =	vpop (erf);
	v56 =	vsub.f32 $0.0e+00, v31;
	v61 =	vld [tilespmem:s28+$0x1030];
	[tilespmem:s16+$0x1010] =	vst v57  }
0x764: {  	v50 =	vadd.f32 $1.000000000e+00, v50;
	(erf) = vpow2.f32 v3;
	v3 =	vmul.f32 $1.442695020e+00, v20;
	v63 =	vld [tilespmem:s25+$0x1010];
	[tilespmem:s17+$0x1010] =	vst v51;
	v51 =	vmovc v48;
	v48 =	vmovc v26  }
0x765: {  	(erf) = vpow2.f32 v42  }
0x766: {  	v26 =	vmov v59;
	v42 =	vmul.f32 $1.442695020e+00, v43;
	v28 =	vld [tilespmem:s25+$0x1020];
	v41 =	vpop (erf);
	[tilespmem:s16+$0x1020] =	vst v60;
	s16 =	smov.u32 s1;
	s1 =	smov.u32 s25;
	s25 =	smov.u32 s18;
	v56 =	vmul.f32 $1.442695020e+00, v56  }
0x767: {  	v59 =	vmov v2;
	v57 =	vpop (erf);
	(erf) = vrcp.f32 v50;
	v43 =	vld [tilespmem:s28+$0x1000];
	v32 =	vmul.f32 v41, v32;
	[tilespmem:s17+$0x1020] =	vst v58;
	s17 =	smov.u32 s23;
	s23 =	smov.u32 s28;
	s28 =	smov.u32 s15  }
0x768: {  	s18 =	smov.u32 s19;
	s19 =	smov.u32 s31;
	s15 =	smov.u32 s7;
	v2 =	vadd.f32 $1.000000000e+00, v57;
	(erf) = vpow2.f32 v3;
	v41 =	vld [tilespmem:s23+$0x1010];
	v20 =	vpop (erf)  }
0x769: {  	v50 =	vpop (erf);
	v57 =	vld [tilespmem:s28+$0x30];
	(erf) = vpow2.f32 v42;
	v42 =	vsub.f32 $0.0e+00, v22;
	v3 =	vmul.f32 v32, v61  }
0x76a: {  	v58 =	vadd.f32 $1.000000000e+00, v50;
	v60 =	vpop (erf);
	(erf) = vrcp.f32 v2;
	v2 =	vsub.f32 $0.0e+00, v63;
	v50 =	vld [tilespmem:s23+$0x1020]  }
0x76b: {  	v60 =	vadd.f32 $1.000000000e+00, v60;
	(erf) = vpow2.f32 v56;
	v56 =	vpop (erf);
	v61 =	vsub.f32 $0.0e+00, v28;
	[tilespmem:s1+$0x1030] =	vst v3  }
0x76c: {  	v32 =	vpop (erf);
	(erf) = vrcp.f32 v58;
	v18 =	vmul.f32 v56, v18;
	[tilespmem:s23+$0x1030] =	vst v33;
	v33 =	vmov v7  }
0x76d: {  	v42 =	vmul.f32 $1.442695020e+00, v42;
	v7 =	vadd.f32 $1.000000000e+00, v32;
	(erf) = vrcp.f32 v60;
	v32 =	vpop (erf)  }
0x76e: {  	v2 =	vmul.f32 $1.442695020e+00, v2;
	v32 =	vadd.f32 $1.000000000e+00, v32;
	v58 =	vld [tilespmem:s7+$0xFFFFF030];
	v56 =	vpop (erf);
	v18 =	vmul.f32 v18, v57  }
0x76f: {  	v61 =	vmul.f32 $1.442695020e+00, v61;
	(erf) = vrcp.f32 v7;
	v3 =	vadd.f32 $1.000000000e+00, v56;
	v56 =	vpop (erf)  }
0x770: {  	(erf) = vrcp.f32 v32;
	v32 =	vadd.f32 $1.000000000e+00, v56;
	v57 =	vpop (erf);
	[tilespmem:s25+$0x30] =	vst v18;
	v56 =	vmul.f32 v62, v39  }
0x771: {  	v39 =	vmov v22;
	v16 =	vmul.f32 v57, v16;
	(erf) = vrcp.f32 v3;
	[tilespmem:s28+$0x30] =	vst v33;
	v7 =	vpop (erf)  }
0x772: {  	s7 =	sadd.s32 $0x40, s7;
	v57 =	vmul.f32 v24, v46;
	(erf) = vrcp.f32 v32;
	v3 =	vadd.f32 $1.000000000e+00, v7;
	v32 =	vld [tilespmem:s25+$0x1030];
	v18 =	vpop (erf)  }
0x773: {  	v22 =	vld [tilespmem:s7+$0xFFFFE030];
	v16 =	vmul.f32 v16, v58;
	v24 =	vpop (erf);
	v62 =	vadd.f32 $1.000000000e+00, v18;
	(erf) = vpow2.f32 v42  }
0x774: {  	v46 =	vmov v63;
	v42 =	vld [tilespmem:s7+$0xFFFFE000];
	v14 =	vmul.f32 v24, v14;
	(erf) = vrcp.f32 v3;
	v7 =	vpop (erf)  }
0x775: {  	s20 =	sadd.s32 $0x40, s20;
	v60 =	vmul.f32 v20, v44;
	v24 =	vld [tilespmem:s7+$0xFFFFE010];
	v58 =	vpop (erf);
	[tilespmem:s18+$0xFFFFF030] =	vst v16;
	v3 =	vadd.f32 $1.000000000e+00, v7;
	(erf) = vrcp.f32 v62  }
0x776: {  	v44 =	vmov v28;
	v16 =	vld [tilespmem:s20+$0x10];
	v29 =	vmul.f32 v58, v29;
	v18 =	vpop (erf);
	v10 =	vmul.f32 v14, v10;
	[tilespmem:s15+$0xFFFFF030] =	vst v1  }
0x777: {  	v7 =	vmovc v1;
	v58 =	vmovc v53;
	v14 =	vmul.f32 v18, v19;
	v18 =	vld [tilespmem:s18+$0x30];
	v19 =	vsub.f32 $0.0e+00, v32;
	(erf) = vrcp.f32 v3  }
0x778: {  	v53 =	vmov v12;
	v28 =	vld [tilespmem:s7+$0xFFFFE020];
	v3 =	vmul.f32 v29, v22;
	v20 =	vpop (erf);
	[tilespmem:s18+$0xFFFFF010] =	vst v10;
	(erf) = vpow2.f32 v2  }
0x779: {  	v12 =	vmov v17;
	v2 =	vld [tilespmem:s20+$0xFFFFFFF0];
	v10 =	vmul.f32 v20, v37;
	v20 =	vpop (erf);
	[tilespmem:s15+$0xFFFFF010] =	vst v59;
	v19 =	vmul.f32 $1.442695020e+00, v19  }
0x77a: {  	v17 =	vmov v15;
	v14 =	vmul.f32 v14, v42;
	v20 =	vmul.f32 v20, v34;
	[tilespmem:s31+$0xFFFFE030] =	vst v3;
	v22 =	vpop (erf);
	v15 =	vld [tilespmem:s20+$0x0]  }
0x77b: {  	v34 =	vld [tilespmem:s20+$0xFFFFFFE0];
	v10 =	vmul.f32 v10, v24;
	[tilespmem:s7+$0xFFFFE030] =	vst v16;
	v24 =	vpop (erf);
	(erf) = vpow2.f32 v19;
	v1 =	vmov v16  }
.Ltmp28:
0x77c: {  	[tilespmem:s31+$0xFFFFE000] =	vst v14;
	v16 =	vld [tilespmem:s31+$0xFFFFF030];
	v14 =	vmul.f32 v22, v36;
	v19 =	vmul.f32 v24, v40;
	v3 =	vsub.f32 $0.0e+00, v18;
	v24 =	vpop (erf);
	(pc) =	sbr.rel @p4 .LBB2_52-.Ltmp28, $4  }
0x77d: {  	v40 =	vld [tilespmem:s7+$0xFFFFF000];
	[tilespmem:s31+$0xFFFFE010] =	vst v10;
	v20 =	vmul.f32 v20, v28;
	v28 =	vpop (erf);
	v42 =	vadd.f32 $1.000000000e+00, v24;
	(erf) = vpow2.f32 v61  }
0x77e: {  	v61 =	vmov v55;
	[tilespmem:s7+$0xFFFFE010] =	vst v2;
	v10 =	vld [tilespmem:s7+$0xFFFFF010];
	v63 =	vmul.f32 v14, v21;
	v21 =	vmul.f32 $1.442695020e+00, v3;
	v22 =	vpop (erf)  }
0x77f: {  	v55 =	vmovc v8;
	v8 =	vmov v25;
	v62 =	vmul.f32 v19, v4;
	v37 =	vmul.f32 v28, v30;
	v14 =	vld [tilespmem:s31+$0xFFFFF010];
	[tilespmem:s31+$0xFFFFE020] =	vst v20  }
0x780: {  	v25 =	vmov v5;
	s31 =	sadd.s32 $0x40, s31;
	v36 =	vmul.f32 v22, v35;
	[tilespmem:s7+$0xFFFFE000] =	vst v34;
	v4 =	vld [tilespmem:s7+$0xFFFFF020];
	(erf) = vpow2.f32 v21;
	v35 =	vpop (erf)  }
0x781: {  	v5 =	vmov v26  }
0x782: {  	s20 =	smov.u32 s18;
	v30 =	vmovc v7;
	s18 =	smov.u32 s19;
	v21 =	vmovc v59;
	v26 =	vmov v2;
	v59 =	vmov v33;
	v7 =	vmov v1  }
.LBB2_54:
0x783: {  	v1 =	vsub.f32 $0.0e+00, v16;
	v2 =	vpop @p2 (erf)  }
0x784: {  	v2 =	vadd.f32 @p2 $1.000000000e+00, v2  }
0x785: {  	(erf) = vrcp.f32 @p2 v42;
	v1 =	vmul.f32 $1.442695020e+00, v1  }
0x786: {  	(erf) = vrcp.f32 @p2 v2  }
0x787: {  	(erf) = vpow2.f32 v1  }
0x788: {  	[tilespmem:s7+$0xFFFFE020] =	vst v15;
	v19 =	vpop @p1 (erf);
	v1 =	vld [tilespmem:s18+$0xFFFFF000]  }
0x789: {  	v20 =	vld [tilespmem:s18+$0xFFFFF020];
	v19 =	vadd.f32 @p1 $1.000000000e+00, v19;
	v2 =	vsub.f32 $0.0e+00, v14;
	_ =	sdelay $0x1  }
0x78a: {  	v2 =	vmul.f32 $1.442695020e+00, v2  }
0x78b: {  	v22 =	vpop @p2 (erf)  }
0x78c: {  	v22 =	vadd.f32 @p2 $1.000000000e+00, v22;
	(erf) = vrcp.f32 @p1 v19;
	v19 =	vpop @p0 (erf);
	v24 =	vsub.f32 $0.0e+00, v1  }
0x78d: {  	v29 =	vsub.f32 $0.0e+00, v20;
	(erf) = vpow2.f32 v2;
	v28 =	vadd.f32 @p0 $1.000000000e+00, v19;
	v19 =	vpop @p2 (erf)  }
0x78e: {  	[tilespmem:s20+$0xFFFFF000] =	vst @p0 v63;
	(erf) = vrcp.f32 @p2 v22;
	v42 =	vmul.f32 $1.442695020e+00, v24;
	v2 =	vpop @p2 (erf)  }
0x78f: {  	[tilespmem:s15+$0xFFFFF000] =	vst @p0 v25;
	v63 =	vmul.f32 $1.442695020e+00, v29;
	(erf) = vrcp.f32 @p0 v28;
	v33 =	vpop (erf)  }
0x790: {  	v24 =	vld @p0 [tilespmem:s20+$0x0];
	(erf) = vpow2.f32 v42;
	v42 =	vadd.f32 $1.000000000e+00, v33  }
0x791: {  	(erf) = vpow2.f32 v63  }
0x792: {  	[tilespmem:s20+$0xFFFFF020] =	vst @p0 v62;
	(erf) = vrcp.f32 v42;
	v42 =	vld @p0 [tilespmem:s20+$0x10]  }
0x793: {  	[tilespmem:s15+$0xFFFFF020] =	vst @p0 v17  }
0x794: {  	v62 =	vld @p0 [tilespmem:s20+$0x20]  }
0x795: {  	v33 =	vpop @p1 (erf);
	v22 =	vsub.f32 @p0 $0.0e+00, v24  }
0x796: {  	v28 =	vpop (erf)  }
0x797: {  	v37 =	vmul.f32 @p1 v37, v45;
	s13 =	smov.u32 @p0 s15;
	v29 =	vpop @p2 (erf);
	v22 =	vmul.f32 @p0 $1.442695020e+00, v22;
	v45 =	vsub.f32 @p0 $0.0e+00, v42  }
0x798: {  	v31 =	vmul.f32 @p1 v35, v31;
	v36 =	vmul.f32 @p1 v36, v38;
	v35 =	vld @p0 [tilespmem:s13+$0x30];
	v63 =	vpop @p0 (erf)  }
0x799: {  	(erf) = vpow2.f32 @p0 v22;
	v22 =	vsub.f32 @p0 $0.0e+00, v62;
	v3 =	vpop (erf);
	v38 =	vmul.f32 @p0 $1.442695020e+00, v45  }
0x79a: {  	v31 =	vmul.f32 @p1 v31, v47;
	v28 =	vadd.f32 $1.000000000e+00, v28;
	v18 =	vmul.f32 @p0 v63, v18;
	v45 =	vld [tilespmem:s7+$0xFFFFF030];
	v47 =	vpop (erf)  }
0x79b: {  	[tilespmem:s25+$0x0] =	vst @p1 v37;
	v22 =	vmul.f32 @p0 $1.442695020e+00, v22;
	(erf) = vpow2.f32 @p0 v38;
	v63 =	vpop (erf)  }
0x79c: {  	[tilespmem:s28+$0x0] =	vst @p1 v8;
	v38 =	vmul.f32 v63, v16;
	(erf) = vrcp.f32 v28  }
0x79d: {  	[tilespmem:s25+$0x10] =	vst @p1 v36;
	v28 =	vmul.f32 @p0 v18, v35;
	v18 =	vld @p1 [tilespmem:s25+$0x1000];
	(erf) = vpow2.f32 @p0 v22  }
0x79e: {  	s19 =	smov.u32 @p0 s20;
	[tilespmem:s28+$0x10] =	vst @p1 v5  }
0x79f: {  	v16 =	vmul.f32 v38, v45;
	[tilespmem:s19+$0x30] =	vst @p0 v28  }
0x7a0: {  	v3 =	vadd.f32 $1.000000000e+00, v3;
	[tilespmem:s13+$0x30] =	vst @p0 v30  }
0x7a1: {  	[tilespmem:s18+$0xFFFFF030] =	vst v16;
	v16 =	vld @p1 [tilespmem:s25+$0x1010]  }
0x7a2: {  	[tilespmem:s25+$0x20] =	vst @p1 v31;
	(erf) = vrcp.f32 v3;
	v35 =	vld @p0 [tilespmem:s19+$0x1030];
	v22 =	vsub.f32 @p1 $0.0e+00, v18  }
0x7a3: {  	v3 =	vadd.f32 $1.000000000e+00, v47;
	v28 =	vpop @p0 (erf);
	[tilespmem:s7+$0xFFFFF030] =	vst v7  }
0x7a4: {  	[tilespmem:s28+$0x20] =	vst @p1 v12;
	v37 =	vld [tilespmem:s18+$0x30];
	v22 =	vmul.f32 @p1 $1.442695020e+00, v22;
	v36 =	vpop @p0 (erf)  }
0x7a5: {  	v31 =	vld @p1 [tilespmem:s25+$0x1020];
	(erf) = vrcp.f32 v3;
	v3 =	vadd.f32 @p0 $1.000000000e+00, v28;
	v47 =	vpop (erf)  }
0x7a6: {  	(erf) = vpow2.f32 @p1 v22;
	v22 =	vadd.f32 @p0 $1.000000000e+00, v36;
	v36 =	vsub.f32 @p1 $0.0e+00, v16;
	v38 =	vpop @p0 (erf)  }
0x7a7: {  	(erf) = vrcp.f32 @p0 v3;
	v3 =	vadd.f32 @p0 $1.000000000e+00, v38;
	v38 =	vsub.f32 @p0 $0.0e+00, v35  }
0x7a8: {  	(erf) = vrcp.f32 @p0 v22;
	v22 =	vmul.f32 @p1 $1.442695020e+00, v36  }
0x7a9: {  	v63 =	vsub.f32 $0.0e+00, v37;
	(erf) = vrcp.f32 @p0 v3;
	v3 =	vmul.f32 @p0 $1.442695020e+00, v38  }
0x7aa: {  	v14 =	vmul.f32 v47, v14;
	v36 =	vsub.f32 @p1 $0.0e+00, v31;
	(erf) = vpow2.f32 @p1 v22  }
0x7ab: {  	v45 =	vpop (erf);
	(erf) = vpow2.f32 @p0 v3;
	v3 =	vmul.f32 $1.442695020e+00, v63  }
0x7ac: {  	v1 =	vmul.f32 v45, v1;
	v22 =	vmul.f32 @p1 $1.442695020e+00, v36  }
0x7ad: {  	v10 =	vmul.f32 v14, v10  }
0x7ae: {  	v1 =	vmul.f32 v1, v40;
	(erf) = vpow2.f32 @p1 v22  }
0x7af: {  	[tilespmem:s18+$0xFFFFF010] =	vst v10;
	(erf) = vpow2.f32 v3;
	v3 =	vpop (erf)  }
0x7b0: {  	[tilespmem:s18+$0xFFFFF000] =	vst v1;
	v22 =	vpop @p1 (erf)  }
0x7b1: {  	[tilespmem:s7+$0xFFFFF000] =	vst v34;
	v28 =	vpop @p0 (erf)  }
0x7b2: {  	v10 =	vld [tilespmem:$0x1FEF0];
	v3 =	vmul.f32 v3, v20;
	v20 =	vpop @p0 (erf)  }
0x7b3: {  	v1 =	vadd.f32 @p1 $1.000000000e+00, v22;
	v22 =	vpop @p0 (erf)  }
0x7b4: {  	v3 =	vmul.f32 v3, v4;
	v4 =	vpop @p1 (erf)  }
0x7b5: {  	v4 =	vadd.f32 @p1 $1.000000000e+00, v4;
	_ =	sdelay $0x1  }
0x7b6: {  	[tilespmem:s7+$0xFFFFF010] =	vst v26;
	v1 =	vpsel p1, v1, v10;
	v14 =	vpop @p0 (erf)  }
0x7b7: {  	(erf) = vrcp.f32 @p1 v1;
	[tilespmem:s18+$0xFFFFF020] =	vst v3;
	v1 =	vadd.f32 @p0 $1.000000000e+00, v14;
	v3 =	vpop @p1 (erf)  }
0x7b8: {  	v10 =	vld @p0 [tilespmem:s15+$0x0];
	[tilespmem:s7+$0xFFFFF020] =	vst v15;
	(erf) = vrcp.f32 @p1 v4;
	v4 =	vpop (erf)  }
0x7b9: {  	(erf) = vrcp.f32 @p0 v1;
	v1 =	vadd.f32 $1.000000000e+00, v4;
	v4 =	vld [tilespmem:$0x1FE80];
	_ =	sdelay $0x4  }
0x7ba: {  	v4 =	vpsel p0, v10, v4;
	v10 =	vld [tilespmem:$0x1FEE0];
	_ =	sdelay $0x2  }
0x7bb: {  	v14 =	vmul.f32 @p0 v28, v24  }
0x7bc: {  	v3 =	vadd.f32 @p1 $1.000000000e+00, v3  }
0x7bd: {  	v38 =	vld [tilespmem:s18+$0x0];
	v10 =	vpsel p0, v14, v10  }
0x7be: {  	(erf) = vrcp.f32 @p1 v3;
	v4 =	vmul.f32 @p0 v10, v4  }
0x7bf: {  	s14 =	smov.u32 @p0 s19;
	v40 =	vld [tilespmem:s18+$0x10];
	(erf) = vrcp.f32 v1;
	v1 =	vmov @p0 v25  }
0x7c0: {  	s26 =	smov.u32 @p0 s13;
	v1 =	vpsel p0, v1, v13;
	[tilespmem:s14+$0x0] =	vst @p0 v4  }
0x7c1: {  	v24 =	vld [tilespmem:s18+$0x20];
	[tilespmem:s26+$0x0] =	vst @p0 v1  }
0x7c2: {  	v3 =	vsub.f32 $0.0e+00, v38;
	v47 =	vld [tilespmem:$0x1FE10]  }
0x7c3: {  	v63 =	vld [tilespmem:$0x1FEC0]  }
0x7c4: {  	v28 =	vld @p0 [tilespmem:s15+$0x20];
	v3 =	vmul.f32 $1.442695020e+00, v3;
	v10 =	vsub.f32 $0.0e+00, v40  }
0x7c5: {  	v4 =	vld @p0 [tilespmem:s15+$0x10]  }
0x7c6: {  	(erf) = vpow2.f32 v3;
	v3 =	vmul.f32 $1.442695020e+00, v10;
	v10 =	vsub.f32 $0.0e+00, v24;
	v45 =	vld [tilespmem:$0x1FE70]  }
0x7c7: {  	v20 =	vmul.f32 @p0 v20, v42;
	v42 =	vpsel p0, v62, v47;
	v47 =	vld [tilespmem:$0x1FED0]  }
0x7c8: {  	v14 =	vpop @p1 (erf);
	(erf) = vpow2.f32 v3;
	v3 =	vmul.f32 $1.442695020e+00, v10;
	v22 =	vpsel p0, v22, v63;
	v63 =	vld [tilespmem:$0x1FEA0]  }
0x7c9: {  	v13 =	vpop @p1 (erf);
	v10 =	vld @p0 [tilespmem:s14+$0x1000]  }
0x7ca: {  	v36 =	vpop @p0 (erf);
	(erf) = vpow2.f32 v3;
	v3 =	vld [tilespmem:s7+$0x30]  }
0x7cb: {  	v25 =	vpop @p1 (erf)  }
0x7cc: {  	v4 =	vpsel p0, v4, v45;
	v62 =	vpop (erf);
	v22 =	vmul.f32 @p0 v22, v42;
	v20 =	vpsel p0, v20, v47  }
0x7cd: {  	v28 =	vpsel p0, v28, v63;
	v4 =	vmul.f32 @p0 v20, v4;
	v20 =	vmul.f32 v62, v37  }
0x7ce: {  	v21 =	vpsel p0, v21, v9;
	v37 =	vsub.f32 @p0 $0.0e+00, v10;
	v9 =	vmul.f32 @p0 v22, v28  }
0x7cf: {  	[tilespmem:s14+$0x10] =	vst @p0 v4;
	v3 =	vmul.f32 v20, v3  }
0x7d0: {  	v45 =	vpop (erf);
	v4 =	vmul.f32 @p0 $1.442695020e+00, v37;
	[tilespmem:s14+$0x20] =	vst @p0 v9  }
0x7d1: {  	v9 =	vadd.f32 $1.000000000e+00, v45;
	[tilespmem:s26+$0x10] =	vst @p0 v21  }
0x7d2: {  	[tilespmem:s18+$0x30] =	vst v3;
	(erf) = vpow2.f32 @p0 v4  }
0x7d3: {  	v4 =	vpsel p0, v17, v11;
	v17 =	vld @p0 [tilespmem:s14+$0x1010];
	[tilespmem:s7+$0x30] =	vst v7;
	v3 =	vpop (erf);
	(erf) = vrcp.f32 v9  }
0x7d4: {  	v9 =	vld [tilespmem:s18+$0x1030];
	_ =	sdelay $0x1  }
0x7d5: {  	v20 =	vld @p1 [tilespmem:s28+$0x1030];
	v3 =	vadd.f32 $1.000000000e+00, v3;
	v47 =	vpop (erf)  }
0x7d6: {  	v46 =	vmul.f32 @p2 v2, v46;
	v22 =	vadd.f32 $1.000000000e+00, v47  }
0x7d7: {  	[tilespmem:s26+$0x20] =	vst @p0 v4;
	(erf) = vrcp.f32 v3;
	v3 =	vmul.f32 @p1 v33, v32;
	v33 =	vsub.f32 @p0 $0.0e+00, v17  }
0x7d8: {  	v11 =	vld @p0 [tilespmem:s14+$0x1020];
	(erf) = vrcp.f32 v22;
	v22 =	vmul.f32 @p3 v56, v49;
	v56 =	vsub.f32 $0.0e+00, v9  }
0x7d9: {  	v28 =	vmul.f32 @p3 v57, v52;
	v57 =	vld [tilespmem:s7+$0x0];
	v33 =	vmul.f32 @p0 $1.442695020e+00, v33  }
0x7da: {  	v3 =	vmul.f32 @p1 v3, v20;
	v2 =	vmul.f32 $1.442695020e+00, v56;
	v20 =	vpop @p0 (erf)  }
0x7db: {  	(erf) = vpow2.f32 @p0 v33;
	v62 =	vpop (erf)  }
0x7dc: {  	(erf) = vpow2.f32 v2;
	v2 =	vmul.f32 v62, v38  }
0x7dd: {  	v45 =	vsub.f32 @p0 $0.0e+00, v11  }
0x7de: {  	v37 =	vmul.f32 @p3 v60, v54;
	v60 =	vld [tilespmem:s7+$0x10];
	[tilespmem:s16+$0x1000] =	vst @p3 v22;
	v2 =	vmul.f32 v2, v57  }
0x7df: {  	v63 =	vld [tilespmem:s7+$0x20];
	v45 =	vmul.f32 @p0 $1.442695020e+00, v45;
	[tilespmem:s17+$0x1000] =	vst @p3 v61  }
0x7e0: {  	v29 =	vmul.f32 @p2 v29, v44;
	v52 =	vld [tilespmem:$0x1FE30];
	v44 =	vpop (erf)  }
0x7e1: {  	v54 =	vld [tilespmem:$0x1FE50];
	(erf) = vpow2.f32 @p0 v45;
	v45 =	vmul.f32 v44, v40  }
0x7e2: {  	v56 =	vld [tilespmem:$0x1FEB0];
	[tilespmem:s18+$0x0] =	vst v2;
	v2 =	vmov @p1 v5  }
0x7e3: {  	v22 =	vmul.f32 v45, v60;
	v27 =	vpsel p1, v2, v27;
	v2 =	vld [tilespmem:$0x1FE90];
	[tilespmem:s7+$0x0] =	vst v34  }
0x7e4: {  	v5 =	vld [tilespmem:$0x1FE20]  }
0x7e5: {  	v20 =	vadd.f32 @p0 $1.000000000e+00, v20  }
0x7e6: {  	v12 =	vpsel p1, v12, v6;
	v19 =	vmul.f32 @p2 v19, v39;
	v32 =	vld @p1 [tilespmem:s28+$0x1000];
	v57 =	vpop (erf)  }
0x7e7: {  	v20 =	vpsel p0, v20, v0;
	v24 =	vmul.f32 v57, v24;
	[tilespmem:s18+$0x10] =	vst v22;
	v22 =	vmov @p2 v43  }
0x7e8: {  	[tilespmem:s7+$0x10] =	vst v26;
	v22 =	vpsel p2, v22, v0;
	v35 =	vpsel p0, v35, v2;
	v2 =	vmov @p1 v18  }
0x7e9: {  	v60 =	vld [tilespmem:$0x1FE40];
	v18 =	vpsel p0, v30, v23;
	v23 =	vpsel p1, v2, v5;
	v5 =	vmul.f32 v24, v63  }
0x7ea: {  	v19 =	vpsel p2, v19, v0;
	v29 =	vpsel p2, v29, v0;
	(erf) = vrcp.f32 @p0 v20;
	v2 =	vld [tilespmem:s18+$0x1000]  }
0x7eb: {  	v32 =	vpsel p1, v32, v52;
	v19 =	vmul.f32 @p2 v19, v22;
	v30 =	vpop @p0 (erf);
	v24 =	vmov @p1 v31;
	[tilespmem:s18+$0x20] =	vst v5;
	v5 =	vld [tilespmem:s18+$0x1010]  }
0x7ec: {  	v30 =	vadd.f32 @p0 $1.000000000e+00, v30;
	v62 =	vpop (erf);
	v31 =	vmov @p2 v41;
	v22 =	vmov @p2 v50;
	v61 =	vld [tilespmem:$0x1FE60];
	[tilespmem:s7+$0x20] =	vst v15  }
0x7ed: {  	s13 =	smov.u32 @p1 s28;
	v63 =	vadd.f32 $1.000000000e+00, v62;
	v20 =	vpsel p2, v31, v0;
	v22 =	vpsel p2, v22, v0;
	[tilespmem:s16+$0x1010] =	vst @p3 v28;
	v6 =	vld [tilespmem:s18+$0x1020]  }
0x7ee: {  	s5 =	smov.u32 @p1 s25;
	v42 =	vld @p1 [tilespmem:s13+$0x1010];
	v14 =	vmul.f32 @p1 v14, v23;
	v16 =	vpsel p1, v16, v60;
	v28 =	vpop @p0 (erf);
	(erf) = vrcp.f32 @p0 v30;
	[tilespmem:s16+$0x1020] =	vst @p3 v37  }
0x7ef: {  	[tilespmem:s5+$0x1030] =	vst @p1 v3;
	v3 =	vpsel p2, v46, v0;
	v28 =	vadd.f32 @p0 $1.000000000e+00, v28;
	v33 =	vsub.f32 $0.0e+00, v2  }
0x7f0: {  	v47 =	vld @p1 [tilespmem:s13+$0x1020];
	[tilespmem:s17+$0x1010] =	vst @p3 v51;
	v3 =	vmul.f32 @p2 v3, v20;
	v20 =	vmul.f32 @p2 v29, v22;
	v22 =	vmovc @p2 v55;
	v37 =	vsub.f32 $0.0e+00, v5  }
0x7f1: {  	(erf) = vrcp.f32 v63;
	[tilespmem:s17+$0x1020] =	vst @p3 v58;
	v22 =	vpsel p2, v22, v0;
	v30 =	vmul.f32 $1.442695020e+00, v33  }
0x7f2: {  	s6 =	smov.u32 @p2 s23;
	s10 =	smov.u32 @p2 s1;
	v31 =	vld @p0 [tilespmem:s26+$0x1030];
	[tilespmem:s13+$0x1030] =	vst @p1 v59;
	(erf) = vrcp.f32 @p0 v28;
	v40 =	vsub.f32 $0.0e+00, v6;
	v28 =	vmul.f32 $1.442695020e+00, v37  }
0x7f3: {  	s6 =	smov.u32 @p2 s6;
	v38 =	vpsel p1, v42, v54;
	v13 =	vmul.f32 @p1 v13, v16;
	v41 =	vld [tilespmem:$0x1FE00];
	[tilespmem:s10+$0x1000] =	vst @p2 v19;
	v19 =	vmovc @p2 v48;
	(erf) = vpow2.f32 v30  }
0x7f4: {  	[tilespmem:s6+$0x1000] =	vst @p2 v22;
	v19 =	vpsel p2, v19, v0;
	v22 =	vmovc @p2 v53;
	(erf) = vpow2.f32 v28;
	v42 =	vmul.f32 $1.442695020e+00, v40  }
0x7f5: {  	s1 =	smov.u32 @p0 s26;
	v39 =	vpsel p1, v47, v56;
	v14 =	vpsel p1, v14, v0;
	v29 =	vmul.f32 @p0 v36, v35;
	[tilespmem:s10+$0x1010] =	vst @p2 v3  }
0x7f6: {  	v13 =	vpsel p1, v13, v0;
	[tilespmem:s10+$0x1020] =	vst @p2 v20;
	v24 =	vpsel p1, v24, v61;
	v28 =	vld @p0 [tilespmem:s1+$0x1010];
	(erf) = vpow2.f32 v42  }
0x7f7: {  	[tilespmem:s6+$0x1010] =	vst @p2 v19;
	v3 =	vpsel p2, v22, v0;
	v19 =	vmovc @p1 v27;
	v27 =	vmul.f32 @p0 v29, v31;
	v22 =	vmov @p1 v32  }
0x7f8: {  	v23 =	vpop @p0 (erf);
	v20 =	vmov @p0 v21;
	[tilespmem:s6+$0x1020] =	vst @p2 v3;
	v3 =	vmul.f32 @p1 v25, v24;
	v21 =	vpsel p1, v22, v0  }
0x7f9: {  	s11 =	smov.u32 @p1 s5;
	v45 =	vld [tilespmem:s7+$0x1030];
	v33 =	vmov @p1 v39;
	s6 =	smov.u32 @p0 s14;
	v32 =	vmov @p1 v38;
	v16 =	vpop @p0 (erf);
	v14 =	vmul.f32 @p1 v14, v21  }
0x7fa: {  	s12 =	smov.u32 @p1 s13;
	s5 =	smov.u32 @p1 s11;
	v8 =	vpsel p1, v8, v41;
	[tilespmem:s6+$0x1030] =	vst @p0 v27;
	v24 =	vpsel p1, v32, v0;
	v3 =	vpsel p1, v3, v0;
	v43 =	vpop (erf)  }
0x7fb: {  	s5 =	smov.u32 @p1 s5;
	s10 =	smov.u32 @p1 s12;
	v30 =	vld @p0 [tilespmem:s26+$0x1000];
	[tilespmem:s1+$0x1030] =	vst @p0 v18;
	v13 =	vmul.f32 @p1 v13, v24;
	v27 =	vpop @p0 (erf);
	v18 =	vpsel p0, v28, v0;
	v28 =	vpsel p1, v33, v0  }
0x7fc: {  	s10 =	smov.u32 @p1 s10;
	v8 =	vpsel p1, v8, v0;
	v9 =	vmul.f32 v43, v9;
	[tilespmem:s5+$0x1000] =	vst @p1 v14;
	v3 =	vmul.f32 @p1 v3, v28;
	v44 =	vpop (erf)  }
0x7fd: {  	[tilespmem:s10+$0x1000] =	vst @p1 v8;
	v21 =	vadd.f32 $1.000000000e+00, v44;
	v14 =	vpop (erf)  }
0x7fe: {  	v10 =	vpsel p0, v10, v0;
	[tilespmem:s5+$0x1020] =	vst @p1 v3;
	v3 =	vmul.f32 v9, v45;
	v8 =	vadd.f32 $1.000000000e+00, v14  }
0x7ff: {  	[tilespmem:s5+$0x1010] =	vst @p1 v13;
	v9 =	vmul.f32 @p0 v23, v10;
	(erf) = vrcp.f32 v21;
	v13 =	vpop (erf)  }
0x800: {  	v25 =	vpsel p0, v30, v0;
	(erf) = vrcp.f32 v8;
	v8 =	vadd.f32 $1.000000000e+00, v13  }
0x801: {  	v29 =	vld @p0 [tilespmem:s1+$0x1020];
	v10 =	vpsel p0, v11, v0;
	v11 =	vmov @p0 v25;
	v9 =	vpsel p0, v9, v0  }
0x802: {  	[tilespmem:s18+$0x1030] =	vst v3;
	v13 =	vpsel p0, v17, v0;
	(erf) = vrcp.f32 v8;
	v8 =	vpsel p0, v11, v0  }
0x803: {  	v1 =	vpsel p0, v1, v0;
	[tilespmem:s7+$0x1030] =	vst v7;
	v3 =	vmul.f32 @p0 v16, v13;
	v7 =	vmul.f32 @p0 v9, v8  }
0x804: {  	v12 =	vpsel p1, v12, v0;
	v1 =	vpsel p0, v1, v0;
	s5 =	smov.u32 @p0 s6;
	v11 =	vmov @p0 v18  }
0x805: {  	s1 =	smov.u32 @p0 s1;
	[tilespmem:s10+$0x1020] =	vst @p1 v12;
	s5 =	smov.u32 @p0 s5;
	v9 =	vmul.f32 @p0 v27, v10;
	v10 =	vpsel p0, v11, v0;
	v3 =	vpsel p0, v3, v0  }
0x806: {  	v20 =	vpsel p0, v20, v0;
	s1 =	smov.u32 @p0 s1;
	v29 =	vpsel p0, v29, v0;
	v8 =	vld [tilespmem:s7+$0x1000];
	v3 =	vmul.f32 @p0 v3, v10;
	[tilespmem:s5+$0x1000] =	vst @p0 v7  }
0x807: {  	v4 =	vpsel p0, v4, v0;
	v11 =	vmovc @p0 v29;
	v9 =	vpsel p0, v9, v0;
	[tilespmem:s1+$0x1000] =	vst @p0 v1;
	v7 =	vmov @p0 v20  }
0x808: {  	v19 =	vpsel p1, v19, v0;
	v10 =	vld [tilespmem:s7+$0x1010];
	v11 =	vpsel p0, v11, v0;
	[tilespmem:s5+$0x1010] =	vst @p0 v3;
	v12 =	vpop (erf);
	v1 =	vpsel p0, v7, v0  }
0x809: {  	v7 =	vmul.f32 @p0 v9, v11;
	v2 =	vmul.f32 v12, v2;
	[tilespmem:s1+$0x1010] =	vst @p0 v1;
	v1 =	vpsel p0, v4, v0  }
0x80a: {  	[tilespmem:s10+$0x1010] =	vst @p1 v19;
	v3 =	vld [tilespmem:s7+$0x1020];
	v9 =	vpop (erf)  }
0x80b: {  	[tilespmem:s5+$0x1020] =	vst @p0 v7;
	v4 =	vmul.f32 v9, v5;
	v2 =	vmul.f32 v2, v8  }
0x80c: {  	[tilespmem:s1+$0x1020] =	vst @p0 v1;
	v1 =	vpop (erf)  }
0x80d: {  	v4 =	vmul.f32 v4, v10;
	[tilespmem:s18+$0x1000] =	vst v2;
	v1 =	vmul.f32 v1, v6  }
0x80e: {  	[tilespmem:s7+$0x1000] =	vst v34  }
0x80f: {  	[tilespmem:s18+$0x1010] =	vst v4;
	v1 =	vmul.f32 v1, v3  }
0x810: {  	[tilespmem:s7+$0x1010] =	vst v26  }
0x811: {  	[tilespmem:s18+$0x1020] =	vst v1  }
0x812: {  	s31 =	simm.s32 $0x14040;
	[tilespmem:s7+$0x1020] =	vst v15  }
0x813: {  	v2 =	vld [tilespmem:s31+$0x30]  }
0x814: {  	v4 =	vld [tilespmem:s31+$0xFFFFFFD0]  }
0x815: {  	v11 =	vld [tilespmem:s31+$0xFFFFFFE0]  }
0x816: {  	v12 =	vld [tilespmem:s31+$0xFFFFFFF0]  }
0x817: {  	v13 =	vld [tilespmem:s31+$0x0]  }
0x818: {  	s1 =	simm.s32 $0x16040;
	v14 =	vld [tilespmem:s31+$0xFFFFFFC0]  }
0x819: {  	v15 =	vld [tilespmem:s1+$0x30]  }
0x81a: {  	v46 =	vld [tilespmem:s31+$0x10];
	v1 =	vand.u32 $0xFF0, v2;
	v5 =	vand.u32 $0xFF0, v11;
	v7 =	vshrl.u32 v2, $0xD  }
0x81b: {  	v48 =	vld [tilespmem:s31+$0x20];
	v2 =	vshrl.u32 v2, $0xB;
	v57 =	vshrl.u32 v11, $0xD;
	v11 =	vshrl.u32 v11, $0xB  }
0x81c: {  	v27 =	vld [tilespmem:s1+$0xFFFFFFC0];
	v10 =	vor.u32 v0, v1;
	v1 =	vand.u32 $0xFF0, v4;
	v6 =	vor.u32 v0, v5  }
0x81d: {  	v25 =	vld [tilespmem:s1+$0xFFFFFFD0];
	v5 =	vand.u32 $0x7F, v7;
	v2 =	vand.u32 $0x1FFE00, v2;
	v29 =	vand.u32 $0x7F, v57  }
0x81e: {  	v31 =	vld [tilespmem:s1+$0xFFFFFFE0];
	v1 =	vor.u32 v0, v1;
	v47 =	vor.u32 v5, v2;
	v2 =	vand.u32 $0xFF0, v12  }
0x81f: {  	v32 =	vld [tilespmem:s1+$0x0];
	v11 =	vand.u32 $0x1FFE00, v11;
	v7 =	vor.u32 v0, v2;
	v2 =	vand.u32 $0xFF0, v13  }
0x820: {  	v11 =	vor.u32 v29, v11;
	v29 =	vld [tilespmem:s1+$0xFFFFFFF0];
	v8 =	vor.u32 v0, v2;
	v2 =	vand.u32 $0xFF0, v14  }
0x821: {  	v9 =	vor.u32 v0, v2;
	v2 =	vand.u32 $0xFF0, v46;
	v3 =	vld.idx.msk [tilespmem:v10+s0+$0x0], $0xffff  }
0x822: {  	v49 =	vld.idx.msk [tilespmem:v6+s0+$0x0], $0xffff;
	v5 =	vor.u32 v0, v2  }
0x823: {  	v55 =	vshrl.u32 v14, $0xD;
	v19 =	vld.idx.msk [tilespmem:v1+s0+$0x0], $0xffff  }
0x824: {  	v59 =	vshrl.u32 v12, $0xD;
	v12 =	vshrl.u32 v12, $0xB;
	v14 =	vshrl.u32 v14, $0xB;
	v51 =	vld.idx.msk [tilespmem:v7+s0+$0x0], $0xffff  }
0x825: {  	v26 =	vand.u32 $0x7F, v55;
	v12 =	vand.u32 $0x1FFE00, v12;
	v14 =	vand.u32 $0x1FFE00, v14;
	v52 =	vld.idx.msk [tilespmem:v8+s0+$0x0], $0xffff  }
0x826: {  	v14 =	vor.u32 v26, v14;
	v26 =	vand.u32 $0x7F, v59;
	v53 =	vld.idx.msk [tilespmem:v9+s0+$0x0], $0xffff;
	v3 =	vmul.f32 v3, v15  }
0x827: {  	v12 =	vor.u32 v26, v12;
	v56 =	vld.idx.msk [tilespmem:v5+s0+$0x0], $0xffff;
	v20 =	vmul.f32 v49, v31  }
0x828: {  	[tilespmem:v47+s24+$0x0] =	vst.idx.add.f32.msk $0xffff, v3  }
0x829: {  	[tilespmem:v11+s24+$0x0] =	vst.idx.add.f32.msk $0xffff, v20  }
0x82a: {  	v2 =	vand.u32 $0xFF0, v48;
	v63 =	vmul.f32 v51, v29;
	v50 =	vld.idx.msk [tilespmem:v10+s2+$0x0], $0xffff  }
0x82b: {  	v3 =	vor.u32 v0, v2;
	v41 =	vld.idx.msk [tilespmem:v6+s2+$0x0], $0xffff;
	v24 =	vmul.f32 v53, v27  }
0x82c: {  	v54 =	vshrl.u32 v4, $0xD;
	v2 =	vor.u32 $0x80, v47;
	[tilespmem:v12+s24+$0x0] =	vst.idx.add.f32.msk $0xffff, v63  }
0x82d: {  	v16 =	vshrl.u32 v46, $0xB;
	v34 =	vshrl.u32 v48, $0xD;
	v18 =	vshrl.u32 v48, $0xB;
	[tilespmem:v14+s24+$0x0] =	vst.idx.add.f32.msk $0xffff, v24  }
0x82e: {  	v4 =	vshrl.u32 v4, $0xB;
	v60 =	vand.u32 $0x7F, v54;
	v16 =	vand.u32 $0x1FFE00, v16;
	v38 =	vld.idx.msk [tilespmem:v9+s2+$0x0], $0xffff  }
0x82f: {  	v18 =	vand.u32 $0x1FFE00, v18;
	v20 =	vand.u32 $0x7F, v34;
	v42 =	vld.idx.msk [tilespmem:v7+s2+$0x0], $0xffff;
	v21 =	vmul.f32 v50, v15  }
0x830: {  	v4 =	vand.u32 $0x1FFE00, v4;
	v39 =	vor.u32 $0x80, v14;
	v18 =	vor.u32 v20, v18;
	v58 =	vld.idx.msk [tilespmem:v3+s0+$0x0], $0xffff  }
0x831: {  	[tilespmem:v2+s24+$0x0] =	vst.idx.add.f32.msk $0xffff, v21;
	v2 =	vshrl.u32 v13, $0xD;
	v13 =	vshrl.u32 v13, $0xB;
	v21 =	vor.u32 v60, v4  }
0x832: {  	v4 =	vshrl.u32 v46, $0xD;
	v61 =	vand.u32 $0x7F, v2;
	v13 =	vand.u32 $0x1FFE00, v13;
	v62 =	vld.idx.msk [tilespmem:v10+s3+$0x0], $0xffff  }
0x833: {  	v4 =	vand.u32 $0x7F, v4;
	v2 =	vld [tilespmem:s1+$0x10];
	v13 =	vor.u32 v61, v13;
	v20 =	vmul.f32 v38, v27  }
0x834: {  	v33 =	vor.u32 $0x100, v47;
	v19 =	vmul.f32 v19, v25;
	v16 =	vor.u32 v4, v16;
	v4 =	vld [tilespmem:s1+$0x20]  }
0x835: {  	[tilespmem:v39+s24+$0x0] =	vst.idx.add.f32.msk $0xffff, v20  }
0x836: {  	v23 =	vmul.f32 v52, v32;
	[tilespmem:v21+s24+$0x0] =	vst.idx.add.f32.msk $0xffff, v19  }
0x837: {  	v36 =	vmul.f32 v62, v15;
	v40 =	vld.idx.msk [tilespmem:v1+s2+$0x0], $0xffff  }
0x838: {  	[tilespmem:v13+s24+$0x0] =	vst.idx.add.f32.msk $0xffff, v23  }
0x839: {  	v35 =	vmul.f32 v56, v2;
	[tilespmem:v33+s24+$0x0] =	vst.idx.add.f32.msk $0xffff, v36  }
0x83a: {  	v44 =	vor.u32 $0x80, v11;
	v10 =	vld.idx.msk [tilespmem:v10+s4+$0x0], $0xffff  }
0x83b: {  	v37 =	vmul.f32 v58, v4;
	[tilespmem:v16+s24+$0x0] =	vst.idx.add.f32.msk $0xffff, v35  }
0x83c: {  	v17 =	vor.u32 $0x180, v47;
	v43 =	vld.idx.msk [tilespmem:v8+s2+$0x0], $0xffff  }
0x83d: {  	v23 =	vmul.f32 v41, v31;
	[tilespmem:v18+s24+$0x0] =	vst.idx.add.f32.msk $0xffff, v37  }
0x83e: {  	v45 =	vor.u32 $0x80, v13;
	v46 =	vld.idx.msk [tilespmem:v5+s2+$0x0], $0xffff  }
0x83f: {  	[tilespmem:v44+s24+$0x0] =	vst.idx.add.f32.msk $0xffff, v23;
	v10 =	vmul.f32 v10, v15;
	v15 =	vor.u32 $0x80, v21  }
0x840: {  	v50 =	vor.u32 $0x80, v16;
	v54 =	vld.idx.msk [tilespmem:v6+s3+$0x0], $0xffff  }
0x841: {  	v49 =	vmul.f32 v43, v32;
	[tilespmem:v17+s24+$0x0] =	vst.idx.add.f32.msk $0xffff, v10;
	v10 =	vor.u32 $0x80, v12  }
0x842: {  	v48 =	vld.idx.msk [tilespmem:v3+s2+$0x0], $0xffff;
	v47 =	vmul.f32 v40, v25  }
0x843: {  	v56 =	vor.u32 $0x100, v11;
	v51 =	vmul.f32 v46, v2;
	[tilespmem:v45+s24+$0x0] =	vst.idx.add.f32.msk $0xffff, v49  }
0x844: {  	[tilespmem:v15+s24+$0x0] =	vst.idx.add.f32.msk $0xffff, v47;
	v15 =	vmul.f32 v42, v29  }
0x845: {  	[tilespmem:v50+s24+$0x0] =	vst.idx.add.f32.msk $0xffff, v51  }
0x846: {  	v59 =	vmul.f32 v54, v31;
	[tilespmem:v10+s24+$0x0] =	vst.idx.add.f32.msk $0xffff, v15  }
0x847: {  	v10 =	vld.idx.msk [tilespmem:v9+s3+$0x0], $0xffff  }
0x848: {  	[tilespmem:v56+s24+$0x0] =	vst.idx.add.f32.msk $0xffff, v59;
	v15 =	vor.u32 $0x80, v18  }
0x849: {  	v53 =	vor.u32 $0x100, v14;
	v6 =	vld.idx.msk [tilespmem:v6+s4+$0x0], $0xffff  }
0x84a: {  	v52 =	vld.idx.msk [tilespmem:v1+s3+$0x0], $0xffff  }
0x84b: {  	v11 =	vor.u32 $0x180, v11;
	v22 =	vmul.f32 v48, v4;
	v57 =	vld.idx.msk [tilespmem:v7+s3+$0x0], $0xffff  }
0x84c: {  	v55 =	vor.u32 $0x100, v21;
	v58 =	vld.idx.msk [tilespmem:v8+s3+$0x0], $0xffff;
	v10 =	vmul.f32 v10, v27  }
0x84d: {  	[tilespmem:v15+s24+$0x0] =	vst.idx.add.f32.msk $0xffff, v22;
	v15 =	vor.u32 $0x100, v12  }
0x84e: {  	v6 =	vmul.f32 v6, v31;
	[tilespmem:v53+s24+$0x0] =	vst.idx.add.f32.msk $0xffff, v10;
	v10 =	vor.u32 $0x100, v13  }
0x84f: {  	v61 =	vld.idx.msk [tilespmem:v5+s3+$0x0], $0xffff;
	v19 =	vmul.f32 v52, v25  }
0x850: {  	[tilespmem:v11+s24+$0x0] =	vst.idx.add.f32.msk $0xffff, v6;
	v60 =	vmul.f32 v57, v29  }
0x851: {  	v62 =	vmul.f32 v58, v32;
	[tilespmem:v55+s24+$0x0] =	vst.idx.add.f32.msk $0xffff, v19  }
0x852: {  	[tilespmem:v15+s24+$0x0] =	vst.idx.add.f32.msk $0xffff, v60  }
0x853: {  	[tilespmem:v10+s24+$0x0] =	vst.idx.add.f32.msk $0xffff, v62  }
0x854: {  	v15 =	vor.u32 $0x100, v16;
	v10 =	vld.idx.msk [tilespmem:v3+s3+$0x0], $0xffff  }
0x855: {  	v1 =	vld.idx.msk [tilespmem:v1+s4+$0x0], $0xffff  }
0x856: {  	v63 =	vor.u32 $0x100, v18;
	v9 =	vld.idx.msk [tilespmem:v9+s4+$0x0], $0xffff  }
0x857: {  	v19 =	vmul.f32 v61, v2;
	v7 =	vld.idx.msk [tilespmem:v7+s4+$0x0], $0xffff  }
0x858: {  	v8 =	vld.idx.msk [tilespmem:v8+s4+$0x0], $0xffff  }
0x859: {  	v14 =	vor.u32 $0x180, v14;
	[tilespmem:v15+s24+$0x0] =	vst.idx.add.f32.msk $0xffff, v19;
	v10 =	vmul.f32 v10, v4  }
0x85a: {  	p0 =	por $0x1, $0x1;
	v15 =	vor.u32 $0x180, v21;
	v5 =	vld.idx.msk [tilespmem:v5+s4+$0x0], $0xffff  }
.Ltmp29:
0x85b: {  	[tilespmem:v63+s24+$0x0] =	vst.idx.add.f32.msk $0xffff, v10;
	(pc) =	sbr.rel @!p0 .LBB2_56-.Ltmp29, $4  }
0x85c: {  	v9 =	vmul.f32 v9, v27;
	v6 =	vld.idx.msk [tilespmem:v3+s4+$0x0], $0xffff  }
0x85d: {  	v1 =	vmul.f32 v1, v25  }
0x85e: {  	v13 =	vor.u32 $0x180, v13;
	[tilespmem:v14+s24+$0x0] =	vst.idx.add.f32.msk $0xffff, v9;
	v14 =	vor.u32 $0x180, v12;
	v12 =	vor.u32 $0x180, v16  }
0x85f: {  	s11 =	simm.s32 $0x140C0;
	s7 =	simm.s32 $0x0;
	v7 =	vmul.f32 v7, v29;
	v8 =	vmul.f32 v8, v32;
	[tilespmem:v15+s24+$0x0] =	vst.idx.add.f32.msk $0xffff, v1;
	v1 =	vor.u32 $0x180, v18  }
.LBB2_55:
0x860: {  	v10 =	vld [tilespmem:s11+$0x30];
	s7 =	sadd.s32 $0x8, s7;
	v2 =	vmul.f32 v5, v2  }
0x861: {  	v3 =	vmul.f32 v6, v4;
	v9 =	vld [tilespmem:s11+$0xFFFFFFD0];
	p0 =	slt.u32 s7, $0x1F8  }
0x862: {  	v4 =	vld [tilespmem:s11+$0xFFFFFFE0]  }
0x863: {  	v11 =	vld [tilespmem:s11+$0xFFFFFFF0]  }
0x864: {  	v15 =	vld [tilespmem:s11+$0x0]  }
0x865: {  	v16 =	vld [tilespmem:s11+$0x10];
	v5 =	vand.u32 $0xFF0, v10  }
0x866: {  	v17 =	vshrl.u32 v9, $0xD;
	v6 =	vand.u32 $0xFF0, v9;
	v18 =	vld [tilespmem:s11+$0x20];
	v20 =	vor.u32 v0, v5  }
0x867: {  	v22 =	vshrl.u32 v9, $0xB;
	v19 =	vld [tilespmem:s11+$0xFFFFFFC0];
	v5 =	vor.u32 v0, v6;
	v6 =	vand.u32 $0xFF0, v4  }
0x868: {  	v23 =	vshrl.u32 v4, $0xD;
	v6 =	vor.u32 v0, v6;
	v9 =	vand.u32 $0xFF0, v11;
	[tilespmem:v14+s24+$0x0] =	vst.idx.add.f32.msk $0xffff, v7  }
0x869: {  	v4 =	vshrl.u32 v4, $0xB;
	v7 =	vor.u32 v0, v9;
	v9 =	vand.u32 $0xFF0, v15;
	[tilespmem:v13+s24+$0x0] =	vst.idx.add.f32.msk $0xffff, v8  }
0x86a: {  	v13 =	vshrl.u32 v11, $0xD;
	v8 =	vor.u32 v0, v9;
	v9 =	vand.u32 $0xFF0, v16;
	[tilespmem:v12+s24+$0x0] =	vst.idx.add.f32.msk $0xffff, v2  }
0x86b: {  	s1 =	sadd.s32 $0x80, s1;
	v2 =	vshrl.u32 v11, $0xB;
	v9 =	vor.u32 v0, v9;
	v12 =	vand.u32 $0xFF0, v18;
	v14 =	vld.idx.msk [tilespmem:v20+s0+$0x0], $0xffff  }
0x86c: {  	v24 =	vshrl.u32 v10, $0xD;
	v10 =	vshrl.u32 v10, $0xB;
	v11 =	vand.u32 $0xFF0, v19;
	v21 =	vld [tilespmem:s1+$0x30]  }
0x86d: {  	v24 =	vand.u32 $0x7F, v24;
	v26 =	vand.u32 $0x1FFE00, v10;
	v11 =	vor.u32 v0, v11;
	v25 =	vld.idx.msk [tilespmem:v5+s0+$0x0], $0xffff  }
0x86e: {  	v24 =	vor.u32 v24, v26;
	v27 =	vshrl.u32 v19, $0xD;
	v10 =	vor.u32 v0, v12;
	v28 =	vld.idx.msk [tilespmem:v6+s0+$0x0], $0xffff  }
0x86f: {  	v12 =	vshrl.u32 v19, $0xB;
	v19 =	vshrl.u32 v15, $0xD;
	v15 =	vshrl.u32 v15, $0xB;
	v26 =	vld.idx.msk [tilespmem:v7+s0+$0x0], $0xffff  }
0x870: {  	v30 =	vshrl.u32 v16, $0xD;
	v16 =	vshrl.u32 v16, $0xB;
	v31 =	vshrl.u32 v18, $0xD;
	v29 =	vld.idx.msk [tilespmem:v8+s0+$0x0], $0xffff  }
0x871: {  	v18 =	vshrl.u32 v18, $0xB;
	v27 =	vand.u32 $0x7F, v27;
	v32 =	vld.idx.msk [tilespmem:v9+s0+$0x0], $0xffff;
	v14 =	vmul.f32 v14, v21  }
0x872: {  	v17 =	vand.u32 $0x7F, v17;
	v22 =	vand.u32 $0x1FFE00, v22;
	v12 =	vand.u32 $0x1FFE00, v12;
	v33 =	vld.idx.msk [tilespmem:v11+s0+$0x0], $0xffff  }
0x873: {  	v23 =	vand.u32 $0x7F, v23;
	v4 =	vand.u32 $0x1FFE00, v4;
	v13 =	vand.u32 $0x7F, v13;
	[tilespmem:v24+s24+$0x0] =	vst.idx.add.f32.msk $0xffff, v14  }
0x874: {  	v2 =	vand.u32 $0x1FFE00, v2;
	v34 =	vand.u32 $0x1FFE00, v15;
	v14 =	vand.u32 $0x7F, v19;
	v35 =	vld.idx.msk [tilespmem:v20+s2+$0x0], $0xffff  }
0x875: {  	v30 =	vand.u32 $0x7F, v30;
	v36 =	vand.u32 $0x1FFE00, v16;
	v31 =	vand.u32 $0x7F, v31;
	v37 =	vld.idx.msk [tilespmem:v10+s0+$0x0], $0xffff  }
0x876: {  	v22 =	vor.u32 v17, v22;
	v17 =	vand.u32 $0x1FFE00, v18;
	v12 =	vor.u32 v27, v12;
	v19 =	vld [tilespmem:s1+$0xFFFFFFC0]  }
0x877: {  	v23 =	vor.u32 v23, v4;
	v4 =	vor.u32 $0x80, v24;
	v27 =	vor.u32 v13, v2;
	v15 =	vld [tilespmem:s1+$0xFFFFFFD0]  }
0x878: {  	v30 =	vor.u32 v30, v36;
	v31 =	vor.u32 v31, v17;
	v34 =	vor.u32 v14, v34;
	v16 =	vld [tilespmem:s1+$0xFFFFFFE0]  }
0x879: {  	v38 =	vor.u32 $0x80, v22;
	v39 =	vor.u32 $0x80, v23;
	v36 =	vor.u32 $0x80, v12;
	v17 =	vld [tilespmem:s1+$0xFFFFFFF0]  }
0x87a: {  	v40 =	vor.u32 $0x80, v27;
	v41 =	vor.u32 $0x80, v34;
	v13 =	vmul.f32 v35, v21;
	v18 =	vld [tilespmem:s1+$0x0]  }
0x87b: {  	v35 =	vor.u32 $0x80, v31;
	v14 =	vmul.f32 v33, v19;
	v2 =	vld [tilespmem:s1+$0x10];
	v33 =	vor.u32 $0x80, v30  }
0x87c: {  	v43 =	vor.u32 $0x100, v22;
	v42 =	vor.u32 $0x100, v12;
	v25 =	vmul.f32 v25, v15;
	[tilespmem:v4+s24+$0x0] =	vst.idx.add.f32.msk $0xffff, v13  }
0x87d: {  	v44 =	vor.u32 $0x100, v27;
	v13 =	vmul.f32 v28, v16;
	v28 =	vor.u32 $0x100, v23;
	v45 =	vld.idx.msk [tilespmem:v20+s3+$0x0], $0xffff  }
0x87e: {  	v47 =	vor.u32 $0x100, v30;
	v46 =	vor.u32 $0x100, v34;
	v26 =	vmul.f32 v26, v17;
	v4 =	vld [tilespmem:s1+$0x20]  }
0x87f: {  	v49 =	vor.u32 $0x100, v31;
	v48 =	vor.u32 $0x180, v12;
	[tilespmem:v12+s24+$0x0] =	vst.idx.add.f32.msk $0xffff, v14;
	v29 =	vmul.f32 v29, v18  }
0x880: {  	[tilespmem:v22+s24+$0x0] =	vst.idx.add.f32.msk $0xffff, v25;
	v22 =	vor.u32 $0x180, v22;
	v25 =	vmul.f32 v32, v2;
	v32 =	vor.u32 $0x100, v24  }
0x881: {  	v14 =	vor.u32 $0x180, v27;
	[tilespmem:v23+s24+$0x0] =	vst.idx.add.f32.msk $0xffff, v13;
	v23 =	vor.u32 $0x180, v23;
	v13 =	vor.u32 $0x180, v34  }
0x882: {  	v12 =	vor.u32 $0x180, v30;
	[tilespmem:v27+s24+$0x0] =	vst.idx.add.f32.msk $0xffff, v26;
	v26 =	vor.u32 $0x180, v31  }
0x883: {  	[tilespmem:v34+s24+$0x0] =	vst.idx.add.f32.msk $0xffff, v29;
	v27 =	vmul.f32 v37, v4;
	v29 =	vmul.f32 v45, v21  }
0x884: {  	[tilespmem:v30+s24+$0x0] =	vst.idx.add.f32.msk $0xffff, v25  }
0x885: {  	[tilespmem:v32+s24+$0x0] =	vst.idx.add.f32.msk $0xffff, v29  }
0x886: {  	v20 =	vld.idx.msk [tilespmem:v20+s4+$0x0], $0xffff  }
0x887: {  	[tilespmem:v31+s24+$0x0] =	vst.idx.add.f32.msk $0xffff, v27  }
0x888: {  	v25 =	vld.idx.msk [tilespmem:v11+s2+$0x0], $0xffff  }
0x889: {  	v24 =	vor.u32 $0x180, v24;
	v27 =	vld.idx.msk [tilespmem:v5+s2+$0x0], $0xffff  }
0x88a: {  	v29 =	vld.idx.msk [tilespmem:v6+s2+$0x0], $0xffff  }
0x88b: {  	v30 =	vld.idx.msk [tilespmem:v7+s2+$0x0], $0xffff  }
0x88c: {  	v20 =	vmul.f32 v20, v21;
	v31 =	vld.idx.msk [tilespmem:v8+s2+$0x0], $0xffff  }
0x88d: {  	v21 =	vld.idx.msk [tilespmem:v9+s2+$0x0], $0xffff  }
0x88e: {  	v25 =	vmul.f32 v25, v19;
	[tilespmem:v24+s24+$0x0] =	vst.idx.add.f32.msk $0xffff, v20  }
0x88f: {  	v20 =	vmul.f32 v27, v15;
	v24 =	vld.idx.msk [tilespmem:v10+s2+$0x0], $0xffff  }
0x890: {  	[tilespmem:v36+s24+$0x0] =	vst.idx.add.f32.msk $0xffff, v25;
	v25 =	vmul.f32 v29, v16  }
0x891: {  	[tilespmem:v38+s24+$0x0] =	vst.idx.add.f32.msk $0xffff, v20;
	v20 =	vmul.f32 v30, v17  }
0x892: {  	[tilespmem:v39+s24+$0x0] =	vst.idx.add.f32.msk $0xffff, v25;
	v25 =	vmul.f32 v31, v18  }
0x893: {  	[tilespmem:v40+s24+$0x0] =	vst.idx.add.f32.msk $0xffff, v20;
	v20 =	vmul.f32 v21, v2  }
0x894: {  	[tilespmem:v41+s24+$0x0] =	vst.idx.add.f32.msk $0xffff, v25  }
0x895: {  	[tilespmem:v33+s24+$0x0] =	vst.idx.add.f32.msk $0xffff, v20;
	v20 =	vmul.f32 v24, v4  }
0x896: {  	v21 =	vld.idx.msk [tilespmem:v11+s3+$0x0], $0xffff  }
0x897: {  	[tilespmem:v35+s24+$0x0] =	vst.idx.add.f32.msk $0xffff, v20  }
0x898: {  	v20 =	vld.idx.msk [tilespmem:v5+s3+$0x0], $0xffff  }
0x899: {  	v24 =	vld.idx.msk [tilespmem:v6+s3+$0x0], $0xffff  }
0x89a: {  	v25 =	vld.idx.msk [tilespmem:v7+s3+$0x0], $0xffff  }
0x89b: {  	v27 =	vld.idx.msk [tilespmem:v8+s3+$0x0], $0xffff  }
0x89c: {  	v21 =	vmul.f32 v21, v19;
	v29 =	vld.idx.msk [tilespmem:v9+s3+$0x0], $0xffff  }
0x89d: {  	v30 =	vld.idx.msk [tilespmem:v10+s3+$0x0], $0xffff  }
0x89e: {  	v20 =	vmul.f32 v20, v15;
	[tilespmem:v42+s24+$0x0] =	vst.idx.add.f32.msk $0xffff, v21  }
0x89f: {  	v21 =	vmul.f32 v24, v16;
	v11 =	vld.idx.msk [tilespmem:v11+s4+$0x0], $0xffff  }
0x8a0: {  	[tilespmem:v43+s24+$0x0] =	vst.idx.add.f32.msk $0xffff, v20;
	v20 =	vmul.f32 v25, v17  }
0x8a1: {  	[tilespmem:v28+s24+$0x0] =	vst.idx.add.f32.msk $0xffff, v21;
	v21 =	vmul.f32 v27, v18  }
0x8a2: {  	[tilespmem:v44+s24+$0x0] =	vst.idx.add.f32.msk $0xffff, v20;
	v20 =	vmul.f32 v29, v2  }
0x8a3: {  	[tilespmem:v46+s24+$0x0] =	vst.idx.add.f32.msk $0xffff, v21;
	v21 =	vmul.f32 v30, v4  }
0x8a4: {  	[tilespmem:v47+s24+$0x0] =	vst.idx.add.f32.msk $0xffff, v20  }
0x8a5: {  	v11 =	vmul.f32 v11, v19;
	[tilespmem:v49+s24+$0x0] =	vst.idx.add.f32.msk $0xffff, v21  }
0x8a6: {  	v19 =	vld.idx.msk [tilespmem:v5+s4+$0x0], $0xffff  }
0x8a7: {  	v20 =	vld.idx.msk [tilespmem:v6+s4+$0x0], $0xffff  }
0x8a8: {  	v7 =	vld.idx.msk [tilespmem:v7+s4+$0x0], $0xffff  }
0x8a9: {  	v8 =	vld.idx.msk [tilespmem:v8+s4+$0x0], $0xffff  }
0x8aa: {  	v5 =	vld.idx.msk [tilespmem:v9+s4+$0x0], $0xffff  }
.Ltmp30:
0x8ab: {  	v6 =	vld.idx.msk [tilespmem:v10+s4+$0x0], $0xffff;
	(pc) =	sbr.rel @p0 .LBB2_55-.Ltmp30, $4  }
0x8ac: {  	v9 =	vmul.f32 v19, v15;
	[tilespmem:v48+s24+$0x0] =	vst.idx.add.f32.msk $0xffff, v11  }
0x8ad: {  	v10 =	vmul.f32 v20, v16;
	[tilespmem:v1+s24+$0x0] =	vst.idx.add.f32.msk $0xffff, v3;
	v1 =	vmov v26  }
0x8ae: {  	v7 =	vmul.f32 v7, v17;
	[tilespmem:v22+s24+$0x0] =	vst.idx.add.f32.msk $0xffff, v9  }
0x8af: {  	s11 =	sadd.s32 $0x80, s11;
	v8 =	vmul.f32 v8, v18;
	[tilespmem:v23+s24+$0x0] =	vst.idx.add.f32.msk $0xffff, v10  }
.LBB2_56:
0x8b0: {  	_ =	sdelay $0x3  }
0x8b1: {  	v2 =	vmul.f32 v5, v2;
	[tilespmem:v14+s24+$0x0] =	vst.idx.add.f32.msk $0xffff, v7  }
0x8b2: {  	v3 =	vmul.f32 v6, v4;
	[tilespmem:v13+s24+$0x0] =	vst.idx.add.f32.msk $0xffff, v8  }
0x8b3: {  	[tilespmem:v12+s24+$0x0] =	vst.idx.add.f32.msk $0xffff, v2  }
0x8b4: {  	s1 =	rddreg [dreg:$0x16];
	[tilespmem:v1+s24+$0x0] =	vst.idx.add.f32.msk $0xffff, v3  }
0x8b5: {  	s6 =	rddreg [dreg:$0x14]  }
0x8b6: {  	s6 =	sadd.s32 $0x1, s6  }
0x8b7: {  	p0 =	sne.s32 s6, $0x8  }
.Ltmp31:
0x8b8: {  	_ = 	snop;
	(pc) =	sbr.rel @p0 .LBB2_4-.Ltmp31, $4  }
.Ltmp32:
0x8b9: {  	_ = 	snop;
	(pc) =	sbr.rel @!p0 .LBB2_57-.Ltmp32, $4  }
0x8ba: {  	s1 =	sshll.u32 s1, $0x9;
	s5 =	rddreg [dreg:$0x11]  }
0x8bb: {  	s1 =	sadd.s32 s1, s5  }
0x8bc: {  	[hbm4b:s1+s21] =	stream.strided.scatter [tilespmem:s24], [sflag:$0x4], $0x1000, s29, s21, $0x38;
	[tilespmem:$0x1A400] =	vst v63  }
0x8bd: {  	_ = 	snop  }
.LBB2_9:
.Ltmp33:
0x8be: {  	(pc) =	sbr.rel .LBB2_12-.Ltmp33, $3  }
0x8bf: {  	_ =	sdelay $0x1  }
0x8c0: {  	s29 =	simm.s32 $0x400;
	s5 =	simm.s32 $0x6000  }
0x8c1: {  	s6 =	simm.s32 $0x7000;
	s11 =	simm.s32 $0x9000;
	s30 =	rddreg [dreg:$0x15]  }
.LBB2_13:
.Ltmp34:
0x8c2: {  	(pc) =	sbr.rel .LBB2_16-.Ltmp34, $2  }
0x8c3: {  	_ =	sdelay $0x2  }
0x8c4: {  	s21 =	simm.s32 $0x200  }
.LBB2_17:
0x8c5: {  	_ = 	snop  }
0x8c6: {  	_ = 	snop  }
0x8c7: {  	_ = 	snop  }
0x8c8: {  	_ = 	snop  }
0x8c9: {  	_ = 	snop  }
0x8ca: {  	_ = 	snop  }
0x8cb: {  	_ = 	snop  }
0x8cc: {  	_ = 	snop  }
0x8cd: {  	_ = 	snop  }
0x8ce: {  	_ = 	snop  }
0x8cf: {  	_ = 	snop  }
.Ltmp35:
0x8d0: {  	(pc) =	sbr.rel .LBB2_28-.Ltmp35, $4  }
0x8d1: {  	_ = 	snop  }
0x8d2: {  	_ = 	snop  }
0x8d3: {  	_ = 	snop  }
0x8d4: {  	v15 =	vmov v6;
	s31 =	smov.u32 s17;
	v34 =	vmov v3;
	s16 =	smov.u32 s19;
	v26 =	vmov v27  }
.LBB2_35:
.Ltmp36:
0x8d5: {  	(pc) =	sbr.rel .LBB2_38-.Ltmp36, $3  }
0x8d6: {  	_ =	sdelay $0x1  }
0x8d7: {  	s21 =	simm.s32 $0x200;
	s5 =	simm.s32 $0x6000  }
0x8d8: {  	s6 =	simm.s32 $0x7000;
	s10 =	simm.s32 $0x9000;
	s30 =	simm.s32 $0x0  }
.LBB2_39:
.Ltmp37:
0x8d9: {  	(pc) =	sbr.rel .LBB2_42-.Ltmp37, $2  }
0x8da: {  	_ =	sdelay $0x2  }
0x8db: {  	s29 =	simm.s32 $0x400  }
.LBB2_43:
0x8dc: {  	_ = 	snop  }
0x8dd: {  	_ = 	snop  }
0x8de: {  	_ = 	snop  }
0x8df: {  	_ = 	snop  }
0x8e0: {  	_ = 	snop  }
0x8e1: {  	_ = 	snop  }
0x8e2: {  	_ = 	snop  }
0x8e3: {  	_ = 	snop  }
0x8e4: {  	_ = 	snop  }
0x8e5: {  	_ = 	snop  }
0x8e6: {  	_ = 	snop  }
.Ltmp38:
0x8e7: {  	(pc) =	sbr.rel .LBB2_54-.Ltmp38, $4  }
0x8e8: {  	_ = 	snop  }
0x8e9: {  	_ = 	snop  }
0x8ea: {  	_ = 	snop  }
0x8eb: {  	v15 =	vmov v6;
	s7 =	smov.u32 s12;
	v34 =	vmov v3;
	s18 =	smov.u32 s11;
	v26 =	vmov v27  }
.LBB2_19:
0x8ec: {  	_ = 	snop  }
0x8ed: {  	v40 =	vmov v1  }
0x8ee: {  	_ = 	snop  }
0x8ef: {  	_ = 	snop  }
0x8f0: {  	_ = 	snop  }
0x8f1: {  	_ = 	snop  }
0x8f2: {  	_ = 	snop  }
0x8f3: {  	_ = 	snop  }
0x8f4: {  	_ = 	snop  }
0x8f5: {  	_ = 	snop  }
0x8f6: {  	_ = 	snop  }
0x8f7: {  	_ = 	snop  }
.Ltmp39:
0x8f8: {  	(pc) =	sbr.rel .LBB2_28-.Ltmp39, $4  }
0x8f9: {  	_ = 	snop  }
0x8fa: {  	_ = 	snop  }
0x8fb: {  	v30 =	vmov v7;
	v15 =	vmov v11;
	s31 =	smov.u32 s23;
	v34 =	vmov v13  }
0x8fc: {  	s20 =	smov.u32 s19;
	v25 =	vmovc v3;
	s7 =	smov.u32 s17;
	s16 =	smov.u32 s1;
	v17 =	vmovc v6;
	v21 =	vmov v27;
	v26 =	vmov v9;
	v7 =	vmov v23  }
.LBB2_45:
0x8fd: {  	_ = 	snop  }
0x8fe: {  	v40 =	vmov v1  }
0x8ff: {  	_ = 	snop  }
0x900: {  	_ = 	snop  }
0x901: {  	_ = 	snop  }
0x902: {  	_ = 	snop  }
0x903: {  	_ = 	snop  }
0x904: {  	_ = 	snop  }
0x905: {  	_ = 	snop  }
0x906: {  	_ = 	snop  }
0x907: {  	_ = 	snop  }
0x908: {  	_ = 	snop  }
.Ltmp40:
0x909: {  	(pc) =	sbr.rel .LBB2_54-.Ltmp40, $4  }
0x90a: {  	_ = 	snop  }
0x90b: {  	_ = 	snop  }
0x90c: {  	v30 =	vmov v7;
	v15 =	vmov v11;
	s7 =	smov.u32 s26;
	v34 =	vmov v13  }
0x90d: {  	s20 =	smov.u32 s11;
	v25 =	vmovc v3;
	s15 =	smov.u32 s12;
	s18 =	smov.u32 s14;
	v17 =	vmovc v6;
	v21 =	vmov v27;
	v26 =	vmov v9;
	v7 =	vmov v23  }
.LBB2_21:
0x90e: {  	_ = 	snop  }
0x90f: {  	_ = 	snop  }
0x910: {  	_ = 	snop  }
0x911: {  	_ = 	snop  }
0x912: {  	_ = 	snop  }
0x913: {  	_ = 	snop  }
0x914: {  	_ = 	snop  }
0x915: {  	_ = 	snop  }
0x916: {  	_ = 	snop  }
0x917: {  	_ = 	snop  }
0x918: {  	_ = 	snop  }
.Ltmp41:
0x919: {  	(pc) =	sbr.rel .LBB2_28-.Ltmp41, $4  }
0x91a: {  	_ = 	snop  }
0x91b: {  	v15 =	vmov v12  }
0x91c: {  	s31 =	smov.u32 s14;
	v34 =	vmovc v8;
	s16 =	smov.u32 s12;
	s20 =	smov.u32 s1;
	v25 =	vmovc v13;
	v17 =	vmov v11;
	v8 =	vmov v3;
	v5 =	vmov v27  }
0x91d: {  	s7 =	smov.u32 s23;
	s12 =	smov.u32 s19;
	s14 =	smov.u32 s17;
	v12 =	vmovc v6;
	v21 =	vmovc v9;
	v59 =	vmov v7;
	v30 =	vmov v23;
	v7 =	vmov v33  }
.LBB2_47:
0x91e: {  	_ = 	snop  }
0x91f: {  	_ = 	snop  }
0x920: {  	_ = 	snop  }
0x921: {  	_ = 	snop  }
0x922: {  	_ = 	snop  }
0x923: {  	_ = 	snop  }
0x924: {  	_ = 	snop  }
0x925: {  	_ = 	snop  }
0x926: {  	_ = 	snop  }
0x927: {  	_ = 	snop  }
0x928: {  	_ = 	snop  }
.Ltmp42:
0x929: {  	(pc) =	sbr.rel .LBB2_54-.Ltmp42, $4  }
0x92a: {  	_ = 	snop  }
0x92b: {  	v15 =	vmov v12  }
0x92c: {  	s7 =	smov.u32 s28;
	v34 =	vmovc v8;
	s18 =	smov.u32 s25;
	s20 =	smov.u32 s14;
	v25 =	vmovc v13;
	v17 =	vmov v11;
	v8 =	vmov v3;
	v5 =	vmov v27  }
0x92d: {  	s15 =	smov.u32 s26;
	s25 =	smov.u32 s11;
	s28 =	smov.u32 s12;
	v12 =	vmovc v6;
	v21 =	vmovc v9;
	v59 =	vmov v7;
	v30 =	vmov v23;
	v7 =	vmov v33  }
.LBB2_23:
.Ltmp43:
0x92e: {  	v15 =	vmov v17;
	v34 =	vmov v25;
	v25 =	vmov v8;
	(pc) =	sbr.rel .LBB2_28-.Ltmp43, $4  }
0x92f: {  	v17 =	vmovc v12;
	v21 =	vmovc v26;
	v31 =	vmov v39;
	v40 =	vmov v5;
	v43 =	vmov v22  }
0x930: {  	s31 =	smov.u32 s7;
	v41 =	vmovc v24;
	v44 =	vmovc v54;
	v8 =	vmov v13;
	v50 =	vmov v58;
	v5 =	vmov v9  }
0x931: {  	s20 =	smov.u32 s12;
	s7 =	smov.u32 s14;
	s12 =	smov.u32 s1;
	v12 =	vmovc v11;
	v48 =	vmovc v27;
	v32 =	vmov v28;
	v26 =	vmov v59;
	v59 =	vmov v23  }
0x932: {  	s14 =	smov.u32 s23;
	s18 =	smov.u32 s19;
	s28 =	smov.u32 s17;
	v30 =	vmovc v33;
	v39 =	vmovc v20;
	v46 =	vmov v55;
	v53 =	vmov v6;
	v55 =	vmov v3  }
.LBB2_49:
.Ltmp44:
0x933: {  	v15 =	vmov v17;
	v34 =	vmov v25;
	v25 =	vmov v8;
	(pc) =	sbr.rel .LBB2_54-.Ltmp44, $4  }
0x934: {  	v17 =	vmovc v12;
	v21 =	vmovc v26;
	v31 =	vmov v39;
	v40 =	vmov v5;
	v43 =	vmov v22  }
0x935: {  	s7 =	smov.u32 s15;
	v41 =	vmovc v24;
	v44 =	vmovc v54;
	v8 =	vmov v13;
	v50 =	vmov v58;
	v5 =	vmov v9  }
0x936: {  	s20 =	smov.u32 s25;
	s15 =	smov.u32 s28;
	s25 =	smov.u32 s14;
	v12 =	vmovc v11;
	v48 =	vmovc v27;
	v32 =	vmov v28;
	v26 =	vmov v59;
	v59 =	vmov v23  }
0x937: {  	s28 =	smov.u32 s26;
	s1 =	smov.u32 s11;
	s23 =	smov.u32 s12;
	v30 =	vmovc v33;
	v39 =	vmovc v20;
	v46 =	vmov v55;
	v53 =	vmov v6;
	v55 =	vmov v3  }
.LBB2_25:
.Ltmp45:
0x938: {  	(pc) =	sbr.rel .LBB2_28-.Ltmp45, $4  }
0x939: {  	_ = 	snop  }
0x93a: {  	v5 =	vmov v26;
	v30 =	vmov v7;
	v49 =	vld [tilespmem:$0x1FF30]  }
0x93b: {  	s20 =	smov.u32 s16;
	s16 =	smov.u32 s25;
	v52 =	vld [tilespmem:$0x1FF50];
	s26 =	smov.u32 s19;
	v61 =	vmovc v3;
	v51 =	vmovc v27;
	v48 =	vmov v9;
	v21 =	vmov v59;
	v58 =	vmov v6  }
0x93c: {  	v54 =	vld [tilespmem:$0x1FFB0];
	s15 =	smov.u32 s17;
	s18 =	smov.u32 s1;
	v26 =	vmovc v2;
	s28 =	smov.u32 s23;
	v59 =	vmovc v33;
	v7 =	vmov v1;
	v53 =	vmov v11;
	v55 =	vmov v13  }
.LBB2_51:
.Ltmp46:
0x93d: {  	(pc) =	sbr.rel .LBB2_54-.Ltmp46, $4  }
0x93e: {  	_ = 	snop  }
0x93f: {  	v5 =	vmov v26;
	v30 =	vmov v7;
	v49 =	vld [tilespmem:$0x1FE30]  }
0x940: {  	s20 =	smov.u32 s18;
	s18 =	smov.u32 s19;
	v52 =	vld [tilespmem:$0x1FE50];
	s16 =	smov.u32 s11;
	v61 =	vmovc v3;
	v51 =	vmovc v27;
	v48 =	vmov v9;
	v21 =	vmov v59;
	v58 =	vmov v6  }
0x941: {  	v54 =	vld [tilespmem:$0x1FEB0];
	s17 =	smov.u32 s12;
	s1 =	smov.u32 s14;
	v26 =	vmovc v2;
	s23 =	smov.u32 s26;
	v59 =	vmovc v33;
	v7 =	vmov v1;
	v53 =	vmov v11;
	v55 =	vmov v13  }
.LBB2_58:
0x942: {  	_ =	sfence.sel $0x180000  }
0x943: {  	[bflag:$0x0] =	sbarrier.arrive $0xFFFF  }
0x944: {  	_ =	strace $0x90000047  }
0x945: {  	s0 =	stileid.u32;
	[bflag:$0x2] =	sbarrier.arrive $0xFFFF  }
0x946: {  	p0 =	sne.s32 s0, $0x0;
	s0 =	rddreg [dreg:$0x9]  }
0x947: {  	s0 =	sadd.s32 @!p0 $0x100000, s0  }
0x948: {  	[sflag:s0] =	ssyncadd.tile.s32 @!p0 $0x1;
	_ =	shalt  }
.Lfunc_end2:
_tile_overlayer_lowered:
.L_overlay_start_2:
0x949: {  	(tag) =	ssettag $0x2  }
0x94a: {  	s0 =	rddreg [dreg:$0x0];
	s2 =	stileid.u32  }
0x94b: {  	s1 =	rddreg [dreg:$0x1];
	p0 =	sne.s32 s2, $0x0  }
0x94c: {  	s3 =	rddreg [dreg:$0x2];
	[bflag:$0x3] =	sbarrier.arrive $0xFFFF;
	s2 =	simm.s32 @!p0 $0x1C06  }
0x94d: {  	[timem:s3], [sflag:s2] =	dma.local @!p0 [hbm:s0], s1  }
0x94e: {  	s0 =	simm.s32 @!p0 $0x6  }
0x94f: {  	_ =	swait.ge @!p0 [sflag:s0], s1  }
0x950: {  	s1 =	ssub.s32 @!p0 $0x0, s1;
	[sflag:s0] =	ssyncset.done @!p0 $0x0  }
0x951: {  	[sflag:s0] =	ssyncadd.s32 @!p0 s1  }
0x952: {  	[bflag:$0x3] =	sbarrier.arrive $0xFFFF  }
0x953: {  	_ =	shalt  }

</sc_bundles>
